<compile_context>
chip_gen: v7x
topology: tpu7x:2x2x1
jax: 0.10.2.dev20260603
libtpu: 0.0.44.dev20260713+nightly
codegen_flags: <defaults>
</compile_context>

<pallas_src>
import jax
import jax.numpy as jnp
from jax import lax
from jax.experimental import pallas as pl
from jax.experimental.pallas import tpu as pltpu
from jax.experimental.pallas import tpu_sc as plsc

N = 10000
D = 128
E = 320000
NSUB = 16
CHUNK = 128
CPS = 160
WIN = 32
EPAD = NSUB * CPS * CHUNK
NPAD = 10240
ZROWS = NPAD // NSUB


def _fill_rows(rows_v, value):
    v16 = jnp.full((16,), value, jnp.float32)

    @pl.loop(0, rows_v.shape[0])
    def _(r):
        for c in range(D // 16):
            rows_v[r, pl.ds(c * 16, 16)] = v16


def _init_acc(acc_sh, rows_v, zb):
    for k in range(ZROWS // CHUNK):
        pltpu.sync_copy(rows_v, acc_sh.at[pl.ds(zb + k * CHUNK, CHUNK)])


def _copy_out(acc_sh, rows_v, out_ref, zb):
    for k in range(ZROWS // CHUNK):
        sl = pl.ds(zb + k * CHUNK, CHUNK)
        pltpu.sync_copy(acc_sh.at[sl], rows_v)
        pltpu.sync_copy(rows_v, out_ref.at[sl])


def _sc_segsum():
    mesh = plsc.VectorSubcoreMesh(core_axis_name="c", subcore_axis_name="s")
    f32 = jnp.float32
    out_type = [jax.ShapeDtypeStruct((NPAD, D), f32),
                jax.ShapeDtypeStruct((NPAD, D), f32)]
    scratch = [
        pltpu.VMEM((WIN, CHUNK), jnp.int32),
        pltpu.VMEM((WIN, CHUNK), jnp.int32),
        pltpu.VMEM((CHUNK, D), f32),
        pltpu.VMEM_SHARED((NPAD, D), f32),
    ]

    def body(table0, table1, src0, dst0, src1, dst1, agg0_o, agg1_o,
             idx_s, idx_d, rows_v, acc_sh):
        cid = lax.axis_index("c")
        sid = lax.axis_index("s")
        zb = sid * ZROWS

        _fill_rows(rows_v, 0.0)
        _init_acc(acc_sh, rows_v, zb)
        plsc.subcore_barrier()

        def phase(table, src2, dst2):
            for h in range(CPS // WIN):
                base = sid * CPS + h * WIN
                pltpu.sync_copy(src2.at[pl.ds(base, WIN)], idx_s)
                pltpu.sync_copy(dst2.at[pl.ds(base, WIN)], idx_d)

                @pl.loop(0, WIN)
                def _(j):
                    pltpu.sync_copy(table.at[idx_s.at[j]], rows_v)
                    pltpu.sync_copy(rows_v, acc_sh.at[idx_d.at[j]], add=True)

        @pl.when(cid == 0)
        def _():
            phase(table0, src0, dst0)

        @pl.when(cid == 1)
        def _():
            phase(table1, src1, dst1)

        plsc.subcore_barrier()

        @pl.when(cid == 0)
        def _():
            _copy_out(acc_sh, rows_v, agg0_o, zb)

        @pl.when(cid == 1)
        def _():
            _copy_out(acc_sh, rows_v, agg1_o, zb)

    return pl.kernel(body, out_type=out_type, mesh=mesh, scratch_types=scratch)


def _sc_counts():
    mesh = plsc.VectorSubcoreMesh(core_axis_name="c", subcore_axis_name="s")
    f32 = jnp.float32
    out_type = [jax.ShapeDtypeStruct((NPAD, D), f32),
                jax.ShapeDtypeStruct((NPAD, D), f32)]
    scratch = [
        pltpu.VMEM((WIN, CHUNK), jnp.int32),
        pltpu.VMEM((CHUNK, D), f32),
        pltpu.VMEM_SHARED((NPAD, D), f32),
    ]

    def body(dst0, dst1, cnt0_o, cnt1_o, idx_d, rows_v, acc_sh):
        cid = lax.axis_index("c")
        sid = lax.axis_index("s")
        zb = sid * ZROWS

        _fill_rows(rows_v, 0.0)
        _init_acc(acc_sh, rows_v, zb)
        plsc.subcore_barrier()
        _fill_rows(rows_v, 1.0)

        def phase(dst2):
            for h in range(CPS // WIN):
                base = sid * CPS + h * WIN
                pltpu.sync_copy(dst2.at[pl.ds(base, WIN)], idx_d)

                @pl.loop(0, WIN)
                def _(j):
                    pltpu.sync_copy(rows_v, acc_sh.at[idx_d.at[j]], add=True)

        @pl.when(cid == 0)
        def _():
            phase(dst0)

        @pl.when(cid == 1)
        def _():
            phase(dst1)

        plsc.subcore_barrier()

        @pl.when(cid == 0)
        def _():
            _copy_out(acc_sh, rows_v, cnt0_o, zb)

        @pl.when(cid == 1)
        def _():
            _copy_out(acc_sh, rows_v, cnt1_o, zb)

    return pl.kernel(body, out_type=out_type, mesh=mesh, scratch_types=scratch)


BLK = 512


def _tc_layer(xt, agg, cnt, wt, ws, wlin=None):
    with_lin = wlin is not None

    def body(*refs):
        if with_lin:
            xt_r, agg_r, cnt_r, wt_r, ws_r, wlin_r, h_r, o_r = refs
        else:
            xt_r, agg_r, cnt_r, wt_r, ws_r, h_r = refs
        mean = agg_r[...] / jnp.maximum(cnt_r[:, 0:1], 1.0)
        h = (jnp.dot(xt_r[...], wt_r[...], precision=lax.Precision.HIGHEST,
                     preferred_element_type=jnp.float32)
             + jnp.dot(mean, ws_r[...], precision=lax.Precision.HIGHEST,
                       preferred_element_type=jnp.float32))
        h = jnp.maximum(h, 0.0)
        h_r[...] = h
        if with_lin:
            o_r[...] = jnp.dot(h, wlin_r[...], precision=lax.Precision.HIGHEST,
                               preferred_element_type=jnp.float32)

    row_spec = pl.BlockSpec((BLK, D), lambda i: (i, 0))
    w_spec = pl.BlockSpec((D, D), lambda i: (0, 0))
    in_specs = [row_spec, row_spec, row_spec, w_spec, w_spec]
    args = [xt, agg, cnt, wt, ws]
    out_specs, out_shape = row_spec, jax.ShapeDtypeStruct((NPAD, D), jnp.float32)
    if with_lin:
        in_specs.append(w_spec)
        args.append(wlin)
        out_specs, out_shape = [out_specs] * 2, [out_shape] * 2
    return pl.pallas_call(
        body,
        grid=(NPAD // BLK,),
        in_specs=in_specs,
        out_specs=out_specs,
        out_shape=out_shape,
    )(*args)


def _pad_rows(x):
    return jnp.concatenate(
        [x, jnp.zeros((NPAD - x.shape[0], x.shape[1]), x.dtype)])


def _prep_edges(edge):
    pad = EPAD - E
    src = jnp.concatenate([edge[0], jnp.zeros((pad,), jnp.int32)])
    dst = jnp.concatenate([edge[1], jnp.full((pad,), N, jnp.int32)])
    return (src.reshape(EPAD // CHUNK, CHUNK),
            dst.reshape(EPAD // CHUNK, CHUNK))


def _pad_lin(w):
    return jnp.zeros((D, D), jnp.float32).at[:, 0].set(w[:, 0])


def kernel(x_a, x_b, edge_ab, edge_ba, W_src1_ab, W_tgt1_ab, W_src1_ba, W_tgt1_ba,
           W_src2_ab, W_tgt2_ab, W_src2_ba, W_tgt2_ba, W_lin_a, W_lin_b,
           b_lin_a, b_lin_b):
    src_ab, dst_ab = _prep_edges(edge_ab)
    src_ba, dst_ba = _prep_edges(edge_ba)
    xa_p, xb_p = _pad_rows(x_a), _pad_rows(x_b)

    cnt_ab, cnt_ba = _sc_counts()(dst_ab, dst_ba)

    agg_ab, agg_ba = _sc_segsum()(x_a, x_b, src_ab, dst_ab, src_ba, dst_ba)
    hb1 = _tc_layer(xb_p, agg_ab, cnt_ab, W_tgt1_ab, W_src1_ab)
    ha1 = _tc_layer(xa_p, agg_ba, cnt_ba, W_tgt1_ba, W_src1_ba)

    agg_ab2, agg_ba2 = _sc_segsum()(ha1, hb1, src_ab, dst_ab, src_ba, dst_ba)
    hb2, ob = _tc_layer(hb1, agg_ab2, cnt_ab, W_tgt2_ab, W_src2_ab,
                        _pad_lin(W_lin_b))
    ha2, oa = _tc_layer(ha1, agg_ba2, cnt_ba, W_tgt2_ba, W_src2_ba,
                        _pad_lin(W_lin_a))

    out_a = oa[:N, 0:1] + b_lin_a
    out_b = ob[:N, 0:1] + b_lin_b
    return (ha2[:N], hb2[:N], out_a, out_b)

# --- scband reference (transcript-rebuilt; emitter-appended) ---
"""Pipeline reference for scband-hetero-sage-16767552323881 (READ-ONLY COPY).

The authoritative reference and input builder live on the scoring server;
editing this copy changes nothing except your own understanding.
"""

import jax, jax.numpy as jnp
import numpy as np

N_A = 10000
N_B = 10000
E = 320000
D = 128
H = 128

def _glorot(key, shape):
    fan_in, fan_out = shape[0], shape[1]
    lim = (6.0 / (fan_in + fan_out)) ** 0.5
    return jax.random.uniform(key, shape, minval=-lim, maxval=lim, dtype=jnp.float32)

def setup_inputs(seed: int = 0):
    key = jax.random.key(seed)
    ks = jax.random.split(key, 20)
    inp = {}
    inp['x_a'] = jax.random.normal(ks[0], (N_A, D), dtype=jnp.float32)
    inp['x_b'] = jax.random.normal(ks[1], (N_B, D), dtype=jnp.float32)
    inp['edge_ab'] = jax.random.randint(ks[2], (2, E), 0, N_A, dtype=jnp.int32)
    inp['edge_ba'] = jax.random.randint(ks[3], (2, E), 0, N_B, dtype=jnp.int32)
    names = ['W_src1_ab', 'W_tgt1_ab', 'W_src1_ba', 'W_tgt1_ba', 'W_src2_ab', 'W_tgt2_ab', 'W_src2_ba', 'W_tgt2_ba']
    dims = [(D, H), (D, H), (D, H), (D, H), (H, H), (H, H), (H, H), (H, H)]
    for i, (n, s) in enumerate(zip(names, dims)):
        inp[n] = _glorot(ks[4 + i], s)
    inp['W_lin_a'] = _glorot(ks[12], (H, 1))
    inp['W_lin_b'] = _glorot(ks[13], (H, 1))
    inp['b_lin_a'] = jnp.zeros((1,), dtype=jnp.float32)
    inp['b_lin_b'] = jnp.zeros((1,), dtype=jnp.float32)
    return inp

def _segment_mean(vals, idx, n):
    s = jax.ops.segment_sum(vals, idx, num_segments=n)
    cnt = jax.ops.segment_sum(jnp.ones((idx.shape[0],), dtype=vals.dtype), idx, num_segments=n)
    return s / jnp.maximum(cnt, 1.0)[:, None]

def _conv(xa, xb, edge_ab, edge_ba, Wsab, Wtab, Wsba, Wtba):
    # relation a -> b (source=a, target=b)
    sx_ab = xa @ Wsab
    tx_ab = xb @ Wtab
    msg_ab = jnp.take(sx_ab, edge_ab[0], axis=0)
    hb = tx_ab + _segment_mean(msg_ab, edge_ab[1], xb.shape[0])
    # relation b -> a (source=b, target=a)
    sx_ba = xb @ Wsba
    tx_ba = xa @ Wtba
    msg_ba = jnp.take(sx_ba, edge_ba[0], axis=0)
    ha = tx_ba + _segment_mean(msg_ba, edge_ba[1], xa.shape[0])
    # div[k] == 1 for each target type; (v / 1).relu(); ReLU flag is False so no second relu
    return jax.nn.relu(ha), jax.nn.relu(hb)

def reference(x_a, x_b, edge_ab, edge_ba, W_src1_ab, W_tgt1_ab, W_src1_ba, W_tgt1_ba, W_src2_ab, W_tgt2_ab, W_src2_ba, W_tgt2_ba, W_lin_a, W_lin_b, b_lin_a, b_lin_b):
    ha, hb = _conv(x_a, x_b, edge_ab, edge_ba, W_src1_ab, W_tgt1_ab, W_src1_ba, W_tgt1_ba)
    ha, hb = _conv(ha, hb, edge_ab, edge_ba, W_src2_ab, W_tgt2_ab, W_src2_ba, W_tgt2_ba)
    out_a = ha @ W_lin_a + b_lin_a
    out_b = hb @ W_lin_b + b_lin_b
    return (ha, hb, out_a, out_b)

if __name__ == "__main__":
    import jax
    _d = setup_inputs()
    print(jax.jit(kernel)(*tuple(_d.values())))

</pallas_src>

<mosaic_0001>
#map = affine_map<(d0, d1) -> (0, 0)>
module attributes {stable_mosaic.version = 14 : i64} {
  func.func @body(%arg0: i32, %arg1: i32, %arg2: memref<10240x128xf32, #tpu.memory_space<hbm>>, %arg3: memref<10240x128xf32, #tpu.memory_space<hbm>>, %arg4: memref<2560x128xi32, #tpu.memory_space<hbm>>, %arg5: memref<2560x128xi32, #tpu.memory_space<hbm>>, %arg6: memref<2560x128xi32, #tpu.memory_space<hbm>>, %arg7: memref<2560x128xi32, #tpu.memory_space<hbm>>, %arg8: memref<10240x128xf32, #tpu.memory_space<hbm>>, %arg9: memref<10240x128xf32, #tpu.memory_space<hbm>>, %arg10: memref<32x128xi32, #tpu.memory_space<vmem>>, %arg11: memref<32x128xi32, #tpu.memory_space<vmem>>, %arg12: memref<128x128xf32, #tpu.memory_space<vmem>>, %arg13: memref<10240x128xf32, #tpu.memory_space<vmem_shared>>) attributes {dimension_semantics = [#tpu.dimension_semantics<core_parallel>, #tpu.dimension_semantics<subcore_parallel>], iteration_bounds = array<i64: 2, 16>, scalar_prefetch = 0 : i64, scratch_operands = 4 : i64, tpu.core_type = #tpu.core_type<sc_vector_subcore>, window_params = [{transform_indices = #map}, {transform_indices = #map}, {transform_indices = #map}, {transform_indices = #map}, {transform_indices = #map}, {transform_indices = #map}, {transform_indices = #map}, {transform_indices = #map}]} {
    %mul3A = arith.constant 640 : i32
    %mul3A_0 = arith.muli %arg1, %mul3A : i32
    %broadcast_in_dim3A = arith.constant 0.000000e+00 : f32
    %broadcast_in_dim3A_1 = vector.broadcast %broadcast_in_dim3A : f32 to vector<16xf32>
    %scan3A = arith.constant 0 : i32
    %scan3A_2 = arith.constant 128 : i32
    %scan3A_3 = arith.addi %scan3A, %scan3A_2 : i32
    %scan3A_4 = arith.constant 1 : i32
    scf.for %scan3A_33 = %scan3A to %scan3A_3 step %scan3A_4  : i32 {
      %mul3A_34 = arith.constant 1 : i32
      %mul3A_35 = arith.muli %scan3A_33, %mul3A_34 : i32
      %add3A_36 = arith.constant 0 : i32
      %add3A_37 = arith.addi %add3A_36, %mul3A_35 : i32
      %swap3A = arith.index_cast %add3A_37 : i32 to index
      %swap3A_38 = arith.constant 0 : index
      %swap3A_39 = tpu.vector_load %arg12[%swap3A, %swap3A_38] {strides = array<i32>} : memref<128x128xf32, #tpu.memory_space<vmem>>, vector<1x16xf32>,
      %swap3A_40 = vector.shape_cast %swap3A_39 : vector<1x16xf32> to vector<16xf32>
      %swap3A_41 = vector.shape_cast %broadcast_in_dim3A_1 : vector<16xf32> to vector<1x16xf32>
      tpu.vector_store %arg12[%swap3A, %swap3A_38], %swap3A_41 {strides = array<i32>} : memref<128x128xf32, #tpu.memory_space<vmem>>, vector<1x16xf32>,
      %swap3A_42 = arith.index_cast %add3A_37 : i32 to index
      %swap3A_43 = arith.constant 16 : index
      %swap3A_44 = tpu.vector_load %arg12[%swap3A_42, %swap3A_43] {strides = array<i32>} : memref<128x128xf32, #tpu.memory_space<vmem>>, vector<1x16xf32>,
      %swap3A_45 = vector.shape_cast %swap3A_44 : vector<1x16xf32> to vector<16xf32>
      %swap3A_46 = vector.shape_cast %broadcast_in_dim3A_1 : vector<16xf32> to vector<1x16xf32>
      tpu.vector_store %arg12[%swap3A_42, %swap3A_43], %swap3A_46 {strides = array<i32>} : memref<128x128xf32, #tpu.memory_space<vmem>>, vector<1x16xf32>,
      %swap3A_47 = arith.index_cast %add3A_37 : i32 to index
      %swap3A_48 = arith.constant 32 : index
      %swap3A_49 = tpu.vector_load %arg12[%swap3A_47, %swap3A_48] {strides = array<i32>} : memref<128x128xf32, #tpu.memory_space<vmem>>, vector<1x16xf32>,
      %swap3A_50 = vector.shape_cast %swap3A_49 : vector<1x16xf32> to vector<16xf32>
      %swap3A_51 = vector.shape_cast %broadcast_in_dim3A_1 : vector<16xf32> to vector<1x16xf32>
      tpu.vector_store %arg12[%swap3A_47, %swap3A_48], %swap3A_51 {strides = array<i32>} : memref<128x128xf32, #tpu.memory_space<vmem>>, vector<1x16xf32>,
      %swap3A_52 = arith.index_cast %add3A_37 : i32 to index
      %swap3A_53 = arith.constant 48 : index
      %swap3A_54 = tpu.vector_load %arg12[%swap3A_52, %swap3A_53] {strides = array<i32>} : memref<128x128xf32, #tpu.memory_space<vmem>>, vector<1x16xf32>,
      %swap3A_55 = vector.shape_cast %swap3A_54 : vector<1x16xf32> to vector<16xf32>
      %swap3A_56 = vector.shape_cast %broadcast_in_dim3A_1 : vector<16xf32> to vector<1x16xf32>
      tpu.vector_store %arg12[%swap3A_52, %swap3A_53], %swap3A_56 {strides = array<i32>} : memref<128x128xf32, #tpu.memory_space<vmem>>, vector<1x16xf32>,
      %swap3A_57 = arith.index_cast %add3A_37 : i32 to index
      %swap3A_58 = arith.constant 64 : index
      %swap3A_59 = tpu.vector_load %arg12[%swap3A_57, %swap3A_58] {strides = array<i32>} : memref<128x128xf32, #tpu.memory_space<vmem>>, vector<1x16xf32>,
      %swap3A_60 = vector.shape_cast %swap3A_59 : vector<1x16xf32> to vector<16xf32>
      %swap3A_61 = vector.shape_cast %broadcast_in_dim3A_1 : vector<16xf32> to vector<1x16xf32>
      tpu.vector_store %arg12[%swap3A_57, %swap3A_58], %swap3A_61 {strides = array<i32>} : memref<128x128xf32, #tpu.memory_space<vmem>>, vector<1x16xf32>,
      %swap3A_62 = arith.index_cast %add3A_37 : i32 to index
      %swap3A_63 = arith.constant 80 : index
      %swap3A_64 = tpu.vector_load %arg12[%swap3A_62, %swap3A_63] {strides = array<i32>} : memref<128x128xf32, #tpu.memory_space<vmem>>, vector<1x16xf32>,
      %swap3A_65 = vector.shape_cast %swap3A_64 : vector<1x16xf32> to vector<16xf32>
      %swap3A_66 = vector.shape_cast %broadcast_in_dim3A_1 : vector<16xf32> to vector<1x16xf32>
      tpu.vector_store %arg12[%swap3A_62, %swap3A_63], %swap3A_66 {strides = array<i32>} : memref<128x128xf32, #tpu.memory_space<vmem>>, vector<1x16xf32>,
      %swap3A_67 = arith.index_cast %add3A_37 : i32 to index
      %swap3A_68 = arith.constant 96 : index
      %swap3A_69 = tpu.vector_load %arg12[%swap3A_67, %swap3A_68] {strides = array<i32>} : memref<128x128xf32, #tpu.memory_space<vmem>>, vector<1x16xf32>,
      %swap3A_70 = vector.shape_cast %swap3A_69 : vector<1x16xf32> to vector<16xf32>
      %swap3A_71 = vector.shape_cast %broadcast_in_dim3A_1 : vector<16xf32> to vector<1x16xf32>
      tpu.vector_store %arg12[%swap3A_67, %swap3A_68], %swap3A_71 {strides = array<i32>} : memref<128x128xf32, #tpu.memory_space<vmem>>, vector<1x16xf32>,
      %swap3A_72 = arith.index_cast %add3A_37 : i32 to index
      %swap3A_73 = arith.constant 112 : index
      %swap3A_74 = tpu.vector_load %arg12[%swap3A_72, %swap3A_73] {strides = array<i32>} : memref<128x128xf32, #tpu.memory_space<vmem>>, vector<1x16xf32>,
      %swap3A_75 = vector.shape_cast %swap3A_74 : vector<1x16xf32> to vector<16xf32>
      %swap3A_76 = vector.shape_cast %broadcast_in_dim3A_1 : vector<16xf32> to vector<1x16xf32>
      tpu.vector_store %arg12[%swap3A_72, %swap3A_73], %swap3A_76 {strides = array<i32>} : memref<128x128xf32, #tpu.memory_space<vmem>>, vector<1x16xf32>,
    }
    %scan3A_5 = arith.constant 128 : i32
    %add3A = arith.constant 0 : i32
    %add3A_6 = arith.addi %mul3A_0, %add3A : i32
    "tpu.region"() ({
      %run_scoped3A = tpu.sem_alloc : memref<!tpu.dma_semaphore, #tpu.memory_space<semaphore_mem>>
      %dma_start3A = arith.constant 0 : i32
      %dma_start3A_33 = tpu.memref_slice %arg13[%add3A_6, %dma_start3A] : memref<10240x128xf32, #tpu.memory_space<vmem_shared>> -> memref<128x128xf32, #tpu.memory_space<vmem_shared>>
      %dma_start3A_34 = arith.constant 0 : i32
      %dma_start3A_35 = tpu.memref_slice %arg13[%add3A_6, %dma_start3A_34] : memref<10240x128xf32, #tpu.memory_space<vmem_shared>> -> memref<128x128xf32, #tpu.memory_space<vmem_shared>>
      tpu.enqueue_dma source(%arg12 : memref<128x128xf32, #tpu.memory_space<vmem>>) target(%dma_start3A_35 : memref<128x128xf32, #tpu.memory_space<vmem_shared>>) target_semaphore(%run_scoped3A : memref<!tpu.dma_semaphore, #tpu.memory_space<semaphore_mem>>)
      %dma_wait3A = arith.constant 0 : i32
      %dma_wait3A_36 = tpu.memref_slice %arg13[%add3A_6, %dma_wait3A] : memref<10240x128xf32, #tpu.memory_space<vmem_shared>> -> memref<128x128xf32, #tpu.memory_space<vmem_shared>>
      %dma_wait3A_37 = arith.constant 0 : i32
      %dma_wait3A_38 = tpu.memref_slice %arg13[%add3A_6, %dma_wait3A_37] : memref<10240x128xf32, #tpu.memory_space<vmem_shared>> -> memref<128x128xf32, #tpu.memory_space<vmem_shared>>
      tpu.wait_dma2 semaphore(%run_scoped3A : memref<!tpu.dma_semaphore, #tpu.memory_space<semaphore_mem>>) src(%arg12 : memref<128x128xf32, #tpu.memory_space<vmem>>) dst(%dma_wait3A_38 : memref<128x128xf32, #tpu.memory_space<vmem_shared>>)
      tpu.yield
    }) : () -> ()
    %add3A_7 = arith.constant 128 : i32
    %add3A_8 = arith.addi %mul3A_0, %add3A_7 : i32
    "tpu.region"() ({
      %run_scoped3A = tpu.sem_alloc : memref<!tpu.dma_semaphore, #tpu.memory_space<semaphore_mem>>
      %dma_start3A = arith.constant 0 : i32
      %dma_start3A_33 = tpu.memref_slice %arg13[%add3A_8, %dma_start3A] : memref<10240x128xf32, #tpu.memory_space<vmem_shared>> -> memref<128x128xf32, #tpu.memory_space<vmem_shared>>
      %dma_start3A_34 = arith.constant 0 : i32
      %dma_start3A_35 = tpu.memref_slice %arg13[%add3A_8, %dma_start3A_34] : memref<10240x128xf32, #tpu.memory_space<vmem_shared>> -> memref<128x128xf32, #tpu.memory_space<vmem_shared>>
      tpu.enqueue_dma source(%arg12 : memref<128x128xf32, #tpu.memory_space<vmem>>) target(%dma_start3A_35 : memref<128x128xf32, #tpu.memory_space<vmem_shared>>) target_semaphore(%run_scoped3A : memref<!tpu.dma_semaphore, #tpu.memory_space<semaphore_mem>>)
      %dma_wait3A = arith.constant 0 : i32
      %dma_wait3A_36 = tpu.memref_slice %arg13[%add3A_8, %dma_wait3A] : memref<10240x128xf32, #tpu.memory_space<vmem_shared>> -> memref<128x128xf32, #tpu.memory_space<vmem_shared>>
      %dma_wait3A_37 = arith.constant 0 : i32
      %dma_wait3A_38 = tpu.memref_slice %arg13[%add3A_8, %dma_wait3A_37] : memref<10240x128xf32, #tpu.memory_space<vmem_shared>> -> memref<128x128xf32, #tpu.memory_space<vmem_shared>>
      tpu.wait_dma2 semaphore(%run_scoped3A : memref<!tpu.dma_semaphore, #tpu.memory_space<semaphore_mem>>) src(%arg12 : memref<128x128xf32, #tpu.memory_space<vmem>>) dst(%dma_wait3A_38 : memref<128x128xf32, #tpu.memory_space<vmem_shared>>)
      tpu.yield
    }) : () -> ()
    %add3A_9 = arith.constant 256 : i32
    %add3A_10 = arith.addi %mul3A_0, %add3A_9 : i32
    "tpu.region"() ({
      %run_scoped3A = tpu.sem_alloc : memref<!tpu.dma_semaphore, #tpu.memory_space<semaphore_mem>>
      %dma_start3A = arith.constant 0 : i32
      %dma_start3A_33 = tpu.memref_slice %arg13[%add3A_10, %dma_start3A] : memref<10240x128xf32, #tpu.memory_space<vmem_shared>> -> memref<128x128xf32, #tpu.memory_space<vmem_shared>>
      %dma_start3A_34 = arith.constant 0 : i32
      %dma_start3A_35 = tpu.memref_slice %arg13[%add3A_10, %dma_start3A_34] : memref<10240x128xf32, #tpu.memory_space<vmem_shared>> -> memref<128x128xf32, #tpu.memory_space<vmem_shared>>
      tpu.enqueue_dma source(%arg12 : memref<128x128xf32, #tpu.memory_space<vmem>>) target(%dma_start3A_35 : memref<128x128xf32, #tpu.memory_space<vmem_shared>>) target_semaphore(%run_scoped3A : memref<!tpu.dma_semaphore, #tpu.memory_space<semaphore_mem>>)
      %dma_wait3A = arith.constant 0 : i32
      %dma_wait3A_36 = tpu.memref_slice %arg13[%add3A_10, %dma_wait3A] : memref<10240x128xf32, #tpu.memory_space<vmem_shared>> -> memref<128x128xf32, #tpu.memory_space<vmem_shared>>
      %dma_wait3A_37 = arith.constant 0 : i32
      %dma_wait3A_38 = tpu.memref_slice %arg13[%add3A_10, %dma_wait3A_37] : memref<10240x128xf32, #tpu.memory_space<vmem_shared>> -> memref<128x128xf32, #tpu.memory_space<vmem_shared>>
      tpu.wait_dma2 semaphore(%run_scoped3A : memref<!tpu.dma_semaphore, #tpu.memory_space<semaphore_mem>>) src(%arg12 : memref<128x128xf32, #tpu.memory_space<vmem>>) dst(%dma_wait3A_38 : memref<128x128xf32, #tpu.memory_space<vmem_shared>>)
      tpu.yield
    }) : () -> ()
    %add3A_11 = arith.constant 384 : i32
    %add3A_12 = arith.addi %mul3A_0, %add3A_11 : i32
    "tpu.region"() ({
      %run_scoped3A = tpu.sem_alloc : memref<!tpu.dma_semaphore, #tpu.memory_space<semaphore_mem>>
      %dma_start3A = arith.constant 0 : i32
      %dma_start3A_33 = tpu.memref_slice %arg13[%add3A_12, %dma_start3A] : memref<10240x128xf32, #tpu.memory_space<vmem_shared>> -> memref<128x128xf32, #tpu.memory_space<vmem_shared>>
      %dma_start3A_34 = arith.constant 0 : i32
      %dma_start3A_35 = tpu.memref_slice %arg13[%add3A_12, %dma_start3A_34] : memref<10240x128xf32, #tpu.memory_space<vmem_shared>> -> memref<128x128xf32, #tpu.memory_space<vmem_shared>>
      tpu.enqueue_dma source(%arg12 : memref<128x128xf32, #tpu.memory_space<vmem>>) target(%dma_start3A_35 : memref<128x128xf32, #tpu.memory_space<vmem_shared>>) target_semaphore(%run_scoped3A : memref<!tpu.dma_semaphore, #tpu.memory_space<semaphore_mem>>)
      %dma_wait3A = arith.constant 0 : i32
      %dma_wait3A_36 = tpu.memref_slice %arg13[%add3A_12, %dma_wait3A] : memref<10240x128xf32, #tpu.memory_space<vmem_shared>> -> memref<128x128xf32, #tpu.memory_space<vmem_shared>>
      %dma_wait3A_37 = arith.constant 0 : i32
      %dma_wait3A_38 = tpu.memref_slice %arg13[%add3A_12, %dma_wait3A_37] : memref<10240x128xf32, #tpu.memory_space<vmem_shared>> -> memref<128x128xf32, #tpu.memory_space<vmem_shared>>
      tpu.wait_dma2 semaphore(%run_scoped3A : memref<!tpu.dma_semaphore, #tpu.memory_space<semaphore_mem>>) src(%arg12 : memref<128x128xf32, #tpu.memory_space<vmem>>) dst(%dma_wait3A_38 : memref<128x128xf32, #tpu.memory_space<vmem_shared>>)
      tpu.yield
    }) : () -> ()
    %add3A_13 = arith.constant 512 : i32
    %add3A_14 = arith.addi %mul3A_0, %add3A_13 : i32
    "tpu.region"() ({
      %run_scoped3A = tpu.sem_alloc : memref<!tpu.dma_semaphore, #tpu.memory_space<semaphore_mem>>
      %dma_start3A = arith.constant 0 : i32
      %dma_start3A_33 = tpu.memref_slice %arg13[%add3A_14, %dma_start3A] : memref<10240x128xf32, #tpu.memory_space<vmem_shared>> -> memref<128x128xf32, #tpu.memory_space<vmem_shared>>
      %dma_start3A_34 = arith.constant 0 : i32
      %dma_start3A_35 = tpu.memref_slice %arg13[%add3A_14, %dma_start3A_34] : memref<10240x128xf32, #tpu.memory_space<vmem_shared>> -> memref<128x128xf32, #tpu.memory_space<vmem_shared>>
      tpu.enqueue_dma source(%arg12 : memref<128x128xf32, #tpu.memory_space<vmem>>) target(%dma_start3A_35 : memref<128x128xf32, #tpu.memory_space<vmem_shared>>) target_semaphore(%run_scoped3A : memref<!tpu.dma_semaphore, #tpu.memory_space<semaphore_mem>>)
      %dma_wait3A = arith.constant 0 : i32
      %dma_wait3A_36 = tpu.memref_slice %arg13[%add3A_14, %dma_wait3A] : memref<10240x128xf32, #tpu.memory_space<vmem_shared>> -> memref<128x128xf32, #tpu.memory_space<vmem_shared>>
      %dma_wait3A_37 = arith.constant 0 : i32
      %dma_wait3A_38 = tpu.memref_slice %arg13[%add3A_14, %dma_wait3A_37] : memref<10240x128xf32, #tpu.memory_space<vmem_shared>> -> memref<128x128xf32, #tpu.memory_space<vmem_shared>>
      tpu.wait_dma2 semaphore(%run_scoped3A : memref<!tpu.dma_semaphore, #tpu.memory_space<semaphore_mem>>) src(%arg12 : memref<128x128xf32, #tpu.memory_space<vmem>>) dst(%dma_wait3A_38 : memref<128x128xf32, #tpu.memory_space<vmem_shared>>)
      tpu.yield
    }) : () -> ()
    %barrier3A = arith.constant 0 : index
    tpu.barrier barrier_id(%barrier3A)
    %eq3A = arith.constant 0 : i32
    %eq3A_15 = arith.cmpi eq, %arg0, %eq3A : i32
    %convert_element_type3A = arith.extui %eq3A_15 : i1 to i32
    %cond3A = arith.constant 0 : i32
    %cond3A_16 = arith.cmpi ne, %convert_element_type3A, %cond3A : i32
    scf.if %cond3A_16 {
      %mul3A_33 = arith.constant 160 : i32
      %mul3A_34 = arith.muli %arg1, %mul3A_33 : i32
      %add3A_35 = arith.constant 0 : i32
      %add3A_36 = arith.addi %mul3A_34, %add3A_35 : i32
      "tpu.region"() ({
        %run_scoped3A = tpu.sem_alloc : memref<!tpu.dma_semaphore, #tpu.memory_space<semaphore_mem>>
        %dma_start3A = arith.constant 0 : i32
        %dma_start3A_78 = tpu.memref_slice %arg4[%add3A_36, %dma_start3A] : memref<2560x128xi32, #tpu.memory_space<hbm>> -> memref<32x128xi32, #tpu.memory_space<hbm>>
        %dma_start3A_79 = arith.constant 0 : i32
        %dma_start3A_80 = tpu.memref_slice %arg4[%add3A_36, %dma_start3A_79] : memref<2560x128xi32, #tpu.memory_space<hbm>> -> memref<32x128xi32, #tpu.memory_space<hbm>>
        tpu.enqueue_dma source(%dma_start3A_80 : memref<32x128xi32, #tpu.memory_space<hbm>>) target(%arg10 : memref<32x128xi32, #tpu.memory_space<vmem>>) target_semaphore(%run_scoped3A : memref<!tpu.dma_semaphore, #tpu.memory_space<semaphore_mem>>)
        %dma_wait3A = arith.constant 0 : i32
        %dma_wait3A_81 = tpu.memref_slice %arg4[%add3A_36, %dma_wait3A] : memref<2560x128xi32, #tpu.memory_space<hbm>> -> memref<32x128xi32, #tpu.memory_space<hbm>>
        %dma_wait3A_82 = arith.constant 0 : i32
        %dma_wait3A_83 = tpu.memref_slice %arg4[%add3A_36, %dma_wait3A_82] : memref<2560x128xi32, #tpu.memory_space<hbm>> -> memref<32x128xi32, #tpu.memory_space<hbm>>
        tpu.wait_dma2 semaphore(%run_scoped3A : memref<!tpu.dma_semaphore, #tpu.memory_space<semaphore_mem>>) src(%dma_wait3A_83 : memref<32x128xi32, #tpu.memory_space<hbm>>) dst(%arg10 : memref<32x128xi32, #tpu.memory_space<vmem>>)
        tpu.yield
      }) : () -> ()
      "tpu.region"() ({
        %run_scoped3A = tpu.sem_alloc : memref<!tpu.dma_semaphore, #tpu.memory_space<semaphore_mem>>
        %dma_start3A = arith.constant 0 : i32
        %dma_start3A_78 = tpu.memref_slice %arg5[%add3A_36, %dma_start3A] : memref<2560x128xi32, #tpu.memory_space<hbm>> -> memref<32x128xi32, #tpu.memory_space<hbm>>
        %dma_start3A_79 = arith.constant 0 : i32
        %dma_start3A_80 = tpu.memref_slice %arg5[%add3A_36, %dma_start3A_79] : memref<2560x128xi32, #tpu.memory_space<hbm>> -> memref<32x128xi32, #tpu.memory_space<hbm>>
        tpu.enqueue_dma source(%dma_start3A_80 : memref<32x128xi32, #tpu.memory_space<hbm>>) target(%arg11 : memref<32x128xi32, #tpu.memory_space<vmem>>) target_semaphore(%run_scoped3A : memref<!tpu.dma_semaphore, #tpu.memory_space<semaphore_mem>>)
        %dma_wait3A = arith.constant 0 : i32
        %dma_wait3A_81 = tpu.memref_slice %arg5[%add3A_36, %dma_wait3A] : memref<2560x128xi32, #tpu.memory_space<hbm>> -> memref<32x128xi32, #tpu.memory_space<hbm>>
        %dma_wait3A_82 = arith.constant 0 : i32
        %dma_wait3A_83 = tpu.memref_slice %arg5[%add3A_36, %dma_wait3A_82] : memref<2560x128xi32, #tpu.memory_space<hbm>> -> memref<32x128xi32, #tpu.memory_space<hbm>>
        tpu.wait_dma2 semaphore(%run_scoped3A : memref<!tpu.dma_semaphore, #tpu.memory_space<semaphore_mem>>) src(%dma_wait3A_83 : memref<32x128xi32, #tpu.memory_space<hbm>>) dst(%arg11 : memref<32x128xi32, #tpu.memory_space<vmem>>)
        tpu.yield
      }) : () -> ()
      %scan3A_37 = arith.constant 0 : i32
      %scan3A_38 = arith.constant 32 : i32
      %scan3A_39 = arith.addi %scan3A_37, %scan3A_38 : i32
      %scan3A_40 = arith.constant 1 : i32
      scf.for %scan3A_78 = %scan3A_37 to %scan3A_39 step %scan3A_40  : i32 {
        %mul3A_79 = arith.constant 1 : i32
        %mul3A_80 = arith.muli %scan3A_78, %mul3A_79 : i32
        %add3A_81 = arith.constant 0 : i32
        %add3A_82 = arith.addi %add3A_81, %mul3A_80 : i32
        "tpu.region"() ({
          %run_scoped3A = tpu.sem_alloc : memref<!tpu.dma_semaphore, #tpu.memory_space<semaphore_mem>>
          %dma_start3A = arith.constant 0 : i32
          %dma_start3A_83 = tpu.memref_slice %arg10[%add3A_82, %dma_start3A] : memref<32x128xi32, #tpu.memory_space<vmem>> -> memref<1x128xi32, #tpu.memory_space<vmem>>
          %dma_start3A_84 = tpu.memref_squeeze %dma_start3A_83 : memref<1x128xi32, #tpu.memory_space<vmem>> -> memref<128xi32, #tpu.memory_space<vmem>>
          %dma_start3A_85 = arith.constant 0 : i32
          %dma_start3A_86 = arith.constant 0 : i32
          %dma_start3A_87 = tpu.memref_slice %arg2[%dma_start3A_85, %dma_start3A_86] : memref<10240x128xf32, #tpu.memory_space<hbm>> -> memref<10240x128xf32, #tpu.memory_space<hbm>>
          tpu.enqueue_indirect_dma source(%dma_start3A_87 : memref<10240x128xf32, #tpu.memory_space<hbm>>) target(%arg12 : memref<128x128xf32, #tpu.memory_space<vmem>>) offsets(%dma_start3A_84 : memref<128xi32, #tpu.memory_space<vmem>>) semaphore(%run_scoped3A : memref<!tpu.dma_semaphore, #tpu.memory_space<semaphore_mem>>)
          %dma_wait3A = arith.constant 0 : i32
          %dma_wait3A_88 = tpu.memref_slice %arg10[%add3A_82, %dma_wait3A] : memref<32x128xi32, #tpu.memory_space<vmem>> -> memref<1x128xi32, #tpu.memory_space<vmem>>
          %dma_wait3A_89 = tpu.memref_squeeze %dma_wait3A_88 : memref<1x128xi32, #tpu.memory_space<vmem>> -> memref<128xi32, #tpu.memory_space<vmem>>
          %dma_wait3A_90 = arith.constant 0 : i32
          %dma_wait3A_91 = arith.constant 0 : i32
          %dma_wait3A_92 = tpu.memref_slice %arg2[%dma_wait3A_90, %dma_wait3A_91] : memref<10240x128xf32, #tpu.memory_space<hbm>> -> memref<10240x128xf32, #tpu.memory_space<hbm>>
          tpu.wait_indirect_dma semaphore(%run_scoped3A : memref<!tpu.dma_semaphore, #tpu.memory_space<semaphore_mem>>) src(%dma_wait3A_92 : memref<10240x128xf32, #tpu.memory_space<hbm>>) dst(%arg12 : memref<128x128xf32, #tpu.memory_space<vmem>>)
          tpu.yield
        }) : () -> ()
        "tpu.region"() ({
          %run_scoped3A = tpu.sem_alloc : memref<!tpu.dma_semaphore, #tpu.memory_space<semaphore_mem>>
          %dma_start3A = arith.constant 0 : i32
          %dma_start3A_83 = tpu.memref_slice %arg11[%add3A_82, %dma_start3A] : memref<32x128xi32, #tpu.memory_space<vmem>> -> memref<1x128xi32, #tpu.memory_space<vmem>>
          %dma_start3A_84 = tpu.memref_squeeze %dma_start3A_83 : memref<1x128xi32, #tpu.memory_space<vmem>> -> memref<128xi32, #tpu.memory_space<vmem>>
          %dma_start3A_85 = arith.constant 0 : i32
          %dma_start3A_86 = arith.constant 0 : i32
          %dma_start3A_87 = tpu.memref_slice %arg13[%dma_start3A_85, %dma_start3A_86] : memref<10240x128xf32, #tpu.memory_space<vmem_shared>> -> memref<10240x128xf32, #tpu.memory_space<vmem_shared>>
          tpu.enqueue_indirect_dma source(%arg12 : memref<128x128xf32, #tpu.memory_space<vmem>>) target(%dma_start3A_87 : memref<10240x128xf32, #tpu.memory_space<vmem_shared>>) offsets(%dma_start3A_84 : memref<128xi32, #tpu.memory_space<vmem>>) semaphore(%run_scoped3A : memref<!tpu.dma_semaphore, #tpu.memory_space<semaphore_mem>>) {add = true}
          %dma_wait3A = arith.constant 0 : i32
          %dma_wait3A_88 = tpu.memref_slice %arg11[%add3A_82, %dma_wait3A] : memref<32x128xi32, #tpu.memory_space<vmem>> -> memref<1x128xi32, #tpu.memory_space<vmem>>
          %dma_wait3A_89 = tpu.memref_squeeze %dma_wait3A_88 : memref<1x128xi32, #tpu.memory_space<vmem>> -> memref<128xi32, #tpu.memory_space<vmem>>
          %dma_wait3A_90 = arith.constant 0 : i32
          %dma_wait3A_91 = arith.constant 0 : i32
          %dma_wait3A_92 = tpu.memref_slice %arg13[%dma_wait3A_90, %dma_wait3A_91] : memref<10240x128xf32, #tpu.memory_space<vmem_shared>> -> memref<10240x128xf32, #tpu.memory_space<vmem_shared>>
          tpu.wait_indirect_dma semaphore(%run_scoped3A : memref<!tpu.dma_semaphore, #tpu.memory_space<semaphore_mem>>) src(%arg12 : memref<128x128xf32, #tpu.memory_space<vmem>>) dst(%dma_wait3A_92 : memref<10240x128xf32, #tpu.memory_space<vmem_shared>>)
          tpu.yield
        }) : () -> ()
      }
      %scan3A_41 = arith.constant 32 : i32
      %mul3A_42 = arith.constant 160 : i32
      %mul3A_43 = arith.muli %arg1, %mul3A_42 : i32
      %add3A_44 = arith.constant 32 : i32
      %add3A_45 = arith.addi %mul3A_43, %add3A_44 : i32
      "tpu.region"() ({
        %run_scoped3A = tpu.sem_alloc : memref<!tpu.dma_semaphore, #tpu.memory_space<semaphore_mem>>
        %dma_start3A = arith.constant 0 : i32
        %dma_start3A_78 = tpu.memref_slice %arg4[%add3A_45, %dma_start3A] : memref<2560x128xi32, #tpu.memory_space<hbm>> -> memref<32x128xi32, #tpu.memory_space<hbm>>
        %dma_start3A_79 = arith.constant 0 : i32
        %dma_start3A_80 = tpu.memref_slice %arg4[%add3A_45, %dma_start3A_79] : memref<2560x128xi32, #tpu.memory_space<hbm>> -> memref<32x128xi32, #tpu.memory_space<hbm>>
        tpu.enqueue_dma source(%dma_start3A_80 : memref<32x128xi32, #tpu.memory_space<hbm>>) target(%arg10 : memref<32x128xi32, #tpu.memory_space<vmem>>) target_semaphore(%run_scoped3A : memref<!tpu.dma_semaphore, #tpu.memory_space<semaphore_mem>>)
        %dma_wait3A = arith.constant 0 : i32
        %dma_wait3A_81 = tpu.memref_slice %arg4[%add3A_45, %dma_wait3A] : memref<2560x128xi32, #tpu.memory_space<hbm>> -> memref<32x128xi32, #tpu.memory_space<hbm>>
        %dma_wait3A_82 = arith.constant 0 : i32
        %dma_wait3A_83 = tpu.memref_slice %arg4[%add3A_45, %dma_wait3A_82] : memref<2560x128xi32, #tpu.memory_space<hbm>> -> memref<32x128xi32, #tpu.memory_space<hbm>>
        tpu.wait_dma2 semaphore(%run_scoped3A : memref<!tpu.dma_semaphore, #tpu.memory_space<semaphore_mem>>) src(%dma_wait3A_83 : memref<32x128xi32, #tpu.memory_space<hbm>>) dst(%arg10 : memref<32x128xi32, #tpu.memory_space<vmem>>)
        tpu.yield
      }) : () -> ()
      "tpu.region"() ({
        %run_scoped3A = tpu.sem_alloc : memref<!tpu.dma_semaphore, #tpu.memory_space<semaphore_mem>>
        %dma_start3A = arith.constant 0 : i32
        %dma_start3A_78 = tpu.memref_slice %arg5[%add3A_45, %dma_start3A] : memref<2560x128xi32, #tpu.memory_space<hbm>> -> memref<32x128xi32, #tpu.memory_space<hbm>>
        %dma_start3A_79 = arith.constant 0 : i32
        %dma_start3A_80 = tpu.memref_slice %arg5[%add3A_45, %dma_start3A_79] : memref<2560x128xi32, #tpu.memory_space<hbm>> -> memref<32x128xi32, #tpu.memory_space<hbm>>
        tpu.enqueue_dma source(%dma_start3A_80 : memref<32x128xi32, #tpu.memory_space<hbm>>) target(%arg11 : memref<32x128xi32, #tpu.memory_space<vmem>>) target_semaphore(%run_scoped3A : memref<!tpu.dma_semaphore, #tpu.memory_space<semaphore_mem>>)
        %dma_wait3A = arith.constant 0 : i32
        %dma_wait3A_81 = tpu.memref_slice %arg5[%add3A_45, %dma_wait3A] : memref<2560x128xi32, #tpu.memory_space<hbm>> -> memref<32x128xi32, #tpu.memory_space<hbm>>
        %dma_wait3A_82 = arith.constant 0 : i32
        %dma_wait3A_83 = tpu.memref_slice %arg5[%add3A_45, %dma_wait3A_82] : memref<2560x128xi32, #tpu.memory_space<hbm>> -> memref<32x128xi32, #tpu.memory_space<hbm>>
        tpu.wait_dma2 semaphore(%run_scoped3A : memref<!tpu.dma_semaphore, #tpu.memory_space<semaphore_mem>>) src(%dma_wait3A_83 : memref<32x128xi32, #tpu.memory_space<hbm>>) dst(%arg11 : memref<32x128xi32, #tpu.memory_space<vmem>>)
        tpu.yield
      }) : () -> ()
      %scan3A_46 = arith.constant 0 : i32
      %scan3A_47 = arith.constant 32 : i32
      %scan3A_48 = arith.addi %scan3A_46, %scan3A_47 : i32
      %scan3A_49 = arith.constant 1 : i32
      scf.for %scan3A_78 = %scan3A_46 to %scan3A_48 step %scan3A_49  : i32 {
        %mul3A_79 = arith.constant 1 : i32
        %mul3A_80 = arith.muli %scan3A_78, %mul3A_79 : i32
        %add3A_81 = arith.constant 0 : i32
        %add3A_82 = arith.addi %add3A_81, %mul3A_80 : i32
        "tpu.region"() ({
          %run_scoped3A = tpu.sem_alloc : memref<!tpu.dma_semaphore, #tpu.memory_space<semaphore_mem>>
          %dma_start3A = arith.constant 0 : i32
          %dma_start3A_83 = tpu.memref_slice %arg10[%add3A_82, %dma_start3A] : memref<32x128xi32, #tpu.memory_space<vmem>> -> memref<1x128xi32, #tpu.memory_space<vmem>>
          %dma_start3A_84 = tpu.memref_squeeze %dma_start3A_83 : memref<1x128xi32, #tpu.memory_space<vmem>> -> memref<128xi32, #tpu.memory_space<vmem>>
          %dma_start3A_85 = arith.constant 0 : i32
          %dma_start3A_86 = arith.constant 0 : i32
          %dma_start3A_87 = tpu.memref_slice %arg2[%dma_start3A_85, %dma_start3A_86] : memref<10240x128xf32, #tpu.memory_space<hbm>> -> memref<10240x128xf32, #tpu.memory_space<hbm>>
          tpu.enqueue_indirect_dma source(%dma_start3A_87 : memref<10240x128xf32, #tpu.memory_space<hbm>>) target(%arg12 : memref<128x128xf32, #tpu.memory_space<vmem>>) offsets(%dma_start3A_84 : memref<128xi32, #tpu.memory_space<vmem>>) semaphore(%run_scoped3A : memref<!tpu.dma_semaphore, #tpu.memory_space<semaphore_mem>>)
          %dma_wait3A = arith.constant 0 : i32
          %dma_wait3A_88 = tpu.memref_slice %arg10[%add3A_82, %dma_wait3A] : memref<32x128xi32, #tpu.memory_space<vmem>> -> memref<1x128xi32, #tpu.memory_space<vmem>>
          %dma_wait3A_89 = tpu.memref_squeeze %dma_wait3A_88 : memref<1x128xi32, #tpu.memory_space<vmem>> -> memref<128xi32, #tpu.memory_space<vmem>>
          %dma_wait3A_90 = arith.constant 0 : i32
          %dma_wait3A_91 = arith.constant 0 : i32
          %dma_wait3A_92 = tpu.memref_slice %arg2[%dma_wait3A_90, %dma_wait3A_91] : memref<10240x128xf32, #tpu.memory_space<hbm>> -> memref<10240x128xf32, #tpu.memory_space<hbm>>
          tpu.wait_indirect_dma semaphore(%run_scoped3A : memref<!tpu.dma_semaphore, #tpu.memory_space<semaphore_mem>>) src(%dma_wait3A_92 : memref<10240x128xf32, #tpu.memory_space<hbm>>) dst(%arg12 : memref<128x128xf32, #tpu.memory_space<vmem>>)
          tpu.yield
        }) : () -> ()
        "tpu.region"() ({
          %run_scoped3A = tpu.sem_alloc : memref<!tpu.dma_semaphore, #tpu.memory_space<semaphore_mem>>
          %dma_start3A = arith.constant 0 : i32
          %dma_start3A_83 = tpu.memref_slice %arg11[%add3A_82, %dma_start3A] : memref<32x128xi32, #tpu.memory_space<vmem>> -> memref<1x128xi32, #tpu.memory_space<vmem>>
          %dma_start3A_84 = tpu.memref_squeeze %dma_start3A_83 : memref<1x128xi32, #tpu.memory_space<vmem>> -> memref<128xi32, #tpu.memory_space<vmem>>
          %dma_start3A_85 = arith.constant 0 : i32
          %dma_start3A_86 = arith.constant 0 : i32
          %dma_start3A_87 = tpu.memref_slice %arg13[%dma_start3A_85, %dma_start3A_86] : memref<10240x128xf32, #tpu.memory_space<vmem_shared>> -> memref<10240x128xf32, #tpu.memory_space<vmem_shared>>
          tpu.enqueue_indirect_dma source(%arg12 : memref<128x128xf32, #tpu.memory_space<vmem>>) target(%dma_start3A_87 : memref<10240x128xf32, #tpu.memory_space<vmem_shared>>) offsets(%dma_start3A_84 : memref<128xi32, #tpu.memory_space<vmem>>) semaphore(%run_scoped3A : memref<!tpu.dma_semaphore, #tpu.memory_space<semaphore_mem>>) {add = true}
          %dma_wait3A = arith.constant 0 : i32
          %dma_wait3A_88 = tpu.memref_slice %arg11[%add3A_82, %dma_wait3A] : memref<32x128xi32, #tpu.memory_space<vmem>> -> memref<1x128xi32, #tpu.memory_space<vmem>>
          %dma_wait3A_89 = tpu.memref_squeeze %dma_wait3A_88 : memref<1x128xi32, #tpu.memory_space<vmem>> -> memref<128xi32, #tpu.memory_space<vmem>>
          %dma_wait3A_90 = arith.constant 0 : i32
          %dma_wait3A_91 = arith.constant 0 : i32
          %dma_wait3A_92 = tpu.memref_slice %arg13[%dma_wait3A_90, %dma_wait3A_91] : memref<10240x128xf32, #tpu.memory_space<vmem_shared>> -> memref<10240x128xf32, #tpu.memory_space<vmem_shared>>
          tpu.wait_indirect_dma semaphore(%run_scoped3A : memref<!tpu.dma_semaphore, #tpu.memory_space<semaphore_mem>>) src(%arg12 : memref<128x128xf32, #tpu.memory_space<vmem>>) dst(%dma_wait3A_92 : memref<10240x128xf32, #tpu.memory_space<vmem_shared>>)
          tpu.yield
        }) : () -> ()
      }
      %scan3A_50 = arith.constant 32 : i32
      %mul3A_51 = arith.constant 160 : i32
      %mul3A_52 = arith.muli %arg1, %mul3A_51 : i32
      %add3A_53 = arith.constant 64 : i32
      %add3A_54 = arith.addi %mul3A_52, %add3A_53 : i32
      "tpu.region"() ({
        %run_scoped3A = tpu.sem_alloc : memref<!tpu.dma_semaphore, #tpu.memory_space<semaphore_mem>>
        %dma_start3A = arith.constant 0 : i32
        %dma_start3A_78 = tpu.memref_slice %arg4[%add3A_54, %dma_start3A] : memref<2560x128xi32, #tpu.memory_space<hbm>> -> memref<32x128xi32, #tpu.memory_space<hbm>>
        %dma_start3A_79 = arith.constant 0 : i32
        %dma_start3A_80 = tpu.memref_slice %arg4[%add3A_54, %dma_start3A_79] : memref<2560x128xi32, #tpu.memory_space<hbm>> -> memref<32x128xi32, #tpu.memory_space<hbm>>
        tpu.enqueue_dma source(%dma_start3A_80 : memref<32x128xi32, #tpu.memory_space<hbm>>) target(%arg10 : memref<32x128xi32, #tpu.memory_space<vmem>>) target_semaphore(%run_scoped3A : memref<!tpu.dma_semaphore, #tpu.memory_space<semaphore_mem>>)
        %dma_wait3A = arith.constant 0 : i32
        %dma_wait3A_81 = tpu.memref_slice %arg4[%add3A_54, %dma_wait3A] : memref<2560x128xi32, #tpu.memory_space<hbm>> -> memref<32x128xi32, #tpu.memory_space<hbm>>
        %dma_wait3A_82 = arith.constant 0 : i32
        %dma_wait3A_83 = tpu.memref_slice %arg4[%add3A_54, %dma_wait3A_82] : memref<2560x128xi32, #tpu.memory_space<hbm>> -> memref<32x128xi32, #tpu.memory_space<hbm>>
        tpu.wait_dma2 semaphore(%run_scoped3A : memref<!tpu.dma_semaphore, #tpu.memory_space<semaphore_mem>>) src(%dma_wait3A_83 : memref<32x128xi32, #tpu.memory_space<hbm>>) dst(%arg10 : memref<32x128xi32, #tpu.memory_space<vmem>>)
        tpu.yield
      }) : () -> ()
      "tpu.region"() ({
        %run_scoped3A = tpu.sem_alloc : memref<!tpu.dma_semaphore, #tpu.memory_space<semaphore_mem>>
        %dma_start3A = arith.constant 0 : i32
        %dma_start3A_78 = tpu.memref_slice %arg5[%add3A_54, %dma_start3A] : memref<2560x128xi32, #tpu.memory_space<hbm>> -> memref<32x128xi32, #tpu.memory_space<hbm>>
        %dma_start3A_79 = arith.constant 0 : i32
        %dma_start3A_80 = tpu.memref_slice %arg5[%add3A_54, %dma_start3A_79] : memref<2560x128xi32, #tpu.memory_space<hbm>> -> memref<32x128xi32, #tpu.memory_space<hbm>>
        tpu.enqueue_dma source(%dma_start3A_80 : memref<32x128xi32, #tpu.memory_space<hbm>>) target(%arg11 : memref<32x128xi32, #tpu.memory_space<vmem>>) target_semaphore(%run_scoped3A : memref<!tpu.dma_semaphore, #tpu.memory_space<semaphore_mem>>)
        %dma_wait3A = arith.constant 0 : i32
        %dma_wait3A_81 = tpu.memref_slice %arg5[%add3A_54, %dma_wait3A] : memref<2560x128xi32, #tpu.memory_space<hbm>> -> memref<32x128xi32, #tpu.memory_space<hbm>>
        %dma_wait3A_82 = arith.constant 0 : i32
        %dma_wait3A_83 = tpu.memref_slice %arg5[%add3A_54, %dma_wait3A_82] : memref<2560x128xi32, #tpu.memory_space<hbm>> -> memref<32x128xi32, #tpu.memory_space<hbm>>
        tpu.wait_dma2 semaphore(%run_scoped3A : memref<!tpu.dma_semaphore, #tpu.memory_space<semaphore_mem>>) src(%dma_wait3A_83 : memref<32x128xi32, #tpu.memory_space<hbm>>) dst(%arg11 : memref<32x128xi32, #tpu.memory_space<vmem>>)
        tpu.yield
      }) : () -> ()
      %scan3A_55 = arith.constant 0 : i32
      %scan3A_56 = arith.constant 32 : i32
      %scan3A_57 = arith.addi %scan3A_55, %scan3A_56 : i32
      %scan3A_58 = arith.constant 1 : i32
      scf.for %scan3A_78 = %scan3A_55 to %scan3A_57 step %scan3A_58  : i32 {
        %mul3A_79 = arith.constant 1 : i32
        %mul3A_80 = arith.muli %scan3A_78, %mul3A_79 : i32
        %add3A_81 = arith.constant 0 : i32
        %add3A_82 = arith.addi %add3A_81, %mul3A_80 : i32
        "tpu.region"() ({
          %run_scoped3A = tpu.sem_alloc : memref<!tpu.dma_semaphore, #tpu.memory_space<semaphore_mem>>
          %dma_start3A = arith.constant 0 : i32
          %dma_start3A_83 = tpu.memref_slice %arg10[%add3A_82, %dma_start3A] : memref<32x128xi32, #tpu.memory_space<vmem>> -> memref<1x128xi32, #tpu.memory_space<vmem>>
          %dma_start3A_84 = tpu.memref_squeeze %dma_start3A_83 : memref<1x128xi32, #tpu.memory_space<vmem>> -> memref<128xi32, #tpu.memory_space<vmem>>
          %dma_start3A_85 = arith.constant 0 : i32
          %dma_start3A_86 = arith.constant 0 : i32
          %dma_start3A_87 = tpu.memref_slice %arg2[%dma_start3A_85, %dma_start3A_86] : memref<10240x128xf32, #tpu.memory_space<hbm>> -> memref<10240x128xf32, #tpu.memory_space<hbm>>
          tpu.enqueue_indirect_dma source(%dma_start3A_87 : memref<10240x128xf32, #tpu.memory_space<hbm>>) target(%arg12 : memref<128x128xf32, #tpu.memory_space<vmem>>) offsets(%dma_start3A_84 : memref<128xi32, #tpu.memory_space<vmem>>) semaphore(%run_scoped3A : memref<!tpu.dma_semaphore, #tpu.memory_space<semaphore_mem>>)
          %dma_wait3A = arith.constant 0 : i32
          %dma_wait3A_88 = tpu.memref_slice %arg10[%add3A_82, %dma_wait3A] : memref<32x128xi32, #tpu.memory_space<vmem>> -> memref<1x128xi32, #tpu.memory_space<vmem>>
          %dma_wait3A_89 = tpu.memref_squeeze %dma_wait3A_88 : memref<1x128xi32, #tpu.memory_space<vmem>> -> memref<128xi32, #tpu.memory_space<vmem>>
          %dma_wait3A_90 = arith.constant 0 : i32
          %dma_wait3A_91 = arith.constant 0 : i32
          %dma_wait3A_92 = tpu.memref_slice %arg2[%dma_wait3A_90, %dma_wait3A_91] : memref<10240x128xf32, #tpu.memory_space<hbm>> -> memref<10240x128xf32, #tpu.memory_space<hbm>>
          tpu.wait_indirect_dma semaphore(%run_scoped3A : memref<!tpu.dma_semaphore, #tpu.memory_space<semaphore_mem>>) src(%dma_wait3A_92 : memref<10240x128xf32, #tpu.memory_space<hbm>>) dst(%arg12 : memref<128x128xf32, #tpu.memory_space<vmem>>)
          tpu.yield
        }) : () -> ()
        "tpu.region"() ({
          %run_scoped3A = tpu.sem_alloc : memref<!tpu.dma_semaphore, #tpu.memory_space<semaphore_mem>>
          %dma_start3A = arith.constant 0 : i32
          %dma_start3A_83 = tpu.memref_slice %arg11[%add3A_82, %dma_start3A] : memref<32x128xi32, #tpu.memory_space<vmem>> -> memref<1x128xi32, #tpu.memory_space<vmem>>
          %dma_start3A_84 = tpu.memref_squeeze %dma_start3A_83 : memref<1x128xi32, #tpu.memory_space<vmem>> -> memref<128xi32, #tpu.memory_space<vmem>>
          %dma_start3A_85 = arith.constant 0 : i32
          %dma_start3A_86 = arith.constant 0 : i32
          %dma_start3A_87 = tpu.memref_slice %arg13[%dma_start3A_85, %dma_start3A_86] : memref<10240x128xf32, #tpu.memory_space<vmem_shared>> -> memref<10240x128xf32, #tpu.memory_space<vmem_shared>>
          tpu.enqueue_indirect_dma source(%arg12 : memref<128x128xf32, #tpu.memory_space<vmem>>) target(%dma_start3A_87 : memref<10240x128xf32, #tpu.memory_space<vmem_shared>>) offsets(%dma_start3A_84 : memref<128xi32, #tpu.memory_space<vmem>>) semaphore(%run_scoped3A : memref<!tpu.dma_semaphore, #tpu.memory_space<semaphore_mem>>) {add = true}
          %dma_wait3A = arith.constant 0 : i32
          %dma_wait3A_88 = tpu.memref_slice %arg11[%add3A_82, %dma_wait3A] : memref<32x128xi32, #tpu.memory_space<vmem>> -> memref<1x128xi32, #tpu.memory_space<vmem>>
          %dma_wait3A_89 = tpu.memref_squeeze %dma_wait3A_88 : memref<1x128xi32, #tpu.memory_space<vmem>> -> memref<128xi32, #tpu.memory_space<vmem>>
          %dma_wait3A_90 = arith.constant 0 : i32
          %dma_wait3A_91 = arith.constant 0 : i32
          %dma_wait3A_92 = tpu.memref_slice %arg13[%dma_wait3A_90, %dma_wait3A_91] : memref<10240x128xf32, #tpu.memory_space<vmem_shared>> -> memref<10240x128xf32, #tpu.memory_space<vmem_shared>>
          tpu.wait_indirect_dma semaphore(%run_scoped3A : memref<!tpu.dma_semaphore, #tpu.memory_space<semaphore_mem>>) src(%arg12 : memref<128x128xf32, #tpu.memory_space<vmem>>) dst(%dma_wait3A_92 : memref<10240x128xf32, #tpu.memory_space<vmem_shared>>)
          tpu.yield
        }) : () -> ()
      }
      %scan3A_59 = arith.constant 32 : i32
      %mul3A_60 = arith.constant 160 : i32
      %mul3A_61 = arith.muli %arg1, %mul3A_60 : i32
      %add3A_62 = arith.constant 96 : i32
      %add3A_63 = arith.addi %mul3A_61, %add3A_62 : i32
      "tpu.region"() ({
        %run_scoped3A = tpu.sem_alloc : memref<!tpu.dma_semaphore, #tpu.memory_space<semaphore_mem>>
        %dma_start3A = arith.constant 0 : i32
        %dma_start3A_78 = tpu.memref_slice %arg4[%add3A_63, %dma_start3A] : memref<2560x128xi32, #tpu.memory_space<hbm>> -> memref<32x128xi32, #tpu.memory_space<hbm>>
        %dma_start3A_79 = arith.constant 0 : i32
        %dma_start3A_80 = tpu.memref_slice %arg4[%add3A_63, %dma_start3A_79] : memref<2560x128xi32, #tpu.memory_space<hbm>> -> memref<32x128xi32, #tpu.memory_space<hbm>>
        tpu.enqueue_dma source(%dma_start3A_80 : memref<32x128xi32, #tpu.memory_space<hbm>>) target(%arg10 : memref<32x128xi32, #tpu.memory_space<vmem>>) target_semaphore(%run_scoped3A : memref<!tpu.dma_semaphore, #tpu.memory_space<semaphore_mem>>)
        %dma_wait3A = arith.constant 0 : i32
        %dma_wait3A_81 = tpu.memref_slice %arg4[%add3A_63, %dma_wait3A] : memref<2560x128xi32, #tpu.memory_space<hbm>> -> memref<32x128xi32, #tpu.memory_space<hbm>>
        %dma_wait3A_82 = arith.constant 0 : i32
        %dma_wait3A_83 = tpu.memref_slice %arg4[%add3A_63, %dma_wait3A_82] : memref<2560x128xi32, #tpu.memory_space<hbm>> -> memref<32x128xi32, #tpu.memory_space<hbm>>
        tpu.wait_dma2 semaphore(%run_scoped3A : memref<!tpu.dma_semaphore, #tpu.memory_space<semaphore_mem>>) src(%dma_wait3A_83 : memref<32x128xi32, #tpu.memory_space<hbm>>) dst(%arg10 : memref<32x128xi32, #tpu.memory_space<vmem>>)
        tpu.yield
      }) : () -> ()
      "tpu.region"() ({
        %run_scoped3A = tpu.sem_alloc : memref<!tpu.dma_semaphore, #tpu.memory_space<semaphore_mem>>
        %dma_start3A = arith.constant 0 : i32
        %dma_start3A_78 = tpu.memref_slice %arg5[%add3A_63, %dma_start3A] : memref<2560x128xi32, #tpu.memory_space<hbm>> -> memref<32x128xi32, #tpu.memory_space<hbm>>
        %dma_start3A_79 = arith.constant 0 : i32
        %dma_start3A_80 = tpu.memref_slice %arg5[%add3A_63, %dma_start3A_79] : memref<2560x128xi32, #tpu.memory_space<hbm>> -> memref<32x128xi32, #tpu.memory_space<hbm>>
        tpu.enqueue_dma source(%dma_start3A_80 : memref<32x128xi32, #tpu.memory_space<hbm>>) target(%arg11 : memref<32x128xi32, #tpu.memory_space<vmem>>) target_semaphore(%run_scoped3A : memref<!tpu.dma_semaphore, #tpu.memory_space<semaphore_mem>>)
        %dma_wait3A = arith.constant 0 : i32
        %dma_wait3A_81 = tpu.memref_slice %arg5[%add3A_63, %dma_wait3A] : memref<2560x128xi32, #tpu.memory_space<hbm>> -> memref<32x128xi32, #tpu.memory_space<hbm>>
        %dma_wait3A_82 = arith.constant 0 : i32
        %dma_wait3A_83 = tpu.memref_slice %arg5[%add3A_63, %dma_wait3A_82] : memref<2560x128xi32, #tpu.memory_space<hbm>> -> memref<32x128xi32, #tpu.memory_space<hbm>>
        tpu.wait_dma2 semaphore(%run_scoped3A : memref<!tpu.dma_semaphore, #tpu.memory_space<semaphore_mem>>) src(%dma_wait3A_83 : memref<32x128xi32, #tpu.memory_space<hbm>>) dst(%arg11 : memref<32x128xi32, #tpu.memory_space<vmem>>)
        tpu.yield
      }) : () -> ()
      %scan3A_64 = arith.constant 0 : i32
      %scan3A_65 = arith.constant 32 : i32
      %scan3A_66 = arith.addi %scan3A_64, %scan3A_65 : i32
      %scan3A_67 = arith.constant 1 : i32
      scf.for %scan3A_78 = %scan3A_64 to %scan3A_66 step %scan3A_67  : i32 {
        %mul3A_79 = arith.constant 1 : i32
        %mul3A_80 = arith.muli %scan3A_78, %mul3A_79 : i32
        %add3A_81 = arith.constant 0 : i32
        %add3A_82 = arith.addi %add3A_81, %mul3A_80 : i32
        "tpu.region"() ({
          %run_scoped3A = tpu.sem_alloc : memref<!tpu.dma_semaphore, #tpu.memory_space<semaphore_mem>>
          %dma_start3A = arith.constant 0 : i32
          %dma_start3A_83 = tpu.memref_slice %arg10[%add3A_82, %dma_start3A] : memref<32x128xi32, #tpu.memory_space<vmem>> -> memref<1x128xi32, #tpu.memory_space<vmem>>
          %dma_start3A_84 = tpu.memref_squeeze %dma_start3A_83 : memref<1x128xi32, #tpu.memory_space<vmem>> -> memref<128xi32, #tpu.memory_space<vmem>>
          %dma_start3A_85 = arith.constant 0 : i32
          %dma_start3A_86 = arith.constant 0 : i32
          %dma_start3A_87 = tpu.memref_slice %arg2[%dma_start3A_85, %dma_start3A_86] : memref<10240x128xf32, #tpu.memory_space<hbm>> -> memref<10240x128xf32, #tpu.memory_space<hbm>>
          tpu.enqueue_indirect_dma source(%dma_start3A_87 : memref<10240x128xf32, #tpu.memory_space<hbm>>) target(%arg12 : memref<128x128xf32, #tpu.memory_space<vmem>>) offsets(%dma_start3A_84 : memref<128xi32, #tpu.memory_space<vmem>>) semaphore(%run_scoped3A : memref<!tpu.dma_semaphore, #tpu.memory_space<semaphore_mem>>)
          %dma_wait3A = arith.constant 0 : i32
          %dma_wait3A_88 = tpu.memref_slice %arg10[%add3A_82, %dma_wait3A] : memref<32x128xi32, #tpu.memory_space<vmem>> -> memref<1x128xi32, #tpu.memory_space<vmem>>
          %dma_wait3A_89 = tpu.memref_squeeze %dma_wait3A_88 : memref<1x128xi32, #tpu.memory_space<vmem>> -> memref<128xi32, #tpu.memory_space<vmem>>
          %dma_wait3A_90 = arith.constant 0 : i32
          %dma_wait3A_91 = arith.constant 0 : i32
          %dma_wait3A_92 = tpu.memref_slice %arg2[%dma_wait3A_90, %dma_wait3A_91] : memref<10240x128xf32, #tpu.memory_space<hbm>> -> memref<10240x128xf32, #tpu.memory_space<hbm>>
          tpu.wait_indirect_dma semaphore(%run_scoped3A : memref<!tpu.dma_semaphore, #tpu.memory_space<semaphore_mem>>) src(%dma_wait3A_92 : memref<10240x128xf32, #tpu.memory_space<hbm>>) dst(%arg12 : memref<128x128xf32, #tpu.memory_space<vmem>>)
          tpu.yield
        }) : () -> ()
        "tpu.region"() ({
          %run_scoped3A = tpu.sem_alloc : memref<!tpu.dma_semaphore, #tpu.memory_space<semaphore_mem>>
          %dma_start3A = arith.constant 0 : i32
          %dma_start3A_83 = tpu.memref_slice %arg11[%add3A_82, %dma_start3A] : memref<32x128xi32, #tpu.memory_space<vmem>> -> memref<1x128xi32, #tpu.memory_space<vmem>>
          %dma_start3A_84 = tpu.memref_squeeze %dma_start3A_83 : memref<1x128xi32, #tpu.memory_space<vmem>> -> memref<128xi32, #tpu.memory_space<vmem>>
          %dma_start3A_85 = arith.constant 0 : i32
          %dma_start3A_86 = arith.constant 0 : i32
          %dma_start3A_87 = tpu.memref_slice %arg13[%dma_start3A_85, %dma_start3A_86] : memref<10240x128xf32, #tpu.memory_space<vmem_shared>> -> memref<10240x128xf32, #tpu.memory_space<vmem_shared>>
          tpu.enqueue_indirect_dma source(%arg12 : memref<128x128xf32, #tpu.memory_space<vmem>>) target(%dma_start3A_87 : memref<10240x128xf32, #tpu.memory_space<vmem_shared>>) offsets(%dma_start3A_84 : memref<128xi32, #tpu.memory_space<vmem>>) semaphore(%run_scoped3A : memref<!tpu.dma_semaphore, #tpu.memory_space<semaphore_mem>>) {add = true}
          %dma_wait3A = arith.constant 0 : i32
          %dma_wait3A_88 = tpu.memref_slice %arg11[%add3A_82, %dma_wait3A] : memref<32x128xi32, #tpu.memory_space<vmem>> -> memref<1x128xi32, #tpu.memory_space<vmem>>
          %dma_wait3A_89 = tpu.memref_squeeze %dma_wait3A_88 : memref<1x128xi32, #tpu.memory_space<vmem>> -> memref<128xi32, #tpu.memory_space<vmem>>
          %dma_wait3A_90 = arith.constant 0 : i32
          %dma_wait3A_91 = arith.constant 0 : i32
          %dma_wait3A_92 = tpu.memref_slice %arg13[%dma_wait3A_90, %dma_wait3A_91] : memref<10240x128xf32, #tpu.memory_space<vmem_shared>> -> memref<10240x128xf32, #tpu.memory_space<vmem_shared>>
          tpu.wait_indirect_dma semaphore(%run_scoped3A : memref<!tpu.dma_semaphore, #tpu.memory_space<semaphore_mem>>) src(%arg12 : memref<128x128xf32, #tpu.memory_space<vmem>>) dst(%dma_wait3A_92 : memref<10240x128xf32, #tpu.memory_space<vmem_shared>>)
          tpu.yield
        }) : () -> ()
      }
      %scan3A_68 = arith.constant 32 : i32
      %mul3A_69 = arith.constant 160 : i32
      %mul3A_70 = arith.muli %arg1, %mul3A_69 : i32
      %add3A_71 = arith.constant 128 : i32
      %add3A_72 = arith.addi %mul3A_70, %add3A_71 : i32
      "tpu.region"() ({
        %run_scoped3A = tpu.sem_alloc : memref<!tpu.dma_semaphore, #tpu.memory_space<semaphore_mem>>
        %dma_start3A = arith.constant 0 : i32
        %dma_start3A_78 = tpu.memref_slice %arg4[%add3A_72, %dma_start3A] : memref<2560x128xi32, #tpu.memory_space<hbm>> -> memref<32x128xi32, #tpu.memory_space<hbm>>
        %dma_start3A_79 = arith.constant 0 : i32
        %dma_start3A_80 = tpu.memref_slice %arg4[%add3A_72, %dma_start3A_79] : memref<2560x128xi32, #tpu.memory_space<hbm>> -> memref<32x128xi32, #tpu.memory_space<hbm>>
        tpu.enqueue_dma source(%dma_start3A_80 : memref<32x128xi32, #tpu.memory_space<hbm>>) target(%arg10 : memref<32x128xi32, #tpu.memory_space<vmem>>) target_semaphore(%run_scoped3A : memref<!tpu.dma_semaphore, #tpu.memory_space<semaphore_mem>>)
        %dma_wait3A = arith.constant 0 : i32
        %dma_wait3A_81 = tpu.memref_slice %arg4[%add3A_72, %dma_wait3A] : memref<2560x128xi32, #tpu.memory_space<hbm>> -> memref<32x128xi32, #tpu.memory_space<hbm>>
        %dma_wait3A_82 = arith.constant 0 : i32
        %dma_wait3A_83 = tpu.memref_slice %arg4[%add3A_72, %dma_wait3A_82] : memref<2560x128xi32, #tpu.memory_space<hbm>> -> memref<32x128xi32, #tpu.memory_space<hbm>>
        tpu.wait_dma2 semaphore(%run_scoped3A : memref<!tpu.dma_semaphore, #tpu.memory_space<semaphore_mem>>) src(%dma_wait3A_83 : memref<32x128xi32, #tpu.memory_space<hbm>>) dst(%arg10 : memref<32x128xi32, #tpu.memory_space<vmem>>)
        tpu.yield
      }) : () -> ()
      "tpu.region"() ({
        %run_scoped3A = tpu.sem_alloc : memref<!tpu.dma_semaphore, #tpu.memory_space<semaphore_mem>>
        %dma_start3A = arith.constant 0 : i32
        %dma_start3A_78 = tpu.memref_slice %arg5[%add3A_72, %dma_start3A] : memref<2560x128xi32, #tpu.memory_space<hbm>> -> memref<32x128xi32, #tpu.memory_space<hbm>>
        %dma_start3A_79 = arith.constant 0 : i32
        %dma_start3A_80 = tpu.memref_slice %arg5[%add3A_72, %dma_start3A_79] : memref<2560x128xi32, #tpu.memory_space<hbm>> -> memref<32x128xi32, #tpu.memory_space<hbm>>
        tpu.enqueue_dma source(%dma_start3A_80 : memref<32x128xi32, #tpu.memory_space<hbm>>) target(%arg11 : memref<32x128xi32, #tpu.memory_space<vmem>>) target_semaphore(%run_scoped3A : memref<!tpu.dma_semaphore, #tpu.memory_space<semaphore_mem>>)
        %dma_wait3A = arith.constant 0 : i32
        %dma_wait3A_81 = tpu.memref_slice %arg5[%add3A_72, %dma_wait3A] : memref<2560x128xi32, #tpu.memory_space<hbm>> -> memref<32x128xi32, #tpu.memory_space<hbm>>
        %dma_wait3A_82 = arith.constant 0 : i32
        %dma_wait3A_83 = tpu.memref_slice %arg5[%add3A_72, %dma_wait3A_82] : memref<2560x128xi32, #tpu.memory_space<hbm>> -> memref<32x128xi32, #tpu.memory_space<hbm>>
        tpu.wait_dma2 semaphore(%run_scoped3A : memref<!tpu.dma_semaphore, #tpu.memory_space<semaphore_mem>>) src(%dma_wait3A_83 : memref<32x128xi32, #tpu.memory_space<hbm>>) dst(%arg11 : memref<32x128xi32, #tpu.memory_space<vmem>>)
        tpu.yield
      }) : () -> ()
      %scan3A_73 = arith.constant 0 : i32
      %scan3A_74 = arith.constant 32 : i32
      %scan3A_75 = arith.addi %scan3A_73, %scan3A_74 : i32
      %scan3A_76 = arith.constant 1 : i32
      scf.for %scan3A_78 = %scan3A_73 to %scan3A_75 step %scan3A_76  : i32 {
        %mul3A_79 = arith.constant 1 : i32
        %mul3A_80 = arith.muli %scan3A_78, %mul3A_79 : i32
        %add3A_81 = arith.constant 0 : i32
        %add3A_82 = arith.addi %add3A_81, %mul3A_80 : i32
        "tpu.region"() ({
          %run_scoped3A = tpu.sem_alloc : memref<!tpu.dma_semaphore, #tpu.memory_space<semaphore_mem>>
          %dma_start3A = arith.constant 0 : i32
          %dma_start3A_83 = tpu.memref_slice %arg10[%add3A_82, %dma_start3A] : memref<32x128xi32, #tpu.memory_space<vmem>> -> memref<1x128xi32, #tpu.memory_space<vmem>>
          %dma_start3A_84 = tpu.memref_squeeze %dma_start3A_83 : memref<1x128xi32, #tpu.memory_space<vmem>> -> memref<128xi32, #tpu.memory_space<vmem>>
          %dma_start3A_85 = arith.constant 0 : i32
          %dma_start3A_86 = arith.constant 0 : i32
          %dma_start3A_87 = tpu.memref_slice %arg2[%dma_start3A_85, %dma_start3A_86] : memref<10240x128xf32, #tpu.memory_space<hbm>> -> memref<10240x128xf32, #tpu.memory_space<hbm>>
          tpu.enqueue_indirect_dma source(%dma_start3A_87 : memref<10240x128xf32, #tpu.memory_space<hbm>>) target(%arg12 : memref<128x128xf32, #tpu.memory_space<vmem>>) offsets(%dma_start3A_84 : memref<128xi32, #tpu.memory_space<vmem>>) semaphore(%run_scoped3A : memref<!tpu.dma_semaphore, #tpu.memory_space<semaphore_mem>>)
          %dma_wait3A = arith.constant 0 : i32
          %dma_wait3A_88 = tpu.memref_slice %arg10[%add3A_82, %dma_wait3A] : memref<32x128xi32, #tpu.memory_space<vmem>> -> memref<1x128xi32, #tpu.memory_space<vmem>>
          %dma_wait3A_89 = tpu.memref_squeeze %dma_wait3A_88 : memref<1x128xi32, #tpu.memory_space<vmem>> -> memref<128xi32, #tpu.memory_space<vmem>>
          %dma_wait3A_90 = arith.constant 0 : i32
          %dma_wait3A_91 = arith.constant 0 : i32
          %dma_wait3A_92 = tpu.memref_slice %arg2[%dma_wait3A_90, %dma_wait3A_91] : memref<10240x128xf32, #tpu.memory_space<hbm>> -> memref<10240x128xf32, #tpu.memory_space<hbm>>
          tpu.wait_indirect_dma semaphore(%run_scoped3A : memref<!tpu.dma_semaphore, #tpu.memory_space<semaphore_mem>>) src(%dma_wait3A_92 : memref<10240x128xf32, #tpu.memory_space<hbm>>) dst(%arg12 : memref<128x128xf32, #tpu.memory_space<vmem>>)
          tpu.yield
        }) : () -> ()
        "tpu.region"() ({
          %run_scoped3A = tpu.sem_alloc : memref<!tpu.dma_semaphore, #tpu.memory_space<semaphore_mem>>
          %dma_start3A = arith.constant 0 : i32
          %dma_start3A_83 = tpu.memref_slice %arg11[%add3A_82, %dma_start3A] : memref<32x128xi32, #tpu.memory_space<vmem>> -> memref<1x128xi32, #tpu.memory_space<vmem>>
          %dma_start3A_84 = tpu.memref_squeeze %dma_start3A_83 : memref<1x128xi32, #tpu.memory_space<vmem>> -> memref<128xi32, #tpu.memory_space<vmem>>
          %dma_start3A_85 = arith.constant 0 : i32
          %dma_start3A_86 = arith.constant 0 : i32
          %dma_start3A_87 = tpu.memref_slice %arg13[%dma_start3A_85, %dma_start3A_86] : memref<10240x128xf32, #tpu.memory_space<vmem_shared>> -> memref<10240x128xf32, #tpu.memory_space<vmem_shared>>
          tpu.enqueue_indirect_dma source(%arg12 : memref<128x128xf32, #tpu.memory_space<vmem>>) target(%dma_start3A_87 : memref<10240x128xf32, #tpu.memory_space<vmem_shared>>) offsets(%dma_start3A_84 : memref<128xi32, #tpu.memory_space<vmem>>) semaphore(%run_scoped3A : memref<!tpu.dma_semaphore, #tpu.memory_space<semaphore_mem>>) {add = true}
          %dma_wait3A = arith.constant 0 : i32
          %dma_wait3A_88 = tpu.memref_slice %arg11[%add3A_82, %dma_wait3A] : memref<32x128xi32, #tpu.memory_space<vmem>> -> memref<1x128xi32, #tpu.memory_space<vmem>>
          %dma_wait3A_89 = tpu.memref_squeeze %dma_wait3A_88 : memref<1x128xi32, #tpu.memory_space<vmem>> -> memref<128xi32, #tpu.memory_space<vmem>>
          %dma_wait3A_90 = arith.constant 0 : i32
          %dma_wait3A_91 = arith.constant 0 : i32
          %dma_wait3A_92 = tpu.memref_slice %arg13[%dma_wait3A_90, %dma_wait3A_91] : memref<10240x128xf32, #tpu.memory_space<vmem_shared>> -> memref<10240x128xf32, #tpu.memory_space<vmem_shared>>
          tpu.wait_indirect_dma semaphore(%run_scoped3A : memref<!tpu.dma_semaphore, #tpu.memory_space<semaphore_mem>>) src(%arg12 : memref<128x128xf32, #tpu.memory_space<vmem>>) dst(%dma_wait3A_92 : memref<10240x128xf32, #tpu.memory_space<vmem_shared>>)
          tpu.yield
        }) : () -> ()
      }
      %scan3A_77 = arith.constant 32 : i32
    } else {
    }
    %eq3A_17 = arith.constant 1 : i32
    %eq3A_18 = arith.cmpi eq, %arg0, %eq3A_17 : i32
    %convert_element_type3A_19 = arith.extui %eq3A_18 : i1 to i32
    %cond3A_20 = arith.constant 0 : i32
    %cond3A_21 = arith.cmpi ne, %convert_element_type3A_19, %cond3A_20 : i32
    scf.if %cond3A_21 {
      %mul3A_33 = arith.constant 160 : i32
      %mul3A_34 = arith.muli %arg1, %mul3A_33 : i32
      %add3A_35 = arith.constant 0 : i32
      %add3A_36 = arith.addi %mul3A_34, %add3A_35 : i32
      "tpu.region"() ({
        %run_scoped3A = tpu.sem_alloc : memref<!tpu.dma_semaphore, #tpu.memory_space<semaphore_mem>>
        %dma_start3A = arith.constant 0 : i32
        %dma_start3A_78 = tpu.memref_slice %arg6[%add3A_36, %dma_start3A] : memref<2560x128xi32, #tpu.memory_space<hbm>> -> memref<32x128xi32, #tpu.memory_space<hbm>>
        %dma_start3A_79 = arith.constant 0 : i32
        %dma_start3A_80 = tpu.memref_slice %arg6[%add3A_36, %dma_start3A_79] : memref<2560x128xi32, #tpu.memory_space<hbm>> -> memref<32x128xi32, #tpu.memory_space<hbm>>
        tpu.enqueue_dma source(%dma_start3A_80 : memref<32x128xi32, #tpu.memory_space<hbm>>) target(%arg10 : memref<32x128xi32, #tpu.memory_space<vmem>>) target_semaphore(%run_scoped3A : memref<!tpu.dma_semaphore, #tpu.memory_space<semaphore_mem>>)
        %dma_wait3A = arith.constant 0 : i32
        %dma_wait3A_81 = tpu.memref_slice %arg6[%add3A_36, %dma_wait3A] : memref<2560x128xi32, #tpu.memory_space<hbm>> -> memref<32x128xi32, #tpu.memory_space<hbm>>
        %dma_wait3A_82 = arith.constant 0 : i32
        %dma_wait3A_83 = tpu.memref_slice %arg6[%add3A_36, %dma_wait3A_82] : memref<2560x128xi32, #tpu.memory_space<hbm>> -> memref<32x128xi32, #tpu.memory_space<hbm>>
        tpu.wait_dma2 semaphore(%run_scoped3A : memref<!tpu.dma_semaphore, #tpu.memory_space<semaphore_mem>>) src(%dma_wait3A_83 : memref<32x128xi32, #tpu.memory_space<hbm>>) dst(%arg10 : memref<32x128xi32, #tpu.memory_space<vmem>>)
        tpu.yield
      }) : () -> ()
      "tpu.region"() ({
        %run_scoped3A = tpu.sem_alloc : memref<!tpu.dma_semaphore, #tpu.memory_space<semaphore_mem>>
        %dma_start3A = arith.constant 0 : i32
        %dma_start3A_78 = tpu.memref_slice %arg7[%add3A_36, %dma_start3A] : memref<2560x128xi32, #tpu.memory_space<hbm>> -> memref<32x128xi32, #tpu.memory_space<hbm>>
        %dma_start3A_79 = arith.constant 0 : i32
        %dma_start3A_80 = tpu.memref_slice %arg7[%add3A_36, %dma_start3A_79] : memref<2560x128xi32, #tpu.memory_space<hbm>> -> memref<32x128xi32, #tpu.memory_space<hbm>>
        tpu.enqueue_dma source(%dma_start3A_80 : memref<32x128xi32, #tpu.memory_space<hbm>>) target(%arg11 : memref<32x128xi32, #tpu.memory_space<vmem>>) target_semaphore(%run_scoped3A : memref<!tpu.dma_semaphore, #tpu.memory_space<semaphore_mem>>)
        %dma_wait3A = arith.constant 0 : i32
        %dma_wait3A_81 = tpu.memref_slice %arg7[%add3A_36, %dma_wait3A] : memref<2560x128xi32, #tpu.memory_space<hbm>> -> memref<32x128xi32, #tpu.memory_space<hbm>>
        %dma_wait3A_82 = arith.constant 0 : i32
        %dma_wait3A_83 = tpu.memref_slice %arg7[%add3A_36, %dma_wait3A_82] : memref<2560x128xi32, #tpu.memory_space<hbm>> -> memref<32x128xi32, #tpu.memory_space<hbm>>
        tpu.wait_dma2 semaphore(%run_scoped3A : memref<!tpu.dma_semaphore, #tpu.memory_space<semaphore_mem>>) src(%dma_wait3A_83 : memref<32x128xi32, #tpu.memory_space<hbm>>) dst(%arg11 : memref<32x128xi32, #tpu.memory_space<vmem>>)
        tpu.yield
      }) : () -> ()
      %scan3A_37 = arith.constant 0 : i32
      %scan3A_38 = arith.constant 32 : i32
      %scan3A_39 = arith.addi %scan3A_37, %scan3A_38 : i32
      %scan3A_40 = arith.constant 1 : i32
      scf.for %scan3A_78 = %scan3A_37 to %scan3A_39 step %scan3A_40  : i32 {
        %mul3A_79 = arith.constant 1 : i32
        %mul3A_80 = arith.muli %scan3A_78, %mul3A_79 : i32
        %add3A_81 = arith.constant 0 : i32
        %add3A_82 = arith.addi %add3A_81, %mul3A_80 : i32
        "tpu.region"() ({
          %run_scoped3A = tpu.sem_alloc : memref<!tpu.dma_semaphore, #tpu.memory_space<semaphore_mem>>
          %dma_start3A = arith.constant 0 : i32
          %dma_start3A_83 = tpu.memref_slice %arg10[%add3A_82, %dma_start3A] : memref<32x128xi32, #tpu.memory_space<vmem>> -> memref<1x128xi32, #tpu.memory_space<vmem>>
          %dma_start3A_84 = tpu.memref_squeeze %dma_start3A_83 : memref<1x128xi32, #tpu.memory_space<vmem>> -> memref<128xi32, #tpu.memory_space<vmem>>
          %dma_start3A_85 = arith.constant 0 : i32
          %dma_start3A_86 = arith.constant 0 : i32
          %dma_start3A_87 = tpu.memref_slice %arg3[%dma_start3A_85, %dma_start3A_86] : memref<10240x128xf32, #tpu.memory_space<hbm>> -> memref<10240x128xf32, #tpu.memory_space<hbm>>
          tpu.enqueue_indirect_dma source(%dma_start3A_87 : memref<10240x128xf32, #tpu.memory_space<hbm>>) target(%arg12 : memref<128x128xf32, #tpu.memory_space<vmem>>) offsets(%dma_start3A_84 : memref<128xi32, #tpu.memory_space<vmem>>) semaphore(%run_scoped3A : memref<!tpu.dma_semaphore, #tpu.memory_space<semaphore_mem>>)
          %dma_wait3A = arith.constant 0 : i32
          %dma_wait3A_88 = tpu.memref_slice %arg10[%add3A_82, %dma_wait3A] : memref<32x128xi32, #tpu.memory_space<vmem>> -> memref<1x128xi32, #tpu.memory_space<vmem>>
          %dma_wait3A_89 = tpu.memref_squeeze %dma_wait3A_88 : memref<1x128xi32, #tpu.memory_space<vmem>> -> memref<128xi32, #tpu.memory_space<vmem>>
          %dma_wait3A_90 = arith.constant 0 : i32
          %dma_wait3A_91 = arith.constant 0 : i32
          %dma_wait3A_92 = tpu.memref_slice %arg3[%dma_wait3A_90, %dma_wait3A_91] : memref<10240x128xf32, #tpu.memory_space<hbm>> -> memref<10240x128xf32, #tpu.memory_space<hbm>>
          tpu.wait_indirect_dma semaphore(%run_scoped3A : memref<!tpu.dma_semaphore, #tpu.memory_space<semaphore_mem>>) src(%dma_wait3A_92 : memref<10240x128xf32, #tpu.memory_space<hbm>>) dst(%arg12 : memref<128x128xf32, #tpu.memory_space<vmem>>)
          tpu.yield
        }) : () -> ()
        "tpu.region"() ({
          %run_scoped3A = tpu.sem_alloc : memref<!tpu.dma_semaphore, #tpu.memory_space<semaphore_mem>>
          %dma_start3A = arith.constant 0 : i32
          %dma_start3A_83 = tpu.memref_slice %arg11[%add3A_82, %dma_start3A] : memref<32x128xi32, #tpu.memory_space<vmem>> -> memref<1x128xi32, #tpu.memory_space<vmem>>
          %dma_start3A_84 = tpu.memref_squeeze %dma_start3A_83 : memref<1x128xi32, #tpu.memory_space<vmem>> -> memref<128xi32, #tpu.memory_space<vmem>>
          %dma_start3A_85 = arith.constant 0 : i32
          %dma_start3A_86 = arith.constant 0 : i32
          %dma_start3A_87 = tpu.memref_slice %arg13[%dma_start3A_85, %dma_start3A_86] : memref<10240x128xf32, #tpu.memory_space<vmem_shared>> -> memref<10240x128xf32, #tpu.memory_space<vmem_shared>>
          tpu.enqueue_indirect_dma source(%arg12 : memref<128x128xf32, #tpu.memory_space<vmem>>) target(%dma_start3A_87 : memref<10240x128xf32, #tpu.memory_space<vmem_shared>>) offsets(%dma_start3A_84 : memref<128xi32, #tpu.memory_space<vmem>>) semaphore(%run_scoped3A : memref<!tpu.dma_semaphore, #tpu.memory_space<semaphore_mem>>) {add = true}
          %dma_wait3A = arith.constant 0 : i32
          %dma_wait3A_88 = tpu.memref_slice %arg11[%add3A_82, %dma_wait3A] : memref<32x128xi32, #tpu.memory_space<vmem>> -> memref<1x128xi32, #tpu.memory_space<vmem>>
          %dma_wait3A_89 = tpu.memref_squeeze %dma_wait3A_88 : memref<1x128xi32, #tpu.memory_space<vmem>> -> memref<128xi32, #tpu.memory_space<vmem>>
          %dma_wait3A_90 = arith.constant 0 : i32
          %dma_wait3A_91 = arith.constant 0 : i32
          %dma_wait3A_92 = tpu.memref_slice %arg13[%dma_wait3A_90, %dma_wait3A_91] : memref<10240x128xf32, #tpu.memory_space<vmem_shared>> -> memref<10240x128xf32, #tpu.memory_space<vmem_shared>>
          tpu.wait_indirect_dma semaphore(%run_scoped3A : memref<!tpu.dma_semaphore, #tpu.memory_space<semaphore_mem>>) src(%arg12 : memref<128x128xf32, #tpu.memory_space<vmem>>) dst(%dma_wait3A_92 : memref<10240x128xf32, #tpu.memory_space<vmem_shared>>)
          tpu.yield
        }) : () -> ()
      }
      %scan3A_41 = arith.constant 32 : i32
      %mul3A_42 = arith.constant 160 : i32
      %mul3A_43 = arith.muli %arg1, %mul3A_42 : i32
      %add3A_44 = arith.constant 32 : i32
      %add3A_45 = arith.addi %mul3A_43, %add3A_44 : i32
      "tpu.region"() ({
        %run_scoped3A = tpu.sem_alloc : memref<!tpu.dma_semaphore, #tpu.memory_space<semaphore_mem>>
        %dma_start3A = arith.constant 0 : i32
        %dma_start3A_78 = tpu.memref_slice %arg6[%add3A_45, %dma_start3A] : memref<2560x128xi32, #tpu.memory_space<hbm>> -> memref<32x128xi32, #tpu.memory_space<hbm>>
        %dma_start3A_79 = arith.constant 0 : i32
        %dma_start3A_80 = tpu.memref_slice %arg6[%add3A_45, %dma_start3A_79] : memref<2560x128xi32, #tpu.memory_space<hbm>> -> memref<32x128xi32, #tpu.memory_space<hbm>>
        tpu.enqueue_dma source(%dma_start3A_80 : memref<32x128xi32, #tpu.memory_space<hbm>>) target(%arg10 : memref<32x128xi32, #tpu.memory_space<vmem>>) target_semaphore(%run_scoped3A : memref<!tpu.dma_semaphore, #tpu.memory_space<semaphore_mem>>)
        %dma_wait3A = arith.constant 0 : i32
        %dma_wait3A_81 = tpu.memref_slice %arg6[%add3A_45, %dma_wait3A] : memref<2560x128xi32, #tpu.memory_space<hbm>> -> memref<32x128xi32, #tpu.memory_space<hbm>>
        %dma_wait3A_82 = arith.constant 0 : i32
        %dma_wait3A_83 = tpu.memref_slice %arg6[%add3A_45, %dma_wait3A_82] : memref<2560x128xi32, #tpu.memory_space<hbm>> -> memref<32x128xi32, #tpu.memory_space<hbm>>
        tpu.wait_dma2 semaphore(%run_scoped3A : memref<!tpu.dma_semaphore, #tpu.memory_space<semaphore_mem>>) src(%dma_wait3A_83 : memref<32x128xi32, #tpu.memory_space<hbm>>) dst(%arg10 : memref<32x128xi32, #tpu.memory_space<vmem>>)
        tpu.yield
      }) : () -> ()
      "tpu.region"() ({
        %run_scoped3A = tpu.sem_alloc : memref<!tpu.dma_semaphore, #tpu.memory_space<semaphore_mem>>
        %dma_start3A = arith.constant 0 : i32
        %dma_start3A_78 = tpu.memref_slice %arg7[%add3A_45, %dma_start3A] : memref<2560x128xi32, #tpu.memory_space<hbm>> -> memref<32x128xi32, #tpu.memory_space<hbm>>
        %dma_start3A_79 = arith.constant 0 : i32
        %dma_start3A_80 = tpu.memref_slice %arg7[%add3A_45, %dma_start3A_79] : memref<2560x128xi32, #tpu.memory_space<hbm>> -> memref<32x128xi32, #tpu.memory_space<hbm>>
        tpu.enqueue_dma source(%dma_start3A_80 : memref<32x128xi32, #tpu.memory_space<hbm>>) target(%arg11 : memref<32x128xi32, #tpu.memory_space<vmem>>) target_semaphore(%run_scoped3A : memref<!tpu.dma_semaphore, #tpu.memory_space<semaphore_mem>>)
        %dma_wait3A = arith.constant 0 : i32
        %dma_wait3A_81 = tpu.memref_slice %arg7[%add3A_45, %dma_wait3A] : memref<2560x128xi32, #tpu.memory_space<hbm>> -> memref<32x128xi32, #tpu.memory_space<hbm>>
        %dma_wait3A_82 = arith.constant 0 : i32
        %dma_wait3A_83 = tpu.memref_slice %arg7[%add3A_45, %dma_wait3A_82] : memref<2560x128xi32, #tpu.memory_space<hbm>> -> memref<32x128xi32, #tpu.memory_space<hbm>>
        tpu.wait_dma2 semaphore(%run_scoped3A : memref<!tpu.dma_semaphore, #tpu.memory_space<semaphore_mem>>) src(%dma_wait3A_83 : memref<32x128xi32, #tpu.memory_space<hbm>>) dst(%arg11 : memref<32x128xi32, #tpu.memory_space<vmem>>)
        tpu.yield
      }) : () -> ()
      %scan3A_46 = arith.constant 0 : i32
      %scan3A_47 = arith.constant 32 : i32
      %scan3A_48 = arith.addi %scan3A_46, %scan3A_47 : i32
      %scan3A_49 = arith.constant 1 : i32
      scf.for %scan3A_78 = %scan3A_46 to %scan3A_48 step %scan3A_49  : i32 {
        %mul3A_79 = arith.constant 1 : i32
        %mul3A_80 = arith.muli %scan3A_78, %mul3A_79 : i32
        %add3A_81 = arith.constant 0 : i32
        %add3A_82 = arith.addi %add3A_81, %mul3A_80 : i32
        "tpu.region"() ({
          %run_scoped3A = tpu.sem_alloc : memref<!tpu.dma_semaphore, #tpu.memory_space<semaphore_mem>>
          %dma_start3A = arith.constant 0 : i32
          %dma_start3A_83 = tpu.memref_slice %arg10[%add3A_82, %dma_start3A] : memref<32x128xi32, #tpu.memory_space<vmem>> -> memref<1x128xi32, #tpu.memory_space<vmem>>
          %dma_start3A_84 = tpu.memref_squeeze %dma_start3A_83 : memref<1x128xi32, #tpu.memory_space<vmem>> -> memref<128xi32, #tpu.memory_space<vmem>>
          %dma_start3A_85 = arith.constant 0 : i32
          %dma_start3A_86 = arith.constant 0 : i32
          %dma_start3A_87 = tpu.memref_slice %arg3[%dma_start3A_85, %dma_start3A_86] : memref<10240x128xf32, #tpu.memory_space<hbm>> -> memref<10240x128xf32, #tpu.memory_space<hbm>>
          tpu.enqueue_indirect_dma source(%dma_start3A_87 : memref<10240x128xf32, #tpu.memory_space<hbm>>) target(%arg12 : memref<128x128xf32, #tpu.memory_space<vmem>>) offsets(%dma_start3A_84 : memref<128xi32, #tpu.memory_space<vmem>>) semaphore(%run_scoped3A : memref<!tpu.dma_semaphore, #tpu.memory_space<semaphore_mem>>)
          %dma_wait3A = arith.constant 0 : i32
          %dma_wait3A_88 = tpu.memref_slice %arg10[%add3A_82, %dma_wait3A] : memref<32x128xi32, #tpu.memory_space<vmem>> -> memref<1x128xi32, #tpu.memory_space<vmem>>
          %dma_wait3A_89 = tpu.memref_squeeze %dma_wait3A_88 : memref<1x128xi32, #tpu.memory_space<vmem>> -> memref<128xi32, #tpu.memory_space<vmem>>
          %dma_wait3A_90 = arith.constant 0 : i32
          %dma_wait3A_91 = arith.constant 0 : i32
          %dma_wait3A_92 = tpu.memref_slice %arg3[%dma_wait3A_90, %dma_wait3A_91] : memref<10240x128xf32, #tpu.memory_space<hbm>> -> memref<10240x128xf32, #tpu.memory_space<hbm>>
          tpu.wait_indirect_dma semaphore(%run_scoped3A : memref<!tpu.dma_semaphore, #tpu.memory_space<semaphore_mem>>) src(%dma_wait3A_92 : memref<10240x128xf32, #tpu.memory_space<hbm>>) dst(%arg12 : memref<128x128xf32, #tpu.memory_space<vmem>>)
          tpu.yield
        }) : () -> ()
        "tpu.region"() ({
          %run_scoped3A = tpu.sem_alloc : memref<!tpu.dma_semaphore, #tpu.memory_space<semaphore_mem>>
          %dma_start3A = arith.constant 0 : i32
          %dma_start3A_83 = tpu.memref_slice %arg11[%add3A_82, %dma_start3A] : memref<32x128xi32, #tpu.memory_space<vmem>> -> memref<1x128xi32, #tpu.memory_space<vmem>>
          %dma_start3A_84 = tpu.memref_squeeze %dma_start3A_83 : memref<1x128xi32, #tpu.memory_space<vmem>> -> memref<128xi32, #tpu.memory_space<vmem>>
          %dma_start3A_85 = arith.constant 0 : i32
          %dma_start3A_86 = arith.constant 0 : i32
          %dma_start3A_87 = tpu.memref_slice %arg13[%dma_start3A_85, %dma_start3A_86] : memref<10240x128xf32, #tpu.memory_space<vmem_shared>> -> memref<10240x128xf32, #tpu.memory_space<vmem_shared>>
          tpu.enqueue_indirect_dma source(%arg12 : memref<128x128xf32, #tpu.memory_space<vmem>>) target(%dma_start3A_87 : memref<10240x128xf32, #tpu.memory_space<vmem_shared>>) offsets(%dma_start3A_84 : memref<128xi32, #tpu.memory_space<vmem>>) semaphore(%run_scoped3A : memref<!tpu.dma_semaphore, #tpu.memory_space<semaphore_mem>>) {add = true}
          %dma_wait3A = arith.constant 0 : i32
          %dma_wait3A_88 = tpu.memref_slice %arg11[%add3A_82, %dma_wait3A] : memref<32x128xi32, #tpu.memory_space<vmem>> -> memref<1x128xi32, #tpu.memory_space<vmem>>
          %dma_wait3A_89 = tpu.memref_squeeze %dma_wait3A_88 : memref<1x128xi32, #tpu.memory_space<vmem>> -> memref<128xi32, #tpu.memory_space<vmem>>
          %dma_wait3A_90 = arith.constant 0 : i32
          %dma_wait3A_91 = arith.constant 0 : i32
          %dma_wait3A_92 = tpu.memref_slice %arg13[%dma_wait3A_90, %dma_wait3A_91] : memref<10240x128xf32, #tpu.memory_space<vmem_shared>> -> memref<10240x128xf32, #tpu.memory_space<vmem_shared>>
          tpu.wait_indirect_dma semaphore(%run_scoped3A : memref<!tpu.dma_semaphore, #tpu.memory_space<semaphore_mem>>) src(%arg12 : memref<128x128xf32, #tpu.memory_space<vmem>>) dst(%dma_wait3A_92 : memref<10240x128xf32, #tpu.memory_space<vmem_shared>>)
          tpu.yield
        }) : () -> ()
      }
      %scan3A_50 = arith.constant 32 : i32
      %mul3A_51 = arith.constant 160 : i32
      %mul3A_52 = arith.muli %arg1, %mul3A_51 : i32
      %add3A_53 = arith.constant 64 : i32
      %add3A_54 = arith.addi %mul3A_52, %add3A_53 : i32
      "tpu.region"() ({
        %run_scoped3A = tpu.sem_alloc : memref<!tpu.dma_semaphore, #tpu.memory_space<semaphore_mem>>
        %dma_start3A = arith.constant 0 : i32
        %dma_start3A_78 = tpu.memref_slice %arg6[%add3A_54, %dma_start3A] : memref<2560x128xi32, #tpu.memory_space<hbm>> -> memref<32x128xi32, #tpu.memory_space<hbm>>
        %dma_start3A_79 = arith.constant 0 : i32
        %dma_start3A_80 = tpu.memref_slice %arg6[%add3A_54, %dma_start3A_79] : memref<2560x128xi32, #tpu.memory_space<hbm>> -> memref<32x128xi32, #tpu.memory_space<hbm>>
        tpu.enqueue_dma source(%dma_start3A_80 : memref<32x128xi32, #tpu.memory_space<hbm>>) target(%arg10 : memref<32x128xi32, #tpu.memory_space<vmem>>) target_semaphore(%run_scoped3A : memref<!tpu.dma_semaphore, #tpu.memory_space<semaphore_mem>>)
        %dma_wait3A = arith.constant 0 : i32
        %dma_wait3A_81 = tpu.memref_slice %arg6[%add3A_54, %dma_wait3A] : memref<2560x128xi32, #tpu.memory_space<hbm>> -> memref<32x128xi32, #tpu.memory_space<hbm>>
        %dma_wait3A_82 = arith.constant 0 : i32
        %dma_wait3A_83 = tpu.memref_slice %arg6[%add3A_54, %dma_wait3A_82] : memref<2560x128xi32, #tpu.memory_space<hbm>> -> memref<32x128xi32, #tpu.memory_space<hbm>>
        tpu.wait_dma2 semaphore(%run_scoped3A : memref<!tpu.dma_semaphore, #tpu.memory_space<semaphore_mem>>) src(%dma_wait3A_83 : memref<32x128xi32, #tpu.memory_space<hbm>>) dst(%arg10 : memref<32x128xi32, #tpu.memory_space<vmem>>)
        tpu.yield
      }) : () -> ()
      "tpu.region"() ({
        %run_scoped3A = tpu.sem_alloc : memref<!tpu.dma_semaphore, #tpu.memory_space<semaphore_mem>>
        %dma_start3A = arith.constant 0 : i32
        %dma_start3A_78 = tpu.memref_slice %arg7[%add3A_54, %dma_start3A] : memref<2560x128xi32, #tpu.memory_space<hbm>> -> memref<32x128xi32, #tpu.memory_space<hbm>>
        %dma_start3A_79 = arith.constant 0 : i32
        %dma_start3A_80 = tpu.memref_slice %arg7[%add3A_54, %dma_start3A_79] : memref<2560x128xi32, #tpu.memory_space<hbm>> -> memref<32x128xi32, #tpu.memory_space<hbm>>
        tpu.enqueue_dma source(%dma_start3A_80 : memref<32x128xi32, #tpu.memory_space<hbm>>) target(%arg11 : memref<32x128xi32, #tpu.memory_space<vmem>>) target_semaphore(%run_scoped3A : memref<!tpu.dma_semaphore, #tpu.memory_space<semaphore_mem>>)
        %dma_wait3A = arith.constant 0 : i32
        %dma_wait3A_81 = tpu.memref_slice %arg7[%add3A_54, %dma_wait3A] : memref<2560x128xi32, #tpu.memory_space<hbm>> -> memref<32x128xi32, #tpu.memory_space<hbm>>
        %dma_wait3A_82 = arith.constant 0 : i32
        %dma_wait3A_83 = tpu.memref_slice %arg7[%add3A_54, %dma_wait3A_82] : memref<2560x128xi32, #tpu.memory_space<hbm>> -> memref<32x128xi32, #tpu.memory_space<hbm>>
        tpu.wait_dma2 semaphore(%run_scoped3A : memref<!tpu.dma_semaphore, #tpu.memory_space<semaphore_mem>>) src(%dma_wait3A_83 : memref<32x128xi32, #tpu.memory_space<hbm>>) dst(%arg11 : memref<32x128xi32, #tpu.memory_space<vmem>>)
        tpu.yield
      }) : () -> ()
      %scan3A_55 = arith.constant 0 : i32
      %scan3A_56 = arith.constant 32 : i32
      %scan3A_57 = arith.addi %scan3A_55, %scan3A_56 : i32
      %scan3A_58 = arith.constant 1 : i32
      scf.for %scan3A_78 = %scan3A_55 to %scan3A_57 step %scan3A_58  : i32 {
        %mul3A_79 = arith.constant 1 : i32
        %mul3A_80 = arith.muli %scan3A_78, %mul3A_79 : i32
        %add3A_81 = arith.constant 0 : i32
        %add3A_82 = arith.addi %add3A_81, %mul3A_80 : i32
        "tpu.region"() ({
          %run_scoped3A = tpu.sem_alloc : memref<!tpu.dma_semaphore, #tpu.memory_space<semaphore_mem>>
          %dma_start3A = arith.constant 0 : i32
          %dma_start3A_83 = tpu.memref_slice %arg10[%add3A_82, %dma_start3A] : memref<32x128xi32, #tpu.memory_space<vmem>> -> memref<1x128xi32, #tpu.memory_space<vmem>>
          %dma_start3A_84 = tpu.memref_squeeze %dma_start3A_83 : memref<1x128xi32, #tpu.memory_space<vmem>> -> memref<128xi32, #tpu.memory_space<vmem>>
          %dma_start3A_85 = arith.constant 0 : i32
          %dma_start3A_86 = arith.constant 0 : i32
          %dma_start3A_87 = tpu.memref_slice %arg3[%dma_start3A_85, %dma_start3A_86] : memref<10240x128xf32, #tpu.memory_space<hbm>> -> memref<10240x128xf32, #tpu.memory_space<hbm>>
          tpu.enqueue_indirect_dma source(%dma_start3A_87 : memref<10240x128xf32, #tpu.memory_space<hbm>>) target(%arg12 : memref<128x128xf32, #tpu.memory_space<vmem>>) offsets(%dma_start3A_84 : memref<128xi32, #tpu.memory_space<vmem>>) semaphore(%run_scoped3A : memref<!tpu.dma_semaphore, #tpu.memory_space<semaphore_mem>>)
          %dma_wait3A = arith.constant 0 : i32
          %dma_wait3A_88 = tpu.memref_slice %arg10[%add3A_82, %dma_wait3A] : memref<32x128xi32, #tpu.memory_space<vmem>> -> memref<1x128xi32, #tpu.memory_space<vmem>>
          %dma_wait3A_89 = tpu.memref_squeeze %dma_wait3A_88 : memref<1x128xi32, #tpu.memory_space<vmem>> -> memref<128xi32, #tpu.memory_space<vmem>>
          %dma_wait3A_90 = arith.constant 0 : i32
          %dma_wait3A_91 = arith.constant 0 : i32
          %dma_wait3A_92 = tpu.memref_slice %arg3[%dma_wait3A_90, %dma_wait3A_91] : memref<10240x128xf32, #tpu.memory_space<hbm>> -> memref<10240x128xf32, #tpu.memory_space<hbm>>
          tpu.wait_indirect_dma semaphore(%run_scoped3A : memref<!tpu.dma_semaphore, #tpu.memory_space<semaphore_mem>>) src(%dma_wait3A_92 : memref<10240x128xf32, #tpu.memory_space<hbm>>) dst(%arg12 : memref<128x128xf32, #tpu.memory_space<vmem>>)
          tpu.yield
        }) : () -> ()
        "tpu.region"() ({
          %run_scoped3A = tpu.sem_alloc : memref<!tpu.dma_semaphore, #tpu.memory_space<semaphore_mem>>
          %dma_start3A = arith.constant 0 : i32
          %dma_start3A_83 = tpu.memref_slice %arg11[%add3A_82, %dma_start3A] : memref<32x128xi32, #tpu.memory_space<vmem>> -> memref<1x128xi32, #tpu.memory_space<vmem>>
          %dma_start3A_84 = tpu.memref_squeeze %dma_start3A_83 : memref<1x128xi32, #tpu.memory_space<vmem>> -> memref<128xi32, #tpu.memory_space<vmem>>
          %dma_start3A_85 = arith.constant 0 : i32
          %dma_start3A_86 = arith.constant 0 : i32
          %dma_start3A_87 = tpu.memref_slice %arg13[%dma_start3A_85, %dma_start3A_86] : memref<10240x128xf32, #tpu.memory_space<vmem_shared>> -> memref<10240x128xf32, #tpu.memory_space<vmem_shared>>
          tpu.enqueue_indirect_dma source(%arg12 : memref<128x128xf32, #tpu.memory_space<vmem>>) target(%dma_start3A_87 : memref<10240x128xf32, #tpu.memory_space<vmem_shared>>) offsets(%dma_start3A_84 : memref<128xi32, #tpu.memory_space<vmem>>) semaphore(%run_scoped3A : memref<!tpu.dma_semaphore, #tpu.memory_space<semaphore_mem>>) {add = true}
          %dma_wait3A = arith.constant 0 : i32
          %dma_wait3A_88 = tpu.memref_slice %arg11[%add3A_82, %dma_wait3A] : memref<32x128xi32, #tpu.memory_space<vmem>> -> memref<1x128xi32, #tpu.memory_space<vmem>>
          %dma_wait3A_89 = tpu.memref_squeeze %dma_wait3A_88 : memref<1x128xi32, #tpu.memory_space<vmem>> -> memref<128xi32, #tpu.memory_space<vmem>>
          %dma_wait3A_90 = arith.constant 0 : i32
          %dma_wait3A_91 = arith.constant 0 : i32
          %dma_wait3A_92 = tpu.memref_slice %arg13[%dma_wait3A_90, %dma_wait3A_91] : memref<10240x128xf32, #tpu.memory_space<vmem_shared>> -> memref<10240x128xf32, #tpu.memory_space<vmem_shared>>
          tpu.wait_indirect_dma semaphore(%run_scoped3A : memref<!tpu.dma_semaphore, #tpu.memory_space<semaphore_mem>>) src(%arg12 : memref<128x128xf32, #tpu.memory_space<vmem>>) dst(%dma_wait3A_92 : memref<10240x128xf32, #tpu.memory_space<vmem_shared>>)
          tpu.yield
        }) : () -> ()
      }
      %scan3A_59 = arith.constant 32 : i32
      %mul3A_60 = arith.constant 160 : i32
      %mul3A_61 = arith.muli %arg1, %mul3A_60 : i32
      %add3A_62 = arith.constant 96 : i32
      %add3A_63 = arith.addi %mul3A_61, %add3A_62 : i32
      "tpu.region"() ({
        %run_scoped3A = tpu.sem_alloc : memref<!tpu.dma_semaphore, #tpu.memory_space<semaphore_mem>>
        %dma_start3A = arith.constant 0 : i32
        %dma_start3A_78 = tpu.memref_slice %arg6[%add3A_63, %dma_start3A] : memref<2560x128xi32, #tpu.memory_space<hbm>> -> memref<32x128xi32, #tpu.memory_space<hbm>>
        %dma_start3A_79 = arith.constant 0 : i32
        %dma_start3A_80 = tpu.memref_slice %arg6[%add3A_63, %dma_start3A_79] : memref<2560x128xi32, #tpu.memory_space<hbm>> -> memref<32x128xi32, #tpu.memory_space<hbm>>
        tpu.enqueue_dma source(%dma_start3A_80 : memref<32x128xi32, #tpu.memory_space<hbm>>) target(%arg10 : memref<32x128xi32, #tpu.memory_space<vmem>>) target_semaphore(%run_scoped3A : memref<!tpu.dma_semaphore, #tpu.memory_space<semaphore_mem>>)
        %dma_wait3A = arith.constant 0 : i32
        %dma_wait3A_81 = tpu.memref_slice %arg6[%add3A_63, %dma_wait3A] : memref<2560x128xi32, #tpu.memory_space<hbm>> -> memref<32x128xi32, #tpu.memory_space<hbm>>
        %dma_wait3A_82 = arith.constant 0 : i32
        %dma_wait3A_83 = tpu.memref_slice %arg6[%add3A_63, %dma_wait3A_82] : memref<2560x128xi32, #tpu.memory_space<hbm>> -> memref<32x128xi32, #tpu.memory_space<hbm>>
        tpu.wait_dma2 semaphore(%run_scoped3A : memref<!tpu.dma_semaphore, #tpu.memory_space<semaphore_mem>>) src(%dma_wait3A_83 : memref<32x128xi32, #tpu.memory_space<hbm>>) dst(%arg10 : memref<32x128xi32, #tpu.memory_space<vmem>>)
        tpu.yield
      }) : () -> ()
      "tpu.region"() ({
        %run_scoped3A = tpu.sem_alloc : memref<!tpu.dma_semaphore, #tpu.memory_space<semaphore_mem>>
        %dma_start3A = arith.constant 0 : i32
        %dma_start3A_78 = tpu.memref_slice %arg7[%add3A_63, %dma_start3A] : memref<2560x128xi32, #tpu.memory_space<hbm>> -> memref<32x128xi32, #tpu.memory_space<hbm>>
        %dma_start3A_79 = arith.constant 0 : i32
        %dma_start3A_80 = tpu.memref_slice %arg7[%add3A_63, %dma_start3A_79] : memref<2560x128xi32, #tpu.memory_space<hbm>> -> memref<32x128xi32, #tpu.memory_space<hbm>>
        tpu.enqueue_dma source(%dma_start3A_80 : memref<32x128xi32, #tpu.memory_space<hbm>>) target(%arg11 : memref<32x128xi32, #tpu.memory_space<vmem>>) target_semaphore(%run_scoped3A : memref<!tpu.dma_semaphore, #tpu.memory_space<semaphore_mem>>)
        %dma_wait3A = arith.constant 0 : i32
        %dma_wait3A_81 = tpu.memref_slice %arg7[%add3A_63, %dma_wait3A] : memref<2560x128xi32, #tpu.memory_space<hbm>> -> memref<32x128xi32, #tpu.memory_space<hbm>>
        %dma_wait3A_82 = arith.constant 0 : i32
        %dma_wait3A_83 = tpu.memref_slice %arg7[%add3A_63, %dma_wait3A_82] : memref<2560x128xi32, #tpu.memory_space<hbm>> -> memref<32x128xi32, #tpu.memory_space<hbm>>
        tpu.wait_dma2 semaphore(%run_scoped3A : memref<!tpu.dma_semaphore, #tpu.memory_space<semaphore_mem>>) src(%dma_wait3A_83 : memref<32x128xi32, #tpu.memory_space<hbm>>) dst(%arg11 : memref<32x128xi32, #tpu.memory_space<vmem>>)
        tpu.yield
      }) : () -> ()
      %scan3A_64 = arith.constant 0 : i32
      %scan3A_65 = arith.constant 32 : i32
      %scan3A_66 = arith.addi %scan3A_64, %scan3A_65 : i32
      %scan3A_67 = arith.constant 1 : i32
      scf.for %scan3A_78 = %scan3A_64 to %scan3A_66 step %scan3A_67  : i32 {
        %mul3A_79 = arith.constant 1 : i32
        %mul3A_80 = arith.muli %scan3A_78, %mul3A_79 : i32
        %add3A_81 = arith.constant 0 : i32
        %add3A_82 = arith.addi %add3A_81, %mul3A_80 : i32
        "tpu.region"() ({
          %run_scoped3A = tpu.sem_alloc : memref<!tpu.dma_semaphore, #tpu.memory_space<semaphore_mem>>
          %dma_start3A = arith.constant 0 : i32
          %dma_start3A_83 = tpu.memref_slice %arg10[%add3A_82, %dma_start3A] : memref<32x128xi32, #tpu.memory_space<vmem>> -> memref<1x128xi32, #tpu.memory_space<vmem>>
          %dma_start3A_84 = tpu.memref_squeeze %dma_start3A_83 : memref<1x128xi32, #tpu.memory_space<vmem>> -> memref<128xi32, #tpu.memory_space<vmem>>
          %dma_start3A_85 = arith.constant 0 : i32
          %dma_start3A_86 = arith.constant 0 : i32
          %dma_start3A_87 = tpu.memref_slice %arg3[%dma_start3A_85, %dma_start3A_86] : memref<10240x128xf32, #tpu.memory_space<hbm>> -> memref<10240x128xf32, #tpu.memory_space<hbm>>
          tpu.enqueue_indirect_dma source(%dma_start3A_87 : memref<10240x128xf32, #tpu.memory_space<hbm>>) target(%arg12 : memref<128x128xf32, #tpu.memory_space<vmem>>) offsets(%dma_start3A_84 : memref<128xi32, #tpu.memory_space<vmem>>) semaphore(%run_scoped3A : memref<!tpu.dma_semaphore, #tpu.memory_space<semaphore_mem>>)
          %dma_wait3A = arith.constant 0 : i32
          %dma_wait3A_88 = tpu.memref_slice %arg10[%add3A_82, %dma_wait3A] : memref<32x128xi32, #tpu.memory_space<vmem>> -> memref<1x128xi32, #tpu.memory_space<vmem>>
          %dma_wait3A_89 = tpu.memref_squeeze %dma_wait3A_88 : memref<1x128xi32, #tpu.memory_space<vmem>> -> memref<128xi32, #tpu.memory_space<vmem>>
          %dma_wait3A_90 = arith.constant 0 : i32
          %dma_wait3A_91 = arith.constant 0 : i32
          %dma_wait3A_92 = tpu.memref_slice %arg3[%dma_wait3A_90, %dma_wait3A_91] : memref<10240x128xf32, #tpu.memory_space<hbm>> -> memref<10240x128xf32, #tpu.memory_space<hbm>>
          tpu.wait_indirect_dma semaphore(%run_scoped3A : memref<!tpu.dma_semaphore, #tpu.memory_space<semaphore_mem>>) src(%dma_wait3A_92 : memref<10240x128xf32, #tpu.memory_space<hbm>>) dst(%arg12 : memref<128x128xf32, #tpu.memory_space<vmem>>)
          tpu.yield
        }) : () -> ()
        "tpu.region"() ({
          %run_scoped3A = tpu.sem_alloc : memref<!tpu.dma_semaphore, #tpu.memory_space<semaphore_mem>>
          %dma_start3A = arith.constant 0 : i32
          %dma_start3A_83 = tpu.memref_slice %arg11[%add3A_82, %dma_start3A] : memref<32x128xi32, #tpu.memory_space<vmem>> -> memref<1x128xi32, #tpu.memory_space<vmem>>
          %dma_start3A_84 = tpu.memref_squeeze %dma_start3A_83 : memref<1x128xi32, #tpu.memory_space<vmem>> -> memref<128xi32, #tpu.memory_space<vmem>>
          %dma_start3A_85 = arith.constant 0 : i32
          %dma_start3A_86 = arith.constant 0 : i32
          %dma_start3A_87 = tpu.memref_slice %arg13[%dma_start3A_85, %dma_start3A_86] : memref<10240x128xf32, #tpu.memory_space<vmem_shared>> -> memref<10240x128xf32, #tpu.memory_space<vmem_shared>>
          tpu.enqueue_indirect_dma source(%arg12 : memref<128x128xf32, #tpu.memory_space<vmem>>) target(%dma_start3A_87 : memref<10240x128xf32, #tpu.memory_space<vmem_shared>>) offsets(%dma_start3A_84 : memref<128xi32, #tpu.memory_space<vmem>>) semaphore(%run_scoped3A : memref<!tpu.dma_semaphore, #tpu.memory_space<semaphore_mem>>) {add = true}
          %dma_wait3A = arith.constant 0 : i32
          %dma_wait3A_88 = tpu.memref_slice %arg11[%add3A_82, %dma_wait3A] : memref<32x128xi32, #tpu.memory_space<vmem>> -> memref<1x128xi32, #tpu.memory_space<vmem>>
          %dma_wait3A_89 = tpu.memref_squeeze %dma_wait3A_88 : memref<1x128xi32, #tpu.memory_space<vmem>> -> memref<128xi32, #tpu.memory_space<vmem>>
          %dma_wait3A_90 = arith.constant 0 : i32
          %dma_wait3A_91 = arith.constant 0 : i32
          %dma_wait3A_92 = tpu.memref_slice %arg13[%dma_wait3A_90, %dma_wait3A_91] : memref<10240x128xf32, #tpu.memory_space<vmem_shared>> -> memref<10240x128xf32, #tpu.memory_space<vmem_shared>>
          tpu.wait_indirect_dma semaphore(%run_scoped3A : memref<!tpu.dma_semaphore, #tpu.memory_space<semaphore_mem>>) src(%arg12 : memref<128x128xf32, #tpu.memory_space<vmem>>) dst(%dma_wait3A_92 : memref<10240x128xf32, #tpu.memory_space<vmem_shared>>)
          tpu.yield
        }) : () -> ()
      }
      %scan3A_68 = arith.constant 32 : i32
      %mul3A_69 = arith.constant 160 : i32
      %mul3A_70 = arith.muli %arg1, %mul3A_69 : i32
      %add3A_71 = arith.constant 128 : i32
      %add3A_72 = arith.addi %mul3A_70, %add3A_71 : i32
      "tpu.region"() ({
        %run_scoped3A = tpu.sem_alloc : memref<!tpu.dma_semaphore, #tpu.memory_space<semaphore_mem>>
        %dma_start3A = arith.constant 0 : i32
        %dma_start3A_78 = tpu.memref_slice %arg6[%add3A_72, %dma_start3A] : memref<2560x128xi32, #tpu.memory_space<hbm>> -> memref<32x128xi32, #tpu.memory_space<hbm>>
        %dma_start3A_79 = arith.constant 0 : i32
        %dma_start3A_80 = tpu.memref_slice %arg6[%add3A_72, %dma_start3A_79] : memref<2560x128xi32, #tpu.memory_space<hbm>> -> memref<32x128xi32, #tpu.memory_space<hbm>>
        tpu.enqueue_dma source(%dma_start3A_80 : memref<32x128xi32, #tpu.memory_space<hbm>>) target(%arg10 : memref<32x128xi32, #tpu.memory_space<vmem>>) target_semaphore(%run_scoped3A : memref<!tpu.dma_semaphore, #tpu.memory_space<semaphore_mem>>)
        %dma_wait3A = arith.constant 0 : i32
        %dma_wait3A_81 = tpu.memref_slice %arg6[%add3A_72, %dma_wait3A] : memref<2560x128xi32, #tpu.memory_space<hbm>> -> memref<32x128xi32, #tpu.memory_space<hbm>>
        %dma_wait3A_82 = arith.constant 0 : i32
        %dma_wait3A_83 = tpu.memref_slice %arg6[%add3A_72, %dma_wait3A_82] : memref<2560x128xi32, #tpu.memory_space<hbm>> -> memref<32x128xi32, #tpu.memory_space<hbm>>
        tpu.wait_dma2 semaphore(%run_scoped3A : memref<!tpu.dma_semaphore, #tpu.memory_space<semaphore_mem>>) src(%dma_wait3A_83 : memref<32x128xi32, #tpu.memory_space<hbm>>) dst(%arg10 : memref<32x128xi32, #tpu.memory_space<vmem>>)
        tpu.yield
      }) : () -> ()
      "tpu.region"() ({
        %run_scoped3A = tpu.sem_alloc : memref<!tpu.dma_semaphore, #tpu.memory_space<semaphore_mem>>
        %dma_start3A = arith.constant 0 : i32
        %dma_start3A_78 = tpu.memref_slice %arg7[%add3A_72, %dma_start3A] : memref<2560x128xi32, #tpu.memory_space<hbm>> -> memref<32x128xi32, #tpu.memory_space<hbm>>
        %dma_start3A_79 = arith.constant 0 : i32
        %dma_start3A_80 = tpu.memref_slice %arg7[%add3A_72, %dma_start3A_79] : memref<2560x128xi32, #tpu.memory_space<hbm>> -> memref<32x128xi32, #tpu.memory_space<hbm>>
        tpu.enqueue_dma source(%dma_start3A_80 : memref<32x128xi32, #tpu.memory_space<hbm>>) target(%arg11 : memref<32x128xi32, #tpu.memory_space<vmem>>) target_semaphore(%run_scoped3A : memref<!tpu.dma_semaphore, #tpu.memory_space<semaphore_mem>>)
        %dma_wait3A = arith.constant 0 : i32
        %dma_wait3A_81 = tpu.memref_slice %arg7[%add3A_72, %dma_wait3A] : memref<2560x128xi32, #tpu.memory_space<hbm>> -> memref<32x128xi32, #tpu.memory_space<hbm>>
        %dma_wait3A_82 = arith.constant 0 : i32
        %dma_wait3A_83 = tpu.memref_slice %arg7[%add3A_72, %dma_wait3A_82] : memref<2560x128xi32, #tpu.memory_space<hbm>> -> memref<32x128xi32, #tpu.memory_space<hbm>>
        tpu.wait_dma2 semaphore(%run_scoped3A : memref<!tpu.dma_semaphore, #tpu.memory_space<semaphore_mem>>) src(%dma_wait3A_83 : memref<32x128xi32, #tpu.memory_space<hbm>>) dst(%arg11 : memref<32x128xi32, #tpu.memory_space<vmem>>)
        tpu.yield
      }) : () -> ()
      %scan3A_73 = arith.constant 0 : i32
      %scan3A_74 = arith.constant 32 : i32
      %scan3A_75 = arith.addi %scan3A_73, %scan3A_74 : i32
      %scan3A_76 = arith.constant 1 : i32
      scf.for %scan3A_78 = %scan3A_73 to %scan3A_75 step %scan3A_76  : i32 {
        %mul3A_79 = arith.constant 1 : i32
        %mul3A_80 = arith.muli %scan3A_78, %mul3A_79 : i32
        %add3A_81 = arith.constant 0 : i32
        %add3A_82 = arith.addi %add3A_81, %mul3A_80 : i32
        "tpu.region"() ({
          %run_scoped3A = tpu.sem_alloc : memref<!tpu.dma_semaphore, #tpu.memory_space<semaphore_mem>>
          %dma_start3A = arith.constant 0 : i32
          %dma_start3A_83 = tpu.memref_slice %arg10[%add3A_82, %dma_start3A] : memref<32x128xi32, #tpu.memory_space<vmem>> -> memref<1x128xi32, #tpu.memory_space<vmem>>
          %dma_start3A_84 = tpu.memref_squeeze %dma_start3A_83 : memref<1x128xi32, #tpu.memory_space<vmem>> -> memref<128xi32, #tpu.memory_space<vmem>>
          %dma_start3A_85 = arith.constant 0 : i32
          %dma_start3A_86 = arith.constant 0 : i32
          %dma_start3A_87 = tpu.memref_slice %arg3[%dma_start3A_85, %dma_start3A_86] : memref<10240x128xf32, #tpu.memory_space<hbm>> -> memref<10240x128xf32, #tpu.memory_space<hbm>>
          tpu.enqueue_indirect_dma source(%dma_start3A_87 : memref<10240x128xf32, #tpu.memory_space<hbm>>) target(%arg12 : memref<128x128xf32, #tpu.memory_space<vmem>>) offsets(%dma_start3A_84 : memref<128xi32, #tpu.memory_space<vmem>>) semaphore(%run_scoped3A : memref<!tpu.dma_semaphore, #tpu.memory_space<semaphore_mem>>)
          %dma_wait3A = arith.constant 0 : i32
          %dma_wait3A_88 = tpu.memref_slice %arg10[%add3A_82, %dma_wait3A] : memref<32x128xi32, #tpu.memory_space<vmem>> -> memref<1x128xi32, #tpu.memory_space<vmem>>
          %dma_wait3A_89 = tpu.memref_squeeze %dma_wait3A_88 : memref<1x128xi32, #tpu.memory_space<vmem>> -> memref<128xi32, #tpu.memory_space<vmem>>
          %dma_wait3A_90 = arith.constant 0 : i32
          %dma_wait3A_91 = arith.constant 0 : i32
          %dma_wait3A_92 = tpu.memref_slice %arg3[%dma_wait3A_90, %dma_wait3A_91] : memref<10240x128xf32, #tpu.memory_space<hbm>> -> memref<10240x128xf32, #tpu.memory_space<hbm>>
          tpu.wait_indirect_dma semaphore(%run_scoped3A : memref<!tpu.dma_semaphore, #tpu.memory_space<semaphore_mem>>) src(%dma_wait3A_92 : memref<10240x128xf32, #tpu.memory_space<hbm>>) dst(%arg12 : memref<128x128xf32, #tpu.memory_space<vmem>>)
          tpu.yield
        }) : () -> ()
        "tpu.region"() ({
          %run_scoped3A = tpu.sem_alloc : memref<!tpu.dma_semaphore, #tpu.memory_space<semaphore_mem>>
          %dma_start3A = arith.constant 0 : i32
          %dma_start3A_83 = tpu.memref_slice %arg11[%add3A_82, %dma_start3A] : memref<32x128xi32, #tpu.memory_space<vmem>> -> memref<1x128xi32, #tpu.memory_space<vmem>>
          %dma_start3A_84 = tpu.memref_squeeze %dma_start3A_83 : memref<1x128xi32, #tpu.memory_space<vmem>> -> memref<128xi32, #tpu.memory_space<vmem>>
          %dma_start3A_85 = arith.constant 0 : i32
          %dma_start3A_86 = arith.constant 0 : i32
          %dma_start3A_87 = tpu.memref_slice %arg13[%dma_start3A_85, %dma_start3A_86] : memref<10240x128xf32, #tpu.memory_space<vmem_shared>> -> memref<10240x128xf32, #tpu.memory_space<vmem_shared>>
          tpu.enqueue_indirect_dma source(%arg12 : memref<128x128xf32, #tpu.memory_space<vmem>>) target(%dma_start3A_87 : memref<10240x128xf32, #tpu.memory_space<vmem_shared>>) offsets(%dma_start3A_84 : memref<128xi32, #tpu.memory_space<vmem>>) semaphore(%run_scoped3A : memref<!tpu.dma_semaphore, #tpu.memory_space<semaphore_mem>>) {add = true}
          %dma_wait3A = arith.constant 0 : i32
          %dma_wait3A_88 = tpu.memref_slice %arg11[%add3A_82, %dma_wait3A] : memref<32x128xi32, #tpu.memory_space<vmem>> -> memref<1x128xi32, #tpu.memory_space<vmem>>
          %dma_wait3A_89 = tpu.memref_squeeze %dma_wait3A_88 : memref<1x128xi32, #tpu.memory_space<vmem>> -> memref<128xi32, #tpu.memory_space<vmem>>
          %dma_wait3A_90 = arith.constant 0 : i32
          %dma_wait3A_91 = arith.constant 0 : i32
          %dma_wait3A_92 = tpu.memref_slice %arg13[%dma_wait3A_90, %dma_wait3A_91] : memref<10240x128xf32, #tpu.memory_space<vmem_shared>> -> memref<10240x128xf32, #tpu.memory_space<vmem_shared>>
          tpu.wait_indirect_dma semaphore(%run_scoped3A : memref<!tpu.dma_semaphore, #tpu.memory_space<semaphore_mem>>) src(%arg12 : memref<128x128xf32, #tpu.memory_space<vmem>>) dst(%dma_wait3A_92 : memref<10240x128xf32, #tpu.memory_space<vmem_shared>>)
          tpu.yield
        }) : () -> ()
      }
      %scan3A_77 = arith.constant 32 : i32
    } else {
    }
    %barrier3A_22 = arith.constant 0 : index
    tpu.barrier barrier_id(%barrier3A_22)
    %eq3A_23 = arith.constant 0 : i32
    %eq3A_24 = arith.cmpi eq, %arg0, %eq3A_23 : i32
    %convert_element_type3A_25 = arith.extui %eq3A_24 : i1 to i32
    %cond3A_26 = arith.constant 0 : i32
    %cond3A_27 = arith.cmpi ne, %convert_element_type3A_25, %cond3A_26 : i32
    scf.if %cond3A_27 {
      %add3A_33 = arith.constant 0 : i32
      %add3A_34 = arith.addi %mul3A_0, %add3A_33 : i32
      "tpu.region"() ({
        %run_scoped3A = tpu.sem_alloc : memref<!tpu.dma_semaphore, #tpu.memory_space<semaphore_mem>>
        %dma_start3A = arith.constant 0 : i32
        %dma_start3A_43 = tpu.memref_slice %arg13[%add3A_34, %dma_start3A] : memref<10240x128xf32, #tpu.memory_space<vmem_shared>> -> memref<128x128xf32, #tpu.memory_space<vmem_shared>>
        %dma_start3A_44 = arith.constant 0 : i32
        %dma_start3A_45 = tpu.memref_slice %arg13[%add3A_34, %dma_start3A_44] : memref<10240x128xf32, #tpu.memory_space<vmem_shared>> -> memref<128x128xf32, #tpu.memory_space<vmem_shared>>
        tpu.enqueue_dma source(%dma_start3A_45 : memref<128x128xf32, #tpu.memory_space<vmem_shared>>) target(%arg12 : memref<128x128xf32, #tpu.memory_space<vmem>>) target_semaphore(%run_scoped3A : memref<!tpu.dma_semaphore, #tpu.memory_space<semaphore_mem>>)
        %dma_wait3A = arith.constant 0 : i32
        %dma_wait3A_46 = tpu.memref_slice %arg13[%add3A_34, %dma_wait3A] : memref<10240x128xf32, #tpu.memory_space<vmem_shared>> -> memref<128x128xf32, #tpu.memory_space<vmem_shared>>
        %dma_wait3A_47 = arith.constant 0 : i32
        %dma_wait3A_48 = tpu.memref_slice %arg13[%add3A_34, %dma_wait3A_47] : memref<10240x128xf32, #tpu.memory_space<vmem_shared>> -> memref<128x128xf32, #tpu.memory_space<vmem_shared>>
        tpu.wait_dma2 semaphore(%run_scoped3A : memref<!tpu.dma_semaphore, #tpu.memory_space<semaphore_mem>>) src(%dma_wait3A_48 : memref<128x128xf32, #tpu.memory_space<vmem_shared>>) dst(%arg12 : memref<128x128xf32, #tpu.memory_space<vmem>>)
        tpu.yield
      }) : () -> ()
      "tpu.region"() ({
        %run_scoped3A = tpu.sem_alloc : memref<!tpu.dma_semaphore, #tpu.memory_space<semaphore_mem>>
        %dma_start3A = arith.constant 0 : i32
        %dma_start3A_43 = tpu.memref_slice %arg8[%add3A_34, %dma_start3A] : memref<10240x128xf32, #tpu.memory_space<hbm>> -> memref<128x128xf32, #tpu.memory_space<hbm>>
        %dma_start3A_44 = arith.constant 0 : i32
        %dma_start3A_45 = tpu.memref_slice %arg8[%add3A_34, %dma_start3A_44] : memref<10240x128xf32, #tpu.memory_space<hbm>> -> memref<128x128xf32, #tpu.memory_space<hbm>>
        tpu.enqueue_dma source(%arg12 : memref<128x128xf32, #tpu.memory_space<vmem>>) target(%dma_start3A_45 : memref<128x128xf32, #tpu.memory_space<hbm>>) target_semaphore(%run_scoped3A : memref<!tpu.dma_semaphore, #tpu.memory_space<semaphore_mem>>)
        %dma_wait3A = arith.constant 0 : i32
        %dma_wait3A_46 = tpu.memref_slice %arg8[%add3A_34, %dma_wait3A] : memref<10240x128xf32, #tpu.memory_space<hbm>> -> memref<128x128xf32, #tpu.memory_space<hbm>>
        %dma_wait3A_47 = arith.constant 0 : i32
        %dma_wait3A_48 = tpu.memref_slice %arg8[%add3A_34, %dma_wait3A_47] : memref<10240x128xf32, #tpu.memory_space<hbm>> -> memref<128x128xf32, #tpu.memory_space<hbm>>
        tpu.wait_dma2 semaphore(%run_scoped3A : memref<!tpu.dma_semaphore, #tpu.memory_space<semaphore_mem>>) src(%arg12 : memref<128x128xf32, #tpu.memory_space<vmem>>) dst(%dma_wait3A_48 : memref<128x128xf32, #tpu.memory_space<hbm>>)
        tpu.yield
      }) : () -> ()
      %add3A_35 = arith.constant 128 : i32
      %add3A_36 = arith.addi %mul3A_0, %add3A_35 : i32
      "tpu.region"() ({
        %run_scoped3A = tpu.sem_alloc : memref<!tpu.dma_semaphore, #tpu.memory_space<semaphore_mem>>
        %dma_start3A = arith.constant 0 : i32
        %dma_start3A_43 = tpu.memref_slice %arg13[%add3A_36, %dma_start3A] : memref<10240x128xf32, #tpu.memory_space<vmem_shared>> -> memref<128x128xf32, #tpu.memory_space<vmem_shared>>
        %dma_start3A_44 = arith.constant 0 : i32
        %dma_start3A_45 = tpu.memref_slice %arg13[%add3A_36, %dma_start3A_44] : memref<10240x128xf32, #tpu.memory_space<vmem_shared>> -> memref<128x128xf32, #tpu.memory_space<vmem_shared>>
        tpu.enqueue_dma source(%dma_start3A_45 : memref<128x128xf32, #tpu.memory_space<vmem_shared>>) target(%arg12 : memref<128x128xf32, #tpu.memory_space<vmem>>) target_semaphore(%run_scoped3A : memref<!tpu.dma_semaphore, #tpu.memory_space<semaphore_mem>>)
        %dma_wait3A = arith.constant 0 : i32
        %dma_wait3A_46 = tpu.memref_slice %arg13[%add3A_36, %dma_wait3A] : memref<10240x128xf32, #tpu.memory_space<vmem_shared>> -> memref<128x128xf32, #tpu.memory_space<vmem_shared>>
        %dma_wait3A_47 = arith.constant 0 : i32
        %dma_wait3A_48 = tpu.memref_slice %arg13[%add3A_36, %dma_wait3A_47] : memref<10240x128xf32, #tpu.memory_space<vmem_shared>> -> memref<128x128xf32, #tpu.memory_space<vmem_shared>>
        tpu.wait_dma2 semaphore(%run_scoped3A : memref<!tpu.dma_semaphore, #tpu.memory_space<semaphore_mem>>) src(%dma_wait3A_48 : memref<128x128xf32, #tpu.memory_space<vmem_shared>>) dst(%arg12 : memref<128x128xf32, #tpu.memory_space<vmem>>)
        tpu.yield
      }) : () -> ()
      "tpu.region"() ({
        %run_scoped3A = tpu.sem_alloc : memref<!tpu.dma_semaphore, #tpu.memory_space<semaphore_mem>>
        %dma_start3A = arith.constant 0 : i32
        %dma_start3A_43 = tpu.memref_slice %arg8[%add3A_36, %dma_start3A] : memref<10240x128xf32, #tpu.memory_space<hbm>> -> memref<128x128xf32, #tpu.memory_space<hbm>>
        %dma_start3A_44 = arith.constant 0 : i32
        %dma_start3A_45 = tpu.memref_slice %arg8[%add3A_36, %dma_start3A_44] : memref<10240x128xf32, #tpu.memory_space<hbm>> -> memref<128x128xf32, #tpu.memory_space<hbm>>
        tpu.enqueue_dma source(%arg12 : memref<128x128xf32, #tpu.memory_space<vmem>>) target(%dma_start3A_45 : memref<128x128xf32, #tpu.memory_space<hbm>>) target_semaphore(%run_scoped3A : memref<!tpu.dma_semaphore, #tpu.memory_space<semaphore_mem>>)
        %dma_wait3A = arith.constant 0 : i32
        %dma_wait3A_46 = tpu.memref_slice %arg8[%add3A_36, %dma_wait3A] : memref<10240x128xf32, #tpu.memory_space<hbm>> -> memref<128x128xf32, #tpu.memory_space<hbm>>
        %dma_wait3A_47 = arith.constant 0 : i32
        %dma_wait3A_48 = tpu.memref_slice %arg8[%add3A_36, %dma_wait3A_47] : memref<10240x128xf32, #tpu.memory_space<hbm>> -> memref<128x128xf32, #tpu.memory_space<hbm>>
        tpu.wait_dma2 semaphore(%run_scoped3A : memref<!tpu.dma_semaphore, #tpu.memory_space<semaphore_mem>>) src(%arg12 : memref<128x128xf32, #tpu.memory_space<vmem>>) dst(%dma_wait3A_48 : memref<128x128xf32, #tpu.memory_space<hbm>>)
        tpu.yield
      }) : () -> ()
      %add3A_37 = arith.constant 256 : i32
      %add3A_38 = arith.addi %mul3A_0, %add3A_37 : i32
      "tpu.region"() ({
        %run_scoped3A = tpu.sem_alloc : memref<!tpu.dma_semaphore, #tpu.memory_space<semaphore_mem>>
        %dma_start3A = arith.constant 0 : i32
        %dma_start3A_43 = tpu.memref_slice %arg13[%add3A_38, %dma_start3A] : memref<10240x128xf32, #tpu.memory_space<vmem_shared>> -> memref<128x128xf32, #tpu.memory_space<vmem_shared>>
        %dma_start3A_44 = arith.constant 0 : i32
        %dma_start3A_45 = tpu.memref_slice %arg13[%add3A_38, %dma_start3A_44] : memref<10240x128xf32, #tpu.memory_space<vmem_shared>> -> memref<128x128xf32, #tpu.memory_space<vmem_shared>>
        tpu.enqueue_dma source(%dma_start3A_45 : memref<128x128xf32, #tpu.memory_space<vmem_shared>>) target(%arg12 : memref<128x128xf32, #tpu.memory_space<vmem>>) target_semaphore(%run_scoped3A : memref<!tpu.dma_semaphore, #tpu.memory_space<semaphore_mem>>)
        %dma_wait3A = arith.constant 0 : i32
        %dma_wait3A_46 = tpu.memref_slice %arg13[%add3A_38, %dma_wait3A] : memref<10240x128xf32, #tpu.memory_space<vmem_shared>> -> memref<128x128xf32, #tpu.memory_space<vmem_shared>>
        %dma_wait3A_47 = arith.constant 0 : i32
        %dma_wait3A_48 = tpu.memref_slice %arg13[%add3A_38, %dma_wait3A_47] : memref<10240x128xf32, #tpu.memory_space<vmem_shared>> -> memref<128x128xf32, #tpu.memory_space<vmem_shared>>
        tpu.wait_dma2 semaphore(%run_scoped3A : memref<!tpu.dma_semaphore, #tpu.memory_space<semaphore_mem>>) src(%dma_wait3A_48 : memref<128x128xf32, #tpu.memory_space<vmem_shared>>) dst(%arg12 : memref<128x128xf32, #tpu.memory_space<vmem>>)
        tpu.yield
      }) : () -> ()
      "tpu.region"() ({
        %run_scoped3A = tpu.sem_alloc : memref<!tpu.dma_semaphore, #tpu.memory_space<semaphore_mem>>
        %dma_start3A = arith.constant 0 : i32
        %dma_start3A_43 = tpu.memref_slice %arg8[%add3A_38, %dma_start3A] : memref<10240x128xf32, #tpu.memory_space<hbm>> -> memref<128x128xf32, #tpu.memory_space<hbm>>
        %dma_start3A_44 = arith.constant 0 : i32
        %dma_start3A_45 = tpu.memref_slice %arg8[%add3A_38, %dma_start3A_44] : memref<10240x128xf32, #tpu.memory_space<hbm>> -> memref<128x128xf32, #tpu.memory_space<hbm>>
        tpu.enqueue_dma source(%arg12 : memref<128x128xf32, #tpu.memory_space<vmem>>) target(%dma_start3A_45 : memref<128x128xf32, #tpu.memory_space<hbm>>) target_semaphore(%run_scoped3A : memref<!tpu.dma_semaphore, #tpu.memory_space<semaphore_mem>>)
        %dma_wait3A = arith.constant 0 : i32
        %dma_wait3A_46 = tpu.memref_slice %arg8[%add3A_38, %dma_wait3A] : memref<10240x128xf32, #tpu.memory_space<hbm>> -> memref<128x128xf32, #tpu.memory_space<hbm>>
        %dma_wait3A_47 = arith.constant 0 : i32
        %dma_wait3A_48 = tpu.memref_slice %arg8[%add3A_38, %dma_wait3A_47] : memref<10240x128xf32, #tpu.memory_space<hbm>> -> memref<128x128xf32, #tpu.memory_space<hbm>>
        tpu.wait_dma2 semaphore(%run_scoped3A : memref<!tpu.dma_semaphore, #tpu.memory_space<semaphore_mem>>) src(%arg12 : memref<128x128xf32, #tpu.memory_space<vmem>>) dst(%dma_wait3A_48 : memref<128x128xf32, #tpu.memory_space<hbm>>)
        tpu.yield
      }) : () -> ()
      %add3A_39 = arith.constant 384 : i32
      %add3A_40 = arith.addi %mul3A_0, %add3A_39 : i32
      "tpu.region"() ({
        %run_scoped3A = tpu.sem_alloc : memref<!tpu.dma_semaphore, #tpu.memory_space<semaphore_mem>>
        %dma_start3A = arith.constant 0 : i32
        %dma_start3A_43 = tpu.memref_slice %arg13[%add3A_40, %dma_start3A] : memref<10240x128xf32, #tpu.memory_space<vmem_shared>> -> memref<128x128xf32, #tpu.memory_space<vmem_shared>>
        %dma_start3A_44 = arith.constant 0 : i32
        %dma_start3A_45 = tpu.memref_slice %arg13[%add3A_40, %dma_start3A_44] : memref<10240x128xf32, #tpu.memory_space<vmem_shared>> -> memref<128x128xf32, #tpu.memory_space<vmem_shared>>
        tpu.enqueue_dma source(%dma_start3A_45 : memref<128x128xf32, #tpu.memory_space<vmem_shared>>) target(%arg12 : memref<128x128xf32, #tpu.memory_space<vmem>>) target_semaphore(%run_scoped3A : memref<!tpu.dma_semaphore, #tpu.memory_space<semaphore_mem>>)
        %dma_wait3A = arith.constant 0 : i32
        %dma_wait3A_46 = tpu.memref_slice %arg13[%add3A_40, %dma_wait3A] : memref<10240x128xf32, #tpu.memory_space<vmem_shared>> -> memref<128x128xf32, #tpu.memory_space<vmem_shared>>
        %dma_wait3A_47 = arith.constant 0 : i32
        %dma_wait3A_48 = tpu.memref_slice %arg13[%add3A_40, %dma_wait3A_47] : memref<10240x128xf32, #tpu.memory_space<vmem_shared>> -> memref<128x128xf32, #tpu.memory_space<vmem_shared>>
        tpu.wait_dma2 semaphore(%run_scoped3A : memref<!tpu.dma_semaphore, #tpu.memory_space<semaphore_mem>>) src(%dma_wait3A_48 : memref<128x128xf32, #tpu.memory_space<vmem_shared>>) dst(%arg12 : memref<128x128xf32, #tpu.memory_space<vmem>>)
        tpu.yield
      }) : () -> ()
      "tpu.region"() ({
        %run_scoped3A = tpu.sem_alloc : memref<!tpu.dma_semaphore, #tpu.memory_space<semaphore_mem>>
        %dma_start3A = arith.constant 0 : i32
        %dma_start3A_43 = tpu.memref_slice %arg8[%add3A_40, %dma_start3A] : memref<10240x128xf32, #tpu.memory_space<hbm>> -> memref<128x128xf32, #tpu.memory_space<hbm>>
        %dma_start3A_44 = arith.constant 0 : i32
        %dma_start3A_45 = tpu.memref_slice %arg8[%add3A_40, %dma_start3A_44] : memref<10240x128xf32, #tpu.memory_space<hbm>> -> memref<128x128xf32, #tpu.memory_space<hbm>>
        tpu.enqueue_dma source(%arg12 : memref<128x128xf32, #tpu.memory_space<vmem>>) target(%dma_start3A_45 : memref<128x128xf32, #tpu.memory_space<hbm>>) target_semaphore(%run_scoped3A : memref<!tpu.dma_semaphore, #tpu.memory_space<semaphore_mem>>)
        %dma_wait3A = arith.constant 0 : i32
        %dma_wait3A_46 = tpu.memref_slice %arg8[%add3A_40, %dma_wait3A] : memref<10240x128xf32, #tpu.memory_space<hbm>> -> memref<128x128xf32, #tpu.memory_space<hbm>>
        %dma_wait3A_47 = arith.constant 0 : i32
        %dma_wait3A_48 = tpu.memref_slice %arg8[%add3A_40, %dma_wait3A_47] : memref<10240x128xf32, #tpu.memory_space<hbm>> -> memref<128x128xf32, #tpu.memory_space<hbm>>
        tpu.wait_dma2 semaphore(%run_scoped3A : memref<!tpu.dma_semaphore, #tpu.memory_space<semaphore_mem>>) src(%arg12 : memref<128x128xf32, #tpu.memory_space<vmem>>) dst(%dma_wait3A_48 : memref<128x128xf32, #tpu.memory_space<hbm>>)
        tpu.yield
      }) : () -> ()
      %add3A_41 = arith.constant 512 : i32
      %add3A_42 = arith.addi %mul3A_0, %add3A_41 : i32
      "tpu.region"() ({
        %run_scoped3A = tpu.sem_alloc : memref<!tpu.dma_semaphore, #tpu.memory_space<semaphore_mem>>
        %dma_start3A = arith.constant 0 : i32
        %dma_start3A_43 = tpu.memref_slice %arg13[%add3A_42, %dma_start3A] : memref<10240x128xf32, #tpu.memory_space<vmem_shared>> -> memref<128x128xf32, #tpu.memory_space<vmem_shared>>
        %dma_start3A_44 = arith.constant 0 : i32
        %dma_start3A_45 = tpu.memref_slice %arg13[%add3A_42, %dma_start3A_44] : memref<10240x128xf32, #tpu.memory_space<vmem_shared>> -> memref<128x128xf32, #tpu.memory_space<vmem_shared>>
        tpu.enqueue_dma source(%dma_start3A_45 : memref<128x128xf32, #tpu.memory_space<vmem_shared>>) target(%arg12 : memref<128x128xf32, #tpu.memory_space<vmem>>) target_semaphore(%run_scoped3A : memref<!tpu.dma_semaphore, #tpu.memory_space<semaphore_mem>>)
        %dma_wait3A = arith.constant 0 : i32
        %dma_wait3A_46 = tpu.memref_slice %arg13[%add3A_42, %dma_wait3A] : memref<10240x128xf32, #tpu.memory_space<vmem_shared>> -> memref<128x128xf32, #tpu.memory_space<vmem_shared>>
        %dma_wait3A_47 = arith.constant 0 : i32
        %dma_wait3A_48 = tpu.memref_slice %arg13[%add3A_42, %dma_wait3A_47] : memref<10240x128xf32, #tpu.memory_space<vmem_shared>> -> memref<128x128xf32, #tpu.memory_space<vmem_shared>>
        tpu.wait_dma2 semaphore(%run_scoped3A : memref<!tpu.dma_semaphore, #tpu.memory_space<semaphore_mem>>) src(%dma_wait3A_48 : memref<128x128xf32, #tpu.memory_space<vmem_shared>>) dst(%arg12 : memref<128x128xf32, #tpu.memory_space<vmem>>)
        tpu.yield
      }) : () -> ()
      "tpu.region"() ({
        %run_scoped3A = tpu.sem_alloc : memref<!tpu.dma_semaphore, #tpu.memory_space<semaphore_mem>>
        %dma_start3A = arith.constant 0 : i32
        %dma_start3A_43 = tpu.memref_slice %arg8[%add3A_42, %dma_start3A] : memref<10240x128xf32, #tpu.memory_space<hbm>> -> memref<128x128xf32, #tpu.memory_space<hbm>>
        %dma_start3A_44 = arith.constant 0 : i32
        %dma_start3A_45 = tpu.memref_slice %arg8[%add3A_42, %dma_start3A_44] : memref<10240x128xf32, #tpu.memory_space<hbm>> -> memref<128x128xf32, #tpu.memory_space<hbm>>
        tpu.enqueue_dma source(%arg12 : memref<128x128xf32, #tpu.memory_space<vmem>>) target(%dma_start3A_45 : memref<128x128xf32, #tpu.memory_space<hbm>>) target_semaphore(%run_scoped3A : memref<!tpu.dma_semaphore, #tpu.memory_space<semaphore_mem>>)
        %dma_wait3A = arith.constant 0 : i32
        %dma_wait3A_46 = tpu.memref_slice %arg8[%add3A_42, %dma_wait3A] : memref<10240x128xf32, #tpu.memory_space<hbm>> -> memref<128x128xf32, #tpu.memory_space<hbm>>
        %dma_wait3A_47 = arith.constant 0 : i32
        %dma_wait3A_48 = tpu.memref_slice %arg8[%add3A_42, %dma_wait3A_47] : memref<10240x128xf32, #tpu.memory_space<hbm>> -> memref<128x128xf32, #tpu.memory_space<hbm>>
        tpu.wait_dma2 semaphore(%run_scoped3A : memref<!tpu.dma_semaphore, #tpu.memory_space<semaphore_mem>>) src(%arg12 : memref<128x128xf32, #tpu.memory_space<vmem>>) dst(%dma_wait3A_48 : memref<128x128xf32, #tpu.memory_space<hbm>>)
        tpu.yield
      }) : () -> ()
    } else {
    }
    %eq3A_28 = arith.constant 1 : i32
    %eq3A_29 = arith.cmpi eq, %arg0, %eq3A_28 : i32
    %convert_element_type3A_30 = arith.extui %eq3A_29 : i1 to i32
    %cond3A_31 = arith.constant 0 : i32
    %cond3A_32 = arith.cmpi ne, %convert_element_type3A_30, %cond3A_31 : i32
    scf.if %cond3A_32 {
      %add3A_33 = arith.constant 0 : i32
      %add3A_34 = arith.addi %mul3A_0, %add3A_33 : i32
      "tpu.region"() ({
        %run_scoped3A = tpu.sem_alloc : memref<!tpu.dma_semaphore, #tpu.memory_space<semaphore_mem>>
        %dma_start3A = arith.constant 0 : i32
        %dma_start3A_43 = tpu.memref_slice %arg13[%add3A_34, %dma_start3A] : memref<10240x128xf32, #tpu.memory_space<vmem_shared>> -> memref<128x128xf32, #tpu.memory_space<vmem_shared>>
        %dma_start3A_44 = arith.constant 0 : i32
        %dma_start3A_45 = tpu.memref_slice %arg13[%add3A_34, %dma_start3A_44] : memref<10240x128xf32, #tpu.memory_space<vmem_shared>> -> memref<128x128xf32, #tpu.memory_space<vmem_shared>>
        tpu.enqueue_dma source(%dma_start3A_45 : memref<128x128xf32, #tpu.memory_space<vmem_shared>>) target(%arg12 : memref<128x128xf32, #tpu.memory_space<vmem>>) target_semaphore(%run_scoped3A : memref<!tpu.dma_semaphore, #tpu.memory_space<semaphore_mem>>)
        %dma_wait3A = arith.constant 0 : i32
        %dma_wait3A_46 = tpu.memref_slice %arg13[%add3A_34, %dma_wait3A] : memref<10240x128xf32, #tpu.memory_space<vmem_shared>> -> memref<128x128xf32, #tpu.memory_space<vmem_shared>>
        %dma_wait3A_47 = arith.constant 0 : i32
        %dma_wait3A_48 = tpu.memref_slice %arg13[%add3A_34, %dma_wait3A_47] : memref<10240x128xf32, #tpu.memory_space<vmem_shared>> -> memref<128x128xf32, #tpu.memory_space<vmem_shared>>
        tpu.wait_dma2 semaphore(%run_scoped3A : memref<!tpu.dma_semaphore, #tpu.memory_space<semaphore_mem>>) src(%dma_wait3A_48 : memref<128x128xf32, #tpu.memory_space<vmem_shared>>) dst(%arg12 : memref<128x128xf32, #tpu.memory_space<vmem>>)
        tpu.yield
      }) : () -> ()
      "tpu.region"() ({
        %run_scoped3A = tpu.sem_alloc : memref<!tpu.dma_semaphore, #tpu.memory_space<semaphore_mem>>
        %dma_start3A = arith.constant 0 : i32
        %dma_start3A_43 = tpu.memref_slice %arg9[%add3A_34, %dma_start3A] : memref<10240x128xf32, #tpu.memory_space<hbm>> -> memref<128x128xf32, #tpu.memory_space<hbm>>
        %dma_start3A_44 = arith.constant 0 : i32
        %dma_start3A_45 = tpu.memref_slice %arg9[%add3A_34, %dma_start3A_44] : memref<10240x128xf32, #tpu.memory_space<hbm>> -> memref<128x128xf32, #tpu.memory_space<hbm>>
        tpu.enqueue_dma source(%arg12 : memref<128x128xf32, #tpu.memory_space<vmem>>) target(%dma_start3A_45 : memref<128x128xf32, #tpu.memory_space<hbm>>) target_semaphore(%run_scoped3A : memref<!tpu.dma_semaphore, #tpu.memory_space<semaphore_mem>>)
        %dma_wait3A = arith.constant 0 : i32
        %dma_wait3A_46 = tpu.memref_slice %arg9[%add3A_34, %dma_wait3A] : memref<10240x128xf32, #tpu.memory_space<hbm>> -> memref<128x128xf32, #tpu.memory_space<hbm>>
        %dma_wait3A_47 = arith.constant 0 : i32
        %dma_wait3A_48 = tpu.memref_slice %arg9[%add3A_34, %dma_wait3A_47] : memref<10240x128xf32, #tpu.memory_space<hbm>> -> memref<128x128xf32, #tpu.memory_space<hbm>>
        tpu.wait_dma2 semaphore(%run_scoped3A : memref<!tpu.dma_semaphore, #tpu.memory_space<semaphore_mem>>) src(%arg12 : memref<128x128xf32, #tpu.memory_space<vmem>>) dst(%dma_wait3A_48 : memref<128x128xf32, #tpu.memory_space<hbm>>)
        tpu.yield
      }) : () -> ()
      %add3A_35 = arith.constant 128 : i32
      %add3A_36 = arith.addi %mul3A_0, %add3A_35 : i32
      "tpu.region"() ({
        %run_scoped3A = tpu.sem_alloc : memref<!tpu.dma_semaphore, #tpu.memory_space<semaphore_mem>>
        %dma_start3A = arith.constant 0 : i32
        %dma_start3A_43 = tpu.memref_slice %arg13[%add3A_36, %dma_start3A] : memref<10240x128xf32, #tpu.memory_space<vmem_shared>> -> memref<128x128xf32, #tpu.memory_space<vmem_shared>>
        %dma_start3A_44 = arith.constant 0 : i32
        %dma_start3A_45 = tpu.memref_slice %arg13[%add3A_36, %dma_start3A_44] : memref<10240x128xf32, #tpu.memory_space<vmem_shared>> -> memref<128x128xf32, #tpu.memory_space<vmem_shared>>
        tpu.enqueue_dma source(%dma_start3A_45 : memref<128x128xf32, #tpu.memory_space<vmem_shared>>) target(%arg12 : memref<128x128xf32, #tpu.memory_space<vmem>>) target_semaphore(%run_scoped3A : memref<!tpu.dma_semaphore, #tpu.memory_space<semaphore_mem>>)
        %dma_wait3A = arith.constant 0 : i32
        %dma_wait3A_46 = tpu.memref_slice %arg13[%add3A_36, %dma_wait3A] : memref<10240x128xf32, #tpu.memory_space<vmem_shared>> -> memref<128x128xf32, #tpu.memory_space<vmem_shared>>
        %dma_wait3A_47 = arith.constant 0 : i32
        %dma_wait3A_48 = tpu.memref_slice %arg13[%add3A_36, %dma_wait3A_47] : memref<10240x128xf32, #tpu.memory_space<vmem_shared>> -> memref<128x128xf32, #tpu.memory_space<vmem_shared>>
        tpu.wait_dma2 semaphore(%run_scoped3A : memref<!tpu.dma_semaphore, #tpu.memory_space<semaphore_mem>>) src(%dma_wait3A_48 : memref<128x128xf32, #tpu.memory_space<vmem_shared>>) dst(%arg12 : memref<128x128xf32, #tpu.memory_space<vmem>>)
        tpu.yield
      }) : () -> ()
      "tpu.region"() ({
        %run_scoped3A = tpu.sem_alloc : memref<!tpu.dma_semaphore, #tpu.memory_space<semaphore_mem>>
        %dma_start3A = arith.constant 0 : i32
        %dma_start3A_43 = tpu.memref_slice %arg9[%add3A_36, %dma_start3A] : memref<10240x128xf32, #tpu.memory_space<hbm>> -> memref<128x128xf32, #tpu.memory_space<hbm>>
        %dma_start3A_44 = arith.constant 0 : i32
        %dma_start3A_45 = tpu.memref_slice %arg9[%add3A_36, %dma_start3A_44] : memref<10240x128xf32, #tpu.memory_space<hbm>> -> memref<128x128xf32, #tpu.memory_space<hbm>>
        tpu.enqueue_dma source(%arg12 : memref<128x128xf32, #tpu.memory_space<vmem>>) target(%dma_start3A_45 : memref<128x128xf32, #tpu.memory_space<hbm>>) target_semaphore(%run_scoped3A : memref<!tpu.dma_semaphore, #tpu.memory_space<semaphore_mem>>)
        %dma_wait3A = arith.constant 0 : i32
        %dma_wait3A_46 = tpu.memref_slice %arg9[%add3A_36, %dma_wait3A] : memref<10240x128xf32, #tpu.memory_space<hbm>> -> memref<128x128xf32, #tpu.memory_space<hbm>>
        %dma_wait3A_47 = arith.constant 0 : i32
        %dma_wait3A_48 = tpu.memref_slice %arg9[%add3A_36, %dma_wait3A_47] : memref<10240x128xf32, #tpu.memory_space<hbm>> -> memref<128x128xf32, #tpu.memory_space<hbm>>
        tpu.wait_dma2 semaphore(%run_scoped3A : memref<!tpu.dma_semaphore, #tpu.memory_space<semaphore_mem>>) src(%arg12 : memref<128x128xf32, #tpu.memory_space<vmem>>) dst(%dma_wait3A_48 : memref<128x128xf32, #tpu.memory_space<hbm>>)
        tpu.yield
      }) : () -> ()
      %add3A_37 = arith.constant 256 : i32
      %add3A_38 = arith.addi %mul3A_0, %add3A_37 : i32
      "tpu.region"() ({
        %run_scoped3A = tpu.sem_alloc : memref<!tpu.dma_semaphore, #tpu.memory_space<semaphore_mem>>
        %dma_start3A = arith.constant 0 : i32
        %dma_start3A_43 = tpu.memref_slice %arg13[%add3A_38, %dma_start3A] : memref<10240x128xf32, #tpu.memory_space<vmem_shared>> -> memref<128x128xf32, #tpu.memory_space<vmem_shared>>
        %dma_start3A_44 = arith.constant 0 : i32
        %dma_start3A_45 = tpu.memref_slice %arg13[%add3A_38, %dma_start3A_44] : memref<10240x128xf32, #tpu.memory_space<vmem_shared>> -> memref<128x128xf32, #tpu.memory_space<vmem_shared>>
        tpu.enqueue_dma source(%dma_start3A_45 : memref<128x128xf32, #tpu.memory_space<vmem_shared>>) target(%arg12 : memref<128x128xf32, #tpu.memory_space<vmem>>) target_semaphore(%run_scoped3A : memref<!tpu.dma_semaphore, #tpu.memory_space<semaphore_mem>>)
        %dma_wait3A = arith.constant 0 : i32
        %dma_wait3A_46 = tpu.memref_slice %arg13[%add3A_38, %dma_wait3A] : memref<10240x128xf32, #tpu.memory_space<vmem_shared>> -> memref<128x128xf32, #tpu.memory_space<vmem_shared>>
        %dma_wait3A_47 = arith.constant 0 : i32
        %dma_wait3A_48 = tpu.memref_slice %arg13[%add3A_38, %dma_wait3A_47] : memref<10240x128xf32, #tpu.memory_space<vmem_shared>> -> memref<128x128xf32, #tpu.memory_space<vmem_shared>>
        tpu.wait_dma2 semaphore(%run_scoped3A : memref<!tpu.dma_semaphore, #tpu.memory_space<semaphore_mem>>) src(%dma_wait3A_48 : memref<128x128xf32, #tpu.memory_space<vmem_shared>>) dst(%arg12 : memref<128x128xf32, #tpu.memory_space<vmem>>)
        tpu.yield
      }) : () -> ()
      "tpu.region"() ({
        %run_scoped3A = tpu.sem_alloc : memref<!tpu.dma_semaphore, #tpu.memory_space<semaphore_mem>>
        %dma_start3A = arith.constant 0 : i32
        %dma_start3A_43 = tpu.memref_slice %arg9[%add3A_38, %dma_start3A] : memref<10240x128xf32, #tpu.memory_space<hbm>> -> memref<128x128xf32, #tpu.memory_space<hbm>>
        %dma_start3A_44 = arith.constant 0 : i32
        %dma_start3A_45 = tpu.memref_slice %arg9[%add3A_38, %dma_start3A_44] : memref<10240x128xf32, #tpu.memory_space<hbm>> -> memref<128x128xf32, #tpu.memory_space<hbm>>
        tpu.enqueue_dma source(%arg12 : memref<128x128xf32, #tpu.memory_space<vmem>>) target(%dma_start3A_45 : memref<128x128xf32, #tpu.memory_space<hbm>>) target_semaphore(%run_scoped3A : memref<!tpu.dma_semaphore, #tpu.memory_space<semaphore_mem>>)
        %dma_wait3A = arith.constant 0 : i32
        %dma_wait3A_46 = tpu.memref_slice %arg9[%add3A_38, %dma_wait3A] : memref<10240x128xf32, #tpu.memory_space<hbm>> -> memref<128x128xf32, #tpu.memory_space<hbm>>
        %dma_wait3A_47 = arith.constant 0 : i32
        %dma_wait3A_48 = tpu.memref_slice %arg9[%add3A_38, %dma_wait3A_47] : memref<10240x128xf32, #tpu.memory_space<hbm>> -> memref<128x128xf32, #tpu.memory_space<hbm>>
        tpu.wait_dma2 semaphore(%run_scoped3A : memref<!tpu.dma_semaphore, #tpu.memory_space<semaphore_mem>>) src(%arg12 : memref<128x128xf32, #tpu.memory_space<vmem>>) dst(%dma_wait3A_48 : memref<128x128xf32, #tpu.memory_space<hbm>>)
        tpu.yield
      }) : () -> ()
      %add3A_39 = arith.constant 384 : i32
      %add3A_40 = arith.addi %mul3A_0, %add3A_39 : i32
      "tpu.region"() ({
        %run_scoped3A = tpu.sem_alloc : memref<!tpu.dma_semaphore, #tpu.memory_space<semaphore_mem>>
        %dma_start3A = arith.constant 0 : i32
        %dma_start3A_43 = tpu.memref_slice %arg13[%add3A_40, %dma_start3A] : memref<10240x128xf32, #tpu.memory_space<vmem_shared>> -> memref<128x128xf32, #tpu.memory_space<vmem_shared>>
        %dma_start3A_44 = arith.constant 0 : i32
        %dma_start3A_45 = tpu.memref_slice %arg13[%add3A_40, %dma_start3A_44] : memref<10240x128xf32, #tpu.memory_space<vmem_shared>> -> memref<128x128xf32, #tpu.memory_space<vmem_shared>>
        tpu.enqueue_dma source(%dma_start3A_45 : memref<128x128xf32, #tpu.memory_space<vmem_shared>>) target(%arg12 : memref<128x128xf32, #tpu.memory_space<vmem>>) target_semaphore(%run_scoped3A : memref<!tpu.dma_semaphore, #tpu.memory_space<semaphore_mem>>)
        %dma_wait3A = arith.constant 0 : i32
        %dma_wait3A_46 = tpu.memref_slice %arg13[%add3A_40, %dma_wait3A] : memref<10240x128xf32, #tpu.memory_space<vmem_shared>> -> memref<128x128xf32, #tpu.memory_space<vmem_shared>>
        %dma_wait3A_47 = arith.constant 0 : i32
        %dma_wait3A_48 = tpu.memref_slice %arg13[%add3A_40, %dma_wait3A_47] : memref<10240x128xf32, #tpu.memory_space<vmem_shared>> -> memref<128x128xf32, #tpu.memory_space<vmem_shared>>
        tpu.wait_dma2 semaphore(%run_scoped3A : memref<!tpu.dma_semaphore, #tpu.memory_space<semaphore_mem>>) src(%dma_wait3A_48 : memref<128x128xf32, #tpu.memory_space<vmem_shared>>) dst(%arg12 : memref<128x128xf32, #tpu.memory_space<vmem>>)
        tpu.yield
      }) : () -> ()
      "tpu.region"() ({
        %run_scoped3A = tpu.sem_alloc : memref<!tpu.dma_semaphore, #tpu.memory_space<semaphore_mem>>
        %dma_start3A = arith.constant 0 : i32
        %dma_start3A_43 = tpu.memref_slice %arg9[%add3A_40, %dma_start3A] : memref<10240x128xf32, #tpu.memory_space<hbm>> -> memref<128x128xf32, #tpu.memory_space<hbm>>
        %dma_start3A_44 = arith.constant 0 : i32
        %dma_start3A_45 = tpu.memref_slice %arg9[%add3A_40, %dma_start3A_44] : memref<10240x128xf32, #tpu.memory_space<hbm>> -> memref<128x128xf32, #tpu.memory_space<hbm>>
        tpu.enqueue_dma source(%arg12 : memref<128x128xf32, #tpu.memory_space<vmem>>) target(%dma_start3A_45 : memref<128x128xf32, #tpu.memory_space<hbm>>) target_semaphore(%run_scoped3A : memref<!tpu.dma_semaphore, #tpu.memory_space<semaphore_mem>>)
        %dma_wait3A = arith.constant 0 : i32
        %dma_wait3A_46 = tpu.memref_slice %arg9[%add3A_40, %dma_wait3A] : memref<10240x128xf32, #tpu.memory_space<hbm>> -> memref<128x128xf32, #tpu.memory_space<hbm>>
        %dma_wait3A_47 = arith.constant 0 : i32
        %dma_wait3A_48 = tpu.memref_slice %arg9[%add3A_40, %dma_wait3A_47] : memref<10240x128xf32, #tpu.memory_space<hbm>> -> memref<128x128xf32, #tpu.memory_space<hbm>>
        tpu.wait_dma2 semaphore(%run_scoped3A : memref<!tpu.dma_semaphore, #tpu.memory_space<semaphore_mem>>) src(%arg12 : memref<128x128xf32, #tpu.memory_space<vmem>>) dst(%dma_wait3A_48 : memref<128x128xf32, #tpu.memory_space<hbm>>)
        tpu.yield
      }) : () -> ()
      %add3A_41 = arith.constant 512 : i32
      %add3A_42 = arith.addi %mul3A_0, %add3A_41 : i32
      "tpu.region"() ({
        %run_scoped3A = tpu.sem_alloc : memref<!tpu.dma_semaphore, #tpu.memory_space<semaphore_mem>>
        %dma_start3A = arith.constant 0 : i32
        %dma_start3A_43 = tpu.memref_slice %arg13[%add3A_42, %dma_start3A] : memref<10240x128xf32, #tpu.memory_space<vmem_shared>> -> memref<128x128xf32, #tpu.memory_space<vmem_shared>>
        %dma_start3A_44 = arith.constant 0 : i32
        %dma_start3A_45 = tpu.memref_slice %arg13[%add3A_42, %dma_start3A_44] : memref<10240x128xf32, #tpu.memory_space<vmem_shared>> -> memref<128x128xf32, #tpu.memory_space<vmem_shared>>
        tpu.enqueue_dma source(%dma_start3A_45 : memref<128x128xf32, #tpu.memory_space<vmem_shared>>) target(%arg12 : memref<128x128xf32, #tpu.memory_space<vmem>>) target_semaphore(%run_scoped3A : memref<!tpu.dma_semaphore, #tpu.memory_space<semaphore_mem>>)
        %dma_wait3A = arith.constant 0 : i32
        %dma_wait3A_46 = tpu.memref_slice %arg13[%add3A_42, %dma_wait3A] : memref<10240x128xf32, #tpu.memory_space<vmem_shared>> -> memref<128x128xf32, #tpu.memory_space<vmem_shared>>
        %dma_wait3A_47 = arith.constant 0 : i32
        %dma_wait3A_48 = tpu.memref_slice %arg13[%add3A_42, %dma_wait3A_47] : memref<10240x128xf32, #tpu.memory_space<vmem_shared>> -> memref<128x128xf32, #tpu.memory_space<vmem_shared>>
        tpu.wait_dma2 semaphore(%run_scoped3A : memref<!tpu.dma_semaphore, #tpu.memory_space<semaphore_mem>>) src(%dma_wait3A_48 : memref<128x128xf32, #tpu.memory_space<vmem_shared>>) dst(%arg12 : memref<128x128xf32, #tpu.memory_space<vmem>>)
        tpu.yield
      }) : () -> ()
      "tpu.region"() ({
        %run_scoped3A = tpu.sem_alloc : memref<!tpu.dma_semaphore, #tpu.memory_space<semaphore_mem>>
        %dma_start3A = arith.constant 0 : i32
        %dma_start3A_43 = tpu.memref_slice %arg9[%add3A_42, %dma_start3A] : memref<10240x128xf32, #tpu.memory_space<hbm>> -> memref<128x128xf32, #tpu.memory_space<hbm>>
        %dma_start3A_44 = arith.constant 0 : i32
        %dma_start3A_45 = tpu.memref_slice %arg9[%add3A_42, %dma_start3A_44] : memref<10240x128xf32, #tpu.memory_space<hbm>> -> memref<128x128xf32, #tpu.memory_space<hbm>>
        tpu.enqueue_dma source(%arg12 : memref<128x128xf32, #tpu.memory_space<vmem>>) target(%dma_start3A_45 : memref<128x128xf32, #tpu.memory_space<hbm>>) target_semaphore(%run_scoped3A : memref<!tpu.dma_semaphore, #tpu.memory_space<semaphore_mem>>)
        %dma_wait3A = arith.constant 0 : i32
        %dma_wait3A_46 = tpu.memref_slice %arg9[%add3A_42, %dma_wait3A] : memref<10240x128xf32, #tpu.memory_space<hbm>> -> memref<128x128xf32, #tpu.memory_space<hbm>>
        %dma_wait3A_47 = arith.constant 0 : i32
        %dma_wait3A_48 = tpu.memref_slice %arg9[%add3A_42, %dma_wait3A_47] : memref<10240x128xf32, #tpu.memory_space<hbm>> -> memref<128x128xf32, #tpu.memory_space<hbm>>
        tpu.wait_dma2 semaphore(%run_scoped3A : memref<!tpu.dma_semaphore, #tpu.memory_space<semaphore_mem>>) src(%arg12 : memref<128x128xf32, #tpu.memory_space<vmem>>) dst(%dma_wait3A_48 : memref<128x128xf32, #tpu.memory_space<hbm>>)
        tpu.yield
      }) : () -> ()
    } else {
    }
    return
  }
}

#map = affine_map<(d0, d1) -> (0, 0)>
module attributes {stable_mosaic.version = 14 : i64} {
  func.func @body(%arg0: i32, %arg1: i32, %arg2: memref<10000x128xf32, #tpu.memory_space<hbm>>, %arg3: memref<10000x128xf32, #tpu.memory_space<hbm>>, %arg4: memref<2560x128xi32, #tpu.memory_space<hbm>>, %arg5: memref<2560x128xi32, #tpu.memory_space<hbm>>, %arg6: memref<2560x128xi32, #tpu.memory_space<hbm>>, %arg7: memref<2560x128xi32, #tpu.memory_space<hbm>>, %arg8: memref<10240x128xf32, #tpu.memory_space<hbm>>, %arg9: memref<10240x128xf32, #tpu.memory_space<hbm>>, %arg10: memref<32x128xi32, #tpu.memory_space<vmem>>, %arg11: memref<32x128xi32, #tpu.memory_space<vmem>>, %arg12: memref<128x128xf32, #tpu.memory_space<vmem>>, %arg13: memref<10240x128xf32, #tpu.memory_space<vmem_shared>>) attributes {dimension_semantics = [#tpu.dimension_semantics<core_parallel>, #tpu.dimension_semantics<subcore_parallel>], iteration_bounds = array<i64: 2, 16>, scalar_prefetch = 0 : i64, scratch_operands = 4 : i64, tpu.core_type = #tpu.core_type<sc_vector_subcore>, window_params = [{transform_indices = #map}, {transform_indices = #map}, {transform_indices = #map}, {transform_indices = #map}, {transform_indices = #map}, {transform_indices = #map}, {transform_indices = #map}, {transform_indices = #map}]} {
    %mul3A = arith.constant 640 : i32
    %mul3A_0 = arith.muli %arg1, %mul3A : i32
    %broadcast_in_dim3A = arith.constant 0.000000e+00 : f32
    %broadcast_in_dim3A_1 = vector.broadcast %broadcast_in_dim3A : f32 to vector<16xf32>
    %scan3A = arith.constant 0 : i32
    %scan3A_2 = arith.constant 128 : i32
    %scan3A_3 = arith.addi %scan3A, %scan3A_2 : i32
    %scan3A_4 = arith.constant 1 : i32
    scf.for %scan3A_33 = %scan3A to %scan3A_3 step %scan3A_4  : i32 {
      %mul3A_34 = arith.constant 1 : i32
      %mul3A_35 = arith.muli %scan3A_33, %mul3A_34 : i32
      %add3A_36 = arith.constant 0 : i32
      %add3A_37 = arith.addi %add3A_36, %mul3A_35 : i32
      %swap3A = arith.index_cast %add3A_37 : i32 to index
      %swap3A_38 = arith.constant 0 : index
      %swap3A_39 = tpu.vector_load %arg12[%swap3A, %swap3A_38] {strides = array<i32>} : memref<128x128xf32, #tpu.memory_space<vmem>>, vector<1x16xf32>,
      %swap3A_40 = vector.shape_cast %swap3A_39 : vector<1x16xf32> to vector<16xf32>
      %swap3A_41 = vector.shape_cast %broadcast_in_dim3A_1 : vector<16xf32> to vector<1x16xf32>
      tpu.vector_store %arg12[%swap3A, %swap3A_38], %swap3A_41 {strides = array<i32>} : memref<128x128xf32, #tpu.memory_space<vmem>>, vector<1x16xf32>,
      %swap3A_42 = arith.index_cast %add3A_37 : i32 to index
      %swap3A_43 = arith.constant 16 : index
      %swap3A_44 = tpu.vector_load %arg12[%swap3A_42, %swap3A_43] {strides = array<i32>} : memref<128x128xf32, #tpu.memory_space<vmem>>, vector<1x16xf32>,
      %swap3A_45 = vector.shape_cast %swap3A_44 : vector<1x16xf32> to vector<16xf32>
      %swap3A_46 = vector.shape_cast %broadcast_in_dim3A_1 : vector<16xf32> to vector<1x16xf32>
      tpu.vector_store %arg12[%swap3A_42, %swap3A_43], %swap3A_46 {strides = array<i32>} : memref<128x128xf32, #tpu.memory_space<vmem>>, vector<1x16xf32>,
      %swap3A_47 = arith.index_cast %add3A_37 : i32 to index
      %swap3A_48 = arith.constant 32 : index
      %swap3A_49 = tpu.vector_load %arg12[%swap3A_47, %swap3A_48] {strides = array<i32>} : memref<128x128xf32, #tpu.memory_space<vmem>>, vector<1x16xf32>,
      %swap3A_50 = vector.shape_cast %swap3A_49 : vector<1x16xf32> to vector<16xf32>
      %swap3A_51 = vector.shape_cast %broadcast_in_dim3A_1 : vector<16xf32> to vector<1x16xf32>
      tpu.vector_store %arg12[%swap3A_47, %swap3A_48], %swap3A_51 {strides = array<i32>} : memref<128x128xf32, #tpu.memory_space<vmem>>, vector<1x16xf32>,
      %swap3A_52 = arith.index_cast %add3A_37 : i32 to index
      %swap3A_53 = arith.constant 48 : index
      %swap3A_54 = tpu.vector_load %arg12[%swap3A_52, %swap3A_53] {strides = array<i32>} : memref<128x128xf32, #tpu.memory_space<vmem>>, vector<1x16xf32>,
      %swap3A_55 = vector.shape_cast %swap3A_54 : vector<1x16xf32> to vector<16xf32>
      %swap3A_56 = vector.shape_cast %broadcast_in_dim3A_1 : vector<16xf32> to vector<1x16xf32>
      tpu.vector_store %arg12[%swap3A_52, %swap3A_53], %swap3A_56 {strides = array<i32>} : memref<128x128xf32, #tpu.memory_space<vmem>>, vector<1x16xf32>,
      %swap3A_57 = arith.index_cast %add3A_37 : i32 to index
      %swap3A_58 = arith.constant 64 : index
      %swap3A_59 = tpu.vector_load %arg12[%swap3A_57, %swap3A_58] {strides = array<i32>} : memref<128x128xf32, #tpu.memory_space<vmem>>, vector<1x16xf32>,
      %swap3A_60 = vector.shape_cast %swap3A_59 : vector<1x16xf32> to vector<16xf32>
      %swap3A_61 = vector.shape_cast %broadcast_in_dim3A_1 : vector<16xf32> to vector<1x16xf32>
      tpu.vector_store %arg12[%swap3A_57, %swap3A_58], %swap3A_61 {strides = array<i32>} : memref<128x128xf32, #tpu.memory_space<vmem>>, vector<1x16xf32>,
      %swap3A_62 = arith.index_cast %add3A_37 : i32 to index
      %swap3A_63 = arith.constant 80 : index
      %swap3A_64 = tpu.vector_load %arg12[%swap3A_62, %swap3A_63] {strides = array<i32>} : memref<128x128xf32, #tpu.memory_space<vmem>>, vector<1x16xf32>,
      %swap3A_65 = vector.shape_cast %swap3A_64 : vector<1x16xf32> to vector<16xf32>
      %swap3A_66 = vector.shape_cast %broadcast_in_dim3A_1 : vector<16xf32> to vector<1x16xf32>
      tpu.vector_store %arg12[%swap3A_62, %swap3A_63], %swap3A_66 {strides = array<i32>} : memref<128x128xf32, #tpu.memory_space<vmem>>, vector<1x16xf32>,
      %swap3A_67 = arith.index_cast %add3A_37 : i32 to index
      %swap3A_68 = arith.constant 96 : index
      %swap3A_69 = tpu.vector_load %arg12[%swap3A_67, %swap3A_68] {strides = array<i32>} : memref<128x128xf32, #tpu.memory_space<vmem>>, vector<1x16xf32>,
      %swap3A_70 = vector.shape_cast %swap3A_69 : vector<1x16xf32> to vector<16xf32>
      %swap3A_71 = vector.shape_cast %broadcast_in_dim3A_1 : vector<16xf32> to vector<1x16xf32>
      tpu.vector_store %arg12[%swap3A_67, %swap3A_68], %swap3A_71 {strides = array<i32>} : memref<128x128xf32, #tpu.memory_space<vmem>>, vector<1x16xf32>,
      %swap3A_72 = arith.index_cast %add3A_37 : i32 to index
      %swap3A_73 = arith.constant 112 : index
      %swap3A_74 = tpu.vector_load %arg12[%swap3A_72, %swap3A_73] {strides = array<i32>} : memref<128x128xf32, #tpu.memory_space<vmem>>, vector<1x16xf32>,
      %swap3A_75 = vector.shape_cast %swap3A_74 : vector<1x16xf32> to vector<16xf32>
      %swap3A_76 = vector.shape_cast %broadcast_in_dim3A_1 : vector<16xf32> to vector<1x16xf32>
      tpu.vector_store %arg12[%swap3A_72, %swap3A_73], %swap3A_76 {strides = array<i32>} : memref<128x128xf32, #tpu.memory_space<vmem>>, vector<1x16xf32>,
    }
    %scan3A_5 = arith.constant 128 : i32
    %add3A = arith.constant 0 : i32
    %add3A_6 = arith.addi %mul3A_0, %add3A : i32
    "tpu.region"() ({
      %run_scoped3A = tpu.sem_alloc : memref<!tpu.dma_semaphore, #tpu.memory_space<semaphore_mem>>
      %dma_start3A = arith.constant 0 : i32
      %dma_start3A_33 = tpu.memref_slice %arg13[%add3A_6, %dma_start3A] : memref<10240x128xf32, #tpu.memory_space<vmem_shared>> -> memref<128x128xf32, #tpu.memory_space<vmem_shared>>
      %dma_start3A_34 = arith.constant 0 : i32
      %dma_start3A_35 = tpu.memref_slice %arg13[%add3A_6, %dma_start3A_34] : memref<10240x128xf32, #tpu.memory_space<vmem_shared>> -> memref<128x128xf32, #tpu.memory_space<vmem_shared>>
      tpu.enqueue_dma source(%arg12 : memref<128x128xf32, #tpu.memory_space<vmem>>) target(%dma_start3A_35 : memref<128x128xf32, #tpu.memory_space<vmem_shared>>) target_semaphore(%run_scoped3A : memref<!tpu.dma_semaphore, #tpu.memory_space<semaphore_mem>>)
      %dma_wait3A = arith.constant 0 : i32
      %dma_wait3A_36 = tpu.memref_slice %arg13[%add3A_6, %dma_wait3A] : memref<10240x128xf32, #tpu.memory_space<vmem_shared>> -> memref<128x128xf32, #tpu.memory_space<vmem_shared>>
      %dma_wait3A_37 = arith.constant 0 : i32
      %dma_wait3A_38 = tpu.memref_slice %arg13[%add3A_6, %dma_wait3A_37] : memref<10240x128xf32, #tpu.memory_space<vmem_shared>> -> memref<128x128xf32, #tpu.memory_space<vmem_shared>>
      tpu.wait_dma2 semaphore(%run_scoped3A : memref<!tpu.dma_semaphore, #tpu.memory_space<semaphore_mem>>) src(%arg12 : memref<128x128xf32, #tpu.memory_space<vmem>>) dst(%dma_wait3A_38 : memref<128x128xf32, #tpu.memory_space<vmem_shared>>)
      tpu.yield
    }) : () -> ()
    %add3A_7 = arith.constant 128 : i32
    %add3A_8 = arith.addi %mul3A_0, %add3A_7 : i32
    "tpu.region"() ({
      %run_scoped3A = tpu.sem_alloc : memref<!tpu.dma_semaphore, #tpu.memory_space<semaphore_mem>>
      %dma_start3A = arith.constant 0 : i32
      %dma_start3A_33 = tpu.memref_slice %arg13[%add3A_8, %dma_start3A] : memref<10240x128xf32, #tpu.memory_space<vmem_shared>> -> memref<128x128xf32, #tpu.memory_space<vmem_shared>>
      %dma_start3A_34 = arith.constant 0 : i32
      %dma_start3A_35 = tpu.memref_slice %arg13[%add3A_8, %dma_start3A_34] : memref<10240x128xf32, #tpu.memory_space<vmem_shared>> -> memref<128x128xf32, #tpu.memory_space<vmem_shared>>
      tpu.enqueue_dma source(%arg12 : memref<128x128xf32, #tpu.memory_space<vmem>>) target(%dma_start3A_35 : memref<128x128xf32, #tpu.memory_space<vmem_shared>>) target_semaphore(%run_scoped3A : memref<!tpu.dma_semaphore, #tpu.memory_space<semaphore_mem>>)
      %dma_wait3A = arith.constant 0 : i32
      %dma_wait3A_36 = tpu.memref_slice %arg13[%add3A_8, %dma_wait3A] : memref<10240x128xf32, #tpu.memory_space<vmem_shared>> -> memref<128x128xf32, #tpu.memory_space<vmem_shared>>
      %dma_wait3A_37 = arith.constant 0 : i32
      %dma_wait3A_38 = tpu.memref_slice %arg13[%add3A_8, %dma_wait3A_37] : memref<10240x128xf32, #tpu.memory_space<vmem_shared>> -> memref<128x128xf32, #tpu.memory_space<vmem_shared>>
      tpu.wait_dma2 semaphore(%run_scoped3A : memref<!tpu.dma_semaphore, #tpu.memory_space<semaphore_mem>>) src(%arg12 : memref<128x128xf32, #tpu.memory_space<vmem>>) dst(%dma_wait3A_38 : memref<128x128xf32, #tpu.memory_space<vmem_shared>>)
      tpu.yield
    }) : () -> ()
    %add3A_9 = arith.constant 256 : i32
    %add3A_10 = arith.addi %mul3A_0, %add3A_9 : i32
    "tpu.region"() ({
      %run_scoped3A = tpu.sem_alloc : memref<!tpu.dma_semaphore, #tpu.memory_space<semaphore_mem>>
      %dma_start3A = arith.constant 0 : i32
      %dma_start3A_33 = tpu.memref_slice %arg13[%add3A_10, %dma_start3A] : memref<10240x128xf32, #tpu.memory_space<vmem_shared>> -> memref<128x128xf32, #tpu.memory_space<vmem_shared>>
      %dma_start3A_34 = arith.constant 0 : i32
      %dma_start3A_35 = tpu.memref_slice %arg13[%add3A_10, %dma_start3A_34] : memref<10240x128xf32, #tpu.memory_space<vmem_shared>> -> memref<128x128xf32, #tpu.memory_space<vmem_shared>>
      tpu.enqueue_dma source(%arg12 : memref<128x128xf32, #tpu.memory_space<vmem>>) target(%dma_start3A_35 : memref<128x128xf32, #tpu.memory_space<vmem_shared>>) target_semaphore(%run_scoped3A : memref<!tpu.dma_semaphore, #tpu.memory_space<semaphore_mem>>)
      %dma_wait3A = arith.constant 0 : i32
      %dma_wait3A_36 = tpu.memref_slice %arg13[%add3A_10, %dma_wait3A] : memref<10240x128xf32, #tpu.memory_space<vmem_shared>> -> memref<128x128xf32, #tpu.memory_space<vmem_shared>>
      %dma_wait3A_37 = arith.constant 0 : i32
      %dma_wait3A_38 = tpu.memref_slice %arg13[%add3A_10, %dma_wait3A_37] : memref<10240x128xf32, #tpu.memory_space<vmem_shared>> -> memref<128x128xf32, #tpu.memory_space<vmem_shared>>
      tpu.wait_dma2 semaphore(%run_scoped3A : memref<!tpu.dma_semaphore, #tpu.memory_space<semaphore_mem>>) src(%arg12 : memref<128x128xf32, #tpu.memory_space<vmem>>) dst(%dma_wait3A_38 : memref<128x128xf32, #tpu.memory_space<vmem_shared>>)
      tpu.yield
    }) : () -> ()
    %add3A_11 = arith.constant 384 : i32
    %add3A_12 = arith.addi %mul3A_0, %add3A_11 : i32
    "tpu.region"() ({
      %run_scoped3A = tpu.sem_alloc : memref<!tpu.dma_semaphore, #tpu.memory_space<semaphore_mem>>
      %dma_start3A = arith.constant 0 : i32
      %dma_start3A_33 = tpu.memref_slice %arg13[%add3A_12, %dma_start3A] : memref<10240x128xf32, #tpu.memory_space<vmem_shared>> -> memref<128x128xf32, #tpu.memory_space<vmem_shared>>
      %dma_start3A_34 = arith.constant 0 : i32
      %dma_start3A_35 = tpu.memref_slice %arg13[%add3A_12, %dma_start3A_34] : memref<10240x128xf32, #tpu.memory_space<vmem_shared>> -> memref<128x128xf32, #tpu.memory_space<vmem_shared>>
      tpu.enqueue_dma source(%arg12 : memref<128x128xf32, #tpu.memory_space<vmem>>) target(%dma_start3A_35 : memref<128x128xf32, #tpu.memory_space<vmem_shared>>) target_semaphore(%run_scoped3A : memref<!tpu.dma_semaphore, #tpu.memory_space<semaphore_mem>>)
      %dma_wait3A = arith.constant 0 : i32
      %dma_wait3A_36 = tpu.memref_slice %arg13[%add3A_12, %dma_wait3A] : memref<10240x128xf32, #tpu.memory_space<vmem_shared>> -> memref<128x128xf32, #tpu.memory_space<vmem_shared>>
      %dma_wait3A_37 = arith.constant 0 : i32
      %dma_wait3A_38 = tpu.memref_slice %arg13[%add3A_12, %dma_wait3A_37] : memref<10240x128xf32, #tpu.memory_space<vmem_shared>> -> memref<128x128xf32, #tpu.memory_space<vmem_shared>>
      tpu.wait_dma2 semaphore(%run_scoped3A : memref<!tpu.dma_semaphore, #tpu.memory_space<semaphore_mem>>) src(%arg12 : memref<128x128xf32, #tpu.memory_space<vmem>>) dst(%dma_wait3A_38 : memref<128x128xf32, #tpu.memory_space<vmem_shared>>)
      tpu.yield
    }) : () -> ()
    %add3A_13 = arith.constant 512 : i32
    %add3A_14 = arith.addi %mul3A_0, %add3A_13 : i32
    "tpu.region"() ({
      %run_scoped3A = tpu.sem_alloc : memref<!tpu.dma_semaphore, #tpu.memory_space<semaphore_mem>>
      %dma_start3A = arith.constant 0 : i32
      %dma_start3A_33 = tpu.memref_slice %arg13[%add3A_14, %dma_start3A] : memref<10240x128xf32, #tpu.memory_space<vmem_shared>> -> memref<128x128xf32, #tpu.memory_space<vmem_shared>>
      %dma_start3A_34 = arith.constant 0 : i32
      %dma_start3A_35 = tpu.memref_slice %arg13[%add3A_14, %dma_start3A_34] : memref<10240x128xf32, #tpu.memory_space<vmem_shared>> -> memref<128x128xf32, #tpu.memory_space<vmem_shared>>
      tpu.enqueue_dma source(%arg12 : memref<128x128xf32, #tpu.memory_space<vmem>>) target(%dma_start3A_35 : memref<128x128xf32, #tpu.memory_space<vmem_shared>>) target_semaphore(%run_scoped3A : memref<!tpu.dma_semaphore, #tpu.memory_space<semaphore_mem>>)
      %dma_wait3A = arith.constant 0 : i32
      %dma_wait3A_36 = tpu.memref_slice %arg13[%add3A_14, %dma_wait3A] : memref<10240x128xf32, #tpu.memory_space<vmem_shared>> -> memref<128x128xf32, #tpu.memory_space<vmem_shared>>
      %dma_wait3A_37 = arith.constant 0 : i32
      %dma_wait3A_38 = tpu.memref_slice %arg13[%add3A_14, %dma_wait3A_37] : memref<10240x128xf32, #tpu.memory_space<vmem_shared>> -> memref<128x128xf32, #tpu.memory_space<vmem_shared>>
      tpu.wait_dma2 semaphore(%run_scoped3A : memref<!tpu.dma_semaphore, #tpu.memory_space<semaphore_mem>>) src(%arg12 : memref<128x128xf32, #tpu.memory_space<vmem>>) dst(%dma_wait3A_38 : memref<128x128xf32, #tpu.memory_space<vmem_shared>>)
      tpu.yield
    }) : () -> ()
    %barrier3A = arith.constant 0 : index
    tpu.barrier barrier_id(%barrier3A)
    %eq3A = arith.constant 0 : i32
    %eq3A_15 = arith.cmpi eq, %arg0, %eq3A : i32
    %convert_element_type3A = arith.extui %eq3A_15 : i1 to i32
    %cond3A = arith.constant 0 : i32
    %cond3A_16 = arith.cmpi ne, %convert_element_type3A, %cond3A : i32
    scf.if %cond3A_16 {
      %mul3A_33 = arith.constant 160 : i32
      %mul3A_34 = arith.muli %arg1, %mul3A_33 : i32
      %add3A_35 = arith.constant 0 : i32
      %add3A_36 = arith.addi %mul3A_34, %add3A_35 : i32
      "tpu.region"() ({
        %run_scoped3A = tpu.sem_alloc : memref<!tpu.dma_semaphore, #tpu.memory_space<semaphore_mem>>
        %dma_start3A = arith.constant 0 : i32
        %dma_start3A_78 = tpu.memref_slice %arg4[%add3A_36, %dma_start3A] : memref<2560x128xi32, #tpu.memory_space<hbm>> -> memref<32x128xi32, #tpu.memory_space<hbm>>
        %dma_start3A_79 = arith.constant 0 : i32
        %dma_start3A_80 = tpu.memref_slice %arg4[%add3A_36, %dma_start3A_79] : memref<2560x128xi32, #tpu.memory_space<hbm>> -> memref<32x128xi32, #tpu.memory_space<hbm>>
        tpu.enqueue_dma source(%dma_start3A_80 : memref<32x128xi32, #tpu.memory_space<hbm>>) target(%arg10 : memref<32x128xi32, #tpu.memory_space<vmem>>) target_semaphore(%run_scoped3A : memref<!tpu.dma_semaphore, #tpu.memory_space<semaphore_mem>>)
        %dma_wait3A = arith.constant 0 : i32
        %dma_wait3A_81 = tpu.memref_slice %arg4[%add3A_36, %dma_wait3A] : memref<2560x128xi32, #tpu.memory_space<hbm>> -> memref<32x128xi32, #tpu.memory_space<hbm>>
        %dma_wait3A_82 = arith.constant 0 : i32
        %dma_wait3A_83 = tpu.memref_slice %arg4[%add3A_36, %dma_wait3A_82] : memref<2560x128xi32, #tpu.memory_space<hbm>> -> memref<32x128xi32, #tpu.memory_space<hbm>>
        tpu.wait_dma2 semaphore(%run_scoped3A : memref<!tpu.dma_semaphore, #tpu.memory_space<semaphore_mem>>) src(%dma_wait3A_83 : memref<32x128xi32, #tpu.memory_space<hbm>>) dst(%arg10 : memref<32x128xi32, #tpu.memory_space<vmem>>)
        tpu.yield
      }) : () -> ()
      "tpu.region"() ({
        %run_scoped3A = tpu.sem_alloc : memref<!tpu.dma_semaphore, #tpu.memory_space<semaphore_mem>>
        %dma_start3A = arith.constant 0 : i32
        %dma_start3A_78 = tpu.memref_slice %arg5[%add3A_36, %dma_start3A] : memref<2560x128xi32, #tpu.memory_space<hbm>> -> memref<32x128xi32, #tpu.memory_space<hbm>>
        %dma_start3A_79 = arith.constant 0 : i32
        %dma_start3A_80 = tpu.memref_slice %arg5[%add3A_36, %dma_start3A_79] : memref<2560x128xi32, #tpu.memory_space<hbm>> -> memref<32x128xi32, #tpu.memory_space<hbm>>
        tpu.enqueue_dma source(%dma_start3A_80 : memref<32x128xi32, #tpu.memory_space<hbm>>) target(%arg11 : memref<32x128xi32, #tpu.memory_space<vmem>>) target_semaphore(%run_scoped3A : memref<!tpu.dma_semaphore, #tpu.memory_space<semaphore_mem>>)
        %dma_wait3A = arith.constant 0 : i32
        %dma_wait3A_81 = tpu.memref_slice %arg5[%add3A_36, %dma_wait3A] : memref<2560x128xi32, #tpu.memory_space<hbm>> -> memref<32x128xi32, #tpu.memory_space<hbm>>
        %dma_wait3A_82 = arith.constant 0 : i32
        %dma_wait3A_83 = tpu.memref_slice %arg5[%add3A_36, %dma_wait3A_82] : memref<2560x128xi32, #tpu.memory_space<hbm>> -> memref<32x128xi32, #tpu.memory_space<hbm>>
        tpu.wait_dma2 semaphore(%run_scoped3A : memref<!tpu.dma_semaphore, #tpu.memory_space<semaphore_mem>>) src(%dma_wait3A_83 : memref<32x128xi32, #tpu.memory_space<hbm>>) dst(%arg11 : memref<32x128xi32, #tpu.memory_space<vmem>>)
        tpu.yield
      }) : () -> ()
      %scan3A_37 = arith.constant 0 : i32
      %scan3A_38 = arith.constant 32 : i32
      %scan3A_39 = arith.addi %scan3A_37, %scan3A_38 : i32
      %scan3A_40 = arith.constant 1 : i32
      scf.for %scan3A_78 = %scan3A_37 to %scan3A_39 step %scan3A_40  : i32 {
        %mul3A_79 = arith.constant 1 : i32
        %mul3A_80 = arith.muli %scan3A_78, %mul3A_79 : i32
        %add3A_81 = arith.constant 0 : i32
        %add3A_82 = arith.addi %add3A_81, %mul3A_80 : i32
        "tpu.region"() ({
          %run_scoped3A = tpu.sem_alloc : memref<!tpu.dma_semaphore, #tpu.memory_space<semaphore_mem>>
          %dma_start3A = arith.constant 0 : i32
          %dma_start3A_83 = tpu.memref_slice %arg10[%add3A_82, %dma_start3A] : memref<32x128xi32, #tpu.memory_space<vmem>> -> memref<1x128xi32, #tpu.memory_space<vmem>>
          %dma_start3A_84 = tpu.memref_squeeze %dma_start3A_83 : memref<1x128xi32, #tpu.memory_space<vmem>> -> memref<128xi32, #tpu.memory_space<vmem>>
          %dma_start3A_85 = arith.constant 0 : i32
          %dma_start3A_86 = arith.constant 0 : i32
          %dma_start3A_87 = tpu.memref_slice %arg2[%dma_start3A_85, %dma_start3A_86] : memref<10000x128xf32, #tpu.memory_space<hbm>> -> memref<10000x128xf32, #tpu.memory_space<hbm>>
          tpu.enqueue_indirect_dma source(%dma_start3A_87 : memref<10000x128xf32, #tpu.memory_space<hbm>>) target(%arg12 : memref<128x128xf32, #tpu.memory_space<vmem>>) offsets(%dma_start3A_84 : memref<128xi32, #tpu.memory_space<vmem>>) semaphore(%run_scoped3A : memref<!tpu.dma_semaphore, #tpu.memory_space<semaphore_mem>>)
          %dma_wait3A = arith.constant 0 : i32
          %dma_wait3A_88 = tpu.memref_slice %arg10[%add3A_82, %dma_wait3A] : memref<32x128xi32, #tpu.memory_space<vmem>> -> memref<1x128xi32, #tpu.memory_space<vmem>>
          %dma_wait3A_89 = tpu.memref_squeeze %dma_wait3A_88 : memref<1x128xi32, #tpu.memory_space<vmem>> -> memref<128xi32, #tpu.memory_space<vmem>>
          %dma_wait3A_90 = arith.constant 0 : i32
          %dma_wait3A_91 = arith.constant 0 : i32
          %dma_wait3A_92 = tpu.memref_slice %arg2[%dma_wait3A_90, %dma_wait3A_91] : memref<10000x128xf32, #tpu.memory_space<hbm>> -> memref<10000x128xf32, #tpu.memory_space<hbm>>
          tpu.wait_indirect_dma semaphore(%run_scoped3A : memref<!tpu.dma_semaphore, #tpu.memory_space<semaphore_mem>>) src(%dma_wait3A_92 : memref<10000x128xf32, #tpu.memory_space<hbm>>) dst(%arg12 : memref<128x128xf32, #tpu.memory_space<vmem>>)
          tpu.yield
        }) : () -> ()
        "tpu.region"() ({
          %run_scoped3A = tpu.sem_alloc : memref<!tpu.dma_semaphore, #tpu.memory_space<semaphore_mem>>
          %dma_start3A = arith.constant 0 : i32
          %dma_start3A_83 = tpu.memref_slice %arg11[%add3A_82, %dma_start3A] : memref<32x128xi32, #tpu.memory_space<vmem>> -> memref<1x128xi32, #tpu.memory_space<vmem>>
          %dma_start3A_84 = tpu.memref_squeeze %dma_start3A_83 : memref<1x128xi32, #tpu.memory_space<vmem>> -> memref<128xi32, #tpu.memory_space<vmem>>
          %dma_start3A_85 = arith.constant 0 : i32
          %dma_start3A_86 = arith.constant 0 : i32
          %dma_start3A_87 = tpu.memref_slice %arg13[%dma_start3A_85, %dma_start3A_86] : memref<10240x128xf32, #tpu.memory_space<vmem_shared>> -> memref<10240x128xf32, #tpu.memory_space<vmem_shared>>
          tpu.enqueue_indirect_dma source(%arg12 : memref<128x128xf32, #tpu.memory_space<vmem>>) target(%dma_start3A_87 : memref<10240x128xf32, #tpu.memory_space<vmem_shared>>) offsets(%dma_start3A_84 : memref<128xi32, #tpu.memory_space<vmem>>) semaphore(%run_scoped3A : memref<!tpu.dma_semaphore, #tpu.memory_space<semaphore_mem>>) {add = true}
          %dma_wait3A = arith.constant 0 : i32
          %dma_wait3A_88 = tpu.memref_slice %arg11[%add3A_82, %dma_wait3A] : memref<32x128xi32, #tpu.memory_space<vmem>> -> memref<1x128xi32, #tpu.memory_space<vmem>>
          %dma_wait3A_89 = tpu.memref_squeeze %dma_wait3A_88 : memref<1x128xi32, #tpu.memory_space<vmem>> -> memref<128xi32, #tpu.memory_space<vmem>>
          %dma_wait3A_90 = arith.constant 0 : i32
          %dma_wait3A_91 = arith.constant 0 : i32
          %dma_wait3A_92 = tpu.memref_slice %arg13[%dma_wait3A_90, %dma_wait3A_91] : memref<10240x128xf32, #tpu.memory_space<vmem_shared>> -> memref<10240x128xf32, #tpu.memory_space<vmem_shared>>
          tpu.wait_indirect_dma semaphore(%run_scoped3A : memref<!tpu.dma_semaphore, #tpu.memory_space<semaphore_mem>>) src(%arg12 : memref<128x128xf32, #tpu.memory_space<vmem>>) dst(%dma_wait3A_92 : memref<10240x128xf32, #tpu.memory_space<vmem_shared>>)
          tpu.yield
        }) : () -> ()
      }
      %scan3A_41 = arith.constant 32 : i32
      %mul3A_42 = arith.constant 160 : i32
      %mul3A_43 = arith.muli %arg1, %mul3A_42 : i32
      %add3A_44 = arith.constant 32 : i32
      %add3A_45 = arith.addi %mul3A_43, %add3A_44 : i32
      "tpu.region"() ({
        %run_scoped3A = tpu.sem_alloc : memref<!tpu.dma_semaphore, #tpu.memory_space<semaphore_mem>>
        %dma_start3A = arith.constant 0 : i32
        %dma_start3A_78 = tpu.memref_slice %arg4[%add3A_45, %dma_start3A] : memref<2560x128xi32, #tpu.memory_space<hbm>> -> memref<32x128xi32, #tpu.memory_space<hbm>>
        %dma_start3A_79 = arith.constant 0 : i32
        %dma_start3A_80 = tpu.memref_slice %arg4[%add3A_45, %dma_start3A_79] : memref<2560x128xi32, #tpu.memory_space<hbm>> -> memref<32x128xi32, #tpu.memory_space<hbm>>
        tpu.enqueue_dma source(%dma_start3A_80 : memref<32x128xi32, #tpu.memory_space<hbm>>) target(%arg10 : memref<32x128xi32, #tpu.memory_space<vmem>>) target_semaphore(%run_scoped3A : memref<!tpu.dma_semaphore, #tpu.memory_space<semaphore_mem>>)
        %dma_wait3A = arith.constant 0 : i32
        %dma_wait3A_81 = tpu.memref_slice %arg4[%add3A_45, %dma_wait3A] : memref<2560x128xi32, #tpu.memory_space<hbm>> -> memref<32x128xi32, #tpu.memory_space<hbm>>
        %dma_wait3A_82 = arith.constant 0 : i32
        %dma_wait3A_83 = tpu.memref_slice %arg4[%add3A_45, %dma_wait3A_82] : memref<2560x128xi32, #tpu.memory_space<hbm>> -> memref<32x128xi32, #tpu.memory_space<hbm>>
        tpu.wait_dma2 semaphore(%run_scoped3A : memref<!tpu.dma_semaphore, #tpu.memory_space<semaphore_mem>>) src(%dma_wait3A_83 : memref<32x128xi32, #tpu.memory_space<hbm>>) dst(%arg10 : memref<32x128xi32, #tpu.memory_space<vmem>>)
        tpu.yield
      }) : () -> ()
      "tpu.region"() ({
        %run_scoped3A = tpu.sem_alloc : memref<!tpu.dma_semaphore, #tpu.memory_space<semaphore_mem>>
        %dma_start3A = arith.constant 0 : i32
        %dma_start3A_78 = tpu.memref_slice %arg5[%add3A_45, %dma_start3A] : memref<2560x128xi32, #tpu.memory_space<hbm>> -> memref<32x128xi32, #tpu.memory_space<hbm>>
        %dma_start3A_79 = arith.constant 0 : i32
        %dma_start3A_80 = tpu.memref_slice %arg5[%add3A_45, %dma_start3A_79] : memref<2560x128xi32, #tpu.memory_space<hbm>> -> memref<32x128xi32, #tpu.memory_space<hbm>>
        tpu.enqueue_dma source(%dma_start3A_80 : memref<32x128xi32, #tpu.memory_space<hbm>>) target(%arg11 : memref<32x128xi32, #tpu.memory_space<vmem>>) target_semaphore(%run_scoped3A : memref<!tpu.dma_semaphore, #tpu.memory_space<semaphore_mem>>)
        %dma_wait3A = arith.constant 0 : i32
        %dma_wait3A_81 = tpu.memref_slice %arg5[%add3A_45, %dma_wait3A] : memref<2560x128xi32, #tpu.memory_space<hbm>> -> memref<32x128xi32, #tpu.memory_space<hbm>>
        %dma_wait3A_82 = arith.constant 0 : i32
        %dma_wait3A_83 = tpu.memref_slice %arg5[%add3A_45, %dma_wait3A_82] : memref<2560x128xi32, #tpu.memory_space<hbm>> -> memref<32x128xi32, #tpu.memory_space<hbm>>
        tpu.wait_dma2 semaphore(%run_scoped3A : memref<!tpu.dma_semaphore, #tpu.memory_space<semaphore_mem>>) src(%dma_wait3A_83 : memref<32x128xi32, #tpu.memory_space<hbm>>) dst(%arg11 : memref<32x128xi32, #tpu.memory_space<vmem>>)
        tpu.yield
      }) : () -> ()
      %scan3A_46 = arith.constant 0 : i32
      %scan3A_47 = arith.constant 32 : i32
      %scan3A_48 = arith.addi %scan3A_46, %scan3A_47 : i32
      %scan3A_49 = arith.constant 1 : i32
      scf.for %scan3A_78 = %scan3A_46 to %scan3A_48 step %scan3A_49  : i32 {
        %mul3A_79 = arith.constant 1 : i32
        %mul3A_80 = arith.muli %scan3A_78, %mul3A_79 : i32
        %add3A_81 = arith.constant 0 : i32
        %add3A_82 = arith.addi %add3A_81, %mul3A_80 : i32
        "tpu.region"() ({
          %run_scoped3A = tpu.sem_alloc : memref<!tpu.dma_semaphore, #tpu.memory_space<semaphore_mem>>
          %dma_start3A = arith.constant 0 : i32
          %dma_start3A_83 = tpu.memref_slice %arg10[%add3A_82, %dma_start3A] : memref<32x128xi32, #tpu.memory_space<vmem>> -> memref<1x128xi32, #tpu.memory_space<vmem>>
          %dma_start3A_84 = tpu.memref_squeeze %dma_start3A_83 : memref<1x128xi32, #tpu.memory_space<vmem>> -> memref<128xi32, #tpu.memory_space<vmem>>
          %dma_start3A_85 = arith.constant 0 : i32
          %dma_start3A_86 = arith.constant 0 : i32
          %dma_start3A_87 = tpu.memref_slice %arg2[%dma_start3A_85, %dma_start3A_86] : memref<10000x128xf32, #tpu.memory_space<hbm>> -> memref<10000x128xf32, #tpu.memory_space<hbm>>
          tpu.enqueue_indirect_dma source(%dma_start3A_87 : memref<10000x128xf32, #tpu.memory_space<hbm>>) target(%arg12 : memref<128x128xf32, #tpu.memory_space<vmem>>) offsets(%dma_start3A_84 : memref<128xi32, #tpu.memory_space<vmem>>) semaphore(%run_scoped3A : memref<!tpu.dma_semaphore, #tpu.memory_space<semaphore_mem>>)
          %dma_wait3A = arith.constant 0 : i32
          %dma_wait3A_88 = tpu.memref_slice %arg10[%add3A_82, %dma_wait3A] : memref<32x128xi32, #tpu.memory_space<vmem>> -> memref<1x128xi32, #tpu.memory_space<vmem>>
          %dma_wait3A_89 = tpu.memref_squeeze %dma_wait3A_88 : memref<1x128xi32, #tpu.memory_space<vmem>> -> memref<128xi32, #tpu.memory_space<vmem>>
          %dma_wait3A_90 = arith.constant 0 : i32
          %dma_wait3A_91 = arith.constant 0 : i32
          %dma_wait3A_92 = tpu.memref_slice %arg2[%dma_wait3A_90, %dma_wait3A_91] : memref<10000x128xf32, #tpu.memory_space<hbm>> -> memref<10000x128xf32, #tpu.memory_space<hbm>>
          tpu.wait_indirect_dma semaphore(%run_scoped3A : memref<!tpu.dma_semaphore, #tpu.memory_space<semaphore_mem>>) src(%dma_wait3A_92 : memref<10000x128xf32, #tpu.memory_space<hbm>>) dst(%arg12 : memref<128x128xf32, #tpu.memory_space<vmem>>)
          tpu.yield
        }) : () -> ()
        "tpu.region"() ({
          %run_scoped3A = tpu.sem_alloc : memref<!tpu.dma_semaphore, #tpu.memory_space<semaphore_mem>>
          %dma_start3A = arith.constant 0 : i32
          %dma_start3A_83 = tpu.memref_slice %arg11[%add3A_82, %dma_start3A] : memref<32x128xi32, #tpu.memory_space<vmem>> -> memref<1x128xi32, #tpu.memory_space<vmem>>
          %dma_start3A_84 = tpu.memref_squeeze %dma_start3A_83 : memref<1x128xi32, #tpu.memory_space<vmem>> -> memref<128xi32, #tpu.memory_space<vmem>>
          %dma_start3A_85 = arith.constant 0 : i32
          %dma_start3A_86 = arith.constant 0 : i32
          %dma_start3A_87 = tpu.memref_slice %arg13[%dma_start3A_85, %dma_start3A_86] : memref<10240x128xf32, #tpu.memory_space<vmem_shared>> -> memref<10240x128xf32, #tpu.memory_space<vmem_shared>>
          tpu.enqueue_indirect_dma source(%arg12 : memref<128x128xf32, #tpu.memory_space<vmem>>) target(%dma_start3A_87 : memref<10240x128xf32, #tpu.memory_space<vmem_shared>>) offsets(%dma_start3A_84 : memref<128xi32, #tpu.memory_space<vmem>>) semaphore(%run_scoped3A : memref<!tpu.dma_semaphore, #tpu.memory_space<semaphore_mem>>) {add = true}
          %dma_wait3A = arith.constant 0 : i32
          %dma_wait3A_88 = tpu.memref_slice %arg11[%add3A_82, %dma_wait3A] : memref<32x128xi32, #tpu.memory_space<vmem>> -> memref<1x128xi32, #tpu.memory_space<vmem>>
          %dma_wait3A_89 = tpu.memref_squeeze %dma_wait3A_88 : memref<1x128xi32, #tpu.memory_space<vmem>> -> memref<128xi32, #tpu.memory_space<vmem>>
          %dma_wait3A_90 = arith.constant 0 : i32
          %dma_wait3A_91 = arith.constant 0 : i32
          %dma_wait3A_92 = tpu.memref_slice %arg13[%dma_wait3A_90, %dma_wait3A_91] : memref<10240x128xf32, #tpu.memory_space<vmem_shared>> -> memref<10240x128xf32, #tpu.memory_space<vmem_shared>>
          tpu.wait_indirect_dma semaphore(%run_scoped3A : memref<!tpu.dma_semaphore, #tpu.memory_space<semaphore_mem>>) src(%arg12 : memref<128x128xf32, #tpu.memory_space<vmem>>) dst(%dma_wait3A_92 : memref<10240x128xf32, #tpu.memory_space<vmem_shared>>)
          tpu.yield
        }) : () -> ()
      }
      %scan3A_50 = arith.constant 32 : i32
      %mul3A_51 = arith.constant 160 : i32
      %mul3A_52 = arith.muli %arg1, %mul3A_51 : i32
      %add3A_53 = arith.constant 64 : i32
      %add3A_54 = arith.addi %mul3A_52, %add3A_53 : i32
      "tpu.region"() ({
        %run_scoped3A = tpu.sem_alloc : memref<!tpu.dma_semaphore, #tpu.memory_space<semaphore_mem>>
        %dma_start3A = arith.constant 0 : i32
        %dma_start3A_78 = tpu.memref_slice %arg4[%add3A_54, %dma_start3A] : memref<2560x128xi32, #tpu.memory_space<hbm>> -> memref<32x128xi32, #tpu.memory_space<hbm>>
        %dma_start3A_79 = arith.constant 0 : i32
        %dma_start3A_80 = tpu.memref_slice %arg4[%add3A_54, %dma_start3A_79] : memref<2560x128xi32, #tpu.memory_space<hbm>> -> memref<32x128xi32, #tpu.memory_space<hbm>>
        tpu.enqueue_dma source(%dma_start3A_80 : memref<32x128xi32, #tpu.memory_space<hbm>>) target(%arg10 : memref<32x128xi32, #tpu.memory_space<vmem>>) target_semaphore(%run_scoped3A : memref<!tpu.dma_semaphore, #tpu.memory_space<semaphore_mem>>)
        %dma_wait3A = arith.constant 0 : i32
        %dma_wait3A_81 = tpu.memref_slice %arg4[%add3A_54, %dma_wait3A] : memref<2560x128xi32, #tpu.memory_space<hbm>> -> memref<32x128xi32, #tpu.memory_space<hbm>>
        %dma_wait3A_82 = arith.constant 0 : i32
        %dma_wait3A_83 = tpu.memref_slice %arg4[%add3A_54, %dma_wait3A_82] : memref<2560x128xi32, #tpu.memory_space<hbm>> -> memref<32x128xi32, #tpu.memory_space<hbm>>
        tpu.wait_dma2 semaphore(%run_scoped3A : memref<!tpu.dma_semaphore, #tpu.memory_space<semaphore_mem>>) src(%dma_wait3A_83 : memref<32x128xi32, #tpu.memory_space<hbm>>) dst(%arg10 : memref<32x128xi32, #tpu.memory_space<vmem>>)
        tpu.yield
      }) : () -> ()
      "tpu.region"() ({
        %run_scoped3A = tpu.sem_alloc : memref<!tpu.dma_semaphore, #tpu.memory_space<semaphore_mem>>
        %dma_start3A = arith.constant 0 : i32
        %dma_start3A_78 = tpu.memref_slice %arg5[%add3A_54, %dma_start3A] : memref<2560x128xi32, #tpu.memory_space<hbm>> -> memref<32x128xi32, #tpu.memory_space<hbm>>
        %dma_start3A_79 = arith.constant 0 : i32
        %dma_start3A_80 = tpu.memref_slice %arg5[%add3A_54, %dma_start3A_79] : memref<2560x128xi32, #tpu.memory_space<hbm>> -> memref<32x128xi32, #tpu.memory_space<hbm>>
        tpu.enqueue_dma source(%dma_start3A_80 : memref<32x128xi32, #tpu.memory_space<hbm>>) target(%arg11 : memref<32x128xi32, #tpu.memory_space<vmem>>) target_semaphore(%run_scoped3A : memref<!tpu.dma_semaphore, #tpu.memory_space<semaphore_mem>>)
        %dma_wait3A = arith.constant 0 : i32
        %dma_wait3A_81 = tpu.memref_slice %arg5[%add3A_54, %dma_wait3A] : memref<2560x128xi32, #tpu.memory_space<hbm>> -> memref<32x128xi32, #tpu.memory_space<hbm>>
        %dma_wait3A_82 = arith.constant 0 : i32
        %dma_wait3A_83 = tpu.memref_slice %arg5[%add3A_54, %dma_wait3A_82] : memref<2560x128xi32, #tpu.memory_space<hbm>> -> memref<32x128xi32, #tpu.memory_space<hbm>>
        tpu.wait_dma2 semaphore(%run_scoped3A : memref<!tpu.dma_semaphore, #tpu.memory_space<semaphore_mem>>) src(%dma_wait3A_83 : memref<32x128xi32, #tpu.memory_space<hbm>>) dst(%arg11 : memref<32x128xi32, #tpu.memory_space<vmem>>)
        tpu.yield
      }) : () -> ()
      %scan3A_55 = arith.constant 0 : i32
      %scan3A_56 = arith.constant 32 : i32
      %scan3A_57 = arith.addi %scan3A_55, %scan3A_56 : i32
      %scan3A_58 = arith.constant 1 : i32
      scf.for %scan3A_78 = %scan3A_55 to %scan3A_57 step %scan3A_58  : i32 {
        %mul3A_79 = arith.constant 1 : i32
        %mul3A_80 = arith.muli %scan3A_78, %mul3A_79 : i32
        %add3A_81 = arith.constant 0 : i32
        %add3A_82 = arith.addi %add3A_81, %mul3A_80 : i32
        "tpu.region"() ({
          %run_scoped3A = tpu.sem_alloc : memref<!tpu.dma_semaphore, #tpu.memory_space<semaphore_mem>>
          %dma_start3A = arith.constant 0 : i32
          %dma_start3A_83 = tpu.memref_slice %arg10[%add3A_82, %dma_start3A] : memref<32x128xi32, #tpu.memory_space<vmem>> -> memref<1x128xi32, #tpu.memory_space<vmem>>
          %dma_start3A_84 = tpu.memref_squeeze %dma_start3A_83 : memref<1x128xi32, #tpu.memory_space<vmem>> -> memref<128xi32, #tpu.memory_space<vmem>>
          %dma_start3A_85 = arith.constant 0 : i32
          %dma_start3A_86 = arith.constant 0 : i32
          %dma_start3A_87 = tpu.memref_slice %arg2[%dma_start3A_85, %dma_start3A_86] : memref<10000x128xf32, #tpu.memory_space<hbm>> -> memref<10000x128xf32, #tpu.memory_space<hbm>>
          tpu.enqueue_indirect_dma source(%dma_start3A_87 : memref<10000x128xf32, #tpu.memory_space<hbm>>) target(%arg12 : memref<128x128xf32, #tpu.memory_space<vmem>>) offsets(%dma_start3A_84 : memref<128xi32, #tpu.memory_space<vmem>>) semaphore(%run_scoped3A : memref<!tpu.dma_semaphore, #tpu.memory_space<semaphore_mem>>)
          %dma_wait3A = arith.constant 0 : i32
          %dma_wait3A_88 = tpu.memref_slice %arg10[%add3A_82, %dma_wait3A] : memref<32x128xi32, #tpu.memory_space<vmem>> -> memref<1x128xi32, #tpu.memory_space<vmem>>
          %dma_wait3A_89 = tpu.memref_squeeze %dma_wait3A_88 : memref<1x128xi32, #tpu.memory_space<vmem>> -> memref<128xi32, #tpu.memory_space<vmem>>
          %dma_wait3A_90 = arith.constant 0 : i32
          %dma_wait3A_91 = arith.constant 0 : i32
          %dma_wait3A_92 = tpu.memref_slice %arg2[%dma_wait3A_90, %dma_wait3A_91] : memref<10000x128xf32, #tpu.memory_space<hbm>> -> memref<10000x128xf32, #tpu.memory_space<hbm>>
          tpu.wait_indirect_dma semaphore(%run_scoped3A : memref<!tpu.dma_semaphore, #tpu.memory_space<semaphore_mem>>) src(%dma_wait3A_92 : memref<10000x128xf32, #tpu.memory_space<hbm>>) dst(%arg12 : memref<128x128xf32, #tpu.memory_space<vmem>>)
          tpu.yield
        }) : () -> ()
        "tpu.region"() ({
          %run_scoped3A = tpu.sem_alloc : memref<!tpu.dma_semaphore, #tpu.memory_space<semaphore_mem>>
          %dma_start3A = arith.constant 0 : i32
          %dma_start3A_83 = tpu.memref_slice %arg11[%add3A_82, %dma_start3A] : memref<32x128xi32, #tpu.memory_space<vmem>> -> memref<1x128xi32, #tpu.memory_space<vmem>>
          %dma_start3A_84 = tpu.memref_squeeze %dma_start3A_83 : memref<1x128xi32, #tpu.memory_space<vmem>> -> memref<128xi32, #tpu.memory_space<vmem>>
          %dma_start3A_85 = arith.constant 0 : i32
          %dma_start3A_86 = arith.constant 0 : i32
          %dma_start3A_87 = tpu.memref_slice %arg13[%dma_start3A_85, %dma_start3A_86] : memref<10240x128xf32, #tpu.memory_space<vmem_shared>> -> memref<10240x128xf32, #tpu.memory_space<vmem_shared>>
          tpu.enqueue_indirect_dma source(%arg12 : memref<128x128xf32, #tpu.memory_space<vmem>>) target(%dma_start3A_87 : memref<10240x128xf32, #tpu.memory_space<vmem_shared>>) offsets(%dma_start3A_84 : memref<128xi32, #tpu.memory_space<vmem>>) semaphore(%run_scoped3A : memref<!tpu.dma_semaphore, #tpu.memory_space<semaphore_mem>>) {add = true}
          %dma_wait3A = arith.constant 0 : i32
          %dma_wait3A_88 = tpu.memref_slice %arg11[%add3A_82, %dma_wait3A] : memref<32x128xi32, #tpu.memory_space<vmem>> -> memref<1x128xi32, #tpu.memory_space<vmem>>
          %dma_wait3A_89 = tpu.memref_squeeze %dma_wait3A_88 : memref<1x128xi32, #tpu.memory_space<vmem>> -> memref<128xi32, #tpu.memory_space<vmem>>
          %dma_wait3A_90 = arith.constant 0 : i32
          %dma_wait3A_91 = arith.constant 0 : i32
          %dma_wait3A_92 = tpu.memref_slice %arg13[%dma_wait3A_90, %dma_wait3A_91] : memref<10240x128xf32, #tpu.memory_space<vmem_shared>> -> memref<10240x128xf32, #tpu.memory_space<vmem_shared>>
          tpu.wait_indirect_dma semaphore(%run_scoped3A : memref<!tpu.dma_semaphore, #tpu.memory_space<semaphore_mem>>) src(%arg12 : memref<128x128xf32, #tpu.memory_space<vmem>>) dst(%dma_wait3A_92 : memref<10240x128xf32, #tpu.memory_space<vmem_shared>>)
          tpu.yield
        }) : () -> ()
      }
      %scan3A_59 = arith.constant 32 : i32
      %mul3A_60 = arith.constant 160 : i32
      %mul3A_61 = arith.muli %arg1, %mul3A_60 : i32
      %add3A_62 = arith.constant 96 : i32
      %add3A_63 = arith.addi %mul3A_61, %add3A_62 : i32
      "tpu.region"() ({
        %run_scoped3A = tpu.sem_alloc : memref<!tpu.dma_semaphore, #tpu.memory_space<semaphore_mem>>
        %dma_start3A = arith.constant 0 : i32
        %dma_start3A_78 = tpu.memref_slice %arg4[%add3A_63, %dma_start3A] : memref<2560x128xi32, #tpu.memory_space<hbm>> -> memref<32x128xi32, #tpu.memory_space<hbm>>
        %dma_start3A_79 = arith.constant 0 : i32
        %dma_start3A_80 = tpu.memref_slice %arg4[%add3A_63, %dma_start3A_79] : memref<2560x128xi32, #tpu.memory_space<hbm>> -> memref<32x128xi32, #tpu.memory_space<hbm>>
        tpu.enqueue_dma source(%dma_start3A_80 : memref<32x128xi32, #tpu.memory_space<hbm>>) target(%arg10 : memref<32x128xi32, #tpu.memory_space<vmem>>) target_semaphore(%run_scoped3A : memref<!tpu.dma_semaphore, #tpu.memory_space<semaphore_mem>>)
        %dma_wait3A = arith.constant 0 : i32
        %dma_wait3A_81 = tpu.memref_slice %arg4[%add3A_63, %dma_wait3A] : memref<2560x128xi32, #tpu.memory_space<hbm>> -> memref<32x128xi32, #tpu.memory_space<hbm>>
        %dma_wait3A_82 = arith.constant 0 : i32
        %dma_wait3A_83 = tpu.memref_slice %arg4[%add3A_63, %dma_wait3A_82] : memref<2560x128xi32, #tpu.memory_space<hbm>> -> memref<32x128xi32, #tpu.memory_space<hbm>>
        tpu.wait_dma2 semaphore(%run_scoped3A : memref<!tpu.dma_semaphore, #tpu.memory_space<semaphore_mem>>) src(%dma_wait3A_83 : memref<32x128xi32, #tpu.memory_space<hbm>>) dst(%arg10 : memref<32x128xi32, #tpu.memory_space<vmem>>)
        tpu.yield
      }) : () -> ()
      "tpu.region"() ({
        %run_scoped3A = tpu.sem_alloc : memref<!tpu.dma_semaphore, #tpu.memory_space<semaphore_mem>>
        %dma_start3A = arith.constant 0 : i32
        %dma_start3A_78 = tpu.memref_slice %arg5[%add3A_63, %dma_start3A] : memref<2560x128xi32, #tpu.memory_space<hbm>> -> memref<32x128xi32, #tpu.memory_space<hbm>>
        %dma_start3A_79 = arith.constant 0 : i32
        %dma_start3A_80 = tpu.memref_slice %arg5[%add3A_63, %dma_start3A_79] : memref<2560x128xi32, #tpu.memory_space<hbm>> -> memref<32x128xi32, #tpu.memory_space<hbm>>
        tpu.enqueue_dma source(%dma_start3A_80 : memref<32x128xi32, #tpu.memory_space<hbm>>) target(%arg11 : memref<32x128xi32, #tpu.memory_space<vmem>>) target_semaphore(%run_scoped3A : memref<!tpu.dma_semaphore, #tpu.memory_space<semaphore_mem>>)
        %dma_wait3A = arith.constant 0 : i32
        %dma_wait3A_81 = tpu.memref_slice %arg5[%add3A_63, %dma_wait3A] : memref<2560x128xi32, #tpu.memory_space<hbm>> -> memref<32x128xi32, #tpu.memory_space<hbm>>
        %dma_wait3A_82 = arith.constant 0 : i32
        %dma_wait3A_83 = tpu.memref_slice %arg5[%add3A_63, %dma_wait3A_82] : memref<2560x128xi32, #tpu.memory_space<hbm>> -> memref<32x128xi32, #tpu.memory_space<hbm>>
        tpu.wait_dma2 semaphore(%run_scoped3A : memref<!tpu.dma_semaphore, #tpu.memory_space<semaphore_mem>>) src(%dma_wait3A_83 : memref<32x128xi32, #tpu.memory_space<hbm>>) dst(%arg11 : memref<32x128xi32, #tpu.memory_space<vmem>>)
        tpu.yield
      }) : () -> ()
      %scan3A_64 = arith.constant 0 : i32
      %scan3A_65 = arith.constant 32 : i32
      %scan3A_66 = arith.addi %scan3A_64, %scan3A_65 : i32
      %scan3A_67 = arith.constant 1 : i32
      scf.for %scan3A_78 = %scan3A_64 to %scan3A_66 step %scan3A_67  : i32 {
        %mul3A_79 = arith.constant 1 : i32
        %mul3A_80 = arith.muli %scan3A_78, %mul3A_79 : i32
        %add3A_81 = arith.constant 0 : i32
        %add3A_82 = arith.addi %add3A_81, %mul3A_80 : i32
        "tpu.region"() ({
          %run_scoped3A = tpu.sem_alloc : memref<!tpu.dma_semaphore, #tpu.memory_space<semaphore_mem>>
          %dma_start3A = arith.constant 0 : i32
          %dma_start3A_83 = tpu.memref_slice %arg10[%add3A_82, %dma_start3A] : memref<32x128xi32, #tpu.memory_space<vmem>> -> memref<1x128xi32, #tpu.memory_space<vmem>>
          %dma_start3A_84 = tpu.memref_squeeze %dma_start3A_83 : memref<1x128xi32, #tpu.memory_space<vmem>> -> memref<128xi32, #tpu.memory_space<vmem>>
          %dma_start3A_85 = arith.constant 0 : i32
          %dma_start3A_86 = arith.constant 0 : i32
          %dma_start3A_87 = tpu.memref_slice %arg2[%dma_start3A_85, %dma_start3A_86] : memref<10000x128xf32, #tpu.memory_space<hbm>> -> memref<10000x128xf32, #tpu.memory_space<hbm>>
          tpu.enqueue_indirect_dma source(%dma_start3A_87 : memref<10000x128xf32, #tpu.memory_space<hbm>>) target(%arg12 : memref<128x128xf32, #tpu.memory_space<vmem>>) offsets(%dma_start3A_84 : memref<128xi32, #tpu.memory_space<vmem>>) semaphore(%run_scoped3A : memref<!tpu.dma_semaphore, #tpu.memory_space<semaphore_mem>>)
          %dma_wait3A = arith.constant 0 : i32
          %dma_wait3A_88 = tpu.memref_slice %arg10[%add3A_82, %dma_wait3A] : memref<32x128xi32, #tpu.memory_space<vmem>> -> memref<1x128xi32, #tpu.memory_space<vmem>>
          %dma_wait3A_89 = tpu.memref_squeeze %dma_wait3A_88 : memref<1x128xi32, #tpu.memory_space<vmem>> -> memref<128xi32, #tpu.memory_space<vmem>>
          %dma_wait3A_90 = arith.constant 0 : i32
          %dma_wait3A_91 = arith.constant 0 : i32
          %dma_wait3A_92 = tpu.memref_slice %arg2[%dma_wait3A_90, %dma_wait3A_91] : memref<10000x128xf32, #tpu.memory_space<hbm>> -> memref<10000x128xf32, #tpu.memory_space<hbm>>
          tpu.wait_indirect_dma semaphore(%run_scoped3A : memref<!tpu.dma_semaphore, #tpu.memory_space<semaphore_mem>>) src(%dma_wait3A_92 : memref<10000x128xf32, #tpu.memory_space<hbm>>) dst(%arg12 : memref<128x128xf32, #tpu.memory_space<vmem>>)
          tpu.yield
        }) : () -> ()
        "tpu.region"() ({
          %run_scoped3A = tpu.sem_alloc : memref<!tpu.dma_semaphore, #tpu.memory_space<semaphore_mem>>
          %dma_start3A = arith.constant 0 : i32
          %dma_start3A_83 = tpu.memref_slice %arg11[%add3A_82, %dma_start3A] : memref<32x128xi32, #tpu.memory_space<vmem>> -> memref<1x128xi32, #tpu.memory_space<vmem>>
          %dma_start3A_84 = tpu.memref_squeeze %dma_start3A_83 : memref<1x128xi32, #tpu.memory_space<vmem>> -> memref<128xi32, #tpu.memory_space<vmem>>
          %dma_start3A_85 = arith.constant 0 : i32
          %dma_start3A_86 = arith.constant 0 : i32
          %dma_start3A_87 = tpu.memref_slice %arg13[%dma_start3A_85, %dma_start3A_86] : memref<10240x128xf32, #tpu.memory_space<vmem_shared>> -> memref<10240x128xf32, #tpu.memory_space<vmem_shared>>
          tpu.enqueue_indirect_dma source(%arg12 : memref<128x128xf32, #tpu.memory_space<vmem>>) target(%dma_start3A_87 : memref<10240x128xf32, #tpu.memory_space<vmem_shared>>) offsets(%dma_start3A_84 : memref<128xi32, #tpu.memory_space<vmem>>) semaphore(%run_scoped3A : memref<!tpu.dma_semaphore, #tpu.memory_space<semaphore_mem>>) {add = true}
          %dma_wait3A = arith.constant 0 : i32
          %dma_wait3A_88 = tpu.memref_slice %arg11[%add3A_82, %dma_wait3A] : memref<32x128xi32, #tpu.memory_space<vmem>> -> memref<1x128xi32, #tpu.memory_space<vmem>>
          %dma_wait3A_89 = tpu.memref_squeeze %dma_wait3A_88 : memref<1x128xi32, #tpu.memory_space<vmem>> -> memref<128xi32, #tpu.memory_space<vmem>>
          %dma_wait3A_90 = arith.constant 0 : i32
          %dma_wait3A_91 = arith.constant 0 : i32
          %dma_wait3A_92 = tpu.memref_slice %arg13[%dma_wait3A_90, %dma_wait3A_91] : memref<10240x128xf32, #tpu.memory_space<vmem_shared>> -> memref<10240x128xf32, #tpu.memory_space<vmem_shared>>
          tpu.wait_indirect_dma semaphore(%run_scoped3A : memref<!tpu.dma_semaphore, #tpu.memory_space<semaphore_mem>>) src(%arg12 : memref<128x128xf32, #tpu.memory_space<vmem>>) dst(%dma_wait3A_92 : memref<10240x128xf32, #tpu.memory_space<vmem_shared>>)
          tpu.yield
        }) : () -> ()
      }
      %scan3A_68 = arith.constant 32 : i32
      %mul3A_69 = arith.constant 160 : i32
      %mul3A_70 = arith.muli %arg1, %mul3A_69 : i32
      %add3A_71 = arith.constant 128 : i32
      %add3A_72 = arith.addi %mul3A_70, %add3A_71 : i32
      "tpu.region"() ({
        %run_scoped3A = tpu.sem_alloc : memref<!tpu.dma_semaphore, #tpu.memory_space<semaphore_mem>>
        %dma_start3A = arith.constant 0 : i32
        %dma_start3A_78 = tpu.memref_slice %arg4[%add3A_72, %dma_start3A] : memref<2560x128xi32, #tpu.memory_space<hbm>> -> memref<32x128xi32, #tpu.memory_space<hbm>>
        %dma_start3A_79 = arith.constant 0 : i32
        %dma_start3A_80 = tpu.memref_slice %arg4[%add3A_72, %dma_start3A_79] : memref<2560x128xi32, #tpu.memory_space<hbm>> -> memref<32x128xi32, #tpu.memory_space<hbm>>
        tpu.enqueue_dma source(%dma_start3A_80 : memref<32x128xi32, #tpu.memory_space<hbm>>) target(%arg10 : memref<32x128xi32, #tpu.memory_space<vmem>>) target_semaphore(%run_scoped3A : memref<!tpu.dma_semaphore, #tpu.memory_space<semaphore_mem>>)
        %dma_wait3A = arith.constant 0 : i32
        %dma_wait3A_81 = tpu.memref_slice %arg4[%add3A_72, %dma_wait3A] : memref<2560x128xi32, #tpu.memory_space<hbm>> -> memref<32x128xi32, #tpu.memory_space<hbm>>
        %dma_wait3A_82 = arith.constant 0 : i32
        %dma_wait3A_83 = tpu.memref_slice %arg4[%add3A_72, %dma_wait3A_82] : memref<2560x128xi32, #tpu.memory_space<hbm>> -> memref<32x128xi32, #tpu.memory_space<hbm>>
        tpu.wait_dma2 semaphore(%run_scoped3A : memref<!tpu.dma_semaphore, #tpu.memory_space<semaphore_mem>>) src(%dma_wait3A_83 : memref<32x128xi32, #tpu.memory_space<hbm>>) dst(%arg10 : memref<32x128xi32, #tpu.memory_space<vmem>>)
        tpu.yield
      }) : () -> ()
      "tpu.region"() ({
        %run_scoped3A = tpu.sem_alloc : memref<!tpu.dma_semaphore, #tpu.memory_space<semaphore_mem>>
        %dma_start3A = arith.constant 0 : i32
        %dma_start3A_78 = tpu.memref_slice %arg5[%add3A_72, %dma_start3A] : memref<2560x128xi32, #tpu.memory_space<hbm>> -> memref<32x128xi32, #tpu.memory_space<hbm>>
        %dma_start3A_79 = arith.constant 0 : i32
        %dma_start3A_80 = tpu.memref_slice %arg5[%add3A_72, %dma_start3A_79] : memref<2560x128xi32, #tpu.memory_space<hbm>> -> memref<32x128xi32, #tpu.memory_space<hbm>>
        tpu.enqueue_dma source(%dma_start3A_80 : memref<32x128xi32, #tpu.memory_space<hbm>>) target(%arg11 : memref<32x128xi32, #tpu.memory_space<vmem>>) target_semaphore(%run_scoped3A : memref<!tpu.dma_semaphore, #tpu.memory_space<semaphore_mem>>)
        %dma_wait3A = arith.constant 0 : i32
        %dma_wait3A_81 = tpu.memref_slice %arg5[%add3A_72, %dma_wait3A] : memref<2560x128xi32, #tpu.memory_space<hbm>> -> memref<32x128xi32, #tpu.memory_space<hbm>>
        %dma_wait3A_82 = arith.constant 0 : i32
        %dma_wait3A_83 = tpu.memref_slice %arg5[%add3A_72, %dma_wait3A_82] : memref<2560x128xi32, #tpu.memory_space<hbm>> -> memref<32x128xi32, #tpu.memory_space<hbm>>
        tpu.wait_dma2 semaphore(%run_scoped3A : memref<!tpu.dma_semaphore, #tpu.memory_space<semaphore_mem>>) src(%dma_wait3A_83 : memref<32x128xi32, #tpu.memory_space<hbm>>) dst(%arg11 : memref<32x128xi32, #tpu.memory_space<vmem>>)
        tpu.yield
      }) : () -> ()
      %scan3A_73 = arith.constant 0 : i32
      %scan3A_74 = arith.constant 32 : i32
      %scan3A_75 = arith.addi %scan3A_73, %scan3A_74 : i32
      %scan3A_76 = arith.constant 1 : i32
      scf.for %scan3A_78 = %scan3A_73 to %scan3A_75 step %scan3A_76  : i32 {
        %mul3A_79 = arith.constant 1 : i32
        %mul3A_80 = arith.muli %scan3A_78, %mul3A_79 : i32
        %add3A_81 = arith.constant 0 : i32
        %add3A_82 = arith.addi %add3A_81, %mul3A_80 : i32
        "tpu.region"() ({
          %run_scoped3A = tpu.sem_alloc : memref<!tpu.dma_semaphore, #tpu.memory_space<semaphore_mem>>
          %dma_start3A = arith.constant 0 : i32
          %dma_start3A_83 = tpu.memref_slice %arg10[%add3A_82, %dma_start3A] : memref<32x128xi32, #tpu.memory_space<vmem>> -> memref<1x128xi32, #tpu.memory_space<vmem>>
          %dma_start3A_84 = tpu.memref_squeeze %dma_start3A_83 : memref<1x128xi32, #tpu.memory_space<vmem>> -> memref<128xi32, #tpu.memory_space<vmem>>
          %dma_start3A_85 = arith.constant 0 : i32
          %dma_start3A_86 = arith.constant 0 : i32
          %dma_start3A_87 = tpu.memref_slice %arg2[%dma_start3A_85, %dma_start3A_86] : memref<10000x128xf32, #tpu.memory_space<hbm>> -> memref<10000x128xf32, #tpu.memory_space<hbm>>
          tpu.enqueue_indirect_dma source(%dma_start3A_87 : memref<10000x128xf32, #tpu.memory_space<hbm>>) target(%arg12 : memref<128x128xf32, #tpu.memory_space<vmem>>) offsets(%dma_start3A_84 : memref<128xi32, #tpu.memory_space<vmem>>) semaphore(%run_scoped3A : memref<!tpu.dma_semaphore, #tpu.memory_space<semaphore_mem>>)
          %dma_wait3A = arith.constant 0 : i32
          %dma_wait3A_88 = tpu.memref_slice %arg10[%add3A_82, %dma_wait3A] : memref<32x128xi32, #tpu.memory_space<vmem>> -> memref<1x128xi32, #tpu.memory_space<vmem>>
          %dma_wait3A_89 = tpu.memref_squeeze %dma_wait3A_88 : memref<1x128xi32, #tpu.memory_space<vmem>> -> memref<128xi32, #tpu.memory_space<vmem>>
          %dma_wait3A_90 = arith.constant 0 : i32
          %dma_wait3A_91 = arith.constant 0 : i32
          %dma_wait3A_92 = tpu.memref_slice %arg2[%dma_wait3A_90, %dma_wait3A_91] : memref<10000x128xf32, #tpu.memory_space<hbm>> -> memref<10000x128xf32, #tpu.memory_space<hbm>>
          tpu.wait_indirect_dma semaphore(%run_scoped3A : memref<!tpu.dma_semaphore, #tpu.memory_space<semaphore_mem>>) src(%dma_wait3A_92 : memref<10000x128xf32, #tpu.memory_space<hbm>>) dst(%arg12 : memref<128x128xf32, #tpu.memory_space<vmem>>)
          tpu.yield
        }) : () -> ()
        "tpu.region"() ({
          %run_scoped3A = tpu.sem_alloc : memref<!tpu.dma_semaphore, #tpu.memory_space<semaphore_mem>>
          %dma_start3A = arith.constant 0 : i32
          %dma_start3A_83 = tpu.memref_slice %arg11[%add3A_82, %dma_start3A] : memref<32x128xi32, #tpu.memory_space<vmem>> -> memref<1x128xi32, #tpu.memory_space<vmem>>
          %dma_start3A_84 = tpu.memref_squeeze %dma_start3A_83 : memref<1x128xi32, #tpu.memory_space<vmem>> -> memref<128xi32, #tpu.memory_space<vmem>>
          %dma_start3A_85 = arith.constant 0 : i32
          %dma_start3A_86 = arith.constant 0 : i32
          %dma_start3A_87 = tpu.memref_slice %arg13[%dma_start3A_85, %dma_start3A_86] : memref<10240x128xf32, #tpu.memory_space<vmem_shared>> -> memref<10240x128xf32, #tpu.memory_space<vmem_shared>>
          tpu.enqueue_indirect_dma source(%arg12 : memref<128x128xf32, #tpu.memory_space<vmem>>) target(%dma_start3A_87 : memref<10240x128xf32, #tpu.memory_space<vmem_shared>>) offsets(%dma_start3A_84 : memref<128xi32, #tpu.memory_space<vmem>>) semaphore(%run_scoped3A : memref<!tpu.dma_semaphore, #tpu.memory_space<semaphore_mem>>) {add = true}
          %dma_wait3A = arith.constant 0 : i32
          %dma_wait3A_88 = tpu.memref_slice %arg11[%add3A_82, %dma_wait3A] : memref<32x128xi32, #tpu.memory_space<vmem>> -> memref<1x128xi32, #tpu.memory_space<vmem>>
          %dma_wait3A_89 = tpu.memref_squeeze %dma_wait3A_88 : memref<1x128xi32, #tpu.memory_space<vmem>> -> memref<128xi32, #tpu.memory_space<vmem>>
          %dma_wait3A_90 = arith.constant 0 : i32
          %dma_wait3A_91 = arith.constant 0 : i32
          %dma_wait3A_92 = tpu.memref_slice %arg13[%dma_wait3A_90, %dma_wait3A_91] : memref<10240x128xf32, #tpu.memory_space<vmem_shared>> -> memref<10240x128xf32, #tpu.memory_space<vmem_shared>>
          tpu.wait_indirect_dma semaphore(%run_scoped3A : memref<!tpu.dma_semaphore, #tpu.memory_space<semaphore_mem>>) src(%arg12 : memref<128x128xf32, #tpu.memory_space<vmem>>) dst(%dma_wait3A_92 : memref<10240x128xf32, #tpu.memory_space<vmem_shared>>)
          tpu.yield
        }) : () -> ()
      }
      %scan3A_77 = arith.constant 32 : i32
    } else {
    }
    %eq3A_17 = arith.constant 1 : i32
    %eq3A_18 = arith.cmpi eq, %arg0, %eq3A_17 : i32
    %convert_element_type3A_19 = arith.extui %eq3A_18 : i1 to i32
    %cond3A_20 = arith.constant 0 : i32
    %cond3A_21 = arith.cmpi ne, %convert_element_type3A_19, %cond3A_20 : i32
    scf.if %cond3A_21 {
      %mul3A_33 = arith.constant 160 : i32
      %mul3A_34 = arith.muli %arg1, %mul3A_33 : i32
      %add3A_35 = arith.constant 0 : i32
      %add3A_36 = arith.addi %mul3A_34, %add3A_35 : i32
      "tpu.region"() ({
        %run_scoped3A = tpu.sem_alloc : memref<!tpu.dma_semaphore, #tpu.memory_space<semaphore_mem>>
        %dma_start3A = arith.constant 0 : i32
        %dma_start3A_78 = tpu.memref_slice %arg6[%add3A_36, %dma_start3A] : memref<2560x128xi32, #tpu.memory_space<hbm>> -> memref<32x128xi32, #tpu.memory_space<hbm>>
        %dma_start3A_79 = arith.constant 0 : i32
        %dma_start3A_80 = tpu.memref_slice %arg6[%add3A_36, %dma_start3A_79] : memref<2560x128xi32, #tpu.memory_space<hbm>> -> memref<32x128xi32, #tpu.memory_space<hbm>>
        tpu.enqueue_dma source(%dma_start3A_80 : memref<32x128xi32, #tpu.memory_space<hbm>>) target(%arg10 : memref<32x128xi32, #tpu.memory_space<vmem>>) target_semaphore(%run_scoped3A : memref<!tpu.dma_semaphore, #tpu.memory_space<semaphore_mem>>)
        %dma_wait3A = arith.constant 0 : i32
        %dma_wait3A_81 = tpu.memref_slice %arg6[%add3A_36, %dma_wait3A] : memref<2560x128xi32, #tpu.memory_space<hbm>> -> memref<32x128xi32, #tpu.memory_space<hbm>>
        %dma_wait3A_82 = arith.constant 0 : i32
        %dma_wait3A_83 = tpu.memref_slice %arg6[%add3A_36, %dma_wait3A_82] : memref<2560x128xi32, #tpu.memory_space<hbm>> -> memref<32x128xi32, #tpu.memory_space<hbm>>
        tpu.wait_dma2 semaphore(%run_scoped3A : memref<!tpu.dma_semaphore, #tpu.memory_space<semaphore_mem>>) src(%dma_wait3A_83 : memref<32x128xi32, #tpu.memory_space<hbm>>) dst(%arg10 : memref<32x128xi32, #tpu.memory_space<vmem>>)
        tpu.yield
      }) : () -> ()
      "tpu.region"() ({
        %run_scoped3A = tpu.sem_alloc : memref<!tpu.dma_semaphore, #tpu.memory_space<semaphore_mem>>
        %dma_start3A = arith.constant 0 : i32
        %dma_start3A_78 = tpu.memref_slice %arg7[%add3A_36, %dma_start3A] : memref<2560x128xi32, #tpu.memory_space<hbm>> -> memref<32x128xi32, #tpu.memory_space<hbm>>
        %dma_start3A_79 = arith.constant 0 : i32
        %dma_start3A_80 = tpu.memref_slice %arg7[%add3A_36, %dma_start3A_79] : memref<2560x128xi32, #tpu.memory_space<hbm>> -> memref<32x128xi32, #tpu.memory_space<hbm>>
        tpu.enqueue_dma source(%dma_start3A_80 : memref<32x128xi32, #tpu.memory_space<hbm>>) target(%arg11 : memref<32x128xi32, #tpu.memory_space<vmem>>) target_semaphore(%run_scoped3A : memref<!tpu.dma_semaphore, #tpu.memory_space<semaphore_mem>>)
        %dma_wait3A = arith.constant 0 : i32
        %dma_wait3A_81 = tpu.memref_slice %arg7[%add3A_36, %dma_wait3A] : memref<2560x128xi32, #tpu.memory_space<hbm>> -> memref<32x128xi32, #tpu.memory_space<hbm>>
        %dma_wait3A_82 = arith.constant 0 : i32
        %dma_wait3A_83 = tpu.memref_slice %arg7[%add3A_36, %dma_wait3A_82] : memref<2560x128xi32, #tpu.memory_space<hbm>> -> memref<32x128xi32, #tpu.memory_space<hbm>>
        tpu.wait_dma2 semaphore(%run_scoped3A : memref<!tpu.dma_semaphore, #tpu.memory_space<semaphore_mem>>) src(%dma_wait3A_83 : memref<32x128xi32, #tpu.memory_space<hbm>>) dst(%arg11 : memref<32x128xi32, #tpu.memory_space<vmem>>)
        tpu.yield
      }) : () -> ()
      %scan3A_37 = arith.constant 0 : i32
      %scan3A_38 = arith.constant 32 : i32
      %scan3A_39 = arith.addi %scan3A_37, %scan3A_38 : i32
      %scan3A_40 = arith.constant 1 : i32
      scf.for %scan3A_78 = %scan3A_37 to %scan3A_39 step %scan3A_40  : i32 {
        %mul3A_79 = arith.constant 1 : i32
        %mul3A_80 = arith.muli %scan3A_78, %mul3A_79 : i32
        %add3A_81 = arith.constant 0 : i32
        %add3A_82 = arith.addi %add3A_81, %mul3A_80 : i32
        "tpu.region"() ({
          %run_scoped3A = tpu.sem_alloc : memref<!tpu.dma_semaphore, #tpu.memory_space<semaphore_mem>>
          %dma_start3A = arith.constant 0 : i32
          %dma_start3A_83 = tpu.memref_slice %arg10[%add3A_82, %dma_start3A] : memref<32x128xi32, #tpu.memory_space<vmem>> -> memref<1x128xi32, #tpu.memory_space<vmem>>
          %dma_start3A_84 = tpu.memref_squeeze %dma_start3A_83 : memref<1x128xi32, #tpu.memory_space<vmem>> -> memref<128xi32, #tpu.memory_space<vmem>>
          %dma_start3A_85 = arith.constant 0 : i32
          %dma_start3A_86 = arith.constant 0 : i32
          %dma_start3A_87 = tpu.memref_slice %arg3[%dma_start3A_85, %dma_start3A_86] : memref<10000x128xf32, #tpu.memory_space<hbm>> -> memref<10000x128xf32, #tpu.memory_space<hbm>>
          tpu.enqueue_indirect_dma source(%dma_start3A_87 : memref<10000x128xf32, #tpu.memory_space<hbm>>) target(%arg12 : memref<128x128xf32, #tpu.memory_space<vmem>>) offsets(%dma_start3A_84 : memref<128xi32, #tpu.memory_space<vmem>>) semaphore(%run_scoped3A : memref<!tpu.dma_semaphore, #tpu.memory_space<semaphore_mem>>)
          %dma_wait3A = arith.constant 0 : i32
          %dma_wait3A_88 = tpu.memref_slice %arg10[%add3A_82, %dma_wait3A] : memref<32x128xi32, #tpu.memory_space<vmem>> -> memref<1x128xi32, #tpu.memory_space<vmem>>
          %dma_wait3A_89 = tpu.memref_squeeze %dma_wait3A_88 : memref<1x128xi32, #tpu.memory_space<vmem>> -> memref<128xi32, #tpu.memory_space<vmem>>
          %dma_wait3A_90 = arith.constant 0 : i32
          %dma_wait3A_91 = arith.constant 0 : i32
          %dma_wait3A_92 = tpu.memref_slice %arg3[%dma_wait3A_90, %dma_wait3A_91] : memref<10000x128xf32, #tpu.memory_space<hbm>> -> memref<10000x128xf32, #tpu.memory_space<hbm>>
          tpu.wait_indirect_dma semaphore(%run_scoped3A : memref<!tpu.dma_semaphore, #tpu.memory_space<semaphore_mem>>) src(%dma_wait3A_92 : memref<10000x128xf32, #tpu.memory_space<hbm>>) dst(%arg12 : memref<128x128xf32, #tpu.memory_space<vmem>>)
          tpu.yield
        }) : () -> ()
        "tpu.region"() ({
          %run_scoped3A = tpu.sem_alloc : memref<!tpu.dma_semaphore, #tpu.memory_space<semaphore_mem>>
          %dma_start3A = arith.constant 0 : i32
          %dma_start3A_83 = tpu.memref_slice %arg11[%add3A_82, %dma_start3A] : memref<32x128xi32, #tpu.memory_space<vmem>> -> memref<1x128xi32, #tpu.memory_space<vmem>>
          %dma_start3A_84 = tpu.memref_squeeze %dma_start3A_83 : memref<1x128xi32, #tpu.memory_space<vmem>> -> memref<128xi32, #tpu.memory_space<vmem>>
          %dma_start3A_85 = arith.constant 0 : i32
          %dma_start3A_86 = arith.constant 0 : i32
          %dma_start3A_87 = tpu.memref_slice %arg13[%dma_start3A_85, %dma_start3A_86] : memref<10240x128xf32, #tpu.memory_space<vmem_shared>> -> memref<10240x128xf32, #tpu.memory_space<vmem_shared>>
          tpu.enqueue_indirect_dma source(%arg12 : memref<128x128xf32, #tpu.memory_space<vmem>>) target(%dma_start3A_87 : memref<10240x128xf32, #tpu.memory_space<vmem_shared>>) offsets(%dma_start3A_84 : memref<128xi32, #tpu.memory_space<vmem>>) semaphore(%run_scoped3A : memref<!tpu.dma_semaphore, #tpu.memory_space<semaphore_mem>>) {add = true}
          %dma_wait3A = arith.constant 0 : i32
          %dma_wait3A_88 = tpu.memref_slice %arg11[%add3A_82, %dma_wait3A] : memref<32x128xi32, #tpu.memory_space<vmem>> -> memref<1x128xi32, #tpu.memory_space<vmem>>
          %dma_wait3A_89 = tpu.memref_squeeze %dma_wait3A_88 : memref<1x128xi32, #tpu.memory_space<vmem>> -> memref<128xi32, #tpu.memory_space<vmem>>
          %dma_wait3A_90 = arith.constant 0 : i32
          %dma_wait3A_91 = arith.constant 0 : i32
          %dma_wait3A_92 = tpu.memref_slice %arg13[%dma_wait3A_90, %dma_wait3A_91] : memref<10240x128xf32, #tpu.memory_space<vmem_shared>> -> memref<10240x128xf32, #tpu.memory_space<vmem_shared>>
          tpu.wait_indirect_dma semaphore(%run_scoped3A : memref<!tpu.dma_semaphore, #tpu.memory_space<semaphore_mem>>) src(%arg12 : memref<128x128xf32, #tpu.memory_space<vmem>>) dst(%dma_wait3A_92 : memref<10240x128xf32, #tpu.memory_space<vmem_shared>>)
          tpu.yield
        }) : () -> ()
      }
      %scan3A_41 = arith.constant 32 : i32
      %mul3A_42 = arith.constant 160 : i32
      %mul3A_43 = arith.muli %arg1, %mul3A_42 : i32
      %add3A_44 = arith.constant 32 : i32
      %add3A_45 = arith.addi %mul3A_43, %add3A_44 : i32
      "tpu.region"() ({
        %run_scoped3A = tpu.sem_alloc : memref<!tpu.dma_semaphore, #tpu.memory_space<semaphore_mem>>
        %dma_start3A = arith.constant 0 : i32
        %dma_start3A_78 = tpu.memref_slice %arg6[%add3A_45, %dma_start3A] : memref<2560x128xi32, #tpu.memory_space<hbm>> -> memref<32x128xi32, #tpu.memory_space<hbm>>
        %dma_start3A_79 = arith.constant 0 : i32
        %dma_start3A_80 = tpu.memref_slice %arg6[%add3A_45, %dma_start3A_79] : memref<2560x128xi32, #tpu.memory_space<hbm>> -> memref<32x128xi32, #tpu.memory_space<hbm>>
        tpu.enqueue_dma source(%dma_start3A_80 : memref<32x128xi32, #tpu.memory_space<hbm>>) target(%arg10 : memref<32x128xi32, #tpu.memory_space<vmem>>) target_semaphore(%run_scoped3A : memref<!tpu.dma_semaphore, #tpu.memory_space<semaphore_mem>>)
        %dma_wait3A = arith.constant 0 : i32
        %dma_wait3A_81 = tpu.memref_slice %arg6[%add3A_45, %dma_wait3A] : memref<2560x128xi32, #tpu.memory_space<hbm>> -> memref<32x128xi32, #tpu.memory_space<hbm>>
        %dma_wait3A_82 = arith.constant 0 : i32
        %dma_wait3A_83 = tpu.memref_slice %arg6[%add3A_45, %dma_wait3A_82] : memref<2560x128xi32, #tpu.memory_space<hbm>> -> memref<32x128xi32, #tpu.memory_space<hbm>>
        tpu.wait_dma2 semaphore(%run_scoped3A : memref<!tpu.dma_semaphore, #tpu.memory_space<semaphore_mem>>) src(%dma_wait3A_83 : memref<32x128xi32, #tpu.memory_space<hbm>>) dst(%arg10 : memref<32x128xi32, #tpu.memory_space<vmem>>)
        tpu.yield
      }) : () -> ()
      "tpu.region"() ({
        %run_scoped3A = tpu.sem_alloc : memref<!tpu.dma_semaphore, #tpu.memory_space<semaphore_mem>>
        %dma_start3A = arith.constant 0 : i32
        %dma_start3A_78 = tpu.memref_slice %arg7[%add3A_45, %dma_start3A] : memref<2560x128xi32, #tpu.memory_space<hbm>> -> memref<32x128xi32, #tpu.memory_space<hbm>>
        %dma_start3A_79 = arith.constant 0 : i32
        %dma_start3A_80 = tpu.memref_slice %arg7[%add3A_45, %dma_start3A_79] : memref<2560x128xi32, #tpu.memory_space<hbm>> -> memref<32x128xi32, #tpu.memory_space<hbm>>
        tpu.enqueue_dma source(%dma_start3A_80 : memref<32x128xi32, #tpu.memory_space<hbm>>) target(%arg11 : memref<32x128xi32, #tpu.memory_space<vmem>>) target_semaphore(%run_scoped3A : memref<!tpu.dma_semaphore, #tpu.memory_space<semaphore_mem>>)
        %dma_wait3A = arith.constant 0 : i32
        %dma_wait3A_81 = tpu.memref_slice %arg7[%add3A_45, %dma_wait3A] : memref<2560x128xi32, #tpu.memory_space<hbm>> -> memref<32x128xi32, #tpu.memory_space<hbm>>
        %dma_wait3A_82 = arith.constant 0 : i32
        %dma_wait3A_83 = tpu.memref_slice %arg7[%add3A_45, %dma_wait3A_82] : memref<2560x128xi32, #tpu.memory_space<hbm>> -> memref<32x128xi32, #tpu.memory_space<hbm>>
        tpu.wait_dma2 semaphore(%run_scoped3A : memref<!tpu.dma_semaphore, #tpu.memory_space<semaphore_mem>>) src(%dma_wait3A_83 : memref<32x128xi32, #tpu.memory_space<hbm>>) dst(%arg11 : memref<32x128xi32, #tpu.memory_space<vmem>>)
        tpu.yield
      }) : () -> ()
      %scan3A_46 = arith.constant 0 : i32
      %scan3A_47 = arith.constant 32 : i32
      %scan3A_48 = arith.addi %scan3A_46, %scan3A_47 : i32
      %scan3A_49 = arith.constant 1 : i32
      scf.for %scan3A_78 = %scan3A_46 to %scan3A_48 step %scan3A_49  : i32 {
        %mul3A_79 = arith.constant 1 : i32
        %mul3A_80 = arith.muli %scan3A_78, %mul3A_79 : i32
        %add3A_81 = arith.constant 0 : i32
        %add3A_82 = arith.addi %add3A_81, %mul3A_80 : i32
        "tpu.region"() ({
          %run_scoped3A = tpu.sem_alloc : memref<!tpu.dma_semaphore, #tpu.memory_space<semaphore_mem>>
          %dma_start3A = arith.constant 0 : i32
          %dma_start3A_83 = tpu.memref_slice %arg10[%add3A_82, %dma_start3A] : memref<32x128xi32, #tpu.memory_space<vmem>> -> memref<1x128xi32, #tpu.memory_space<vmem>>
          %dma_start3A_84 = tpu.memref_squeeze %dma_start3A_83 : memref<1x128xi32, #tpu.memory_space<vmem>> -> memref<128xi32, #tpu.memory_space<vmem>>
          %dma_start3A_85 = arith.constant 0 : i32
          %dma_start3A_86 = arith.constant 0 : i32
          %dma_start3A_87 = tpu.memref_slice %arg3[%dma_start3A_85, %dma_start3A_86] : memref<10000x128xf32, #tpu.memory_space<hbm>> -> memref<10000x128xf32, #tpu.memory_space<hbm>>
          tpu.enqueue_indirect_dma source(%dma_start3A_87 : memref<10000x128xf32, #tpu.memory_space<hbm>>) target(%arg12 : memref<128x128xf32, #tpu.memory_space<vmem>>) offsets(%dma_start3A_84 : memref<128xi32, #tpu.memory_space<vmem>>) semaphore(%run_scoped3A : memref<!tpu.dma_semaphore, #tpu.memory_space<semaphore_mem>>)
          %dma_wait3A = arith.constant 0 : i32
          %dma_wait3A_88 = tpu.memref_slice %arg10[%add3A_82, %dma_wait3A] : memref<32x128xi32, #tpu.memory_space<vmem>> -> memref<1x128xi32, #tpu.memory_space<vmem>>
          %dma_wait3A_89 = tpu.memref_squeeze %dma_wait3A_88 : memref<1x128xi32, #tpu.memory_space<vmem>> -> memref<128xi32, #tpu.memory_space<vmem>>
          %dma_wait3A_90 = arith.constant 0 : i32
          %dma_wait3A_91 = arith.constant 0 : i32
          %dma_wait3A_92 = tpu.memref_slice %arg3[%dma_wait3A_90, %dma_wait3A_91] : memref<10000x128xf32, #tpu.memory_space<hbm>> -> memref<10000x128xf32, #tpu.memory_space<hbm>>
          tpu.wait_indirect_dma semaphore(%run_scoped3A : memref<!tpu.dma_semaphore, #tpu.memory_space<semaphore_mem>>) src(%dma_wait3A_92 : memref<10000x128xf32, #tpu.memory_space<hbm>>) dst(%arg12 : memref<128x128xf32, #tpu.memory_space<vmem>>)
          tpu.yield
        }) : () -> ()
        "tpu.region"() ({
          %run_scoped3A = tpu.sem_alloc : memref<!tpu.dma_semaphore, #tpu.memory_space<semaphore_mem>>
          %dma_start3A = arith.constant 0 : i32
          %dma_start3A_83 = tpu.memref_slice %arg11[%add3A_82, %dma_start3A] : memref<32x128xi32, #tpu.memory_space<vmem>> -> memref<1x128xi32, #tpu.memory_space<vmem>>
          %dma_start3A_84 = tpu.memref_squeeze %dma_start3A_83 : memref<1x128xi32, #tpu.memory_space<vmem>> -> memref<128xi32, #tpu.memory_space<vmem>>
          %dma_start3A_85 = arith.constant 0 : i32
          %dma_start3A_86 = arith.constant 0 : i32
          %dma_start3A_87 = tpu.memref_slice %arg13[%dma_start3A_85, %dma_start3A_86] : memref<10240x128xf32, #tpu.memory_space<vmem_shared>> -> memref<10240x128xf32, #tpu.memory_space<vmem_shared>>
          tpu.enqueue_indirect_dma source(%arg12 : memref<128x128xf32, #tpu.memory_space<vmem>>) target(%dma_start3A_87 : memref<10240x128xf32, #tpu.memory_space<vmem_shared>>) offsets(%dma_start3A_84 : memref<128xi32, #tpu.memory_space<vmem>>) semaphore(%run_scoped3A : memref<!tpu.dma_semaphore, #tpu.memory_space<semaphore_mem>>) {add = true}
          %dma_wait3A = arith.constant 0 : i32
          %dma_wait3A_88 = tpu.memref_slice %arg11[%add3A_82, %dma_wait3A] : memref<32x128xi32, #tpu.memory_space<vmem>> -> memref<1x128xi32, #tpu.memory_space<vmem>>
          %dma_wait3A_89 = tpu.memref_squeeze %dma_wait3A_88 : memref<1x128xi32, #tpu.memory_space<vmem>> -> memref<128xi32, #tpu.memory_space<vmem>>
          %dma_wait3A_90 = arith.constant 0 : i32
          %dma_wait3A_91 = arith.constant 0 : i32
          %dma_wait3A_92 = tpu.memref_slice %arg13[%dma_wait3A_90, %dma_wait3A_91] : memref<10240x128xf32, #tpu.memory_space<vmem_shared>> -> memref<10240x128xf32, #tpu.memory_space<vmem_shared>>
          tpu.wait_indirect_dma semaphore(%run_scoped3A : memref<!tpu.dma_semaphore, #tpu.memory_space<semaphore_mem>>) src(%arg12 : memref<128x128xf32, #tpu.memory_space<vmem>>) dst(%dma_wait3A_92 : memref<10240x128xf32, #tpu.memory_space<vmem_shared>>)
          tpu.yield
        }) : () -> ()
      }
      %scan3A_50 = arith.constant 32 : i32
      %mul3A_51 = arith.constant 160 : i32
      %mul3A_52 = arith.muli %arg1, %mul3A_51 : i32
      %add3A_53 = arith.constant 64 : i32
      %add3A_54 = arith.addi %mul3A_52, %add3A_53 : i32
      "tpu.region"() ({
        %run_scoped3A = tpu.sem_alloc : memref<!tpu.dma_semaphore, #tpu.memory_space<semaphore_mem>>
        %dma_start3A = arith.constant 0 : i32
        %dma_start3A_78 = tpu.memref_slice %arg6[%add3A_54, %dma_start3A] : memref<2560x128xi32, #tpu.memory_space<hbm>> -> memref<32x128xi32, #tpu.memory_space<hbm>>
        %dma_start3A_79 = arith.constant 0 : i32
        %dma_start3A_80 = tpu.memref_slice %arg6[%add3A_54, %dma_start3A_79] : memref<2560x128xi32, #tpu.memory_space<hbm>> -> memref<32x128xi32, #tpu.memory_space<hbm>>
        tpu.enqueue_dma source(%dma_start3A_80 : memref<32x128xi32, #tpu.memory_space<hbm>>) target(%arg10 : memref<32x128xi32, #tpu.memory_space<vmem>>) target_semaphore(%run_scoped3A : memref<!tpu.dma_semaphore, #tpu.memory_space<semaphore_mem>>)
        %dma_wait3A = arith.constant 0 : i32
        %dma_wait3A_81 = tpu.memref_slice %arg6[%add3A_54, %dma_wait3A] : memref<2560x128xi32, #tpu.memory_space<hbm>> -> memref<32x128xi32, #tpu.memory_space<hbm>>
        %dma_wait3A_82 = arith.constant 0 : i32
        %dma_wait3A_83 = tpu.memref_slice %arg6[%add3A_54, %dma_wait3A_82] : memref<2560x128xi32, #tpu.memory_space<hbm>> -> memref<32x128xi32, #tpu.memory_space<hbm>>
        tpu.wait_dma2 semaphore(%run_scoped3A : memref<!tpu.dma_semaphore, #tpu.memory_space<semaphore_mem>>) src(%dma_wait3A_83 : memref<32x128xi32, #tpu.memory_space<hbm>>) dst(%arg10 : memref<32x128xi32, #tpu.memory_space<vmem>>)
        tpu.yield
      }) : () -> ()
      "tpu.region"() ({
        %run_scoped3A = tpu.sem_alloc : memref<!tpu.dma_semaphore, #tpu.memory_space<semaphore_mem>>
        %dma_start3A = arith.constant 0 : i32
        %dma_start3A_78 = tpu.memref_slice %arg7[%add3A_54, %dma_start3A] : memref<2560x128xi32, #tpu.memory_space<hbm>> -> memref<32x128xi32, #tpu.memory_space<hbm>>
        %dma_start3A_79 = arith.constant 0 : i32
        %dma_start3A_80 = tpu.memref_slice %arg7[%add3A_54, %dma_start3A_79] : memref<2560x128xi32, #tpu.memory_space<hbm>> -> memref<32x128xi32, #tpu.memory_space<hbm>>
        tpu.enqueue_dma source(%dma_start3A_80 : memref<32x128xi32, #tpu.memory_space<hbm>>) target(%arg11 : memref<32x128xi32, #tpu.memory_space<vmem>>) target_semaphore(%run_scoped3A : memref<!tpu.dma_semaphore, #tpu.memory_space<semaphore_mem>>)
        %dma_wait3A = arith.constant 0 : i32
        %dma_wait3A_81 = tpu.memref_slice %arg7[%add3A_54, %dma_wait3A] : memref<2560x128xi32, #tpu.memory_space<hbm>> -> memref<32x128xi32, #tpu.memory_space<hbm>>
        %dma_wait3A_82 = arith.constant 0 : i32
        %dma_wait3A_83 = tpu.memref_slice %arg7[%add3A_54, %dma_wait3A_82] : memref<2560x128xi32, #tpu.memory_space<hbm>> -> memref<32x128xi32, #tpu.memory_space<hbm>>
        tpu.wait_dma2 semaphore(%run_scoped3A : memref<!tpu.dma_semaphore, #tpu.memory_space<semaphore_mem>>) src(%dma_wait3A_83 : memref<32x128xi32, #tpu.memory_space<hbm>>) dst(%arg11 : memref<32x128xi32, #tpu.memory_space<vmem>>)
        tpu.yield
      }) : () -> ()
      %scan3A_55 = arith.constant 0 : i32
      %scan3A_56 = arith.constant 32 : i32
      %scan3A_57 = arith.addi %scan3A_55, %scan3A_56 : i32
      %scan3A_58 = arith.constant 1 : i32
      scf.for %scan3A_78 = %scan3A_55 to %scan3A_57 step %scan3A_58  : i32 {
        %mul3A_79 = arith.constant 1 : i32
        %mul3A_80 = arith.muli %scan3A_78, %mul3A_79 : i32
        %add3A_81 = arith.constant 0 : i32
        %add3A_82 = arith.addi %add3A_81, %mul3A_80 : i32
        "tpu.region"() ({
          %run_scoped3A = tpu.sem_alloc : memref<!tpu.dma_semaphore, #tpu.memory_space<semaphore_mem>>
          %dma_start3A = arith.constant 0 : i32
          %dma_start3A_83 = tpu.memref_slice %arg10[%add3A_82, %dma_start3A] : memref<32x128xi32, #tpu.memory_space<vmem>> -> memref<1x128xi32, #tpu.memory_space<vmem>>
          %dma_start3A_84 = tpu.memref_squeeze %dma_start3A_83 : memref<1x128xi32, #tpu.memory_space<vmem>> -> memref<128xi32, #tpu.memory_space<vmem>>
          %dma_start3A_85 = arith.constant 0 : i32
          %dma_start3A_86 = arith.constant 0 : i32
          %dma_start3A_87 = tpu.memref_slice %arg3[%dma_start3A_85, %dma_start3A_86] : memref<10000x128xf32, #tpu.memory_space<hbm>> -> memref<10000x128xf32, #tpu.memory_space<hbm>>
          tpu.enqueue_indirect_dma source(%dma_start3A_87 : memref<10000x128xf32, #tpu.memory_space<hbm>>) target(%arg12 : memref<128x128xf32, #tpu.memory_space<vmem>>) offsets(%dma_start3A_84 : memref<128xi32, #tpu.memory_space<vmem>>) semaphore(%run_scoped3A : memref<!tpu.dma_semaphore, #tpu.memory_space<semaphore_mem>>)
          %dma_wait3A = arith.constant 0 : i32
          %dma_wait3A_88 = tpu.memref_slice %arg10[%add3A_82, %dma_wait3A] : memref<32x128xi32, #tpu.memory_space<vmem>> -> memref<1x128xi32, #tpu.memory_space<vmem>>
          %dma_wait3A_89 = tpu.memref_squeeze %dma_wait3A_88 : memref<1x128xi32, #tpu.memory_space<vmem>> -> memref<128xi32, #tpu.memory_space<vmem>>
          %dma_wait3A_90 = arith.constant 0 : i32
          %dma_wait3A_91 = arith.constant 0 : i32
          %dma_wait3A_92 = tpu.memref_slice %arg3[%dma_wait3A_90, %dma_wait3A_91] : memref<10000x128xf32, #tpu.memory_space<hbm>> -> memref<10000x128xf32, #tpu.memory_space<hbm>>
          tpu.wait_indirect_dma semaphore(%run_scoped3A : memref<!tpu.dma_semaphore, #tpu.memory_space<semaphore_mem>>) src(%dma_wait3A_92 : memref<10000x128xf32, #tpu.memory_space<hbm>>) dst(%arg12 : memref<128x128xf32, #tpu.memory_space<vmem>>)
          tpu.yield
        }) : () -> ()
        "tpu.region"() ({
          %run_scoped3A = tpu.sem_alloc : memref<!tpu.dma_semaphore, #tpu.memory_space<semaphore_mem>>
          %dma_start3A = arith.constant 0 : i32
          %dma_start3A_83 = tpu.memref_slice %arg11[%add3A_82, %dma_start3A] : memref<32x128xi32, #tpu.memory_space<vmem>> -> memref<1x128xi32, #tpu.memory_space<vmem>>
          %dma_start3A_84 = tpu.memref_squeeze %dma_start3A_83 : memref<1x128xi32, #tpu.memory_space<vmem>> -> memref<128xi32, #tpu.memory_space<vmem>>
          %dma_start3A_85 = arith.constant 0 : i32
          %dma_start3A_86 = arith.constant 0 : i32
          %dma_start3A_87 = tpu.memref_slice %arg13[%dma_start3A_85, %dma_start3A_86] : memref<10240x128xf32, #tpu.memory_space<vmem_shared>> -> memref<10240x128xf32, #tpu.memory_space<vmem_shared>>
          tpu.enqueue_indirect_dma source(%arg12 : memref<128x128xf32, #tpu.memory_space<vmem>>) target(%dma_start3A_87 : memref<10240x128xf32, #tpu.memory_space<vmem_shared>>) offsets(%dma_start3A_84 : memref<128xi32, #tpu.memory_space<vmem>>) semaphore(%run_scoped3A : memref<!tpu.dma_semaphore, #tpu.memory_space<semaphore_mem>>) {add = true}
          %dma_wait3A = arith.constant 0 : i32
          %dma_wait3A_88 = tpu.memref_slice %arg11[%add3A_82, %dma_wait3A] : memref<32x128xi32, #tpu.memory_space<vmem>> -> memref<1x128xi32, #tpu.memory_space<vmem>>
          %dma_wait3A_89 = tpu.memref_squeeze %dma_wait3A_88 : memref<1x128xi32, #tpu.memory_space<vmem>> -> memref<128xi32, #tpu.memory_space<vmem>>
          %dma_wait3A_90 = arith.constant 0 : i32
          %dma_wait3A_91 = arith.constant 0 : i32
          %dma_wait3A_92 = tpu.memref_slice %arg13[%dma_wait3A_90, %dma_wait3A_91] : memref<10240x128xf32, #tpu.memory_space<vmem_shared>> -> memref<10240x128xf32, #tpu.memory_space<vmem_shared>>
          tpu.wait_indirect_dma semaphore(%run_scoped3A : memref<!tpu.dma_semaphore, #tpu.memory_space<semaphore_mem>>) src(%arg12 : memref<128x128xf32, #tpu.memory_space<vmem>>) dst(%dma_wait3A_92 : memref<10240x128xf32, #tpu.memory_space<vmem_shared>>)
          tpu.yield
        }) : () -> ()
      }
      %scan3A_59 = arith.constant 32 : i32
      %mul3A_60 = arith.constant 160 : i32
      %mul3A_61 = arith.muli %arg1, %mul3A_60 : i32
      %add3A_62 = arith.constant 96 : i32
      %add3A_63 = arith.addi %mul3A_61, %add3A_62 : i32
      "tpu.region"() ({
        %run_scoped3A = tpu.sem_alloc : memref<!tpu.dma_semaphore, #tpu.memory_space<semaphore_mem>>
        %dma_start3A = arith.constant 0 : i32
        %dma_start3A_78 = tpu.memref_slice %arg6[%add3A_63, %dma_start3A] : memref<2560x128xi32, #tpu.memory_space<hbm>> -> memref<32x128xi32, #tpu.memory_space<hbm>>
        %dma_start3A_79 = arith.constant 0 : i32
        %dma_start3A_80 = tpu.memref_slice %arg6[%add3A_63, %dma_start3A_79] : memref<2560x128xi32, #tpu.memory_space<hbm>> -> memref<32x128xi32, #tpu.memory_space<hbm>>
        tpu.enqueue_dma source(%dma_start3A_80 : memref<32x128xi32, #tpu.memory_space<hbm>>) target(%arg10 : memref<32x128xi32, #tpu.memory_space<vmem>>) target_semaphore(%run_scoped3A : memref<!tpu.dma_semaphore, #tpu.memory_space<semaphore_mem>>)
        %dma_wait3A = arith.constant 0 : i32
        %dma_wait3A_81 = tpu.memref_slice %arg6[%add3A_63, %dma_wait3A] : memref<2560x128xi32, #tpu.memory_space<hbm>> -> memref<32x128xi32, #tpu.memory_space<hbm>>
        %dma_wait3A_82 = arith.constant 0 : i32
        %dma_wait3A_83 = tpu.memref_slice %arg6[%add3A_63, %dma_wait3A_82] : memref<2560x128xi32, #tpu.memory_space<hbm>> -> memref<32x128xi32, #tpu.memory_space<hbm>>
        tpu.wait_dma2 semaphore(%run_scoped3A : memref<!tpu.dma_semaphore, #tpu.memory_space<semaphore_mem>>) src(%dma_wait3A_83 : memref<32x128xi32, #tpu.memory_space<hbm>>) dst(%arg10 : memref<32x128xi32, #tpu.memory_space<vmem>>)
        tpu.yield
      }) : () -> ()
      "tpu.region"() ({
        %run_scoped3A = tpu.sem_alloc : memref<!tpu.dma_semaphore, #tpu.memory_space<semaphore_mem>>
        %dma_start3A = arith.constant 0 : i32
        %dma_start3A_78 = tpu.memref_slice %arg7[%add3A_63, %dma_start3A] : memref<2560x128xi32, #tpu.memory_space<hbm>> -> memref<32x128xi32, #tpu.memory_space<hbm>>
        %dma_start3A_79 = arith.constant 0 : i32
        %dma_start3A_80 = tpu.memref_slice %arg7[%add3A_63, %dma_start3A_79] : memref<2560x128xi32, #tpu.memory_space<hbm>> -> memref<32x128xi32, #tpu.memory_space<hbm>>
        tpu.enqueue_dma source(%dma_start3A_80 : memref<32x128xi32, #tpu.memory_space<hbm>>) target(%arg11 : memref<32x128xi32, #tpu.memory_space<vmem>>) target_semaphore(%run_scoped3A : memref<!tpu.dma_semaphore, #tpu.memory_space<semaphore_mem>>)
        %dma_wait3A = arith.constant 0 : i32
        %dma_wait3A_81 = tpu.memref_slice %arg7[%add3A_63, %dma_wait3A] : memref<2560x128xi32, #tpu.memory_space<hbm>> -> memref<32x128xi32, #tpu.memory_space<hbm>>
        %dma_wait3A_82 = arith.constant 0 : i32
        %dma_wait3A_83 = tpu.memref_slice %arg7[%add3A_63, %dma_wait3A_82] : memref<2560x128xi32, #tpu.memory_space<hbm>> -> memref<32x128xi32, #tpu.memory_space<hbm>>
        tpu.wait_dma2 semaphore(%run_scoped3A : memref<!tpu.dma_semaphore, #tpu.memory_space<semaphore_mem>>) src(%dma_wait3A_83 : memref<32x128xi32, #tpu.memory_space<hbm>>) dst(%arg11 : memref<32x128xi32, #tpu.memory_space<vmem>>)
        tpu.yield
      }) : () -> ()
      %scan3A_64 = arith.constant 0 : i32
      %scan3A_65 = arith.constant 32 : i32
      %scan3A_66 = arith.addi %scan3A_64, %scan3A_65 : i32
      %scan3A_67 = arith.constant 1 : i32
      scf.for %scan3A_78 = %scan3A_64 to %scan3A_66 step %scan3A_67  : i32 {
        %mul3A_79 = arith.constant 1 : i32
        %mul3A_80 = arith.muli %scan3A_78, %mul3A_79 : i32
        %add3A_81 = arith.constant 0 : i32
        %add3A_82 = arith.addi %add3A_81, %mul3A_80 : i32
        "tpu.region"() ({
          %run_scoped3A = tpu.sem_alloc : memref<!tpu.dma_semaphore, #tpu.memory_space<semaphore_mem>>
          %dma_start3A = arith.constant 0 : i32
          %dma_start3A_83 = tpu.memref_slice %arg10[%add3A_82, %dma_start3A] : memref<32x128xi32, #tpu.memory_space<vmem>> -> memref<1x128xi32, #tpu.memory_space<vmem>>
          %dma_start3A_84 = tpu.memref_squeeze %dma_start3A_83 : memref<1x128xi32, #tpu.memory_space<vmem>> -> memref<128xi32, #tpu.memory_space<vmem>>
          %dma_start3A_85 = arith.constant 0 : i32
          %dma_start3A_86 = arith.constant 0 : i32
          %dma_start3A_87 = tpu.memref_slice %arg3[%dma_start3A_85, %dma_start3A_86] : memref<10000x128xf32, #tpu.memory_space<hbm>> -> memref<10000x128xf32, #tpu.memory_space<hbm>>
          tpu.enqueue_indirect_dma source(%dma_start3A_87 : memref<10000x128xf32, #tpu.memory_space<hbm>>) target(%arg12 : memref<128x128xf32, #tpu.memory_space<vmem>>) offsets(%dma_start3A_84 : memref<128xi32, #tpu.memory_space<vmem>>) semaphore(%run_scoped3A : memref<!tpu.dma_semaphore, #tpu.memory_space<semaphore_mem>>)
          %dma_wait3A = arith.constant 0 : i32
          %dma_wait3A_88 = tpu.memref_slice %arg10[%add3A_82, %dma_wait3A] : memref<32x128xi32, #tpu.memory_space<vmem>> -> memref<1x128xi32, #tpu.memory_space<vmem>>
          %dma_wait3A_89 = tpu.memref_squeeze %dma_wait3A_88 : memref<1x128xi32, #tpu.memory_space<vmem>> -> memref<128xi32, #tpu.memory_space<vmem>>
          %dma_wait3A_90 = arith.constant 0 : i32
          %dma_wait3A_91 = arith.constant 0 : i32
          %dma_wait3A_92 = tpu.memref_slice %arg3[%dma_wait3A_90, %dma_wait3A_91] : memref<10000x128xf32, #tpu.memory_space<hbm>> -> memref<10000x128xf32, #tpu.memory_space<hbm>>
          tpu.wait_indirect_dma semaphore(%run_scoped3A : memref<!tpu.dma_semaphore, #tpu.memory_space<semaphore_mem>>) src(%dma_wait3A_92 : memref<10000x128xf32, #tpu.memory_space<hbm>>) dst(%arg12 : memref<128x128xf32, #tpu.memory_space<vmem>>)
          tpu.yield
        }) : () -> ()
        "tpu.region"() ({
          %run_scoped3A = tpu.sem_alloc : memref<!tpu.dma_semaphore, #tpu.memory_space<semaphore_mem>>
          %dma_start3A = arith.constant 0 : i32
          %dma_start3A_83 = tpu.memref_slice %arg11[%add3A_82, %dma_start3A] : memref<32x128xi32, #tpu.memory_space<vmem>> -> memref<1x128xi32, #tpu.memory_space<vmem>>
          %dma_start3A_84 = tpu.memref_squeeze %dma_start3A_83 : memref<1x128xi32, #tpu.memory_space<vmem>> -> memref<128xi32, #tpu.memory_space<vmem>>
          %dma_start3A_85 = arith.constant 0 : i32
          %dma_start3A_86 = arith.constant 0 : i32
          %dma_start3A_87 = tpu.memref_slice %arg13[%dma_start3A_85, %dma_start3A_86] : memref<10240x128xf32, #tpu.memory_space<vmem_shared>> -> memref<10240x128xf32, #tpu.memory_space<vmem_shared>>
          tpu.enqueue_indirect_dma source(%arg12 : memref<128x128xf32, #tpu.memory_space<vmem>>) target(%dma_start3A_87 : memref<10240x128xf32, #tpu.memory_space<vmem_shared>>) offsets(%dma_start3A_84 : memref<128xi32, #tpu.memory_space<vmem>>) semaphore(%run_scoped3A : memref<!tpu.dma_semaphore, #tpu.memory_space<semaphore_mem>>) {add = true}
          %dma_wait3A = arith.constant 0 : i32
          %dma_wait3A_88 = tpu.memref_slice %arg11[%add3A_82, %dma_wait3A] : memref<32x128xi32, #tpu.memory_space<vmem>> -> memref<1x128xi32, #tpu.memory_space<vmem>>
          %dma_wait3A_89 = tpu.memref_squeeze %dma_wait3A_88 : memref<1x128xi32, #tpu.memory_space<vmem>> -> memref<128xi32, #tpu.memory_space<vmem>>
          %dma_wait3A_90 = arith.constant 0 : i32
          %dma_wait3A_91 = arith.constant 0 : i32
          %dma_wait3A_92 = tpu.memref_slice %arg13[%dma_wait3A_90, %dma_wait3A_91] : memref<10240x128xf32, #tpu.memory_space<vmem_shared>> -> memref<10240x128xf32, #tpu.memory_space<vmem_shared>>
          tpu.wait_indirect_dma semaphore(%run_scoped3A : memref<!tpu.dma_semaphore, #tpu.memory_space<semaphore_mem>>) src(%arg12 : memref<128x128xf32, #tpu.memory_space<vmem>>) dst(%dma_wait3A_92 : memref<10240x128xf32, #tpu.memory_space<vmem_shared>>)
          tpu.yield
        }) : () -> ()
      }
      %scan3A_68 = arith.constant 32 : i32
      %mul3A_69 = arith.constant 160 : i32
      %mul3A_70 = arith.muli %arg1, %mul3A_69 : i32
      %add3A_71 = arith.constant 128 : i32
      %add3A_72 = arith.addi %mul3A_70, %add3A_71 : i32
      "tpu.region"() ({
        %run_scoped3A = tpu.sem_alloc : memref<!tpu.dma_semaphore, #tpu.memory_space<semaphore_mem>>
        %dma_start3A = arith.constant 0 : i32
        %dma_start3A_78 = tpu.memref_slice %arg6[%add3A_72, %dma_start3A] : memref<2560x128xi32, #tpu.memory_space<hbm>> -> memref<32x128xi32, #tpu.memory_space<hbm>>
        %dma_start3A_79 = arith.constant 0 : i32
        %dma_start3A_80 = tpu.memref_slice %arg6[%add3A_72, %dma_start3A_79] : memref<2560x128xi32, #tpu.memory_space<hbm>> -> memref<32x128xi32, #tpu.memory_space<hbm>>
        tpu.enqueue_dma source(%dma_start3A_80 : memref<32x128xi32, #tpu.memory_space<hbm>>) target(%arg10 : memref<32x128xi32, #tpu.memory_space<vmem>>) target_semaphore(%run_scoped3A : memref<!tpu.dma_semaphore, #tpu.memory_space<semaphore_mem>>)
        %dma_wait3A = arith.constant 0 : i32
        %dma_wait3A_81 = tpu.memref_slice %arg6[%add3A_72, %dma_wait3A] : memref<2560x128xi32, #tpu.memory_space<hbm>> -> memref<32x128xi32, #tpu.memory_space<hbm>>
        %dma_wait3A_82 = arith.constant 0 : i32
        %dma_wait3A_83 = tpu.memref_slice %arg6[%add3A_72, %dma_wait3A_82] : memref<2560x128xi32, #tpu.memory_space<hbm>> -> memref<32x128xi32, #tpu.memory_space<hbm>>
        tpu.wait_dma2 semaphore(%run_scoped3A : memref<!tpu.dma_semaphore, #tpu.memory_space<semaphore_mem>>) src(%dma_wait3A_83 : memref<32x128xi32, #tpu.memory_space<hbm>>) dst(%arg10 : memref<32x128xi32, #tpu.memory_space<vmem>>)
        tpu.yield
      }) : () -> ()
      "tpu.region"() ({
        %run_scoped3A = tpu.sem_alloc : memref<!tpu.dma_semaphore, #tpu.memory_space<semaphore_mem>>
        %dma_start3A = arith.constant 0 : i32
        %dma_start3A_78 = tpu.memref_slice %arg7[%add3A_72, %dma_start3A] : memref<2560x128xi32, #tpu.memory_space<hbm>> -> memref<32x128xi32, #tpu.memory_space<hbm>>
        %dma_start3A_79 = arith.constant 0 : i32
        %dma_start3A_80 = tpu.memref_slice %arg7[%add3A_72, %dma_start3A_79] : memref<2560x128xi32, #tpu.memory_space<hbm>> -> memref<32x128xi32, #tpu.memory_space<hbm>>
        tpu.enqueue_dma source(%dma_start3A_80 : memref<32x128xi32, #tpu.memory_space<hbm>>) target(%arg11 : memref<32x128xi32, #tpu.memory_space<vmem>>) target_semaphore(%run_scoped3A : memref<!tpu.dma_semaphore, #tpu.memory_space<semaphore_mem>>)
        %dma_wait3A = arith.constant 0 : i32
        %dma_wait3A_81 = tpu.memref_slice %arg7[%add3A_72, %dma_wait3A] : memref<2560x128xi32, #tpu.memory_space<hbm>> -> memref<32x128xi32, #tpu.memory_space<hbm>>
        %dma_wait3A_82 = arith.constant 0 : i32
        %dma_wait3A_83 = tpu.memref_slice %arg7[%add3A_72, %dma_wait3A_82] : memref<2560x128xi32, #tpu.memory_space<hbm>> -> memref<32x128xi32, #tpu.memory_space<hbm>>
        tpu.wait_dma2 semaphore(%run_scoped3A : memref<!tpu.dma_semaphore, #tpu.memory_space<semaphore_mem>>) src(%dma_wait3A_83 : memref<32x128xi32, #tpu.memory_space<hbm>>) dst(%arg11 : memref<32x128xi32, #tpu.memory_space<vmem>>)
        tpu.yield
      }) : () -> ()
      %scan3A_73 = arith.constant 0 : i32
      %scan3A_74 = arith.constant 32 : i32
      %scan3A_75 = arith.addi %scan3A_73, %scan3A_74 : i32
      %scan3A_76 = arith.constant 1 : i32
      scf.for %scan3A_78 = %scan3A_73 to %scan3A_75 step %scan3A_76  : i32 {
        %mul3A_79 = arith.constant 1 : i32
        %mul3A_80 = arith.muli %scan3A_78, %mul3A_79 : i32
        %add3A_81 = arith.constant 0 : i32
        %add3A_82 = arith.addi %add3A_81, %mul3A_80 : i32
        "tpu.region"() ({
          %run_scoped3A = tpu.sem_alloc : memref<!tpu.dma_semaphore, #tpu.memory_space<semaphore_mem>>
          %dma_start3A = arith.constant 0 : i32
          %dma_start3A_83 = tpu.memref_slice %arg10[%add3A_82, %dma_start3A] : memref<32x128xi32, #tpu.memory_space<vmem>> -> memref<1x128xi32, #tpu.memory_space<vmem>>
          %dma_start3A_84 = tpu.memref_squeeze %dma_start3A_83 : memref<1x128xi32, #tpu.memory_space<vmem>> -> memref<128xi32, #tpu.memory_space<vmem>>
          %dma_start3A_85 = arith.constant 0 : i32
          %dma_start3A_86 = arith.constant 0 : i32
          %dma_start3A_87 = tpu.memref_slice %arg3[%dma_start3A_85, %dma_start3A_86] : memref<10000x128xf32, #tpu.memory_space<hbm>> -> memref<10000x128xf32, #tpu.memory_space<hbm>>
          tpu.enqueue_indirect_dma source(%dma_start3A_87 : memref<10000x128xf32, #tpu.memory_space<hbm>>) target(%arg12 : memref<128x128xf32, #tpu.memory_space<vmem>>) offsets(%dma_start3A_84 : memref<128xi32, #tpu.memory_space<vmem>>) semaphore(%run_scoped3A : memref<!tpu.dma_semaphore, #tpu.memory_space<semaphore_mem>>)
          %dma_wait3A = arith.constant 0 : i32
          %dma_wait3A_88 = tpu.memref_slice %arg10[%add3A_82, %dma_wait3A] : memref<32x128xi32, #tpu.memory_space<vmem>> -> memref<1x128xi32, #tpu.memory_space<vmem>>
          %dma_wait3A_89 = tpu.memref_squeeze %dma_wait3A_88 : memref<1x128xi32, #tpu.memory_space<vmem>> -> memref<128xi32, #tpu.memory_space<vmem>>
          %dma_wait3A_90 = arith.constant 0 : i32
          %dma_wait3A_91 = arith.constant 0 : i32
          %dma_wait3A_92 = tpu.memref_slice %arg3[%dma_wait3A_90, %dma_wait3A_91] : memref<10000x128xf32, #tpu.memory_space<hbm>> -> memref<10000x128xf32, #tpu.memory_space<hbm>>
          tpu.wait_indirect_dma semaphore(%run_scoped3A : memref<!tpu.dma_semaphore, #tpu.memory_space<semaphore_mem>>) src(%dma_wait3A_92 : memref<10000x128xf32, #tpu.memory_space<hbm>>) dst(%arg12 : memref<128x128xf32, #tpu.memory_space<vmem>>)
          tpu.yield
        }) : () -> ()
        "tpu.region"() ({
          %run_scoped3A = tpu.sem_alloc : memref<!tpu.dma_semaphore, #tpu.memory_space<semaphore_mem>>
          %dma_start3A = arith.constant 0 : i32
          %dma_start3A_83 = tpu.memref_slice %arg11[%add3A_82, %dma_start3A] : memref<32x128xi32, #tpu.memory_space<vmem>> -> memref<1x128xi32, #tpu.memory_space<vmem>>
          %dma_start3A_84 = tpu.memref_squeeze %dma_start3A_83 : memref<1x128xi32, #tpu.memory_space<vmem>> -> memref<128xi32, #tpu.memory_space<vmem>>
          %dma_start3A_85 = arith.constant 0 : i32
          %dma_start3A_86 = arith.constant 0 : i32
          %dma_start3A_87 = tpu.memref_slice %arg13[%dma_start3A_85, %dma_start3A_86] : memref<10240x128xf32, #tpu.memory_space<vmem_shared>> -> memref<10240x128xf32, #tpu.memory_space<vmem_shared>>
          tpu.enqueue_indirect_dma source(%arg12 : memref<128x128xf32, #tpu.memory_space<vmem>>) target(%dma_start3A_87 : memref<10240x128xf32, #tpu.memory_space<vmem_shared>>) offsets(%dma_start3A_84 : memref<128xi32, #tpu.memory_space<vmem>>) semaphore(%run_scoped3A : memref<!tpu.dma_semaphore, #tpu.memory_space<semaphore_mem>>) {add = true}
          %dma_wait3A = arith.constant 0 : i32
          %dma_wait3A_88 = tpu.memref_slice %arg11[%add3A_82, %dma_wait3A] : memref<32x128xi32, #tpu.memory_space<vmem>> -> memref<1x128xi32, #tpu.memory_space<vmem>>
          %dma_wait3A_89 = tpu.memref_squeeze %dma_wait3A_88 : memref<1x128xi32, #tpu.memory_space<vmem>> -> memref<128xi32, #tpu.memory_space<vmem>>
          %dma_wait3A_90 = arith.constant 0 : i32
          %dma_wait3A_91 = arith.constant 0 : i32
          %dma_wait3A_92 = tpu.memref_slice %arg13[%dma_wait3A_90, %dma_wait3A_91] : memref<10240x128xf32, #tpu.memory_space<vmem_shared>> -> memref<10240x128xf32, #tpu.memory_space<vmem_shared>>
          tpu.wait_indirect_dma semaphore(%run_scoped3A : memref<!tpu.dma_semaphore, #tpu.memory_space<semaphore_mem>>) src(%arg12 : memref<128x128xf32, #tpu.memory_space<vmem>>) dst(%dma_wait3A_92 : memref<10240x128xf32, #tpu.memory_space<vmem_shared>>)
          tpu.yield
        }) : () -> ()
      }
      %scan3A_77 = arith.constant 32 : i32
    } else {
    }
    %barrier3A_22 = arith.constant 0 : index
    tpu.barrier barrier_id(%barrier3A_22)
    %eq3A_23 = arith.constant 0 : i32
    %eq3A_24 = arith.cmpi eq, %arg0, %eq3A_23 : i32
    %convert_element_type3A_25 = arith.extui %eq3A_24 : i1 to i32
    %cond3A_26 = arith.constant 0 : i32
    %cond3A_27 = arith.cmpi ne, %convert_element_type3A_25, %cond3A_26 : i32
    scf.if %cond3A_27 {
      %add3A_33 = arith.constant 0 : i32
      %add3A_34 = arith.addi %mul3A_0, %add3A_33 : i32
      "tpu.region"() ({
        %run_scoped3A = tpu.sem_alloc : memref<!tpu.dma_semaphore, #tpu.memory_space<semaphore_mem>>
        %dma_start3A = arith.constant 0 : i32
        %dma_start3A_43 = tpu.memref_slice %arg13[%add3A_34, %dma_start3A] : memref<10240x128xf32, #tpu.memory_space<vmem_shared>> -> memref<128x128xf32, #tpu.memory_space<vmem_shared>>
        %dma_start3A_44 = arith.constant 0 : i32
        %dma_start3A_45 = tpu.memref_slice %arg13[%add3A_34, %dma_start3A_44] : memref<10240x128xf32, #tpu.memory_space<vmem_shared>> -> memref<128x128xf32, #tpu.memory_space<vmem_shared>>
        tpu.enqueue_dma source(%dma_start3A_45 : memref<128x128xf32, #tpu.memory_space<vmem_shared>>) target(%arg12 : memref<128x128xf32, #tpu.memory_space<vmem>>) target_semaphore(%run_scoped3A : memref<!tpu.dma_semaphore, #tpu.memory_space<semaphore_mem>>)
        %dma_wait3A = arith.constant 0 : i32
        %dma_wait3A_46 = tpu.memref_slice %arg13[%add3A_34, %dma_wait3A] : memref<10240x128xf32, #tpu.memory_space<vmem_shared>> -> memref<128x128xf32, #tpu.memory_space<vmem_shared>>
        %dma_wait3A_47 = arith.constant 0 : i32
        %dma_wait3A_48 = tpu.memref_slice %arg13[%add3A_34, %dma_wait3A_47] : memref<10240x128xf32, #tpu.memory_space<vmem_shared>> -> memref<128x128xf32, #tpu.memory_space<vmem_shared>>
        tpu.wait_dma2 semaphore(%run_scoped3A : memref<!tpu.dma_semaphore, #tpu.memory_space<semaphore_mem>>) src(%dma_wait3A_48 : memref<128x128xf32, #tpu.memory_space<vmem_shared>>) dst(%arg12 : memref<128x128xf32, #tpu.memory_space<vmem>>)
        tpu.yield
      }) : () -> ()
      "tpu.region"() ({
        %run_scoped3A = tpu.sem_alloc : memref<!tpu.dma_semaphore, #tpu.memory_space<semaphore_mem>>
        %dma_start3A = arith.constant 0 : i32
        %dma_start3A_43 = tpu.memref_slice %arg8[%add3A_34, %dma_start3A] : memref<10240x128xf32, #tpu.memory_space<hbm>> -> memref<128x128xf32, #tpu.memory_space<hbm>>
        %dma_start3A_44 = arith.constant 0 : i32
        %dma_start3A_45 = tpu.memref_slice %arg8[%add3A_34, %dma_start3A_44] : memref<10240x128xf32, #tpu.memory_space<hbm>> -> memref<128x128xf32, #tpu.memory_space<hbm>>
        tpu.enqueue_dma source(%arg12 : memref<128x128xf32, #tpu.memory_space<vmem>>) target(%dma_start3A_45 : memref<128x128xf32, #tpu.memory_space<hbm>>) target_semaphore(%run_scoped3A : memref<!tpu.dma_semaphore, #tpu.memory_space<semaphore_mem>>)
        %dma_wait3A = arith.constant 0 : i32
        %dma_wait3A_46 = tpu.memref_slice %arg8[%add3A_34, %dma_wait3A] : memref<10240x128xf32, #tpu.memory_space<hbm>> -> memref<128x128xf32, #tpu.memory_space<hbm>>
        %dma_wait3A_47 = arith.constant 0 : i32
        %dma_wait3A_48 = tpu.memref_slice %arg8[%add3A_34, %dma_wait3A_47] : memref<10240x128xf32, #tpu.memory_space<hbm>> -> memref<128x128xf32, #tpu.memory_space<hbm>>
        tpu.wait_dma2 semaphore(%run_scoped3A : memref<!tpu.dma_semaphore, #tpu.memory_space<semaphore_mem>>) src(%arg12 : memref<128x128xf32, #tpu.memory_space<vmem>>) dst(%dma_wait3A_48 : memref<128x128xf32, #tpu.memory_space<hbm>>)
        tpu.yield
      }) : () -> ()
      %add3A_35 = arith.constant 128 : i32
      %add3A_36 = arith.addi %mul3A_0, %add3A_35 : i32
      "tpu.region"() ({
        %run_scoped3A = tpu.sem_alloc : memref<!tpu.dma_semaphore, #tpu.memory_space<semaphore_mem>>
        %dma_start3A = arith.constant 0 : i32
        %dma_start3A_43 = tpu.memref_slice %arg13[%add3A_36, %dma_start3A] : memref<10240x128xf32, #tpu.memory_space<vmem_shared>> -> memref<128x128xf32, #tpu.memory_space<vmem_shared>>
        %dma_start3A_44 = arith.constant 0 : i32
        %dma_start3A_45 = tpu.memref_slice %arg13[%add3A_36, %dma_start3A_44] : memref<10240x128xf32, #tpu.memory_space<vmem_shared>> -> memref<128x128xf32, #tpu.memory_space<vmem_shared>>
        tpu.enqueue_dma source(%dma_start3A_45 : memref<128x128xf32, #tpu.memory_space<vmem_shared>>) target(%arg12 : memref<128x128xf32, #tpu.memory_space<vmem>>) target_semaphore(%run_scoped3A : memref<!tpu.dma_semaphore, #tpu.memory_space<semaphore_mem>>)
        %dma_wait3A = arith.constant 0 : i32
        %dma_wait3A_46 = tpu.memref_slice %arg13[%add3A_36, %dma_wait3A] : memref<10240x128xf32, #tpu.memory_space<vmem_shared>> -> memref<128x128xf32, #tpu.memory_space<vmem_shared>>
        %dma_wait3A_47 = arith.constant 0 : i32
        %dma_wait3A_48 = tpu.memref_slice %arg13[%add3A_36, %dma_wait3A_47] : memref<10240x128xf32, #tpu.memory_space<vmem_shared>> -> memref<128x128xf32, #tpu.memory_space<vmem_shared>>
        tpu.wait_dma2 semaphore(%run_scoped3A : memref<!tpu.dma_semaphore, #tpu.memory_space<semaphore_mem>>) src(%dma_wait3A_48 : memref<128x128xf32, #tpu.memory_space<vmem_shared>>) dst(%arg12 : memref<128x128xf32, #tpu.memory_space<vmem>>)
        tpu.yield
      }) : () -> ()
      "tpu.region"() ({
        %run_scoped3A = tpu.sem_alloc : memref<!tpu.dma_semaphore, #tpu.memory_space<semaphore_mem>>
        %dma_start3A = arith.constant 0 : i32
        %dma_start3A_43 = tpu.memref_slice %arg8[%add3A_36, %dma_start3A] : memref<10240x128xf32, #tpu.memory_space<hbm>> -> memref<128x128xf32, #tpu.memory_space<hbm>>
        %dma_start3A_44 = arith.constant 0 : i32
        %dma_start3A_45 = tpu.memref_slice %arg8[%add3A_36, %dma_start3A_44] : memref<10240x128xf32, #tpu.memory_space<hbm>> -> memref<128x128xf32, #tpu.memory_space<hbm>>
        tpu.enqueue_dma source(%arg12 : memref<128x128xf32, #tpu.memory_space<vmem>>) target(%dma_start3A_45 : memref<128x128xf32, #tpu.memory_space<hbm>>) target_semaphore(%run_scoped3A : memref<!tpu.dma_semaphore, #tpu.memory_space<semaphore_mem>>)
        %dma_wait3A = arith.constant 0 : i32
        %dma_wait3A_46 = tpu.memref_slice %arg8[%add3A_36, %dma_wait3A] : memref<10240x128xf32, #tpu.memory_space<hbm>> -> memref<128x128xf32, #tpu.memory_space<hbm>>
        %dma_wait3A_47 = arith.constant 0 : i32
        %dma_wait3A_48 = tpu.memref_slice %arg8[%add3A_36, %dma_wait3A_47] : memref<10240x128xf32, #tpu.memory_space<hbm>> -> memref<128x128xf32, #tpu.memory_space<hbm>>
        tpu.wait_dma2 semaphore(%run_scoped3A : memref<!tpu.dma_semaphore, #tpu.memory_space<semaphore_mem>>) src(%arg12 : memref<128x128xf32, #tpu.memory_space<vmem>>) dst(%dma_wait3A_48 : memref<128x128xf32, #tpu.memory_space<hbm>>)
        tpu.yield
      }) : () -> ()
      %add3A_37 = arith.constant 256 : i32
      %add3A_38 = arith.addi %mul3A_0, %add3A_37 : i32
      "tpu.region"() ({
        %run_scoped3A = tpu.sem_alloc : memref<!tpu.dma_semaphore, #tpu.memory_space<semaphore_mem>>
        %dma_start3A = arith.constant 0 : i32
        %dma_start3A_43 = tpu.memref_slice %arg13[%add3A_38, %dma_start3A] : memref<10240x128xf32, #tpu.memory_space<vmem_shared>> -> memref<128x128xf32, #tpu.memory_space<vmem_shared>>
        %dma_start3A_44 = arith.constant 0 : i32
        %dma_start3A_45 = tpu.memref_slice %arg13[%add3A_38, %dma_start3A_44] : memref<10240x128xf32, #tpu.memory_space<vmem_shared>> -> memref<128x128xf32, #tpu.memory_space<vmem_shared>>
        tpu.enqueue_dma source(%dma_start3A_45 : memref<128x128xf32, #tpu.memory_space<vmem_shared>>) target(%arg12 : memref<128x128xf32, #tpu.memory_space<vmem>>) target_semaphore(%run_scoped3A : memref<!tpu.dma_semaphore, #tpu.memory_space<semaphore_mem>>)
        %dma_wait3A = arith.constant 0 : i32
        %dma_wait3A_46 = tpu.memref_slice %arg13[%add3A_38, %dma_wait3A] : memref<10240x128xf32, #tpu.memory_space<vmem_shared>> -> memref<128x128xf32, #tpu.memory_space<vmem_shared>>
        %dma_wait3A_47 = arith.constant 0 : i32
        %dma_wait3A_48 = tpu.memref_slice %arg13[%add3A_38, %dma_wait3A_47] : memref<10240x128xf32, #tpu.memory_space<vmem_shared>> -> memref<128x128xf32, #tpu.memory_space<vmem_shared>>
        tpu.wait_dma2 semaphore(%run_scoped3A : memref<!tpu.dma_semaphore, #tpu.memory_space<semaphore_mem>>) src(%dma_wait3A_48 : memref<128x128xf32, #tpu.memory_space<vmem_shared>>) dst(%arg12 : memref<128x128xf32, #tpu.memory_space<vmem>>)
        tpu.yield
      }) : () -> ()
      "tpu.region"() ({
        %run_scoped3A = tpu.sem_alloc : memref<!tpu.dma_semaphore, #tpu.memory_space<semaphore_mem>>
        %dma_start3A = arith.constant 0 : i32
        %dma_start3A_43 = tpu.memref_slice %arg8[%add3A_38, %dma_start3A] : memref<10240x128xf32, #tpu.memory_space<hbm>> -> memref<128x128xf32, #tpu.memory_space<hbm>>
        %dma_start3A_44 = arith.constant 0 : i32
        %dma_start3A_45 = tpu.memref_slice %arg8[%add3A_38, %dma_start3A_44] : memref<10240x128xf32, #tpu.memory_space<hbm>> -> memref<128x128xf32, #tpu.memory_space<hbm>>
        tpu.enqueue_dma source(%arg12 : memref<128x128xf32, #tpu.memory_space<vmem>>) target(%dma_start3A_45 : memref<128x128xf32, #tpu.memory_space<hbm>>) target_semaphore(%run_scoped3A : memref<!tpu.dma_semaphore, #tpu.memory_space<semaphore_mem>>)
        %dma_wait3A = arith.constant 0 : i32
        %dma_wait3A_46 = tpu.memref_slice %arg8[%add3A_38, %dma_wait3A] : memref<10240x128xf32, #tpu.memory_space<hbm>> -> memref<128x128xf32, #tpu.memory_space<hbm>>
        %dma_wait3A_47 = arith.constant 0 : i32
        %dma_wait3A_48 = tpu.memref_slice %arg8[%add3A_38, %dma_wait3A_47] : memref<10240x128xf32, #tpu.memory_space<hbm>> -> memref<128x128xf32, #tpu.memory_space<hbm>>
        tpu.wait_dma2 semaphore(%run_scoped3A : memref<!tpu.dma_semaphore, #tpu.memory_space<semaphore_mem>>) src(%arg12 : memref<128x128xf32, #tpu.memory_space<vmem>>) dst(%dma_wait3A_48 : memref<128x128xf32, #tpu.memory_space<hbm>>)
        tpu.yield
      }) : () -> ()
      %add3A_39 = arith.constant 384 : i32
      %add3A_40 = arith.addi %mul3A_0, %add3A_39 : i32
      "tpu.region"() ({
        %run_scoped3A = tpu.sem_alloc : memref<!tpu.dma_semaphore, #tpu.memory_space<semaphore_mem>>
        %dma_start3A = arith.constant 0 : i32
        %dma_start3A_43 = tpu.memref_slice %arg13[%add3A_40, %dma_start3A] : memref<10240x128xf32, #tpu.memory_space<vmem_shared>> -> memref<128x128xf32, #tpu.memory_space<vmem_shared>>
        %dma_start3A_44 = arith.constant 0 : i32
        %dma_start3A_45 = tpu.memref_slice %arg13[%add3A_40, %dma_start3A_44] : memref<10240x128xf32, #tpu.memory_space<vmem_shared>> -> memref<128x128xf32, #tpu.memory_space<vmem_shared>>
        tpu.enqueue_dma source(%dma_start3A_45 : memref<128x128xf32, #tpu.memory_space<vmem_shared>>) target(%arg12 : memref<128x128xf32, #tpu.memory_space<vmem>>) target_semaphore(%run_scoped3A : memref<!tpu.dma_semaphore, #tpu.memory_space<semaphore_mem>>)
        %dma_wait3A = arith.constant 0 : i32
        %dma_wait3A_46 = tpu.memref_slice %arg13[%add3A_40, %dma_wait3A] : memref<10240x128xf32, #tpu.memory_space<vmem_shared>> -> memref<128x128xf32, #tpu.memory_space<vmem_shared>>
        %dma_wait3A_47 = arith.constant 0 : i32
        %dma_wait3A_48 = tpu.memref_slice %arg13[%add3A_40, %dma_wait3A_47] : memref<10240x128xf32, #tpu.memory_space<vmem_shared>> -> memref<128x128xf32, #tpu.memory_space<vmem_shared>>
        tpu.wait_dma2 semaphore(%run_scoped3A : memref<!tpu.dma_semaphore, #tpu.memory_space<semaphore_mem>>) src(%dma_wait3A_48 : memref<128x128xf32, #tpu.memory_space<vmem_shared>>) dst(%arg12 : memref<128x128xf32, #tpu.memory_space<vmem>>)
        tpu.yield
      }) : () -> ()
      "tpu.region"() ({
        %run_scoped3A = tpu.sem_alloc : memref<!tpu.dma_semaphore, #tpu.memory_space<semaphore_mem>>
        %dma_start3A = arith.constant 0 : i32
        %dma_start3A_43 = tpu.memref_slice %arg8[%add3A_40, %dma_start3A] : memref<10240x128xf32, #tpu.memory_space<hbm>> -> memref<128x128xf32, #tpu.memory_space<hbm>>
        %dma_start3A_44 = arith.constant 0 : i32
        %dma_start3A_45 = tpu.memref_slice %arg8[%add3A_40, %dma_start3A_44] : memref<10240x128xf32, #tpu.memory_space<hbm>> -> memref<128x128xf32, #tpu.memory_space<hbm>>
        tpu.enqueue_dma source(%arg12 : memref<128x128xf32, #tpu.memory_space<vmem>>) target(%dma_start3A_45 : memref<128x128xf32, #tpu.memory_space<hbm>>) target_semaphore(%run_scoped3A : memref<!tpu.dma_semaphore, #tpu.memory_space<semaphore_mem>>)
        %dma_wait3A = arith.constant 0 : i32
        %dma_wait3A_46 = tpu.memref_slice %arg8[%add3A_40, %dma_wait3A] : memref<10240x128xf32, #tpu.memory_space<hbm>> -> memref<128x128xf32, #tpu.memory_space<hbm>>
        %dma_wait3A_47 = arith.constant 0 : i32
        %dma_wait3A_48 = tpu.memref_slice %arg8[%add3A_40, %dma_wait3A_47] : memref<10240x128xf32, #tpu.memory_space<hbm>> -> memref<128x128xf32, #tpu.memory_space<hbm>>
        tpu.wait_dma2 semaphore(%run_scoped3A : memref<!tpu.dma_semaphore, #tpu.memory_space<semaphore_mem>>) src(%arg12 : memref<128x128xf32, #tpu.memory_space<vmem>>) dst(%dma_wait3A_48 : memref<128x128xf32, #tpu.memory_space<hbm>>)
        tpu.yield
      }) : () -> ()
      %add3A_41 = arith.constant 512 : i32
      %add3A_42 = arith.addi %mul3A_0, %add3A_41 : i32
      "tpu.region"() ({
        %run_scoped3A = tpu.sem_alloc : memref<!tpu.dma_semaphore, #tpu.memory_space<semaphore_mem>>
        %dma_start3A = arith.constant 0 : i32
        %dma_start3A_43 = tpu.memref_slice %arg13[%add3A_42, %dma_start3A] : memref<10240x128xf32, #tpu.memory_space<vmem_shared>> -> memref<128x128xf32, #tpu.memory_space<vmem_shared>>
        %dma_start3A_44 = arith.constant 0 : i32
        %dma_start3A_45 = tpu.memref_slice %arg13[%add3A_42, %dma_start3A_44] : memref<10240x128xf32, #tpu.memory_space<vmem_shared>> -> memref<128x128xf32, #tpu.memory_space<vmem_shared>>
        tpu.enqueue_dma source(%dma_start3A_45 : memref<128x128xf32, #tpu.memory_space<vmem_shared>>) target(%arg12 : memref<128x128xf32, #tpu.memory_space<vmem>>) target_semaphore(%run_scoped3A : memref<!tpu.dma_semaphore, #tpu.memory_space<semaphore_mem>>)
        %dma_wait3A = arith.constant 0 : i32
        %dma_wait3A_46 = tpu.memref_slice %arg13[%add3A_42, %dma_wait3A] : memref<10240x128xf32, #tpu.memory_space<vmem_shared>> -> memref<128x128xf32, #tpu.memory_space<vmem_shared>>
        %dma_wait3A_47 = arith.constant 0 : i32
        %dma_wait3A_48 = tpu.memref_slice %arg13[%add3A_42, %dma_wait3A_47] : memref<10240x128xf32, #tpu.memory_space<vmem_shared>> -> memref<128x128xf32, #tpu.memory_space<vmem_shared>>
        tpu.wait_dma2 semaphore(%run_scoped3A : memref<!tpu.dma_semaphore, #tpu.memory_space<semaphore_mem>>) src(%dma_wait3A_48 : memref<128x128xf32, #tpu.memory_space<vmem_shared>>) dst(%arg12 : memref<128x128xf32, #tpu.memory_space<vmem>>)
        tpu.yield
      }) : () -> ()
      "tpu.region"() ({
        %run_scoped3A = tpu.sem_alloc : memref<!tpu.dma_semaphore, #tpu.memory_space<semaphore_mem>>
        %dma_start3A = arith.constant 0 : i32
        %dma_start3A_43 = tpu.memref_slice %arg8[%add3A_42, %dma_start3A] : memref<10240x128xf32, #tpu.memory_space<hbm>> -> memref<128x128xf32, #tpu.memory_space<hbm>>
        %dma_start3A_44 = arith.constant 0 : i32
        %dma_start3A_45 = tpu.memref_slice %arg8[%add3A_42, %dma_start3A_44] : memref<10240x128xf32, #tpu.memory_space<hbm>> -> memref<128x128xf32, #tpu.memory_space<hbm>>
        tpu.enqueue_dma source(%arg12 : memref<128x128xf32, #tpu.memory_space<vmem>>) target(%dma_start3A_45 : memref<128x128xf32, #tpu.memory_space<hbm>>) target_semaphore(%run_scoped3A : memref<!tpu.dma_semaphore, #tpu.memory_space<semaphore_mem>>)
        %dma_wait3A = arith.constant 0 : i32
        %dma_wait3A_46 = tpu.memref_slice %arg8[%add3A_42, %dma_wait3A] : memref<10240x128xf32, #tpu.memory_space<hbm>> -> memref<128x128xf32, #tpu.memory_space<hbm>>
        %dma_wait3A_47 = arith.constant 0 : i32
        %dma_wait3A_48 = tpu.memref_slice %arg8[%add3A_42, %dma_wait3A_47] : memref<10240x128xf32, #tpu.memory_space<hbm>> -> memref<128x128xf32, #tpu.memory_space<hbm>>
        tpu.wait_dma2 semaphore(%run_scoped3A : memref<!tpu.dma_semaphore, #tpu.memory_space<semaphore_mem>>) src(%arg12 : memref<128x128xf32, #tpu.memory_space<vmem>>) dst(%dma_wait3A_48 : memref<128x128xf32, #tpu.memory_space<hbm>>)
        tpu.yield
      }) : () -> ()
    } else {
    }
    %eq3A_28 = arith.constant 1 : i32
    %eq3A_29 = arith.cmpi eq, %arg0, %eq3A_28 : i32
    %convert_element_type3A_30 = arith.extui %eq3A_29 : i1 to i32
    %cond3A_31 = arith.constant 0 : i32
    %cond3A_32 = arith.cmpi ne, %convert_element_type3A_30, %cond3A_31 : i32
    scf.if %cond3A_32 {
      %add3A_33 = arith.constant 0 : i32
      %add3A_34 = arith.addi %mul3A_0, %add3A_33 : i32
      "tpu.region"() ({
        %run_scoped3A = tpu.sem_alloc : memref<!tpu.dma_semaphore, #tpu.memory_space<semaphore_mem>>
        %dma_start3A = arith.constant 0 : i32
        %dma_start3A_43 = tpu.memref_slice %arg13[%add3A_34, %dma_start3A] : memref<10240x128xf32, #tpu.memory_space<vmem_shared>> -> memref<128x128xf32, #tpu.memory_space<vmem_shared>>
        %dma_start3A_44 = arith.constant 0 : i32
        %dma_start3A_45 = tpu.memref_slice %arg13[%add3A_34, %dma_start3A_44] : memref<10240x128xf32, #tpu.memory_space<vmem_shared>> -> memref<128x128xf32, #tpu.memory_space<vmem_shared>>
        tpu.enqueue_dma source(%dma_start3A_45 : memref<128x128xf32, #tpu.memory_space<vmem_shared>>) target(%arg12 : memref<128x128xf32, #tpu.memory_space<vmem>>) target_semaphore(%run_scoped3A : memref<!tpu.dma_semaphore, #tpu.memory_space<semaphore_mem>>)
        %dma_wait3A = arith.constant 0 : i32
        %dma_wait3A_46 = tpu.memref_slice %arg13[%add3A_34, %dma_wait3A] : memref<10240x128xf32, #tpu.memory_space<vmem_shared>> -> memref<128x128xf32, #tpu.memory_space<vmem_shared>>
        %dma_wait3A_47 = arith.constant 0 : i32
        %dma_wait3A_48 = tpu.memref_slice %arg13[%add3A_34, %dma_wait3A_47] : memref<10240x128xf32, #tpu.memory_space<vmem_shared>> -> memref<128x128xf32, #tpu.memory_space<vmem_shared>>
        tpu.wait_dma2 semaphore(%run_scoped3A : memref<!tpu.dma_semaphore, #tpu.memory_space<semaphore_mem>>) src(%dma_wait3A_48 : memref<128x128xf32, #tpu.memory_space<vmem_shared>>) dst(%arg12 : memref<128x128xf32, #tpu.memory_space<vmem>>)
        tpu.yield
      }) : () -> ()
      "tpu.region"() ({
        %run_scoped3A = tpu.sem_alloc : memref<!tpu.dma_semaphore, #tpu.memory_space<semaphore_mem>>
        %dma_start3A = arith.constant 0 : i32
        %dma_start3A_43 = tpu.memref_slice %arg9[%add3A_34, %dma_start3A] : memref<10240x128xf32, #tpu.memory_space<hbm>> -> memref<128x128xf32, #tpu.memory_space<hbm>>
        %dma_start3A_44 = arith.constant 0 : i32
        %dma_start3A_45 = tpu.memref_slice %arg9[%add3A_34, %dma_start3A_44] : memref<10240x128xf32, #tpu.memory_space<hbm>> -> memref<128x128xf32, #tpu.memory_space<hbm>>
        tpu.enqueue_dma source(%arg12 : memref<128x128xf32, #tpu.memory_space<vmem>>) target(%dma_start3A_45 : memref<128x128xf32, #tpu.memory_space<hbm>>) target_semaphore(%run_scoped3A : memref<!tpu.dma_semaphore, #tpu.memory_space<semaphore_mem>>)
        %dma_wait3A = arith.constant 0 : i32
        %dma_wait3A_46 = tpu.memref_slice %arg9[%add3A_34, %dma_wait3A] : memref<10240x128xf32, #tpu.memory_space<hbm>> -> memref<128x128xf32, #tpu.memory_space<hbm>>
        %dma_wait3A_47 = arith.constant 0 : i32
        %dma_wait3A_48 = tpu.memref_slice %arg9[%add3A_34, %dma_wait3A_47] : memref<10240x128xf32, #tpu.memory_space<hbm>> -> memref<128x128xf32, #tpu.memory_space<hbm>>
        tpu.wait_dma2 semaphore(%run_scoped3A : memref<!tpu.dma_semaphore, #tpu.memory_space<semaphore_mem>>) src(%arg12 : memref<128x128xf32, #tpu.memory_space<vmem>>) dst(%dma_wait3A_48 : memref<128x128xf32, #tpu.memory_space<hbm>>)
        tpu.yield
      }) : () -> ()
      %add3A_35 = arith.constant 128 : i32
      %add3A_36 = arith.addi %mul3A_0, %add3A_35 : i32
      "tpu.region"() ({
        %run_scoped3A = tpu.sem_alloc : memref<!tpu.dma_semaphore, #tpu.memory_space<semaphore_mem>>
        %dma_start3A = arith.constant 0 : i32
        %dma_start3A_43 = tpu.memref_slice %arg13[%add3A_36, %dma_start3A] : memref<10240x128xf32, #tpu.memory_space<vmem_shared>> -> memref<128x128xf32, #tpu.memory_space<vmem_shared>>
        %dma_start3A_44 = arith.constant 0 : i32
        %dma_start3A_45 = tpu.memref_slice %arg13[%add3A_36, %dma_start3A_44] : memref<10240x128xf32, #tpu.memory_space<vmem_shared>> -> memref<128x128xf32, #tpu.memory_space<vmem_shared>>
        tpu.enqueue_dma source(%dma_start3A_45 : memref<128x128xf32, #tpu.memory_space<vmem_shared>>) target(%arg12 : memref<128x128xf32, #tpu.memory_space<vmem>>) target_semaphore(%run_scoped3A : memref<!tpu.dma_semaphore, #tpu.memory_space<semaphore_mem>>)
        %dma_wait3A = arith.constant 0 : i32
        %dma_wait3A_46 = tpu.memref_slice %arg13[%add3A_36, %dma_wait3A] : memref<10240x128xf32, #tpu.memory_space<vmem_shared>> -> memref<128x128xf32, #tpu.memory_space<vmem_shared>>
        %dma_wait3A_47 = arith.constant 0 : i32
        %dma_wait3A_48 = tpu.memref_slice %arg13[%add3A_36, %dma_wait3A_47] : memref<10240x128xf32, #tpu.memory_space<vmem_shared>> -> memref<128x128xf32, #tpu.memory_space<vmem_shared>>
        tpu.wait_dma2 semaphore(%run_scoped3A : memref<!tpu.dma_semaphore, #tpu.memory_space<semaphore_mem>>) src(%dma_wait3A_48 : memref<128x128xf32, #tpu.memory_space<vmem_shared>>) dst(%arg12 : memref<128x128xf32, #tpu.memory_space<vmem>>)
        tpu.yield
      }) : () -> ()
      "tpu.region"() ({
        %run_scoped3A = tpu.sem_alloc : memref<!tpu.dma_semaphore, #tpu.memory_space<semaphore_mem>>
        %dma_start3A = arith.constant 0 : i32
        %dma_start3A_43 = tpu.memref_slice %arg9[%add3A_36, %dma_start3A] : memref<10240x128xf32, #tpu.memory_space<hbm>> -> memref<128x128xf32, #tpu.memory_space<hbm>>
        %dma_start3A_44 = arith.constant 0 : i32
        %dma_start3A_45 = tpu.memref_slice %arg9[%add3A_36, %dma_start3A_44] : memref<10240x128xf32, #tpu.memory_space<hbm>> -> memref<128x128xf32, #tpu.memory_space<hbm>>
        tpu.enqueue_dma source(%arg12 : memref<128x128xf32, #tpu.memory_space<vmem>>) target(%dma_start3A_45 : memref<128x128xf32, #tpu.memory_space<hbm>>) target_semaphore(%run_scoped3A : memref<!tpu.dma_semaphore, #tpu.memory_space<semaphore_mem>>)
        %dma_wait3A = arith.constant 0 : i32
        %dma_wait3A_46 = tpu.memref_slice %arg9[%add3A_36, %dma_wait3A] : memref<10240x128xf32, #tpu.memory_space<hbm>> -> memref<128x128xf32, #tpu.memory_space<hbm>>
        %dma_wait3A_47 = arith.constant 0 : i32
        %dma_wait3A_48 = tpu.memref_slice %arg9[%add3A_36, %dma_wait3A_47] : memref<10240x128xf32, #tpu.memory_space<hbm>> -> memref<128x128xf32, #tpu.memory_space<hbm>>
        tpu.wait_dma2 semaphore(%run_scoped3A : memref<!tpu.dma_semaphore, #tpu.memory_space<semaphore_mem>>) src(%arg12 : memref<128x128xf32, #tpu.memory_space<vmem>>) dst(%dma_wait3A_48 : memref<128x128xf32, #tpu.memory_space<hbm>>)
        tpu.yield
      }) : () -> ()
      %add3A_37 = arith.constant 256 : i32
      %add3A_38 = arith.addi %mul3A_0, %add3A_37 : i32
      "tpu.region"() ({
        %run_scoped3A = tpu.sem_alloc : memref<!tpu.dma_semaphore, #tpu.memory_space<semaphore_mem>>
        %dma_start3A = arith.constant 0 : i32
        %dma_start3A_43 = tpu.memref_slice %arg13[%add3A_38, %dma_start3A] : memref<10240x128xf32, #tpu.memory_space<vmem_shared>> -> memref<128x128xf32, #tpu.memory_space<vmem_shared>>
        %dma_start3A_44 = arith.constant 0 : i32
        %dma_start3A_45 = tpu.memref_slice %arg13[%add3A_38, %dma_start3A_44] : memref<10240x128xf32, #tpu.memory_space<vmem_shared>> -> memref<128x128xf32, #tpu.memory_space<vmem_shared>>
        tpu.enqueue_dma source(%dma_start3A_45 : memref<128x128xf32, #tpu.memory_space<vmem_shared>>) target(%arg12 : memref<128x128xf32, #tpu.memory_space<vmem>>) target_semaphore(%run_scoped3A : memref<!tpu.dma_semaphore, #tpu.memory_space<semaphore_mem>>)
        %dma_wait3A = arith.constant 0 : i32
        %dma_wait3A_46 = tpu.memref_slice %arg13[%add3A_38, %dma_wait3A] : memref<10240x128xf32, #tpu.memory_space<vmem_shared>> -> memref<128x128xf32, #tpu.memory_space<vmem_shared>>
        %dma_wait3A_47 = arith.constant 0 : i32
        %dma_wait3A_48 = tpu.memref_slice %arg13[%add3A_38, %dma_wait3A_47] : memref<10240x128xf32, #tpu.memory_space<vmem_shared>> -> memref<128x128xf32, #tpu.memory_space<vmem_shared>>
        tpu.wait_dma2 semaphore(%run_scoped3A : memref<!tpu.dma_semaphore, #tpu.memory_space<semaphore_mem>>) src(%dma_wait3A_48 : memref<128x128xf32, #tpu.memory_space<vmem_shared>>) dst(%arg12 : memref<128x128xf32, #tpu.memory_space<vmem>>)
        tpu.yield
      }) : () -> ()
      "tpu.region"() ({
        %run_scoped3A = tpu.sem_alloc : memref<!tpu.dma_semaphore, #tpu.memory_space<semaphore_mem>>
        %dma_start3A = arith.constant 0 : i32
        %dma_start3A_43 = tpu.memref_slice %arg9[%add3A_38, %dma_start3A] : memref<10240x128xf32, #tpu.memory_space<hbm>> -> memref<128x128xf32, #tpu.memory_space<hbm>>
        %dma_start3A_44 = arith.constant 0 : i32
        %dma_start3A_45 = tpu.memref_slice %arg9[%add3A_38, %dma_start3A_44] : memref<10240x128xf32, #tpu.memory_space<hbm>> -> memref<128x128xf32, #tpu.memory_space<hbm>>
        tpu.enqueue_dma source(%arg12 : memref<128x128xf32, #tpu.memory_space<vmem>>) target(%dma_start3A_45 : memref<128x128xf32, #tpu.memory_space<hbm>>) target_semaphore(%run_scoped3A : memref<!tpu.dma_semaphore, #tpu.memory_space<semaphore_mem>>)
        %dma_wait3A = arith.constant 0 : i32
        %dma_wait3A_46 = tpu.memref_slice %arg9[%add3A_38, %dma_wait3A] : memref<10240x128xf32, #tpu.memory_space<hbm>> -> memref<128x128xf32, #tpu.memory_space<hbm>>
        %dma_wait3A_47 = arith.constant 0 : i32
        %dma_wait3A_48 = tpu.memref_slice %arg9[%add3A_38, %dma_wait3A_47] : memref<10240x128xf32, #tpu.memory_space<hbm>> -> memref<128x128xf32, #tpu.memory_space<hbm>>
        tpu.wait_dma2 semaphore(%run_scoped3A : memref<!tpu.dma_semaphore, #tpu.memory_space<semaphore_mem>>) src(%arg12 : memref<128x128xf32, #tpu.memory_space<vmem>>) dst(%dma_wait3A_48 : memref<128x128xf32, #tpu.memory_space<hbm>>)
        tpu.yield
      }) : () -> ()
      %add3A_39 = arith.constant 384 : i32
      %add3A_40 = arith.addi %mul3A_0, %add3A_39 : i32
      "tpu.region"() ({
        %run_scoped3A = tpu.sem_alloc : memref<!tpu.dma_semaphore, #tpu.memory_space<semaphore_mem>>
        %dma_start3A = arith.constant 0 : i32
        %dma_start3A_43 = tpu.memref_slice %arg13[%add3A_40, %dma_start3A] : memref<10240x128xf32, #tpu.memory_space<vmem_shared>> -> memref<128x128xf32, #tpu.memory_space<vmem_shared>>
        %dma_start3A_44 = arith.constant 0 : i32
        %dma_start3A_45 = tpu.memref_slice %arg13[%add3A_40, %dma_start3A_44] : memref<10240x128xf32, #tpu.memory_space<vmem_shared>> -> memref<128x128xf32, #tpu.memory_space<vmem_shared>>
        tpu.enqueue_dma source(%dma_start3A_45 : memref<128x128xf32, #tpu.memory_space<vmem_shared>>) target(%arg12 : memref<128x128xf32, #tpu.memory_space<vmem>>) target_semaphore(%run_scoped3A : memref<!tpu.dma_semaphore, #tpu.memory_space<semaphore_mem>>)
        %dma_wait3A = arith.constant 0 : i32
        %dma_wait3A_46 = tpu.memref_slice %arg13[%add3A_40, %dma_wait3A] : memref<10240x128xf32, #tpu.memory_space<vmem_shared>> -> memref<128x128xf32, #tpu.memory_space<vmem_shared>>
        %dma_wait3A_47 = arith.constant 0 : i32
        %dma_wait3A_48 = tpu.memref_slice %arg13[%add3A_40, %dma_wait3A_47] : memref<10240x128xf32, #tpu.memory_space<vmem_shared>> -> memref<128x128xf32, #tpu.memory_space<vmem_shared>>
        tpu.wait_dma2 semaphore(%run_scoped3A : memref<!tpu.dma_semaphore, #tpu.memory_space<semaphore_mem>>) src(%dma_wait3A_48 : memref<128x128xf32, #tpu.memory_space<vmem_shared>>) dst(%arg12 : memref<128x128xf32, #tpu.memory_space<vmem>>)
        tpu.yield
      }) : () -> ()
      "tpu.region"() ({
        %run_scoped3A = tpu.sem_alloc : memref<!tpu.dma_semaphore, #tpu.memory_space<semaphore_mem>>
        %dma_start3A = arith.constant 0 : i32
        %dma_start3A_43 = tpu.memref_slice %arg9[%add3A_40, %dma_start3A] : memref<10240x128xf32, #tpu.memory_space<hbm>> -> memref<128x128xf32, #tpu.memory_space<hbm>>
        %dma_start3A_44 = arith.constant 0 : i32
        %dma_start3A_45 = tpu.memref_slice %arg9[%add3A_40, %dma_start3A_44] : memref<10240x128xf32, #tpu.memory_space<hbm>> -> memref<128x128xf32, #tpu.memory_space<hbm>>
        tpu.enqueue_dma source(%arg12 : memref<128x128xf32, #tpu.memory_space<vmem>>) target(%dma_start3A_45 : memref<128x128xf32, #tpu.memory_space<hbm>>) target_semaphore(%run_scoped3A : memref<!tpu.dma_semaphore, #tpu.memory_space<semaphore_mem>>)
        %dma_wait3A = arith.constant 0 : i32
        %dma_wait3A_46 = tpu.memref_slice %arg9[%add3A_40, %dma_wait3A] : memref<10240x128xf32, #tpu.memory_space<hbm>> -> memref<128x128xf32, #tpu.memory_space<hbm>>
        %dma_wait3A_47 = arith.constant 0 : i32
        %dma_wait3A_48 = tpu.memref_slice %arg9[%add3A_40, %dma_wait3A_47] : memref<10240x128xf32, #tpu.memory_space<hbm>> -> memref<128x128xf32, #tpu.memory_space<hbm>>
        tpu.wait_dma2 semaphore(%run_scoped3A : memref<!tpu.dma_semaphore, #tpu.memory_space<semaphore_mem>>) src(%arg12 : memref<128x128xf32, #tpu.memory_space<vmem>>) dst(%dma_wait3A_48 : memref<128x128xf32, #tpu.memory_space<hbm>>)
        tpu.yield
      }) : () -> ()
      %add3A_41 = arith.constant 512 : i32
      %add3A_42 = arith.addi %mul3A_0, %add3A_41 : i32
      "tpu.region"() ({
        %run_scoped3A = tpu.sem_alloc : memref<!tpu.dma_semaphore, #tpu.memory_space<semaphore_mem>>
        %dma_start3A = arith.constant 0 : i32
        %dma_start3A_43 = tpu.memref_slice %arg13[%add3A_42, %dma_start3A] : memref<10240x128xf32, #tpu.memory_space<vmem_shared>> -> memref<128x128xf32, #tpu.memory_space<vmem_shared>>
        %dma_start3A_44 = arith.constant 0 : i32
        %dma_start3A_45 = tpu.memref_slice %arg13[%add3A_42, %dma_start3A_44] : memref<10240x128xf32, #tpu.memory_space<vmem_shared>> -> memref<128x128xf32, #tpu.memory_space<vmem_shared>>
        tpu.enqueue_dma source(%dma_start3A_45 : memref<128x128xf32, #tpu.memory_space<vmem_shared>>) target(%arg12 : memref<128x128xf32, #tpu.memory_space<vmem>>) target_semaphore(%run_scoped3A : memref<!tpu.dma_semaphore, #tpu.memory_space<semaphore_mem>>)
        %dma_wait3A = arith.constant 0 : i32
        %dma_wait3A_46 = tpu.memref_slice %arg13[%add3A_42, %dma_wait3A] : memref<10240x128xf32, #tpu.memory_space<vmem_shared>> -> memref<128x128xf32, #tpu.memory_space<vmem_shared>>
        %dma_wait3A_47 = arith.constant 0 : i32
        %dma_wait3A_48 = tpu.memref_slice %arg13[%add3A_42, %dma_wait3A_47] : memref<10240x128xf32, #tpu.memory_space<vmem_shared>> -> memref<128x128xf32, #tpu.memory_space<vmem_shared>>
        tpu.wait_dma2 semaphore(%run_scoped3A : memref<!tpu.dma_semaphore, #tpu.memory_space<semaphore_mem>>) src(%dma_wait3A_48 : memref<128x128xf32, #tpu.memory_space<vmem_shared>>) dst(%arg12 : memref<128x128xf32, #tpu.memory_space<vmem>>)
        tpu.yield
      }) : () -> ()
      "tpu.region"() ({
        %run_scoped3A = tpu.sem_alloc : memref<!tpu.dma_semaphore, #tpu.memory_space<semaphore_mem>>
        %dma_start3A = arith.constant 0 : i32
        %dma_start3A_43 = tpu.memref_slice %arg9[%add3A_42, %dma_start3A] : memref<10240x128xf32, #tpu.memory_space<hbm>> -> memref<128x128xf32, #tpu.memory_space<hbm>>
        %dma_start3A_44 = arith.constant 0 : i32
        %dma_start3A_45 = tpu.memref_slice %arg9[%add3A_42, %dma_start3A_44] : memref<10240x128xf32, #tpu.memory_space<hbm>> -> memref<128x128xf32, #tpu.memory_space<hbm>>
        tpu.enqueue_dma source(%arg12 : memref<128x128xf32, #tpu.memory_space<vmem>>) target(%dma_start3A_45 : memref<128x128xf32, #tpu.memory_space<hbm>>) target_semaphore(%run_scoped3A : memref<!tpu.dma_semaphore, #tpu.memory_space<semaphore_mem>>)
        %dma_wait3A = arith.constant 0 : i32
        %dma_wait3A_46 = tpu.memref_slice %arg9[%add3A_42, %dma_wait3A] : memref<10240x128xf32, #tpu.memory_space<hbm>> -> memref<128x128xf32, #tpu.memory_space<hbm>>
        %dma_wait3A_47 = arith.constant 0 : i32
        %dma_wait3A_48 = tpu.memref_slice %arg9[%add3A_42, %dma_wait3A_47] : memref<10240x128xf32, #tpu.memory_space<hbm>> -> memref<128x128xf32, #tpu.memory_space<hbm>>
        tpu.wait_dma2 semaphore(%run_scoped3A : memref<!tpu.dma_semaphore, #tpu.memory_space<semaphore_mem>>) src(%arg12 : memref<128x128xf32, #tpu.memory_space<vmem>>) dst(%dma_wait3A_48 : memref<128x128xf32, #tpu.memory_space<hbm>>)
        tpu.yield
      }) : () -> ()
    } else {
    }
    return
  }
}

#map = affine_map<(d0, d1) -> (0, 0)>
module attributes {stable_mosaic.version = 14 : i64} {
  func.func @body(%arg0: i32, %arg1: i32, %arg2: memref<2560x128xi32, #tpu.memory_space<hbm>>, %arg3: memref<2560x128xi32, #tpu.memory_space<hbm>>, %arg4: memref<10240x128xf32, #tpu.memory_space<hbm>>, %arg5: memref<10240x128xf32, #tpu.memory_space<hbm>>, %arg6: memref<32x128xi32, #tpu.memory_space<vmem>>, %arg7: memref<128x128xf32, #tpu.memory_space<vmem>>, %arg8: memref<10240x128xf32, #tpu.memory_space<vmem_shared>>) attributes {dimension_semantics = [#tpu.dimension_semantics<core_parallel>, #tpu.dimension_semantics<subcore_parallel>], iteration_bounds = array<i64: 2, 16>, scalar_prefetch = 0 : i64, scratch_operands = 3 : i64, tpu.core_type = #tpu.core_type<sc_vector_subcore>, window_params = [{transform_indices = #map}, {transform_indices = #map}, {transform_indices = #map}, {transform_indices = #map}]} {
    %mul3A = arith.constant 640 : i32
    %mul3A_0 = arith.muli %arg1, %mul3A : i32
    %broadcast_in_dim3A = arith.constant 0.000000e+00 : f32
    %broadcast_in_dim3A_1 = vector.broadcast %broadcast_in_dim3A : f32 to vector<16xf32>
    %scan3A = arith.constant 0 : i32
    %scan3A_2 = arith.constant 128 : i32
    %scan3A_3 = arith.addi %scan3A, %scan3A_2 : i32
    %scan3A_4 = arith.constant 1 : i32
    scf.for %scan3A_40 = %scan3A to %scan3A_3 step %scan3A_4  : i32 {
      %mul3A_41 = arith.constant 1 : i32
      %mul3A_42 = arith.muli %scan3A_40, %mul3A_41 : i32
      %add3A_43 = arith.constant 0 : i32
      %add3A_44 = arith.addi %add3A_43, %mul3A_42 : i32
      %swap3A = arith.index_cast %add3A_44 : i32 to index
      %swap3A_45 = arith.constant 0 : index
      %swap3A_46 = tpu.vector_load %arg7[%swap3A, %swap3A_45] {strides = array<i32>} : memref<128x128xf32, #tpu.memory_space<vmem>>, vector<1x16xf32>,
      %swap3A_47 = vector.shape_cast %swap3A_46 : vector<1x16xf32> to vector<16xf32>
      %swap3A_48 = vector.shape_cast %broadcast_in_dim3A_1 : vector<16xf32> to vector<1x16xf32>
      tpu.vector_store %arg7[%swap3A, %swap3A_45], %swap3A_48 {strides = array<i32>} : memref<128x128xf32, #tpu.memory_space<vmem>>, vector<1x16xf32>,
      %swap3A_49 = arith.index_cast %add3A_44 : i32 to index
      %swap3A_50 = arith.constant 16 : index
      %swap3A_51 = tpu.vector_load %arg7[%swap3A_49, %swap3A_50] {strides = array<i32>} : memref<128x128xf32, #tpu.memory_space<vmem>>, vector<1x16xf32>,
      %swap3A_52 = vector.shape_cast %swap3A_51 : vector<1x16xf32> to vector<16xf32>
      %swap3A_53 = vector.shape_cast %broadcast_in_dim3A_1 : vector<16xf32> to vector<1x16xf32>
      tpu.vector_store %arg7[%swap3A_49, %swap3A_50], %swap3A_53 {strides = array<i32>} : memref<128x128xf32, #tpu.memory_space<vmem>>, vector<1x16xf32>,
      %swap3A_54 = arith.index_cast %add3A_44 : i32 to index
      %swap3A_55 = arith.constant 32 : index
      %swap3A_56 = tpu.vector_load %arg7[%swap3A_54, %swap3A_55] {strides = array<i32>} : memref<128x128xf32, #tpu.memory_space<vmem>>, vector<1x16xf32>,
      %swap3A_57 = vector.shape_cast %swap3A_56 : vector<1x16xf32> to vector<16xf32>
      %swap3A_58 = vector.shape_cast %broadcast_in_dim3A_1 : vector<16xf32> to vector<1x16xf32>
      tpu.vector_store %arg7[%swap3A_54, %swap3A_55], %swap3A_58 {strides = array<i32>} : memref<128x128xf32, #tpu.memory_space<vmem>>, vector<1x16xf32>,
      %swap3A_59 = arith.index_cast %add3A_44 : i32 to index
      %swap3A_60 = arith.constant 48 : index
      %swap3A_61 = tpu.vector_load %arg7[%swap3A_59, %swap3A_60] {strides = array<i32>} : memref<128x128xf32, #tpu.memory_space<vmem>>, vector<1x16xf32>,
      %swap3A_62 = vector.shape_cast %swap3A_61 : vector<1x16xf32> to vector<16xf32>
      %swap3A_63 = vector.shape_cast %broadcast_in_dim3A_1 : vector<16xf32> to vector<1x16xf32>
      tpu.vector_store %arg7[%swap3A_59, %swap3A_60], %swap3A_63 {strides = array<i32>} : memref<128x128xf32, #tpu.memory_space<vmem>>, vector<1x16xf32>,
      %swap3A_64 = arith.index_cast %add3A_44 : i32 to index
      %swap3A_65 = arith.constant 64 : index
      %swap3A_66 = tpu.vector_load %arg7[%swap3A_64, %swap3A_65] {strides = array<i32>} : memref<128x128xf32, #tpu.memory_space<vmem>>, vector<1x16xf32>,
      %swap3A_67 = vector.shape_cast %swap3A_66 : vector<1x16xf32> to vector<16xf32>
      %swap3A_68 = vector.shape_cast %broadcast_in_dim3A_1 : vector<16xf32> to vector<1x16xf32>
      tpu.vector_store %arg7[%swap3A_64, %swap3A_65], %swap3A_68 {strides = array<i32>} : memref<128x128xf32, #tpu.memory_space<vmem>>, vector<1x16xf32>,
      %swap3A_69 = arith.index_cast %add3A_44 : i32 to index
      %swap3A_70 = arith.constant 80 : index
      %swap3A_71 = tpu.vector_load %arg7[%swap3A_69, %swap3A_70] {strides = array<i32>} : memref<128x128xf32, #tpu.memory_space<vmem>>, vector<1x16xf32>,
      %swap3A_72 = vector.shape_cast %swap3A_71 : vector<1x16xf32> to vector<16xf32>
      %swap3A_73 = vector.shape_cast %broadcast_in_dim3A_1 : vector<16xf32> to vector<1x16xf32>
      tpu.vector_store %arg7[%swap3A_69, %swap3A_70], %swap3A_73 {strides = array<i32>} : memref<128x128xf32, #tpu.memory_space<vmem>>, vector<1x16xf32>,
      %swap3A_74 = arith.index_cast %add3A_44 : i32 to index
      %swap3A_75 = arith.constant 96 : index
      %swap3A_76 = tpu.vector_load %arg7[%swap3A_74, %swap3A_75] {strides = array<i32>} : memref<128x128xf32, #tpu.memory_space<vmem>>, vector<1x16xf32>,
      %swap3A_77 = vector.shape_cast %swap3A_76 : vector<1x16xf32> to vector<16xf32>
      %swap3A_78 = vector.shape_cast %broadcast_in_dim3A_1 : vector<16xf32> to vector<1x16xf32>
      tpu.vector_store %arg7[%swap3A_74, %swap3A_75], %swap3A_78 {strides = array<i32>} : memref<128x128xf32, #tpu.memory_space<vmem>>, vector<1x16xf32>,
      %swap3A_79 = arith.index_cast %add3A_44 : i32 to index
      %swap3A_80 = arith.constant 112 : index
      %swap3A_81 = tpu.vector_load %arg7[%swap3A_79, %swap3A_80] {strides = array<i32>} : memref<128x128xf32, #tpu.memory_space<vmem>>, vector<1x16xf32>,
      %swap3A_82 = vector.shape_cast %swap3A_81 : vector<1x16xf32> to vector<16xf32>
      %swap3A_83 = vector.shape_cast %broadcast_in_dim3A_1 : vector<16xf32> to vector<1x16xf32>
      tpu.vector_store %arg7[%swap3A_79, %swap3A_80], %swap3A_83 {strides = array<i32>} : memref<128x128xf32, #tpu.memory_space<vmem>>, vector<1x16xf32>,
    }
    %scan3A_5 = arith.constant 128 : i32
    %add3A = arith.constant 0 : i32
    %add3A_6 = arith.addi %mul3A_0, %add3A : i32
    "tpu.region"() ({
      %run_scoped3A = tpu.sem_alloc : memref<!tpu.dma_semaphore, #tpu.memory_space<semaphore_mem>>
      %dma_start3A = arith.constant 0 : i32
      %dma_start3A_40 = tpu.memref_slice %arg8[%add3A_6, %dma_start3A] : memref<10240x128xf32, #tpu.memory_space<vmem_shared>> -> memref<128x128xf32, #tpu.memory_space<vmem_shared>>
      %dma_start3A_41 = arith.constant 0 : i32
      %dma_start3A_42 = tpu.memref_slice %arg8[%add3A_6, %dma_start3A_41] : memref<10240x128xf32, #tpu.memory_space<vmem_shared>> -> memref<128x128xf32, #tpu.memory_space<vmem_shared>>
      tpu.enqueue_dma source(%arg7 : memref<128x128xf32, #tpu.memory_space<vmem>>) target(%dma_start3A_42 : memref<128x128xf32, #tpu.memory_space<vmem_shared>>) target_semaphore(%run_scoped3A : memref<!tpu.dma_semaphore, #tpu.memory_space<semaphore_mem>>)
      %dma_wait3A = arith.constant 0 : i32
      %dma_wait3A_43 = tpu.memref_slice %arg8[%add3A_6, %dma_wait3A] : memref<10240x128xf32, #tpu.memory_space<vmem_shared>> -> memref<128x128xf32, #tpu.memory_space<vmem_shared>>
      %dma_wait3A_44 = arith.constant 0 : i32
      %dma_wait3A_45 = tpu.memref_slice %arg8[%add3A_6, %dma_wait3A_44] : memref<10240x128xf32, #tpu.memory_space<vmem_shared>> -> memref<128x128xf32, #tpu.memory_space<vmem_shared>>
      tpu.wait_dma2 semaphore(%run_scoped3A : memref<!tpu.dma_semaphore, #tpu.memory_space<semaphore_mem>>) src(%arg7 : memref<128x128xf32, #tpu.memory_space<vmem>>) dst(%dma_wait3A_45 : memref<128x128xf32, #tpu.memory_space<vmem_shared>>)
      tpu.yield
    }) : () -> ()
    %add3A_7 = arith.constant 128 : i32
    %add3A_8 = arith.addi %mul3A_0, %add3A_7 : i32
    "tpu.region"() ({
      %run_scoped3A = tpu.sem_alloc : memref<!tpu.dma_semaphore, #tpu.memory_space<semaphore_mem>>
      %dma_start3A = arith.constant 0 : i32
      %dma_start3A_40 = tpu.memref_slice %arg8[%add3A_8, %dma_start3A] : memref<10240x128xf32, #tpu.memory_space<vmem_shared>> -> memref<128x128xf32, #tpu.memory_space<vmem_shared>>
      %dma_start3A_41 = arith.constant 0 : i32
      %dma_start3A_42 = tpu.memref_slice %arg8[%add3A_8, %dma_start3A_41] : memref<10240x128xf32, #tpu.memory_space<vmem_shared>> -> memref<128x128xf32, #tpu.memory_space<vmem_shared>>
      tpu.enqueue_dma source(%arg7 : memref<128x128xf32, #tpu.memory_space<vmem>>) target(%dma_start3A_42 : memref<128x128xf32, #tpu.memory_space<vmem_shared>>) target_semaphore(%run_scoped3A : memref<!tpu.dma_semaphore, #tpu.memory_space<semaphore_mem>>)
      %dma_wait3A = arith.constant 0 : i32
      %dma_wait3A_43 = tpu.memref_slice %arg8[%add3A_8, %dma_wait3A] : memref<10240x128xf32, #tpu.memory_space<vmem_shared>> -> memref<128x128xf32, #tpu.memory_space<vmem_shared>>
      %dma_wait3A_44 = arith.constant 0 : i32
      %dma_wait3A_45 = tpu.memref_slice %arg8[%add3A_8, %dma_wait3A_44] : memref<10240x128xf32, #tpu.memory_space<vmem_shared>> -> memref<128x128xf32, #tpu.memory_space<vmem_shared>>
      tpu.wait_dma2 semaphore(%run_scoped3A : memref<!tpu.dma_semaphore, #tpu.memory_space<semaphore_mem>>) src(%arg7 : memref<128x128xf32, #tpu.memory_space<vmem>>) dst(%dma_wait3A_45 : memref<128x128xf32, #tpu.memory_space<vmem_shared>>)
      tpu.yield
    }) : () -> ()
    %add3A_9 = arith.constant 256 : i32
    %add3A_10 = arith.addi %mul3A_0, %add3A_9 : i32
    "tpu.region"() ({
      %run_scoped3A = tpu.sem_alloc : memref<!tpu.dma_semaphore, #tpu.memory_space<semaphore_mem>>
      %dma_start3A = arith.constant 0 : i32
      %dma_start3A_40 = tpu.memref_slice %arg8[%add3A_10, %dma_start3A] : memref<10240x128xf32, #tpu.memory_space<vmem_shared>> -> memref<128x128xf32, #tpu.memory_space<vmem_shared>>
      %dma_start3A_41 = arith.constant 0 : i32
      %dma_start3A_42 = tpu.memref_slice %arg8[%add3A_10, %dma_start3A_41] : memref<10240x128xf32, #tpu.memory_space<vmem_shared>> -> memref<128x128xf32, #tpu.memory_space<vmem_shared>>
      tpu.enqueue_dma source(%arg7 : memref<128x128xf32, #tpu.memory_space<vmem>>) target(%dma_start3A_42 : memref<128x128xf32, #tpu.memory_space<vmem_shared>>) target_semaphore(%run_scoped3A : memref<!tpu.dma_semaphore, #tpu.memory_space<semaphore_mem>>)
      %dma_wait3A = arith.constant 0 : i32
      %dma_wait3A_43 = tpu.memref_slice %arg8[%add3A_10, %dma_wait3A] : memref<10240x128xf32, #tpu.memory_space<vmem_shared>> -> memref<128x128xf32, #tpu.memory_space<vmem_shared>>
      %dma_wait3A_44 = arith.constant 0 : i32
      %dma_wait3A_45 = tpu.memref_slice %arg8[%add3A_10, %dma_wait3A_44] : memref<10240x128xf32, #tpu.memory_space<vmem_shared>> -> memref<128x128xf32, #tpu.memory_space<vmem_shared>>
      tpu.wait_dma2 semaphore(%run_scoped3A : memref<!tpu.dma_semaphore, #tpu.memory_space<semaphore_mem>>) src(%arg7 : memref<128x128xf32, #tpu.memory_space<vmem>>) dst(%dma_wait3A_45 : memref<128x128xf32, #tpu.memory_space<vmem_shared>>)
      tpu.yield
    }) : () -> ()
    %add3A_11 = arith.constant 384 : i32
    %add3A_12 = arith.addi %mul3A_0, %add3A_11 : i32
    "tpu.region"() ({
      %run_scoped3A = tpu.sem_alloc : memref<!tpu.dma_semaphore, #tpu.memory_space<semaphore_mem>>
      %dma_start3A = arith.constant 0 : i32
      %dma_start3A_40 = tpu.memref_slice %arg8[%add3A_12, %dma_start3A] : memref<10240x128xf32, #tpu.memory_space<vmem_shared>> -> memref<128x128xf32, #tpu.memory_space<vmem_shared>>
      %dma_start3A_41 = arith.constant 0 : i32
      %dma_start3A_42 = tpu.memref_slice %arg8[%add3A_12, %dma_start3A_41] : memref<10240x128xf32, #tpu.memory_space<vmem_shared>> -> memref<128x128xf32, #tpu.memory_space<vmem_shared>>
      tpu.enqueue_dma source(%arg7 : memref<128x128xf32, #tpu.memory_space<vmem>>) target(%dma_start3A_42 : memref<128x128xf32, #tpu.memory_space<vmem_shared>>) target_semaphore(%run_scoped3A : memref<!tpu.dma_semaphore, #tpu.memory_space<semaphore_mem>>)
      %dma_wait3A = arith.constant 0 : i32
      %dma_wait3A_43 = tpu.memref_slice %arg8[%add3A_12, %dma_wait3A] : memref<10240x128xf32, #tpu.memory_space<vmem_shared>> -> memref<128x128xf32, #tpu.memory_space<vmem_shared>>
      %dma_wait3A_44 = arith.constant 0 : i32
      %dma_wait3A_45 = tpu.memref_slice %arg8[%add3A_12, %dma_wait3A_44] : memref<10240x128xf32, #tpu.memory_space<vmem_shared>> -> memref<128x128xf32, #tpu.memory_space<vmem_shared>>
      tpu.wait_dma2 semaphore(%run_scoped3A : memref<!tpu.dma_semaphore, #tpu.memory_space<semaphore_mem>>) src(%arg7 : memref<128x128xf32, #tpu.memory_space<vmem>>) dst(%dma_wait3A_45 : memref<128x128xf32, #tpu.memory_space<vmem_shared>>)
      tpu.yield
    }) : () -> ()
    %add3A_13 = arith.constant 512 : i32
    %add3A_14 = arith.addi %mul3A_0, %add3A_13 : i32
    "tpu.region"() ({
      %run_scoped3A = tpu.sem_alloc : memref<!tpu.dma_semaphore, #tpu.memory_space<semaphore_mem>>
      %dma_start3A = arith.constant 0 : i32
      %dma_start3A_40 = tpu.memref_slice %arg8[%add3A_14, %dma_start3A] : memref<10240x128xf32, #tpu.memory_space<vmem_shared>> -> memref<128x128xf32, #tpu.memory_space<vmem_shared>>
      %dma_start3A_41 = arith.constant 0 : i32
      %dma_start3A_42 = tpu.memref_slice %arg8[%add3A_14, %dma_start3A_41] : memref<10240x128xf32, #tpu.memory_space<vmem_shared>> -> memref<128x128xf32, #tpu.memory_space<vmem_shared>>
      tpu.enqueue_dma source(%arg7 : memref<128x128xf32, #tpu.memory_space<vmem>>) target(%dma_start3A_42 : memref<128x128xf32, #tpu.memory_space<vmem_shared>>) target_semaphore(%run_scoped3A : memref<!tpu.dma_semaphore, #tpu.memory_space<semaphore_mem>>)
      %dma_wait3A = arith.constant 0 : i32
      %dma_wait3A_43 = tpu.memref_slice %arg8[%add3A_14, %dma_wait3A] : memref<10240x128xf32, #tpu.memory_space<vmem_shared>> -> memref<128x128xf32, #tpu.memory_space<vmem_shared>>
      %dma_wait3A_44 = arith.constant 0 : i32
      %dma_wait3A_45 = tpu.memref_slice %arg8[%add3A_14, %dma_wait3A_44] : memref<10240x128xf32, #tpu.memory_space<vmem_shared>> -> memref<128x128xf32, #tpu.memory_space<vmem_shared>>
      tpu.wait_dma2 semaphore(%run_scoped3A : memref<!tpu.dma_semaphore, #tpu.memory_space<semaphore_mem>>) src(%arg7 : memref<128x128xf32, #tpu.memory_space<vmem>>) dst(%dma_wait3A_45 : memref<128x128xf32, #tpu.memory_space<vmem_shared>>)
      tpu.yield
    }) : () -> ()
    %barrier3A = arith.constant 0 : index
    tpu.barrier barrier_id(%barrier3A)
    %broadcast_in_dim3A_15 = arith.constant 1.000000e+00 : f32
    %broadcast_in_dim3A_16 = vector.broadcast %broadcast_in_dim3A_15 : f32 to vector<16xf32>
    %scan3A_17 = arith.constant 0 : i32
    %scan3A_18 = arith.constant 128 : i32
    %scan3A_19 = arith.addi %scan3A_17, %scan3A_18 : i32
    %scan3A_20 = arith.constant 1 : i32
    scf.for %scan3A_40 = %scan3A_17 to %scan3A_19 step %scan3A_20  : i32 {
      %mul3A_41 = arith.constant 1 : i32
      %mul3A_42 = arith.muli %scan3A_40, %mul3A_41 : i32
      %add3A_43 = arith.constant 0 : i32
      %add3A_44 = arith.addi %add3A_43, %mul3A_42 : i32
      %swap3A = arith.index_cast %add3A_44 : i32 to index
      %swap3A_45 = arith.constant 0 : index
      %swap3A_46 = tpu.vector_load %arg7[%swap3A, %swap3A_45] {strides = array<i32>} : memref<128x128xf32, #tpu.memory_space<vmem>>, vector<1x16xf32>,
      %swap3A_47 = vector.shape_cast %swap3A_46 : vector<1x16xf32> to vector<16xf32>
      %swap3A_48 = vector.shape_cast %broadcast_in_dim3A_16 : vector<16xf32> to vector<1x16xf32>
      tpu.vector_store %arg7[%swap3A, %swap3A_45], %swap3A_48 {strides = array<i32>} : memref<128x128xf32, #tpu.memory_space<vmem>>, vector<1x16xf32>,
      %swap3A_49 = arith.index_cast %add3A_44 : i32 to index
      %swap3A_50 = arith.constant 16 : index
      %swap3A_51 = tpu.vector_load %arg7[%swap3A_49, %swap3A_50] {strides = array<i32>} : memref<128x128xf32, #tpu.memory_space<vmem>>, vector<1x16xf32>,
      %swap3A_52 = vector.shape_cast %swap3A_51 : vector<1x16xf32> to vector<16xf32>
      %swap3A_53 = vector.shape_cast %broadcast_in_dim3A_16 : vector<16xf32> to vector<1x16xf32>
      tpu.vector_store %arg7[%swap3A_49, %swap3A_50], %swap3A_53 {strides = array<i32>} : memref<128x128xf32, #tpu.memory_space<vmem>>, vector<1x16xf32>,
      %swap3A_54 = arith.index_cast %add3A_44 : i32 to index
      %swap3A_55 = arith.constant 32 : index
      %swap3A_56 = tpu.vector_load %arg7[%swap3A_54, %swap3A_55] {strides = array<i32>} : memref<128x128xf32, #tpu.memory_space<vmem>>, vector<1x16xf32>,
      %swap3A_57 = vector.shape_cast %swap3A_56 : vector<1x16xf32> to vector<16xf32>
      %swap3A_58 = vector.shape_cast %broadcast_in_dim3A_16 : vector<16xf32> to vector<1x16xf32>
      tpu.vector_store %arg7[%swap3A_54, %swap3A_55], %swap3A_58 {strides = array<i32>} : memref<128x128xf32, #tpu.memory_space<vmem>>, vector<1x16xf32>,
      %swap3A_59 = arith.index_cast %add3A_44 : i32 to index
      %swap3A_60 = arith.constant 48 : index
      %swap3A_61 = tpu.vector_load %arg7[%swap3A_59, %swap3A_60] {strides = array<i32>} : memref<128x128xf32, #tpu.memory_space<vmem>>, vector<1x16xf32>,
      %swap3A_62 = vector.shape_cast %swap3A_61 : vector<1x16xf32> to vector<16xf32>
      %swap3A_63 = vector.shape_cast %broadcast_in_dim3A_16 : vector<16xf32> to vector<1x16xf32>
      tpu.vector_store %arg7[%swap3A_59, %swap3A_60], %swap3A_63 {strides = array<i32>} : memref<128x128xf32, #tpu.memory_space<vmem>>, vector<1x16xf32>,
      %swap3A_64 = arith.index_cast %add3A_44 : i32 to index
      %swap3A_65 = arith.constant 64 : index
      %swap3A_66 = tpu.vector_load %arg7[%swap3A_64, %swap3A_65] {strides = array<i32>} : memref<128x128xf32, #tpu.memory_space<vmem>>, vector<1x16xf32>,
      %swap3A_67 = vector.shape_cast %swap3A_66 : vector<1x16xf32> to vector<16xf32>
      %swap3A_68 = vector.shape_cast %broadcast_in_dim3A_16 : vector<16xf32> to vector<1x16xf32>
      tpu.vector_store %arg7[%swap3A_64, %swap3A_65], %swap3A_68 {strides = array<i32>} : memref<128x128xf32, #tpu.memory_space<vmem>>, vector<1x16xf32>,
      %swap3A_69 = arith.index_cast %add3A_44 : i32 to index
      %swap3A_70 = arith.constant 80 : index
      %swap3A_71 = tpu.vector_load %arg7[%swap3A_69, %swap3A_70] {strides = array<i32>} : memref<128x128xf32, #tpu.memory_space<vmem>>, vector<1x16xf32>,
      %swap3A_72 = vector.shape_cast %swap3A_71 : vector<1x16xf32> to vector<16xf32>
      %swap3A_73 = vector.shape_cast %broadcast_in_dim3A_16 : vector<16xf32> to vector<1x16xf32>
      tpu.vector_store %arg7[%swap3A_69, %swap3A_70], %swap3A_73 {strides = array<i32>} : memref<128x128xf32, #tpu.memory_space<vmem>>, vector<1x16xf32>,
      %swap3A_74 = arith.index_cast %add3A_44 : i32 to index
      %swap3A_75 = arith.constant 96 : index
      %swap3A_76 = tpu.vector_load %arg7[%swap3A_74, %swap3A_75] {strides = array<i32>} : memref<128x128xf32, #tpu.memory_space<vmem>>, vector<1x16xf32>,
      %swap3A_77 = vector.shape_cast %swap3A_76 : vector<1x16xf32> to vector<16xf32>
      %swap3A_78 = vector.shape_cast %broadcast_in_dim3A_16 : vector<16xf32> to vector<1x16xf32>
      tpu.vector_store %arg7[%swap3A_74, %swap3A_75], %swap3A_78 {strides = array<i32>} : memref<128x128xf32, #tpu.memory_space<vmem>>, vector<1x16xf32>,
      %swap3A_79 = arith.index_cast %add3A_44 : i32 to index
      %swap3A_80 = arith.constant 112 : index
      %swap3A_81 = tpu.vector_load %arg7[%swap3A_79, %swap3A_80] {strides = array<i32>} : memref<128x128xf32, #tpu.memory_space<vmem>>, vector<1x16xf32>,
      %swap3A_82 = vector.shape_cast %swap3A_81 : vector<1x16xf32> to vector<16xf32>
      %swap3A_83 = vector.shape_cast %broadcast_in_dim3A_16 : vector<16xf32> to vector<1x16xf32>
      tpu.vector_store %arg7[%swap3A_79, %swap3A_80], %swap3A_83 {strides = array<i32>} : memref<128x128xf32, #tpu.memory_space<vmem>>, vector<1x16xf32>,
    }
    %scan3A_21 = arith.constant 128 : i32
    %eq3A = arith.constant 0 : i32
    %eq3A_22 = arith.cmpi eq, %arg0, %eq3A : i32
    %convert_element_type3A = arith.extui %eq3A_22 : i1 to i32
    %cond3A = arith.constant 0 : i32
    %cond3A_23 = arith.cmpi ne, %convert_element_type3A, %cond3A : i32
    scf.if %cond3A_23 {
      %mul3A_40 = arith.constant 160 : i32
      %mul3A_41 = arith.muli %arg1, %mul3A_40 : i32
      %add3A_42 = arith.constant 0 : i32
      %add3A_43 = arith.addi %mul3A_41, %add3A_42 : i32
      "tpu.region"() ({
        %run_scoped3A = tpu.sem_alloc : memref<!tpu.dma_semaphore, #tpu.memory_space<semaphore_mem>>
        %dma_start3A = arith.constant 0 : i32
        %dma_start3A_85 = tpu.memref_slice %arg2[%add3A_43, %dma_start3A] : memref<2560x128xi32, #tpu.memory_space<hbm>> -> memref<32x128xi32, #tpu.memory_space<hbm>>
        %dma_start3A_86 = arith.constant 0 : i32
        %dma_start3A_87 = tpu.memref_slice %arg2[%add3A_43, %dma_start3A_86] : memref<2560x128xi32, #tpu.memory_space<hbm>> -> memref<32x128xi32, #tpu.memory_space<hbm>>
        tpu.enqueue_dma source(%dma_start3A_87 : memref<32x128xi32, #tpu.memory_space<hbm>>) target(%arg6 : memref<32x128xi32, #tpu.memory_space<vmem>>) target_semaphore(%run_scoped3A : memref<!tpu.dma_semaphore, #tpu.memory_space<semaphore_mem>>)
        %dma_wait3A = arith.constant 0 : i32
        %dma_wait3A_88 = tpu.memref_slice %arg2[%add3A_43, %dma_wait3A] : memref<2560x128xi32, #tpu.memory_space<hbm>> -> memref<32x128xi32, #tpu.memory_space<hbm>>
        %dma_wait3A_89 = arith.constant 0 : i32
        %dma_wait3A_90 = tpu.memref_slice %arg2[%add3A_43, %dma_wait3A_89] : memref<2560x128xi32, #tpu.memory_space<hbm>> -> memref<32x128xi32, #tpu.memory_space<hbm>>
        tpu.wait_dma2 semaphore(%run_scoped3A : memref<!tpu.dma_semaphore, #tpu.memory_space<semaphore_mem>>) src(%dma_wait3A_90 : memref<32x128xi32, #tpu.memory_space<hbm>>) dst(%arg6 : memref<32x128xi32, #tpu.memory_space<vmem>>)
        tpu.yield
      }) : () -> ()
      %scan3A_44 = arith.constant 0 : i32
      %scan3A_45 = arith.constant 32 : i32
      %scan3A_46 = arith.addi %scan3A_44, %scan3A_45 : i32
      %scan3A_47 = arith.constant 1 : i32
      scf.for %scan3A_85 = %scan3A_44 to %scan3A_46 step %scan3A_47  : i32 {
        %mul3A_86 = arith.constant 1 : i32
        %mul3A_87 = arith.muli %scan3A_85, %mul3A_86 : i32
        %add3A_88 = arith.constant 0 : i32
        %add3A_89 = arith.addi %add3A_88, %mul3A_87 : i32
        "tpu.region"() ({
          %run_scoped3A = tpu.sem_alloc : memref<!tpu.dma_semaphore, #tpu.memory_space<semaphore_mem>>
          %dma_start3A = arith.constant 0 : i32
          %dma_start3A_90 = tpu.memref_slice %arg6[%add3A_89, %dma_start3A] : memref<32x128xi32, #tpu.memory_space<vmem>> -> memref<1x128xi32, #tpu.memory_space<vmem>>
          %dma_start3A_91 = tpu.memref_squeeze %dma_start3A_90 : memref<1x128xi32, #tpu.memory_space<vmem>> -> memref<128xi32, #tpu.memory_space<vmem>>
          %dma_start3A_92 = arith.constant 0 : i32
          %dma_start3A_93 = arith.constant 0 : i32
          %dma_start3A_94 = tpu.memref_slice %arg8[%dma_start3A_92, %dma_start3A_93] : memref<10240x128xf32, #tpu.memory_space<vmem_shared>> -> memref<10240x128xf32, #tpu.memory_space<vmem_shared>>
          tpu.enqueue_indirect_dma source(%arg7 : memref<128x128xf32, #tpu.memory_space<vmem>>) target(%dma_start3A_94 : memref<10240x128xf32, #tpu.memory_space<vmem_shared>>) offsets(%dma_start3A_91 : memref<128xi32, #tpu.memory_space<vmem>>) semaphore(%run_scoped3A : memref<!tpu.dma_semaphore, #tpu.memory_space<semaphore_mem>>) {add = true}
          %dma_wait3A = arith.constant 0 : i32
          %dma_wait3A_95 = tpu.memref_slice %arg6[%add3A_89, %dma_wait3A] : memref<32x128xi32, #tpu.memory_space<vmem>> -> memref<1x128xi32, #tpu.memory_space<vmem>>
          %dma_wait3A_96 = tpu.memref_squeeze %dma_wait3A_95 : memref<1x128xi32, #tpu.memory_space<vmem>> -> memref<128xi32, #tpu.memory_space<vmem>>
          %dma_wait3A_97 = arith.constant 0 : i32
          %dma_wait3A_98 = arith.constant 0 : i32
          %dma_wait3A_99 = tpu.memref_slice %arg8[%dma_wait3A_97, %dma_wait3A_98] : memref<10240x128xf32, #tpu.memory_space<vmem_shared>> -> memref<10240x128xf32, #tpu.memory_space<vmem_shared>>
          tpu.wait_indirect_dma semaphore(%run_scoped3A : memref<!tpu.dma_semaphore, #tpu.memory_space<semaphore_mem>>) src(%arg7 : memref<128x128xf32, #tpu.memory_space<vmem>>) dst(%dma_wait3A_99 : memref<10240x128xf32, #tpu.memory_space<vmem_shared>>)
          tpu.yield
        }) : () -> ()
      }
      %scan3A_48 = arith.constant 32 : i32
      %mul3A_49 = arith.constant 160 : i32
      %mul3A_50 = arith.muli %arg1, %mul3A_49 : i32
      %add3A_51 = arith.constant 32 : i32
      %add3A_52 = arith.addi %mul3A_50, %add3A_51 : i32
      "tpu.region"() ({
        %run_scoped3A = tpu.sem_alloc : memref<!tpu.dma_semaphore, #tpu.memory_space<semaphore_mem>>
        %dma_start3A = arith.constant 0 : i32
        %dma_start3A_85 = tpu.memref_slice %arg2[%add3A_52, %dma_start3A] : memref<2560x128xi32, #tpu.memory_space<hbm>> -> memref<32x128xi32, #tpu.memory_space<hbm>>
        %dma_start3A_86 = arith.constant 0 : i32
        %dma_start3A_87 = tpu.memref_slice %arg2[%add3A_52, %dma_start3A_86] : memref<2560x128xi32, #tpu.memory_space<hbm>> -> memref<32x128xi32, #tpu.memory_space<hbm>>
        tpu.enqueue_dma source(%dma_start3A_87 : memref<32x128xi32, #tpu.memory_space<hbm>>) target(%arg6 : memref<32x128xi32, #tpu.memory_space<vmem>>) target_semaphore(%run_scoped3A : memref<!tpu.dma_semaphore, #tpu.memory_space<semaphore_mem>>)
        %dma_wait3A = arith.constant 0 : i32
        %dma_wait3A_88 = tpu.memref_slice %arg2[%add3A_52, %dma_wait3A] : memref<2560x128xi32, #tpu.memory_space<hbm>> -> memref<32x128xi32, #tpu.memory_space<hbm>>
        %dma_wait3A_89 = arith.constant 0 : i32
        %dma_wait3A_90 = tpu.memref_slice %arg2[%add3A_52, %dma_wait3A_89] : memref<2560x128xi32, #tpu.memory_space<hbm>> -> memref<32x128xi32, #tpu.memory_space<hbm>>
        tpu.wait_dma2 semaphore(%run_scoped3A : memref<!tpu.dma_semaphore, #tpu.memory_space<semaphore_mem>>) src(%dma_wait3A_90 : memref<32x128xi32, #tpu.memory_space<hbm>>) dst(%arg6 : memref<32x128xi32, #tpu.memory_space<vmem>>)
        tpu.yield
      }) : () -> ()
      %scan3A_53 = arith.constant 0 : i32
      %scan3A_54 = arith.constant 32 : i32
      %scan3A_55 = arith.addi %scan3A_53, %scan3A_54 : i32
      %scan3A_56 = arith.constant 1 : i32
      scf.for %scan3A_85 = %scan3A_53 to %scan3A_55 step %scan3A_56  : i32 {
        %mul3A_86 = arith.constant 1 : i32
        %mul3A_87 = arith.muli %scan3A_85, %mul3A_86 : i32
        %add3A_88 = arith.constant 0 : i32
        %add3A_89 = arith.addi %add3A_88, %mul3A_87 : i32
        "tpu.region"() ({
          %run_scoped3A = tpu.sem_alloc : memref<!tpu.dma_semaphore, #tpu.memory_space<semaphore_mem>>
          %dma_start3A = arith.constant 0 : i32
          %dma_start3A_90 = tpu.memref_slice %arg6[%add3A_89, %dma_start3A] : memref<32x128xi32, #tpu.memory_space<vmem>> -> memref<1x128xi32, #tpu.memory_space<vmem>>
          %dma_start3A_91 = tpu.memref_squeeze %dma_start3A_90 : memref<1x128xi32, #tpu.memory_space<vmem>> -> memref<128xi32, #tpu.memory_space<vmem>>
          %dma_start3A_92 = arith.constant 0 : i32
          %dma_start3A_93 = arith.constant 0 : i32
          %dma_start3A_94 = tpu.memref_slice %arg8[%dma_start3A_92, %dma_start3A_93] : memref<10240x128xf32, #tpu.memory_space<vmem_shared>> -> memref<10240x128xf32, #tpu.memory_space<vmem_shared>>
          tpu.enqueue_indirect_dma source(%arg7 : memref<128x128xf32, #tpu.memory_space<vmem>>) target(%dma_start3A_94 : memref<10240x128xf32, #tpu.memory_space<vmem_shared>>) offsets(%dma_start3A_91 : memref<128xi32, #tpu.memory_space<vmem>>) semaphore(%run_scoped3A : memref<!tpu.dma_semaphore, #tpu.memory_space<semaphore_mem>>) {add = true}
          %dma_wait3A = arith.constant 0 : i32
          %dma_wait3A_95 = tpu.memref_slice %arg6[%add3A_89, %dma_wait3A] : memref<32x128xi32, #tpu.memory_space<vmem>> -> memref<1x128xi32, #tpu.memory_space<vmem>>
          %dma_wait3A_96 = tpu.memref_squeeze %dma_wait3A_95 : memref<1x128xi32, #tpu.memory_space<vmem>> -> memref<128xi32, #tpu.memory_space<vmem>>
          %dma_wait3A_97 = arith.constant 0 : i32
          %dma_wait3A_98 = arith.constant 0 : i32
          %dma_wait3A_99 = tpu.memref_slice %arg8[%dma_wait3A_97, %dma_wait3A_98] : memref<10240x128xf32, #tpu.memory_space<vmem_shared>> -> memref<10240x128xf32, #tpu.memory_space<vmem_shared>>
          tpu.wait_indirect_dma semaphore(%run_scoped3A : memref<!tpu.dma_semaphore, #tpu.memory_space<semaphore_mem>>) src(%arg7 : memref<128x128xf32, #tpu.memory_space<vmem>>) dst(%dma_wait3A_99 : memref<10240x128xf32, #tpu.memory_space<vmem_shared>>)
          tpu.yield
        }) : () -> ()
      }
      %scan3A_57 = arith.constant 32 : i32
      %mul3A_58 = arith.constant 160 : i32
      %mul3A_59 = arith.muli %arg1, %mul3A_58 : i32
      %add3A_60 = arith.constant 64 : i32
      %add3A_61 = arith.addi %mul3A_59, %add3A_60 : i32
      "tpu.region"() ({
        %run_scoped3A = tpu.sem_alloc : memref<!tpu.dma_semaphore, #tpu.memory_space<semaphore_mem>>
        %dma_start3A = arith.constant 0 : i32
        %dma_start3A_85 = tpu.memref_slice %arg2[%add3A_61, %dma_start3A] : memref<2560x128xi32, #tpu.memory_space<hbm>> -> memref<32x128xi32, #tpu.memory_space<hbm>>
        %dma_start3A_86 = arith.constant 0 : i32
        %dma_start3A_87 = tpu.memref_slice %arg2[%add3A_61, %dma_start3A_86] : memref<2560x128xi32, #tpu.memory_space<hbm>> -> memref<32x128xi32, #tpu.memory_space<hbm>>
        tpu.enqueue_dma source(%dma_start3A_87 : memref<32x128xi32, #tpu.memory_space<hbm>>) target(%arg6 : memref<32x128xi32, #tpu.memory_space<vmem>>) target_semaphore(%run_scoped3A : memref<!tpu.dma_semaphore, #tpu.memory_space<semaphore_mem>>)
        %dma_wait3A = arith.constant 0 : i32
        %dma_wait3A_88 = tpu.memref_slice %arg2[%add3A_61, %dma_wait3A] : memref<2560x128xi32, #tpu.memory_space<hbm>> -> memref<32x128xi32, #tpu.memory_space<hbm>>
        %dma_wait3A_89 = arith.constant 0 : i32
        %dma_wait3A_90 = tpu.memref_slice %arg2[%add3A_61, %dma_wait3A_89] : memref<2560x128xi32, #tpu.memory_space<hbm>> -> memref<32x128xi32, #tpu.memory_space<hbm>>
        tpu.wait_dma2 semaphore(%run_scoped3A : memref<!tpu.dma_semaphore, #tpu.memory_space<semaphore_mem>>) src(%dma_wait3A_90 : memref<32x128xi32, #tpu.memory_space<hbm>>) dst(%arg6 : memref<32x128xi32, #tpu.memory_space<vmem>>)
        tpu.yield
      }) : () -> ()
      %scan3A_62 = arith.constant 0 : i32
      %scan3A_63 = arith.constant 32 : i32
      %scan3A_64 = arith.addi %scan3A_62, %scan3A_63 : i32
      %scan3A_65 = arith.constant 1 : i32
      scf.for %scan3A_85 = %scan3A_62 to %scan3A_64 step %scan3A_65  : i32 {
        %mul3A_86 = arith.constant 1 : i32
        %mul3A_87 = arith.muli %scan3A_85, %mul3A_86 : i32
        %add3A_88 = arith.constant 0 : i32
        %add3A_89 = arith.addi %add3A_88, %mul3A_87 : i32
        "tpu.region"() ({
          %run_scoped3A = tpu.sem_alloc : memref<!tpu.dma_semaphore, #tpu.memory_space<semaphore_mem>>
          %dma_start3A = arith.constant 0 : i32
          %dma_start3A_90 = tpu.memref_slice %arg6[%add3A_89, %dma_start3A] : memref<32x128xi32, #tpu.memory_space<vmem>> -> memref<1x128xi32, #tpu.memory_space<vmem>>
          %dma_start3A_91 = tpu.memref_squeeze %dma_start3A_90 : memref<1x128xi32, #tpu.memory_space<vmem>> -> memref<128xi32, #tpu.memory_space<vmem>>
          %dma_start3A_92 = arith.constant 0 : i32
          %dma_start3A_93 = arith.constant 0 : i32
          %dma_start3A_94 = tpu.memref_slice %arg8[%dma_start3A_92, %dma_start3A_93] : memref<10240x128xf32, #tpu.memory_space<vmem_shared>> -> memref<10240x128xf32, #tpu.memory_space<vmem_shared>>
          tpu.enqueue_indirect_dma source(%arg7 : memref<128x128xf32, #tpu.memory_space<vmem>>) target(%dma_start3A_94 : memref<10240x128xf32, #tpu.memory_space<vmem_shared>>) offsets(%dma_start3A_91 : memref<128xi32, #tpu.memory_space<vmem>>) semaphore(%run_scoped3A : memref<!tpu.dma_semaphore, #tpu.memory_space<semaphore_mem>>) {add = true}
          %dma_wait3A = arith.constant 0 : i32
          %dma_wait3A_95 = tpu.memref_slice %arg6[%add3A_89, %dma_wait3A] : memref<32x128xi32, #tpu.memory_space<vmem>> -> memref<1x128xi32, #tpu.memory_space<vmem>>
          %dma_wait3A_96 = tpu.memref_squeeze %dma_wait3A_95 : memref<1x128xi32, #tpu.memory_space<vmem>> -> memref<128xi32, #tpu.memory_space<vmem>>
          %dma_wait3A_97 = arith.constant 0 : i32
          %dma_wait3A_98 = arith.constant 0 : i32
          %dma_wait3A_99 = tpu.memref_slice %arg8[%dma_wait3A_97, %dma_wait3A_98] : memref<10240x128xf32, #tpu.memory_space<vmem_shared>> -> memref<10240x128xf32, #tpu.memory_space<vmem_shared>>
          tpu.wait_indirect_dma semaphore(%run_scoped3A : memref<!tpu.dma_semaphore, #tpu.memory_space<semaphore_mem>>) src(%arg7 : memref<128x128xf32, #tpu.memory_space<vmem>>) dst(%dma_wait3A_99 : memref<10240x128xf32, #tpu.memory_space<vmem_shared>>)
          tpu.yield
        }) : () -> ()
      }
      %scan3A_66 = arith.constant 32 : i32
      %mul3A_67 = arith.constant 160 : i32
      %mul3A_68 = arith.muli %arg1, %mul3A_67 : i32
      %add3A_69 = arith.constant 96 : i32
      %add3A_70 = arith.addi %mul3A_68, %add3A_69 : i32
      "tpu.region"() ({
        %run_scoped3A = tpu.sem_alloc : memref<!tpu.dma_semaphore, #tpu.memory_space<semaphore_mem>>
        %dma_start3A = arith.constant 0 : i32
        %dma_start3A_85 = tpu.memref_slice %arg2[%add3A_70, %dma_start3A] : memref<2560x128xi32, #tpu.memory_space<hbm>> -> memref<32x128xi32, #tpu.memory_space<hbm>>
        %dma_start3A_86 = arith.constant 0 : i32
        %dma_start3A_87 = tpu.memref_slice %arg2[%add3A_70, %dma_start3A_86] : memref<2560x128xi32, #tpu.memory_space<hbm>> -> memref<32x128xi32, #tpu.memory_space<hbm>>
        tpu.enqueue_dma source(%dma_start3A_87 : memref<32x128xi32, #tpu.memory_space<hbm>>) target(%arg6 : memref<32x128xi32, #tpu.memory_space<vmem>>) target_semaphore(%run_scoped3A : memref<!tpu.dma_semaphore, #tpu.memory_space<semaphore_mem>>)
        %dma_wait3A = arith.constant 0 : i32
        %dma_wait3A_88 = tpu.memref_slice %arg2[%add3A_70, %dma_wait3A] : memref<2560x128xi32, #tpu.memory_space<hbm>> -> memref<32x128xi32, #tpu.memory_space<hbm>>
        %dma_wait3A_89 = arith.constant 0 : i32
        %dma_wait3A_90 = tpu.memref_slice %arg2[%add3A_70, %dma_wait3A_89] : memref<2560x128xi32, #tpu.memory_space<hbm>> -> memref<32x128xi32, #tpu.memory_space<hbm>>
        tpu.wait_dma2 semaphore(%run_scoped3A : memref<!tpu.dma_semaphore, #tpu.memory_space<semaphore_mem>>) src(%dma_wait3A_90 : memref<32x128xi32, #tpu.memory_space<hbm>>) dst(%arg6 : memref<32x128xi32, #tpu.memory_space<vmem>>)
        tpu.yield
      }) : () -> ()
      %scan3A_71 = arith.constant 0 : i32
      %scan3A_72 = arith.constant 32 : i32
      %scan3A_73 = arith.addi %scan3A_71, %scan3A_72 : i32
      %scan3A_74 = arith.constant 1 : i32
      scf.for %scan3A_85 = %scan3A_71 to %scan3A_73 step %scan3A_74  : i32 {
        %mul3A_86 = arith.constant 1 : i32
        %mul3A_87 = arith.muli %scan3A_85, %mul3A_86 : i32
        %add3A_88 = arith.constant 0 : i32
        %add3A_89 = arith.addi %add3A_88, %mul3A_87 : i32
        "tpu.region"() ({
          %run_scoped3A = tpu.sem_alloc : memref<!tpu.dma_semaphore, #tpu.memory_space<semaphore_mem>>
          %dma_start3A = arith.constant 0 : i32
          %dma_start3A_90 = tpu.memref_slice %arg6[%add3A_89, %dma_start3A] : memref<32x128xi32, #tpu.memory_space<vmem>> -> memref<1x128xi32, #tpu.memory_space<vmem>>
          %dma_start3A_91 = tpu.memref_squeeze %dma_start3A_90 : memref<1x128xi32, #tpu.memory_space<vmem>> -> memref<128xi32, #tpu.memory_space<vmem>>
          %dma_start3A_92 = arith.constant 0 : i32
          %dma_start3A_93 = arith.constant 0 : i32
          %dma_start3A_94 = tpu.memref_slice %arg8[%dma_start3A_92, %dma_start3A_93] : memref<10240x128xf32, #tpu.memory_space<vmem_shared>> -> memref<10240x128xf32, #tpu.memory_space<vmem_shared>>
          tpu.enqueue_indirect_dma source(%arg7 : memref<128x128xf32, #tpu.memory_space<vmem>>) target(%dma_start3A_94 : memref<10240x128xf32, #tpu.memory_space<vmem_shared>>) offsets(%dma_start3A_91 : memref<128xi32, #tpu.memory_space<vmem>>) semaphore(%run_scoped3A : memref<!tpu.dma_semaphore, #tpu.memory_space<semaphore_mem>>) {add = true}
          %dma_wait3A = arith.constant 0 : i32
          %dma_wait3A_95 = tpu.memref_slice %arg6[%add3A_89, %dma_wait3A] : memref<32x128xi32, #tpu.memory_space<vmem>> -> memref<1x128xi32, #tpu.memory_space<vmem>>
          %dma_wait3A_96 = tpu.memref_squeeze %dma_wait3A_95 : memref<1x128xi32, #tpu.memory_space<vmem>> -> memref<128xi32, #tpu.memory_space<vmem>>
          %dma_wait3A_97 = arith.constant 0 : i32
          %dma_wait3A_98 = arith.constant 0 : i32
          %dma_wait3A_99 = tpu.memref_slice %arg8[%dma_wait3A_97, %dma_wait3A_98] : memref<10240x128xf32, #tpu.memory_space<vmem_shared>> -> memref<10240x128xf32, #tpu.memory_space<vmem_shared>>
          tpu.wait_indirect_dma semaphore(%run_scoped3A : memref<!tpu.dma_semaphore, #tpu.memory_space<semaphore_mem>>) src(%arg7 : memref<128x128xf32, #tpu.memory_space<vmem>>) dst(%dma_wait3A_99 : memref<10240x128xf32, #tpu.memory_space<vmem_shared>>)
          tpu.yield
        }) : () -> ()
      }
      %scan3A_75 = arith.constant 32 : i32
      %mul3A_76 = arith.constant 160 : i32
      %mul3A_77 = arith.muli %arg1, %mul3A_76 : i32
      %add3A_78 = arith.constant 128 : i32
      %add3A_79 = arith.addi %mul3A_77, %add3A_78 : i32
      "tpu.region"() ({
        %run_scoped3A = tpu.sem_alloc : memref<!tpu.dma_semaphore, #tpu.memory_space<semaphore_mem>>
        %dma_start3A = arith.constant 0 : i32
        %dma_start3A_85 = tpu.memref_slice %arg2[%add3A_79, %dma_start3A] : memref<2560x128xi32, #tpu.memory_space<hbm>> -> memref<32x128xi32, #tpu.memory_space<hbm>>
        %dma_start3A_86 = arith.constant 0 : i32
        %dma_start3A_87 = tpu.memref_slice %arg2[%add3A_79, %dma_start3A_86] : memref<2560x128xi32, #tpu.memory_space<hbm>> -> memref<32x128xi32, #tpu.memory_space<hbm>>
        tpu.enqueue_dma source(%dma_start3A_87 : memref<32x128xi32, #tpu.memory_space<hbm>>) target(%arg6 : memref<32x128xi32, #tpu.memory_space<vmem>>) target_semaphore(%run_scoped3A : memref<!tpu.dma_semaphore, #tpu.memory_space<semaphore_mem>>)
        %dma_wait3A = arith.constant 0 : i32
        %dma_wait3A_88 = tpu.memref_slice %arg2[%add3A_79, %dma_wait3A] : memref<2560x128xi32, #tpu.memory_space<hbm>> -> memref<32x128xi32, #tpu.memory_space<hbm>>
        %dma_wait3A_89 = arith.constant 0 : i32
        %dma_wait3A_90 = tpu.memref_slice %arg2[%add3A_79, %dma_wait3A_89] : memref<2560x128xi32, #tpu.memory_space<hbm>> -> memref<32x128xi32, #tpu.memory_space<hbm>>
        tpu.wait_dma2 semaphore(%run_scoped3A : memref<!tpu.dma_semaphore, #tpu.memory_space<semaphore_mem>>) src(%dma_wait3A_90 : memref<32x128xi32, #tpu.memory_space<hbm>>) dst(%arg6 : memref<32x128xi32, #tpu.memory_space<vmem>>)
        tpu.yield
      }) : () -> ()
      %scan3A_80 = arith.constant 0 : i32
      %scan3A_81 = arith.constant 32 : i32
      %scan3A_82 = arith.addi %scan3A_80, %scan3A_81 : i32
      %scan3A_83 = arith.constant 1 : i32
      scf.for %scan3A_85 = %scan3A_80 to %scan3A_82 step %scan3A_83  : i32 {
        %mul3A_86 = arith.constant 1 : i32
        %mul3A_87 = arith.muli %scan3A_85, %mul3A_86 : i32
        %add3A_88 = arith.constant 0 : i32
        %add3A_89 = arith.addi %add3A_88, %mul3A_87 : i32
        "tpu.region"() ({
          %run_scoped3A = tpu.sem_alloc : memref<!tpu.dma_semaphore, #tpu.memory_space<semaphore_mem>>
          %dma_start3A = arith.constant 0 : i32
          %dma_start3A_90 = tpu.memref_slice %arg6[%add3A_89, %dma_start3A] : memref<32x128xi32, #tpu.memory_space<vmem>> -> memref<1x128xi32, #tpu.memory_space<vmem>>
          %dma_start3A_91 = tpu.memref_squeeze %dma_start3A_90 : memref<1x128xi32, #tpu.memory_space<vmem>> -> memref<128xi32, #tpu.memory_space<vmem>>
          %dma_start3A_92 = arith.constant 0 : i32
          %dma_start3A_93 = arith.constant 0 : i32
          %dma_start3A_94 = tpu.memref_slice %arg8[%dma_start3A_92, %dma_start3A_93] : memref<10240x128xf32, #tpu.memory_space<vmem_shared>> -> memref<10240x128xf32, #tpu.memory_space<vmem_shared>>
          tpu.enqueue_indirect_dma source(%arg7 : memref<128x128xf32, #tpu.memory_space<vmem>>) target(%dma_start3A_94 : memref<10240x128xf32, #tpu.memory_space<vmem_shared>>) offsets(%dma_start3A_91 : memref<128xi32, #tpu.memory_space<vmem>>) semaphore(%run_scoped3A : memref<!tpu.dma_semaphore, #tpu.memory_space<semaphore_mem>>) {add = true}
          %dma_wait3A = arith.constant 0 : i32
          %dma_wait3A_95 = tpu.memref_slice %arg6[%add3A_89, %dma_wait3A] : memref<32x128xi32, #tpu.memory_space<vmem>> -> memref<1x128xi32, #tpu.memory_space<vmem>>
          %dma_wait3A_96 = tpu.memref_squeeze %dma_wait3A_95 : memref<1x128xi32, #tpu.memory_space<vmem>> -> memref<128xi32, #tpu.memory_space<vmem>>
          %dma_wait3A_97 = arith.constant 0 : i32
          %dma_wait3A_98 = arith.constant 0 : i32
          %dma_wait3A_99 = tpu.memref_slice %arg8[%dma_wait3A_97, %dma_wait3A_98] : memref<10240x128xf32, #tpu.memory_space<vmem_shared>> -> memref<10240x128xf32, #tpu.memory_space<vmem_shared>>
          tpu.wait_indirect_dma semaphore(%run_scoped3A : memref<!tpu.dma_semaphore, #tpu.memory_space<semaphore_mem>>) src(%arg7 : memref<128x128xf32, #tpu.memory_space<vmem>>) dst(%dma_wait3A_99 : memref<10240x128xf32, #tpu.memory_space<vmem_shared>>)
          tpu.yield
        }) : () -> ()
      }
      %scan3A_84 = arith.constant 32 : i32
    } else {
    }
    %eq3A_24 = arith.constant 1 : i32
    %eq3A_25 = arith.cmpi eq, %arg0, %eq3A_24 : i32
    %convert_element_type3A_26 = arith.extui %eq3A_25 : i1 to i32
    %cond3A_27 = arith.constant 0 : i32
    %cond3A_28 = arith.cmpi ne, %convert_element_type3A_26, %cond3A_27 : i32
    scf.if %cond3A_28 {
      %mul3A_40 = arith.constant 160 : i32
      %mul3A_41 = arith.muli %arg1, %mul3A_40 : i32
      %add3A_42 = arith.constant 0 : i32
      %add3A_43 = arith.addi %mul3A_41, %add3A_42 : i32
      "tpu.region"() ({
        %run_scoped3A = tpu.sem_alloc : memref<!tpu.dma_semaphore, #tpu.memory_space<semaphore_mem>>
        %dma_start3A = arith.constant 0 : i32
        %dma_start3A_85 = tpu.memref_slice %arg3[%add3A_43, %dma_start3A] : memref<2560x128xi32, #tpu.memory_space<hbm>> -> memref<32x128xi32, #tpu.memory_space<hbm>>
        %dma_start3A_86 = arith.constant 0 : i32
        %dma_start3A_87 = tpu.memref_slice %arg3[%add3A_43, %dma_start3A_86] : memref<2560x128xi32, #tpu.memory_space<hbm>> -> memref<32x128xi32, #tpu.memory_space<hbm>>
        tpu.enqueue_dma source(%dma_start3A_87 : memref<32x128xi32, #tpu.memory_space<hbm>>) target(%arg6 : memref<32x128xi32, #tpu.memory_space<vmem>>) target_semaphore(%run_scoped3A : memref<!tpu.dma_semaphore, #tpu.memory_space<semaphore_mem>>)
        %dma_wait3A = arith.constant 0 : i32
        %dma_wait3A_88 = tpu.memref_slice %arg3[%add3A_43, %dma_wait3A] : memref<2560x128xi32, #tpu.memory_space<hbm>> -> memref<32x128xi32, #tpu.memory_space<hbm>>
        %dma_wait3A_89 = arith.constant 0 : i32
        %dma_wait3A_90 = tpu.memref_slice %arg3[%add3A_43, %dma_wait3A_89] : memref<2560x128xi32, #tpu.memory_space<hbm>> -> memref<32x128xi32, #tpu.memory_space<hbm>>
        tpu.wait_dma2 semaphore(%run_scoped3A : memref<!tpu.dma_semaphore, #tpu.memory_space<semaphore_mem>>) src(%dma_wait3A_90 : memref<32x128xi32, #tpu.memory_space<hbm>>) dst(%arg6 : memref<32x128xi32, #tpu.memory_space<vmem>>)
        tpu.yield
      }) : () -> ()
      %scan3A_44 = arith.constant 0 : i32
      %scan3A_45 = arith.constant 32 : i32
      %scan3A_46 = arith.addi %scan3A_44, %scan3A_45 : i32
      %scan3A_47 = arith.constant 1 : i32
      scf.for %scan3A_85 = %scan3A_44 to %scan3A_46 step %scan3A_47  : i32 {
        %mul3A_86 = arith.constant 1 : i32
        %mul3A_87 = arith.muli %scan3A_85, %mul3A_86 : i32
        %add3A_88 = arith.constant 0 : i32
        %add3A_89 = arith.addi %add3A_88, %mul3A_87 : i32
        "tpu.region"() ({
          %run_scoped3A = tpu.sem_alloc : memref<!tpu.dma_semaphore, #tpu.memory_space<semaphore_mem>>
          %dma_start3A = arith.constant 0 : i32
          %dma_start3A_90 = tpu.memref_slice %arg6[%add3A_89, %dma_start3A] : memref<32x128xi32, #tpu.memory_space<vmem>> -> memref<1x128xi32, #tpu.memory_space<vmem>>
          %dma_start3A_91 = tpu.memref_squeeze %dma_start3A_90 : memref<1x128xi32, #tpu.memory_space<vmem>> -> memref<128xi32, #tpu.memory_space<vmem>>
          %dma_start3A_92 = arith.constant 0 : i32
          %dma_start3A_93 = arith.constant 0 : i32
          %dma_start3A_94 = tpu.memref_slice %arg8[%dma_start3A_92, %dma_start3A_93] : memref<10240x128xf32, #tpu.memory_space<vmem_shared>> -> memref<10240x128xf32, #tpu.memory_space<vmem_shared>>
          tpu.enqueue_indirect_dma source(%arg7 : memref<128x128xf32, #tpu.memory_space<vmem>>) target(%dma_start3A_94 : memref<10240x128xf32, #tpu.memory_space<vmem_shared>>) offsets(%dma_start3A_91 : memref<128xi32, #tpu.memory_space<vmem>>) semaphore(%run_scoped3A : memref<!tpu.dma_semaphore, #tpu.memory_space<semaphore_mem>>) {add = true}
          %dma_wait3A = arith.constant 0 : i32
          %dma_wait3A_95 = tpu.memref_slice %arg6[%add3A_89, %dma_wait3A] : memref<32x128xi32, #tpu.memory_space<vmem>> -> memref<1x128xi32, #tpu.memory_space<vmem>>
          %dma_wait3A_96 = tpu.memref_squeeze %dma_wait3A_95 : memref<1x128xi32, #tpu.memory_space<vmem>> -> memref<128xi32, #tpu.memory_space<vmem>>
          %dma_wait3A_97 = arith.constant 0 : i32
          %dma_wait3A_98 = arith.constant 0 : i32
          %dma_wait3A_99 = tpu.memref_slice %arg8[%dma_wait3A_97, %dma_wait3A_98] : memref<10240x128xf32, #tpu.memory_space<vmem_shared>> -> memref<10240x128xf32, #tpu.memory_space<vmem_shared>>
          tpu.wait_indirect_dma semaphore(%run_scoped3A : memref<!tpu.dma_semaphore, #tpu.memory_space<semaphore_mem>>) src(%arg7 : memref<128x128xf32, #tpu.memory_space<vmem>>) dst(%dma_wait3A_99 : memref<10240x128xf32, #tpu.memory_space<vmem_shared>>)
          tpu.yield
        }) : () -> ()
      }
      %scan3A_48 = arith.constant 32 : i32
      %mul3A_49 = arith.constant 160 : i32
      %mul3A_50 = arith.muli %arg1, %mul3A_49 : i32
      %add3A_51 = arith.constant 32 : i32
      %add3A_52 = arith.addi %mul3A_50, %add3A_51 : i32
      "tpu.region"() ({
        %run_scoped3A = tpu.sem_alloc : memref<!tpu.dma_semaphore, #tpu.memory_space<semaphore_mem>>
        %dma_start3A = arith.constant 0 : i32
        %dma_start3A_85 = tpu.memref_slice %arg3[%add3A_52, %dma_start3A] : memref<2560x128xi32, #tpu.memory_space<hbm>> -> memref<32x128xi32, #tpu.memory_space<hbm>>
        %dma_start3A_86 = arith.constant 0 : i32
        %dma_start3A_87 = tpu.memref_slice %arg3[%add3A_52, %dma_start3A_86] : memref<2560x128xi32, #tpu.memory_space<hbm>> -> memref<32x128xi32, #tpu.memory_space<hbm>>
        tpu.enqueue_dma source(%dma_start3A_87 : memref<32x128xi32, #tpu.memory_space<hbm>>) target(%arg6 : memref<32x128xi32, #tpu.memory_space<vmem>>) target_semaphore(%run_scoped3A : memref<!tpu.dma_semaphore, #tpu.memory_space<semaphore_mem>>)
        %dma_wait3A = arith.constant 0 : i32
        %dma_wait3A_88 = tpu.memref_slice %arg3[%add3A_52, %dma_wait3A] : memref<2560x128xi32, #tpu.memory_space<hbm>> -> memref<32x128xi32, #tpu.memory_space<hbm>>
        %dma_wait3A_89 = arith.constant 0 : i32
        %dma_wait3A_90 = tpu.memref_slice %arg3[%add3A_52, %dma_wait3A_89] : memref<2560x128xi32, #tpu.memory_space<hbm>> -> memref<32x128xi32, #tpu.memory_space<hbm>>
        tpu.wait_dma2 semaphore(%run_scoped3A : memref<!tpu.dma_semaphore, #tpu.memory_space<semaphore_mem>>) src(%dma_wait3A_90 : memref<32x128xi32, #tpu.memory_space<hbm>>) dst(%arg6 : memref<32x128xi32, #tpu.memory_space<vmem>>)
        tpu.yield
      }) : () -> ()
      %scan3A_53 = arith.constant 0 : i32
      %scan3A_54 = arith.constant 32 : i32
      %scan3A_55 = arith.addi %scan3A_53, %scan3A_54 : i32
      %scan3A_56 = arith.constant 1 : i32
      scf.for %scan3A_85 = %scan3A_53 to %scan3A_55 step %scan3A_56  : i32 {
        %mul3A_86 = arith.constant 1 : i32
        %mul3A_87 = arith.muli %scan3A_85, %mul3A_86 : i32
        %add3A_88 = arith.constant 0 : i32
        %add3A_89 = arith.addi %add3A_88, %mul3A_87 : i32
        "tpu.region"() ({
          %run_scoped3A = tpu.sem_alloc : memref<!tpu.dma_semaphore, #tpu.memory_space<semaphore_mem>>
          %dma_start3A = arith.constant 0 : i32
          %dma_start3A_90 = tpu.memref_slice %arg6[%add3A_89, %dma_start3A] : memref<32x128xi32, #tpu.memory_space<vmem>> -> memref<1x128xi32, #tpu.memory_space<vmem>>
          %dma_start3A_91 = tpu.memref_squeeze %dma_start3A_90 : memref<1x128xi32, #tpu.memory_space<vmem>> -> memref<128xi32, #tpu.memory_space<vmem>>
          %dma_start3A_92 = arith.constant 0 : i32
          %dma_start3A_93 = arith.constant 0 : i32
          %dma_start3A_94 = tpu.memref_slice %arg8[%dma_start3A_92, %dma_start3A_93] : memref<10240x128xf32, #tpu.memory_space<vmem_shared>> -> memref<10240x128xf32, #tpu.memory_space<vmem_shared>>
          tpu.enqueue_indirect_dma source(%arg7 : memref<128x128xf32, #tpu.memory_space<vmem>>) target(%dma_start3A_94 : memref<10240x128xf32, #tpu.memory_space<vmem_shared>>) offsets(%dma_start3A_91 : memref<128xi32, #tpu.memory_space<vmem>>) semaphore(%run_scoped3A : memref<!tpu.dma_semaphore, #tpu.memory_space<semaphore_mem>>) {add = true}
          %dma_wait3A = arith.constant 0 : i32
          %dma_wait3A_95 = tpu.memref_slice %arg6[%add3A_89, %dma_wait3A] : memref<32x128xi32, #tpu.memory_space<vmem>> -> memref<1x128xi32, #tpu.memory_space<vmem>>
          %dma_wait3A_96 = tpu.memref_squeeze %dma_wait3A_95 : memref<1x128xi32, #tpu.memory_space<vmem>> -> memref<128xi32, #tpu.memory_space<vmem>>
          %dma_wait3A_97 = arith.constant 0 : i32
          %dma_wait3A_98 = arith.constant 0 : i32
          %dma_wait3A_99 = tpu.memref_slice %arg8[%dma_wait3A_97, %dma_wait3A_98] : memref<10240x128xf32, #tpu.memory_space<vmem_shared>> -> memref<10240x128xf32, #tpu.memory_space<vmem_shared>>
          tpu.wait_indirect_dma semaphore(%run_scoped3A : memref<!tpu.dma_semaphore, #tpu.memory_space<semaphore_mem>>) src(%arg7 : memref<128x128xf32, #tpu.memory_space<vmem>>) dst(%dma_wait3A_99 : memref<10240x128xf32, #tpu.memory_space<vmem_shared>>)
          tpu.yield
        }) : () -> ()
      }
      %scan3A_57 = arith.constant 32 : i32
      %mul3A_58 = arith.constant 160 : i32
      %mul3A_59 = arith.muli %arg1, %mul3A_58 : i32
      %add3A_60 = arith.constant 64 : i32
      %add3A_61 = arith.addi %mul3A_59, %add3A_60 : i32
      "tpu.region"() ({
        %run_scoped3A = tpu.sem_alloc : memref<!tpu.dma_semaphore, #tpu.memory_space<semaphore_mem>>
        %dma_start3A = arith.constant 0 : i32
        %dma_start3A_85 = tpu.memref_slice %arg3[%add3A_61, %dma_start3A] : memref<2560x128xi32, #tpu.memory_space<hbm>> -> memref<32x128xi32, #tpu.memory_space<hbm>>
        %dma_start3A_86 = arith.constant 0 : i32
        %dma_start3A_87 = tpu.memref_slice %arg3[%add3A_61, %dma_start3A_86] : memref<2560x128xi32, #tpu.memory_space<hbm>> -> memref<32x128xi32, #tpu.memory_space<hbm>>
        tpu.enqueue_dma source(%dma_start3A_87 : memref<32x128xi32, #tpu.memory_space<hbm>>) target(%arg6 : memref<32x128xi32, #tpu.memory_space<vmem>>) target_semaphore(%run_scoped3A : memref<!tpu.dma_semaphore, #tpu.memory_space<semaphore_mem>>)
        %dma_wait3A = arith.constant 0 : i32
        %dma_wait3A_88 = tpu.memref_slice %arg3[%add3A_61, %dma_wait3A] : memref<2560x128xi32, #tpu.memory_space<hbm>> -> memref<32x128xi32, #tpu.memory_space<hbm>>
        %dma_wait3A_89 = arith.constant 0 : i32
        %dma_wait3A_90 = tpu.memref_slice %arg3[%add3A_61, %dma_wait3A_89] : memref<2560x128xi32, #tpu.memory_space<hbm>> -> memref<32x128xi32, #tpu.memory_space<hbm>>
        tpu.wait_dma2 semaphore(%run_scoped3A : memref<!tpu.dma_semaphore, #tpu.memory_space<semaphore_mem>>) src(%dma_wait3A_90 : memref<32x128xi32, #tpu.memory_space<hbm>>) dst(%arg6 : memref<32x128xi32, #tpu.memory_space<vmem>>)
        tpu.yield
      }) : () -> ()
      %scan3A_62 = arith.constant 0 : i32
      %scan3A_63 = arith.constant 32 : i32
      %scan3A_64 = arith.addi %scan3A_62, %scan3A_63 : i32
      %scan3A_65 = arith.constant 1 : i32
      scf.for %scan3A_85 = %scan3A_62 to %scan3A_64 step %scan3A_65  : i32 {
        %mul3A_86 = arith.constant 1 : i32
        %mul3A_87 = arith.muli %scan3A_85, %mul3A_86 : i32
        %add3A_88 = arith.constant 0 : i32
        %add3A_89 = arith.addi %add3A_88, %mul3A_87 : i32
        "tpu.region"() ({
          %run_scoped3A = tpu.sem_alloc : memref<!tpu.dma_semaphore, #tpu.memory_space<semaphore_mem>>
          %dma_start3A = arith.constant 0 : i32
          %dma_start3A_90 = tpu.memref_slice %arg6[%add3A_89, %dma_start3A] : memref<32x128xi32, #tpu.memory_space<vmem>> -> memref<1x128xi32, #tpu.memory_space<vmem>>
          %dma_start3A_91 = tpu.memref_squeeze %dma_start3A_90 : memref<1x128xi32, #tpu.memory_space<vmem>> -> memref<128xi32, #tpu.memory_space<vmem>>
          %dma_start3A_92 = arith.constant 0 : i32
          %dma_start3A_93 = arith.constant 0 : i32
          %dma_start3A_94 = tpu.memref_slice %arg8[%dma_start3A_92, %dma_start3A_93] : memref<10240x128xf32, #tpu.memory_space<vmem_shared>> -> memref<10240x128xf32, #tpu.memory_space<vmem_shared>>
          tpu.enqueue_indirect_dma source(%arg7 : memref<128x128xf32, #tpu.memory_space<vmem>>) target(%dma_start3A_94 : memref<10240x128xf32, #tpu.memory_space<vmem_shared>>) offsets(%dma_start3A_91 : memref<128xi32, #tpu.memory_space<vmem>>) semaphore(%run_scoped3A : memref<!tpu.dma_semaphore, #tpu.memory_space<semaphore_mem>>) {add = true}
          %dma_wait3A = arith.constant 0 : i32
          %dma_wait3A_95 = tpu.memref_slice %arg6[%add3A_89, %dma_wait3A] : memref<32x128xi32, #tpu.memory_space<vmem>> -> memref<1x128xi32, #tpu.memory_space<vmem>>
          %dma_wait3A_96 = tpu.memref_squeeze %dma_wait3A_95 : memref<1x128xi32, #tpu.memory_space<vmem>> -> memref<128xi32, #tpu.memory_space<vmem>>
          %dma_wait3A_97 = arith.constant 0 : i32
          %dma_wait3A_98 = arith.constant 0 : i32
          %dma_wait3A_99 = tpu.memref_slice %arg8[%dma_wait3A_97, %dma_wait3A_98] : memref<10240x128xf32, #tpu.memory_space<vmem_shared>> -> memref<10240x128xf32, #tpu.memory_space<vmem_shared>>
          tpu.wait_indirect_dma semaphore(%run_scoped3A : memref<!tpu.dma_semaphore, #tpu.memory_space<semaphore_mem>>) src(%arg7 : memref<128x128xf32, #tpu.memory_space<vmem>>) dst(%dma_wait3A_99 : memref<10240x128xf32, #tpu.memory_space<vmem_shared>>)
          tpu.yield
        }) : () -> ()
      }
      %scan3A_66 = arith.constant 32 : i32
      %mul3A_67 = arith.constant 160 : i32
      %mul3A_68 = arith.muli %arg1, %mul3A_67 : i32
      %add3A_69 = arith.constant 96 : i32
      %add3A_70 = arith.addi %mul3A_68, %add3A_69 : i32
      "tpu.region"() ({
        %run_scoped3A = tpu.sem_alloc : memref<!tpu.dma_semaphore, #tpu.memory_space<semaphore_mem>>
        %dma_start3A = arith.constant 0 : i32
        %dma_start3A_85 = tpu.memref_slice %arg3[%add3A_70, %dma_start3A] : memref<2560x128xi32, #tpu.memory_space<hbm>> -> memref<32x128xi32, #tpu.memory_space<hbm>>
        %dma_start3A_86 = arith.constant 0 : i32
        %dma_start3A_87 = tpu.memref_slice %arg3[%add3A_70, %dma_start3A_86] : memref<2560x128xi32, #tpu.memory_space<hbm>> -> memref<32x128xi32, #tpu.memory_space<hbm>>
        tpu.enqueue_dma source(%dma_start3A_87 : memref<32x128xi32, #tpu.memory_space<hbm>>) target(%arg6 : memref<32x128xi32, #tpu.memory_space<vmem>>) target_semaphore(%run_scoped3A : memref<!tpu.dma_semaphore, #tpu.memory_space<semaphore_mem>>)
        %dma_wait3A = arith.constant 0 : i32
        %dma_wait3A_88 = tpu.memref_slice %arg3[%add3A_70, %dma_wait3A] : memref<2560x128xi32, #tpu.memory_space<hbm>> -> memref<32x128xi32, #tpu.memory_space<hbm>>
        %dma_wait3A_89 = arith.constant 0 : i32
        %dma_wait3A_90 = tpu.memref_slice %arg3[%add3A_70, %dma_wait3A_89] : memref<2560x128xi32, #tpu.memory_space<hbm>> -> memref<32x128xi32, #tpu.memory_space<hbm>>
        tpu.wait_dma2 semaphore(%run_scoped3A : memref<!tpu.dma_semaphore, #tpu.memory_space<semaphore_mem>>) src(%dma_wait3A_90 : memref<32x128xi32, #tpu.memory_space<hbm>>) dst(%arg6 : memref<32x128xi32, #tpu.memory_space<vmem>>)
        tpu.yield
      }) : () -> ()
      %scan3A_71 = arith.constant 0 : i32
      %scan3A_72 = arith.constant 32 : i32
      %scan3A_73 = arith.addi %scan3A_71, %scan3A_72 : i32
      %scan3A_74 = arith.constant 1 : i32
      scf.for %scan3A_85 = %scan3A_71 to %scan3A_73 step %scan3A_74  : i32 {
        %mul3A_86 = arith.constant 1 : i32
        %mul3A_87 = arith.muli %scan3A_85, %mul3A_86 : i32
        %add3A_88 = arith.constant 0 : i32
        %add3A_89 = arith.addi %add3A_88, %mul3A_87 : i32
        "tpu.region"() ({
          %run_scoped3A = tpu.sem_alloc : memref<!tpu.dma_semaphore, #tpu.memory_space<semaphore_mem>>
          %dma_start3A = arith.constant 0 : i32
          %dma_start3A_90 = tpu.memref_slice %arg6[%add3A_89, %dma_start3A] : memref<32x128xi32, #tpu.memory_space<vmem>> -> memref<1x128xi32, #tpu.memory_space<vmem>>
          %dma_start3A_91 = tpu.memref_squeeze %dma_start3A_90 : memref<1x128xi32, #tpu.memory_space<vmem>> -> memref<128xi32, #tpu.memory_space<vmem>>
          %dma_start3A_92 = arith.constant 0 : i32
          %dma_start3A_93 = arith.constant 0 : i32
          %dma_start3A_94 = tpu.memref_slice %arg8[%dma_start3A_92, %dma_start3A_93] : memref<10240x128xf32, #tpu.memory_space<vmem_shared>> -> memref<10240x128xf32, #tpu.memory_space<vmem_shared>>
          tpu.enqueue_indirect_dma source(%arg7 : memref<128x128xf32, #tpu.memory_space<vmem>>) target(%dma_start3A_94 : memref<10240x128xf32, #tpu.memory_space<vmem_shared>>) offsets(%dma_start3A_91 : memref<128xi32, #tpu.memory_space<vmem>>) semaphore(%run_scoped3A : memref<!tpu.dma_semaphore, #tpu.memory_space<semaphore_mem>>) {add = true}
          %dma_wait3A = arith.constant 0 : i32
          %dma_wait3A_95 = tpu.memref_slice %arg6[%add3A_89, %dma_wait3A] : memref<32x128xi32, #tpu.memory_space<vmem>> -> memref<1x128xi32, #tpu.memory_space<vmem>>
          %dma_wait3A_96 = tpu.memref_squeeze %dma_wait3A_95 : memref<1x128xi32, #tpu.memory_space<vmem>> -> memref<128xi32, #tpu.memory_space<vmem>>
          %dma_wait3A_97 = arith.constant 0 : i32
          %dma_wait3A_98 = arith.constant 0 : i32
          %dma_wait3A_99 = tpu.memref_slice %arg8[%dma_wait3A_97, %dma_wait3A_98] : memref<10240x128xf32, #tpu.memory_space<vmem_shared>> -> memref<10240x128xf32, #tpu.memory_space<vmem_shared>>
          tpu.wait_indirect_dma semaphore(%run_scoped3A : memref<!tpu.dma_semaphore, #tpu.memory_space<semaphore_mem>>) src(%arg7 : memref<128x128xf32, #tpu.memory_space<vmem>>) dst(%dma_wait3A_99 : memref<10240x128xf32, #tpu.memory_space<vmem_shared>>)
          tpu.yield
        }) : () -> ()
      }
      %scan3A_75 = arith.constant 32 : i32
      %mul3A_76 = arith.constant 160 : i32
      %mul3A_77 = arith.muli %arg1, %mul3A_76 : i32
      %add3A_78 = arith.constant 128 : i32
      %add3A_79 = arith.addi %mul3A_77, %add3A_78 : i32
      "tpu.region"() ({
        %run_scoped3A = tpu.sem_alloc : memref<!tpu.dma_semaphore, #tpu.memory_space<semaphore_mem>>
        %dma_start3A = arith.constant 0 : i32
        %dma_start3A_85 = tpu.memref_slice %arg3[%add3A_79, %dma_start3A] : memref<2560x128xi32, #tpu.memory_space<hbm>> -> memref<32x128xi32, #tpu.memory_space<hbm>>
        %dma_start3A_86 = arith.constant 0 : i32
        %dma_start3A_87 = tpu.memref_slice %arg3[%add3A_79, %dma_start3A_86] : memref<2560x128xi32, #tpu.memory_space<hbm>> -> memref<32x128xi32, #tpu.memory_space<hbm>>
        tpu.enqueue_dma source(%dma_start3A_87 : memref<32x128xi32, #tpu.memory_space<hbm>>) target(%arg6 : memref<32x128xi32, #tpu.memory_space<vmem>>) target_semaphore(%run_scoped3A : memref<!tpu.dma_semaphore, #tpu.memory_space<semaphore_mem>>)
        %dma_wait3A = arith.constant 0 : i32
        %dma_wait3A_88 = tpu.memref_slice %arg3[%add3A_79, %dma_wait3A] : memref<2560x128xi32, #tpu.memory_space<hbm>> -> memref<32x128xi32, #tpu.memory_space<hbm>>
        %dma_wait3A_89 = arith.constant 0 : i32
        %dma_wait3A_90 = tpu.memref_slice %arg3[%add3A_79, %dma_wait3A_89] : memref<2560x128xi32, #tpu.memory_space<hbm>> -> memref<32x128xi32, #tpu.memory_space<hbm>>
        tpu.wait_dma2 semaphore(%run_scoped3A : memref<!tpu.dma_semaphore, #tpu.memory_space<semaphore_mem>>) src(%dma_wait3A_90 : memref<32x128xi32, #tpu.memory_space<hbm>>) dst(%arg6 : memref<32x128xi32, #tpu.memory_space<vmem>>)
        tpu.yield
      }) : () -> ()
      %scan3A_80 = arith.constant 0 : i32
      %scan3A_81 = arith.constant 32 : i32
      %scan3A_82 = arith.addi %scan3A_80, %scan3A_81 : i32
      %scan3A_83 = arith.constant 1 : i32
      scf.for %scan3A_85 = %scan3A_80 to %scan3A_82 step %scan3A_83  : i32 {
        %mul3A_86 = arith.constant 1 : i32
        %mul3A_87 = arith.muli %scan3A_85, %mul3A_86 : i32
        %add3A_88 = arith.constant 0 : i32
        %add3A_89 = arith.addi %add3A_88, %mul3A_87 : i32
        "tpu.region"() ({
          %run_scoped3A = tpu.sem_alloc : memref<!tpu.dma_semaphore, #tpu.memory_space<semaphore_mem>>
          %dma_start3A = arith.constant 0 : i32
          %dma_start3A_90 = tpu.memref_slice %arg6[%add3A_89, %dma_start3A] : memref<32x128xi32, #tpu.memory_space<vmem>> -> memref<1x128xi32, #tpu.memory_space<vmem>>
          %dma_start3A_91 = tpu.memref_squeeze %dma_start3A_90 : memref<1x128xi32, #tpu.memory_space<vmem>> -> memref<128xi32, #tpu.memory_space<vmem>>
          %dma_start3A_92 = arith.constant 0 : i32
          %dma_start3A_93 = arith.constant 0 : i32
          %dma_start3A_94 = tpu.memref_slice %arg8[%dma_start3A_92, %dma_start3A_93] : memref<10240x128xf32, #tpu.memory_space<vmem_shared>> -> memref<10240x128xf32, #tpu.memory_space<vmem_shared>>
          tpu.enqueue_indirect_dma source(%arg7 : memref<128x128xf32, #tpu.memory_space<vmem>>) target(%dma_start3A_94 : memref<10240x128xf32, #tpu.memory_space<vmem_shared>>) offsets(%dma_start3A_91 : memref<128xi32, #tpu.memory_space<vmem>>) semaphore(%run_scoped3A : memref<!tpu.dma_semaphore, #tpu.memory_space<semaphore_mem>>) {add = true}
          %dma_wait3A = arith.constant 0 : i32
          %dma_wait3A_95 = tpu.memref_slice %arg6[%add3A_89, %dma_wait3A] : memref<32x128xi32, #tpu.memory_space<vmem>> -> memref<1x128xi32, #tpu.memory_space<vmem>>
          %dma_wait3A_96 = tpu.memref_squeeze %dma_wait3A_95 : memref<1x128xi32, #tpu.memory_space<vmem>> -> memref<128xi32, #tpu.memory_space<vmem>>
          %dma_wait3A_97 = arith.constant 0 : i32
          %dma_wait3A_98 = arith.constant 0 : i32
          %dma_wait3A_99 = tpu.memref_slice %arg8[%dma_wait3A_97, %dma_wait3A_98] : memref<10240x128xf32, #tpu.memory_space<vmem_shared>> -> memref<10240x128xf32, #tpu.memory_space<vmem_shared>>
          tpu.wait_indirect_dma semaphore(%run_scoped3A : memref<!tpu.dma_semaphore, #tpu.memory_space<semaphore_mem>>) src(%arg7 : memref<128x128xf32, #tpu.memory_space<vmem>>) dst(%dma_wait3A_99 : memref<10240x128xf32, #tpu.memory_space<vmem_shared>>)
          tpu.yield
        }) : () -> ()
      }
      %scan3A_84 = arith.constant 32 : i32
    } else {
    }
    %barrier3A_29 = arith.constant 0 : index
    tpu.barrier barrier_id(%barrier3A_29)
    %eq3A_30 = arith.constant 0 : i32
    %eq3A_31 = arith.cmpi eq, %arg0, %eq3A_30 : i32
    %convert_element_type3A_32 = arith.extui %eq3A_31 : i1 to i32
    %cond3A_33 = arith.constant 0 : i32
    %cond3A_34 = arith.cmpi ne, %convert_element_type3A_32, %cond3A_33 : i32
    scf.if %cond3A_34 {
      %add3A_40 = arith.constant 0 : i32
      %add3A_41 = arith.addi %mul3A_0, %add3A_40 : i32
      "tpu.region"() ({
        %run_scoped3A = tpu.sem_alloc : memref<!tpu.dma_semaphore, #tpu.memory_space<semaphore_mem>>
        %dma_start3A = arith.constant 0 : i32
        %dma_start3A_50 = tpu.memref_slice %arg8[%add3A_41, %dma_start3A] : memref<10240x128xf32, #tpu.memory_space<vmem_shared>> -> memref<128x128xf32, #tpu.memory_space<vmem_shared>>
        %dma_start3A_51 = arith.constant 0 : i32
        %dma_start3A_52 = tpu.memref_slice %arg8[%add3A_41, %dma_start3A_51] : memref<10240x128xf32, #tpu.memory_space<vmem_shared>> -> memref<128x128xf32, #tpu.memory_space<vmem_shared>>
        tpu.enqueue_dma source(%dma_start3A_52 : memref<128x128xf32, #tpu.memory_space<vmem_shared>>) target(%arg7 : memref<128x128xf32, #tpu.memory_space<vmem>>) target_semaphore(%run_scoped3A : memref<!tpu.dma_semaphore, #tpu.memory_space<semaphore_mem>>)
        %dma_wait3A = arith.constant 0 : i32
        %dma_wait3A_53 = tpu.memref_slice %arg8[%add3A_41, %dma_wait3A] : memref<10240x128xf32, #tpu.memory_space<vmem_shared>> -> memref<128x128xf32, #tpu.memory_space<vmem_shared>>
        %dma_wait3A_54 = arith.constant 0 : i32
        %dma_wait3A_55 = tpu.memref_slice %arg8[%add3A_41, %dma_wait3A_54] : memref<10240x128xf32, #tpu.memory_space<vmem_shared>> -> memref<128x128xf32, #tpu.memory_space<vmem_shared>>
        tpu.wait_dma2 semaphore(%run_scoped3A : memref<!tpu.dma_semaphore, #tpu.memory_space<semaphore_mem>>) src(%dma_wait3A_55 : memref<128x128xf32, #tpu.memory_space<vmem_shared>>) dst(%arg7 : memref<128x128xf32, #tpu.memory_space<vmem>>)
        tpu.yield
      }) : () -> ()
      "tpu.region"() ({
        %run_scoped3A = tpu.sem_alloc : memref<!tpu.dma_semaphore, #tpu.memory_space<semaphore_mem>>
        %dma_start3A = arith.constant 0 : i32
        %dma_start3A_50 = tpu.memref_slice %arg4[%add3A_41, %dma_start3A] : memref<10240x128xf32, #tpu.memory_space<hbm>> -> memref<128x128xf32, #tpu.memory_space<hbm>>
        %dma_start3A_51 = arith.constant 0 : i32
        %dma_start3A_52 = tpu.memref_slice %arg4[%add3A_41, %dma_start3A_51] : memref<10240x128xf32, #tpu.memory_space<hbm>> -> memref<128x128xf32, #tpu.memory_space<hbm>>
        tpu.enqueue_dma source(%arg7 : memref<128x128xf32, #tpu.memory_space<vmem>>) target(%dma_start3A_52 : memref<128x128xf32, #tpu.memory_space<hbm>>) target_semaphore(%run_scoped3A : memref<!tpu.dma_semaphore, #tpu.memory_space<semaphore_mem>>)
        %dma_wait3A = arith.constant 0 : i32
        %dma_wait3A_53 = tpu.memref_slice %arg4[%add3A_41, %dma_wait3A] : memref<10240x128xf32, #tpu.memory_space<hbm>> -> memref<128x128xf32, #tpu.memory_space<hbm>>
        %dma_wait3A_54 = arith.constant 0 : i32
        %dma_wait3A_55 = tpu.memref_slice %arg4[%add3A_41, %dma_wait3A_54] : memref<10240x128xf32, #tpu.memory_space<hbm>> -> memref<128x128xf32, #tpu.memory_space<hbm>>
        tpu.wait_dma2 semaphore(%run_scoped3A : memref<!tpu.dma_semaphore, #tpu.memory_space<semaphore_mem>>) src(%arg7 : memref<128x128xf32, #tpu.memory_space<vmem>>) dst(%dma_wait3A_55 : memref<128x128xf32, #tpu.memory_space<hbm>>)
        tpu.yield
      }) : () -> ()
      %add3A_42 = arith.constant 128 : i32
      %add3A_43 = arith.addi %mul3A_0, %add3A_42 : i32
      "tpu.region"() ({
        %run_scoped3A = tpu.sem_alloc : memref<!tpu.dma_semaphore, #tpu.memory_space<semaphore_mem>>
        %dma_start3A = arith.constant 0 : i32
        %dma_start3A_50 = tpu.memref_slice %arg8[%add3A_43, %dma_start3A] : memref<10240x128xf32, #tpu.memory_space<vmem_shared>> -> memref<128x128xf32, #tpu.memory_space<vmem_shared>>
        %dma_start3A_51 = arith.constant 0 : i32
        %dma_start3A_52 = tpu.memref_slice %arg8[%add3A_43, %dma_start3A_51] : memref<10240x128xf32, #tpu.memory_space<vmem_shared>> -> memref<128x128xf32, #tpu.memory_space<vmem_shared>>
        tpu.enqueue_dma source(%dma_start3A_52 : memref<128x128xf32, #tpu.memory_space<vmem_shared>>) target(%arg7 : memref<128x128xf32, #tpu.memory_space<vmem>>) target_semaphore(%run_scoped3A : memref<!tpu.dma_semaphore, #tpu.memory_space<semaphore_mem>>)
        %dma_wait3A = arith.constant 0 : i32
        %dma_wait3A_53 = tpu.memref_slice %arg8[%add3A_43, %dma_wait3A] : memref<10240x128xf32, #tpu.memory_space<vmem_shared>> -> memref<128x128xf32, #tpu.memory_space<vmem_shared>>
        %dma_wait3A_54 = arith.constant 0 : i32
        %dma_wait3A_55 = tpu.memref_slice %arg8[%add3A_43, %dma_wait3A_54] : memref<10240x128xf32, #tpu.memory_space<vmem_shared>> -> memref<128x128xf32, #tpu.memory_space<vmem_shared>>
        tpu.wait_dma2 semaphore(%run_scoped3A : memref<!tpu.dma_semaphore, #tpu.memory_space<semaphore_mem>>) src(%dma_wait3A_55 : memref<128x128xf32, #tpu.memory_space<vmem_shared>>) dst(%arg7 : memref<128x128xf32, #tpu.memory_space<vmem>>)
        tpu.yield
      }) : () -> ()
      "tpu.region"() ({
        %run_scoped3A = tpu.sem_alloc : memref<!tpu.dma_semaphore, #tpu.memory_space<semaphore_mem>>
        %dma_start3A = arith.constant 0 : i32
        %dma_start3A_50 = tpu.memref_slice %arg4[%add3A_43, %dma_start3A] : memref<10240x128xf32, #tpu.memory_space<hbm>> -> memref<128x128xf32, #tpu.memory_space<hbm>>
        %dma_start3A_51 = arith.constant 0 : i32
        %dma_start3A_52 = tpu.memref_slice %arg4[%add3A_43, %dma_start3A_51] : memref<10240x128xf32, #tpu.memory_space<hbm>> -> memref<128x128xf32, #tpu.memory_space<hbm>>
        tpu.enqueue_dma source(%arg7 : memref<128x128xf32, #tpu.memory_space<vmem>>) target(%dma_start3A_52 : memref<128x128xf32, #tpu.memory_space<hbm>>) target_semaphore(%run_scoped3A : memref<!tpu.dma_semaphore, #tpu.memory_space<semaphore_mem>>)
        %dma_wait3A = arith.constant 0 : i32
        %dma_wait3A_53 = tpu.memref_slice %arg4[%add3A_43, %dma_wait3A] : memref<10240x128xf32, #tpu.memory_space<hbm>> -> memref<128x128xf32, #tpu.memory_space<hbm>>
        %dma_wait3A_54 = arith.constant 0 : i32
        %dma_wait3A_55 = tpu.memref_slice %arg4[%add3A_43, %dma_wait3A_54] : memref<10240x128xf32, #tpu.memory_space<hbm>> -> memref<128x128xf32, #tpu.memory_space<hbm>>
        tpu.wait_dma2 semaphore(%run_scoped3A : memref<!tpu.dma_semaphore, #tpu.memory_space<semaphore_mem>>) src(%arg7 : memref<128x128xf32, #tpu.memory_space<vmem>>) dst(%dma_wait3A_55 : memref<128x128xf32, #tpu.memory_space<hbm>>)
        tpu.yield
      }) : () -> ()
      %add3A_44 = arith.constant 256 : i32
      %add3A_45 = arith.addi %mul3A_0, %add3A_44 : i32
      "tpu.region"() ({
        %run_scoped3A = tpu.sem_alloc : memref<!tpu.dma_semaphore, #tpu.memory_space<semaphore_mem>>
        %dma_start3A = arith.constant 0 : i32
        %dma_start3A_50 = tpu.memref_slice %arg8[%add3A_45, %dma_start3A] : memref<10240x128xf32, #tpu.memory_space<vmem_shared>> -> memref<128x128xf32, #tpu.memory_space<vmem_shared>>
        %dma_start3A_51 = arith.constant 0 : i32
        %dma_start3A_52 = tpu.memref_slice %arg8[%add3A_45, %dma_start3A_51] : memref<10240x128xf32, #tpu.memory_space<vmem_shared>> -> memref<128x128xf32, #tpu.memory_space<vmem_shared>>
        tpu.enqueue_dma source(%dma_start3A_52 : memref<128x128xf32, #tpu.memory_space<vmem_shared>>) target(%arg7 : memref<128x128xf32, #tpu.memory_space<vmem>>) target_semaphore(%run_scoped3A : memref<!tpu.dma_semaphore, #tpu.memory_space<semaphore_mem>>)
        %dma_wait3A = arith.constant 0 : i32
        %dma_wait3A_53 = tpu.memref_slice %arg8[%add3A_45, %dma_wait3A] : memref<10240x128xf32, #tpu.memory_space<vmem_shared>> -> memref<128x128xf32, #tpu.memory_space<vmem_shared>>
        %dma_wait3A_54 = arith.constant 0 : i32
        %dma_wait3A_55 = tpu.memref_slice %arg8[%add3A_45, %dma_wait3A_54] : memref<10240x128xf32, #tpu.memory_space<vmem_shared>> -> memref<128x128xf32, #tpu.memory_space<vmem_shared>>
        tpu.wait_dma2 semaphore(%run_scoped3A : memref<!tpu.dma_semaphore, #tpu.memory_space<semaphore_mem>>) src(%dma_wait3A_55 : memref<128x128xf32, #tpu.memory_space<vmem_shared>>) dst(%arg7 : memref<128x128xf32, #tpu.memory_space<vmem>>)
        tpu.yield
      }) : () -> ()
      "tpu.region"() ({
        %run_scoped3A = tpu.sem_alloc : memref<!tpu.dma_semaphore, #tpu.memory_space<semaphore_mem>>
        %dma_start3A = arith.constant 0 : i32
        %dma_start3A_50 = tpu.memref_slice %arg4[%add3A_45, %dma_start3A] : memref<10240x128xf32, #tpu.memory_space<hbm>> -> memref<128x128xf32, #tpu.memory_space<hbm>>
        %dma_start3A_51 = arith.constant 0 : i32
        %dma_start3A_52 = tpu.memref_slice %arg4[%add3A_45, %dma_start3A_51] : memref<10240x128xf32, #tpu.memory_space<hbm>> -> memref<128x128xf32, #tpu.memory_space<hbm>>
        tpu.enqueue_dma source(%arg7 : memref<128x128xf32, #tpu.memory_space<vmem>>) target(%dma_start3A_52 : memref<128x128xf32, #tpu.memory_space<hbm>>) target_semaphore(%run_scoped3A : memref<!tpu.dma_semaphore, #tpu.memory_space<semaphore_mem>>)
        %dma_wait3A = arith.constant 0 : i32
        %dma_wait3A_53 = tpu.memref_slice %arg4[%add3A_45, %dma_wait3A] : memref<10240x128xf32, #tpu.memory_space<hbm>> -> memref<128x128xf32, #tpu.memory_space<hbm>>
        %dma_wait3A_54 = arith.constant 0 : i32
        %dma_wait3A_55 = tpu.memref_slice %arg4[%add3A_45, %dma_wait3A_54] : memref<10240x128xf32, #tpu.memory_space<hbm>> -> memref<128x128xf32, #tpu.memory_space<hbm>>
        tpu.wait_dma2 semaphore(%run_scoped3A : memref<!tpu.dma_semaphore, #tpu.memory_space<semaphore_mem>>) src(%arg7 : memref<128x128xf32, #tpu.memory_space<vmem>>) dst(%dma_wait3A_55 : memref<128x128xf32, #tpu.memory_space<hbm>>)
        tpu.yield
      }) : () -> ()
      %add3A_46 = arith.constant 384 : i32
      %add3A_47 = arith.addi %mul3A_0, %add3A_46 : i32
      "tpu.region"() ({
        %run_scoped3A = tpu.sem_alloc : memref<!tpu.dma_semaphore, #tpu.memory_space<semaphore_mem>>
        %dma_start3A = arith.constant 0 : i32
        %dma_start3A_50 = tpu.memref_slice %arg8[%add3A_47, %dma_start3A] : memref<10240x128xf32, #tpu.memory_space<vmem_shared>> -> memref<128x128xf32, #tpu.memory_space<vmem_shared>>
        %dma_start3A_51 = arith.constant 0 : i32
        %dma_start3A_52 = tpu.memref_slice %arg8[%add3A_47, %dma_start3A_51] : memref<10240x128xf32, #tpu.memory_space<vmem_shared>> -> memref<128x128xf32, #tpu.memory_space<vmem_shared>>
        tpu.enqueue_dma source(%dma_start3A_52 : memref<128x128xf32, #tpu.memory_space<vmem_shared>>) target(%arg7 : memref<128x128xf32, #tpu.memory_space<vmem>>) target_semaphore(%run_scoped3A : memref<!tpu.dma_semaphore, #tpu.memory_space<semaphore_mem>>)
        %dma_wait3A = arith.constant 0 : i32
        %dma_wait3A_53 = tpu.memref_slice %arg8[%add3A_47, %dma_wait3A] : memref<10240x128xf32, #tpu.memory_space<vmem_shared>> -> memref<128x128xf32, #tpu.memory_space<vmem_shared>>
        %dma_wait3A_54 = arith.constant 0 : i32
        %dma_wait3A_55 = tpu.memref_slice %arg8[%add3A_47, %dma_wait3A_54] : memref<10240x128xf32, #tpu.memory_space<vmem_shared>> -> memref<128x128xf32, #tpu.memory_space<vmem_shared>>
        tpu.wait_dma2 semaphore(%run_scoped3A : memref<!tpu.dma_semaphore, #tpu.memory_space<semaphore_mem>>) src(%dma_wait3A_55 : memref<128x128xf32, #tpu.memory_space<vmem_shared>>) dst(%arg7 : memref<128x128xf32, #tpu.memory_space<vmem>>)
        tpu.yield
      }) : () -> ()
      "tpu.region"() ({
        %run_scoped3A = tpu.sem_alloc : memref<!tpu.dma_semaphore, #tpu.memory_space<semaphore_mem>>
        %dma_start3A = arith.constant 0 : i32
        %dma_start3A_50 = tpu.memref_slice %arg4[%add3A_47, %dma_start3A] : memref<10240x128xf32, #tpu.memory_space<hbm>> -> memref<128x128xf32, #tpu.memory_space<hbm>>
        %dma_start3A_51 = arith.constant 0 : i32
        %dma_start3A_52 = tpu.memref_slice %arg4[%add3A_47, %dma_start3A_51] : memref<10240x128xf32, #tpu.memory_space<hbm>> -> memref<128x128xf32, #tpu.memory_space<hbm>>
        tpu.enqueue_dma source(%arg7 : memref<128x128xf32, #tpu.memory_space<vmem>>) target(%dma_start3A_52 : memref<128x128xf32, #tpu.memory_space<hbm>>) target_semaphore(%run_scoped3A : memref<!tpu.dma_semaphore, #tpu.memory_space<semaphore_mem>>)
        %dma_wait3A = arith.constant 0 : i32
        %dma_wait3A_53 = tpu.memref_slice %arg4[%add3A_47, %dma_wait3A] : memref<10240x128xf32, #tpu.memory_space<hbm>> -> memref<128x128xf32, #tpu.memory_space<hbm>>
        %dma_wait3A_54 = arith.constant 0 : i32
        %dma_wait3A_55 = tpu.memref_slice %arg4[%add3A_47, %dma_wait3A_54] : memref<10240x128xf32, #tpu.memory_space<hbm>> -> memref<128x128xf32, #tpu.memory_space<hbm>>
        tpu.wait_dma2 semaphore(%run_scoped3A : memref<!tpu.dma_semaphore, #tpu.memory_space<semaphore_mem>>) src(%arg7 : memref<128x128xf32, #tpu.memory_space<vmem>>) dst(%dma_wait3A_55 : memref<128x128xf32, #tpu.memory_space<hbm>>)
        tpu.yield
      }) : () -> ()
      %add3A_48 = arith.constant 512 : i32
      %add3A_49 = arith.addi %mul3A_0, %add3A_48 : i32
      "tpu.region"() ({
        %run_scoped3A = tpu.sem_alloc : memref<!tpu.dma_semaphore, #tpu.memory_space<semaphore_mem>>
        %dma_start3A = arith.constant 0 : i32
        %dma_start3A_50 = tpu.memref_slice %arg8[%add3A_49, %dma_start3A] : memref<10240x128xf32, #tpu.memory_space<vmem_shared>> -> memref<128x128xf32, #tpu.memory_space<vmem_shared>>
        %dma_start3A_51 = arith.constant 0 : i32
        %dma_start3A_52 = tpu.memref_slice %arg8[%add3A_49, %dma_start3A_51] : memref<10240x128xf32, #tpu.memory_space<vmem_shared>> -> memref<128x128xf32, #tpu.memory_space<vmem_shared>>
        tpu.enqueue_dma source(%dma_start3A_52 : memref<128x128xf32, #tpu.memory_space<vmem_shared>>) target(%arg7 : memref<128x128xf32, #tpu.memory_space<vmem>>) target_semaphore(%run_scoped3A : memref<!tpu.dma_semaphore, #tpu.memory_space<semaphore_mem>>)
        %dma_wait3A = arith.constant 0 : i32
        %dma_wait3A_53 = tpu.memref_slice %arg8[%add3A_49, %dma_wait3A] : memref<10240x128xf32, #tpu.memory_space<vmem_shared>> -> memref<128x128xf32, #tpu.memory_space<vmem_shared>>
        %dma_wait3A_54 = arith.constant 0 : i32
        %dma_wait3A_55 = tpu.memref_slice %arg8[%add3A_49, %dma_wait3A_54] : memref<10240x128xf32, #tpu.memory_space<vmem_shared>> -> memref<128x128xf32, #tpu.memory_space<vmem_shared>>
        tpu.wait_dma2 semaphore(%run_scoped3A : memref<!tpu.dma_semaphore, #tpu.memory_space<semaphore_mem>>) src(%dma_wait3A_55 : memref<128x128xf32, #tpu.memory_space<vmem_shared>>) dst(%arg7 : memref<128x128xf32, #tpu.memory_space<vmem>>)
        tpu.yield
      }) : () -> ()
      "tpu.region"() ({
        %run_scoped3A = tpu.sem_alloc : memref<!tpu.dma_semaphore, #tpu.memory_space<semaphore_mem>>
        %dma_start3A = arith.constant 0 : i32
        %dma_start3A_50 = tpu.memref_slice %arg4[%add3A_49, %dma_start3A] : memref<10240x128xf32, #tpu.memory_space<hbm>> -> memref<128x128xf32, #tpu.memory_space<hbm>>
        %dma_start3A_51 = arith.constant 0 : i32
        %dma_start3A_52 = tpu.memref_slice %arg4[%add3A_49, %dma_start3A_51] : memref<10240x128xf32, #tpu.memory_space<hbm>> -> memref<128x128xf32, #tpu.memory_space<hbm>>
        tpu.enqueue_dma source(%arg7 : memref<128x128xf32, #tpu.memory_space<vmem>>) target(%dma_start3A_52 : memref<128x128xf32, #tpu.memory_space<hbm>>) target_semaphore(%run_scoped3A : memref<!tpu.dma_semaphore, #tpu.memory_space<semaphore_mem>>)
        %dma_wait3A = arith.constant 0 : i32
        %dma_wait3A_53 = tpu.memref_slice %arg4[%add3A_49, %dma_wait3A] : memref<10240x128xf32, #tpu.memory_space<hbm>> -> memref<128x128xf32, #tpu.memory_space<hbm>>
        %dma_wait3A_54 = arith.constant 0 : i32
        %dma_wait3A_55 = tpu.memref_slice %arg4[%add3A_49, %dma_wait3A_54] : memref<10240x128xf32, #tpu.memory_space<hbm>> -> memref<128x128xf32, #tpu.memory_space<hbm>>
        tpu.wait_dma2 semaphore(%run_scoped3A : memref<!tpu.dma_semaphore, #tpu.memory_space<semaphore_mem>>) src(%arg7 : memref<128x128xf32, #tpu.memory_space<vmem>>) dst(%dma_wait3A_55 : memref<128x128xf32, #tpu.memory_space<hbm>>)
        tpu.yield
      }) : () -> ()
    } else {
    }
    %eq3A_35 = arith.constant 1 : i32
    %eq3A_36 = arith.cmpi eq, %arg0, %eq3A_35 : i32
    %convert_element_type3A_37 = arith.extui %eq3A_36 : i1 to i32
    %cond3A_38 = arith.constant 0 : i32
    %cond3A_39 = arith.cmpi ne, %convert_element_type3A_37, %cond3A_38 : i32
    scf.if %cond3A_39 {
      %add3A_40 = arith.constant 0 : i32
      %add3A_41 = arith.addi %mul3A_0, %add3A_40 : i32
      "tpu.region"() ({
        %run_scoped3A = tpu.sem_alloc : memref<!tpu.dma_semaphore, #tpu.memory_space<semaphore_mem>>
        %dma_start3A = arith.constant 0 : i32
        %dma_start3A_50 = tpu.memref_slice %arg8[%add3A_41, %dma_start3A] : memref<10240x128xf32, #tpu.memory_space<vmem_shared>> -> memref<128x128xf32, #tpu.memory_space<vmem_shared>>
        %dma_start3A_51 = arith.constant 0 : i32
        %dma_start3A_52 = tpu.memref_slice %arg8[%add3A_41, %dma_start3A_51] : memref<10240x128xf32, #tpu.memory_space<vmem_shared>> -> memref<128x128xf32, #tpu.memory_space<vmem_shared>>
        tpu.enqueue_dma source(%dma_start3A_52 : memref<128x128xf32, #tpu.memory_space<vmem_shared>>) target(%arg7 : memref<128x128xf32, #tpu.memory_space<vmem>>) target_semaphore(%run_scoped3A : memref<!tpu.dma_semaphore, #tpu.memory_space<semaphore_mem>>)
        %dma_wait3A = arith.constant 0 : i32
        %dma_wait3A_53 = tpu.memref_slice %arg8[%add3A_41, %dma_wait3A] : memref<10240x128xf32, #tpu.memory_space<vmem_shared>> -> memref<128x128xf32, #tpu.memory_space<vmem_shared>>
        %dma_wait3A_54 = arith.constant 0 : i32
        %dma_wait3A_55 = tpu.memref_slice %arg8[%add3A_41, %dma_wait3A_54] : memref<10240x128xf32, #tpu.memory_space<vmem_shared>> -> memref<128x128xf32, #tpu.memory_space<vmem_shared>>
        tpu.wait_dma2 semaphore(%run_scoped3A : memref<!tpu.dma_semaphore, #tpu.memory_space<semaphore_mem>>) src(%dma_wait3A_55 : memref<128x128xf32, #tpu.memory_space<vmem_shared>>) dst(%arg7 : memref<128x128xf32, #tpu.memory_space<vmem>>)
        tpu.yield
      }) : () -> ()
      "tpu.region"() ({
        %run_scoped3A = tpu.sem_alloc : memref<!tpu.dma_semaphore, #tpu.memory_space<semaphore_mem>>
        %dma_start3A = arith.constant 0 : i32
        %dma_start3A_50 = tpu.memref_slice %arg5[%add3A_41, %dma_start3A] : memref<10240x128xf32, #tpu.memory_space<hbm>> -> memref<128x128xf32, #tpu.memory_space<hbm>>
        %dma_start3A_51 = arith.constant 0 : i32
        %dma_start3A_52 = tpu.memref_slice %arg5[%add3A_41, %dma_start3A_51] : memref<10240x128xf32, #tpu.memory_space<hbm>> -> memref<128x128xf32, #tpu.memory_space<hbm>>
        tpu.enqueue_dma source(%arg7 : memref<128x128xf32, #tpu.memory_space<vmem>>) target(%dma_start3A_52 : memref<128x128xf32, #tpu.memory_space<hbm>>) target_semaphore(%run_scoped3A : memref<!tpu.dma_semaphore, #tpu.memory_space<semaphore_mem>>)
        %dma_wait3A = arith.constant 0 : i32
        %dma_wait3A_53 = tpu.memref_slice %arg5[%add3A_41, %dma_wait3A] : memref<10240x128xf32, #tpu.memory_space<hbm>> -> memref<128x128xf32, #tpu.memory_space<hbm>>
        %dma_wait3A_54 = arith.constant 0 : i32
        %dma_wait3A_55 = tpu.memref_slice %arg5[%add3A_41, %dma_wait3A_54] : memref<10240x128xf32, #tpu.memory_space<hbm>> -> memref<128x128xf32, #tpu.memory_space<hbm>>
        tpu.wait_dma2 semaphore(%run_scoped3A : memref<!tpu.dma_semaphore, #tpu.memory_space<semaphore_mem>>) src(%arg7 : memref<128x128xf32, #tpu.memory_space<vmem>>) dst(%dma_wait3A_55 : memref<128x128xf32, #tpu.memory_space<hbm>>)
        tpu.yield
      }) : () -> ()
      %add3A_42 = arith.constant 128 : i32
      %add3A_43 = arith.addi %mul3A_0, %add3A_42 : i32
      "tpu.region"() ({
        %run_scoped3A = tpu.sem_alloc : memref<!tpu.dma_semaphore, #tpu.memory_space<semaphore_mem>>
        %dma_start3A = arith.constant 0 : i32
        %dma_start3A_50 = tpu.memref_slice %arg8[%add3A_43, %dma_start3A] : memref<10240x128xf32, #tpu.memory_space<vmem_shared>> -> memref<128x128xf32, #tpu.memory_space<vmem_shared>>
        %dma_start3A_51 = arith.constant 0 : i32
        %dma_start3A_52 = tpu.memref_slice %arg8[%add3A_43, %dma_start3A_51] : memref<10240x128xf32, #tpu.memory_space<vmem_shared>> -> memref<128x128xf32, #tpu.memory_space<vmem_shared>>
        tpu.enqueue_dma source(%dma_start3A_52 : memref<128x128xf32, #tpu.memory_space<vmem_shared>>) target(%arg7 : memref<128x128xf32, #tpu.memory_space<vmem>>) target_semaphore(%run_scoped3A : memref<!tpu.dma_semaphore, #tpu.memory_space<semaphore_mem>>)
        %dma_wait3A = arith.constant 0 : i32
        %dma_wait3A_53 = tpu.memref_slice %arg8[%add3A_43, %dma_wait3A] : memref<10240x128xf32, #tpu.memory_space<vmem_shared>> -> memref<128x128xf32, #tpu.memory_space<vmem_shared>>
        %dma_wait3A_54 = arith.constant 0 : i32
        %dma_wait3A_55 = tpu.memref_slice %arg8[%add3A_43, %dma_wait3A_54] : memref<10240x128xf32, #tpu.memory_space<vmem_shared>> -> memref<128x128xf32, #tpu.memory_space<vmem_shared>>
        tpu.wait_dma2 semaphore(%run_scoped3A : memref<!tpu.dma_semaphore, #tpu.memory_space<semaphore_mem>>) src(%dma_wait3A_55 : memref<128x128xf32, #tpu.memory_space<vmem_shared>>) dst(%arg7 : memref<128x128xf32, #tpu.memory_space<vmem>>)
        tpu.yield
      }) : () -> ()
      "tpu.region"() ({
        %run_scoped3A = tpu.sem_alloc : memref<!tpu.dma_semaphore, #tpu.memory_space<semaphore_mem>>
        %dma_start3A = arith.constant 0 : i32
        %dma_start3A_50 = tpu.memref_slice %arg5[%add3A_43, %dma_start3A] : memref<10240x128xf32, #tpu.memory_space<hbm>> -> memref<128x128xf32, #tpu.memory_space<hbm>>
        %dma_start3A_51 = arith.constant 0 : i32
        %dma_start3A_52 = tpu.memref_slice %arg5[%add3A_43, %dma_start3A_51] : memref<10240x128xf32, #tpu.memory_space<hbm>> -> memref<128x128xf32, #tpu.memory_space<hbm>>
        tpu.enqueue_dma source(%arg7 : memref<128x128xf32, #tpu.memory_space<vmem>>) target(%dma_start3A_52 : memref<128x128xf32, #tpu.memory_space<hbm>>) target_semaphore(%run_scoped3A : memref<!tpu.dma_semaphore, #tpu.memory_space<semaphore_mem>>)
        %dma_wait3A = arith.constant 0 : i32
        %dma_wait3A_53 = tpu.memref_slice %arg5[%add3A_43, %dma_wait3A] : memref<10240x128xf32, #tpu.memory_space<hbm>> -> memref<128x128xf32, #tpu.memory_space<hbm>>
        %dma_wait3A_54 = arith.constant 0 : i32
        %dma_wait3A_55 = tpu.memref_slice %arg5[%add3A_43, %dma_wait3A_54] : memref<10240x128xf32, #tpu.memory_space<hbm>> -> memref<128x128xf32, #tpu.memory_space<hbm>>
        tpu.wait_dma2 semaphore(%run_scoped3A : memref<!tpu.dma_semaphore, #tpu.memory_space<semaphore_mem>>) src(%arg7 : memref<128x128xf32, #tpu.memory_space<vmem>>) dst(%dma_wait3A_55 : memref<128x128xf32, #tpu.memory_space<hbm>>)
        tpu.yield
      }) : () -> ()
      %add3A_44 = arith.constant 256 : i32
      %add3A_45 = arith.addi %mul3A_0, %add3A_44 : i32
      "tpu.region"() ({
        %run_scoped3A = tpu.sem_alloc : memref<!tpu.dma_semaphore, #tpu.memory_space<semaphore_mem>>
        %dma_start3A = arith.constant 0 : i32
        %dma_start3A_50 = tpu.memref_slice %arg8[%add3A_45, %dma_start3A] : memref<10240x128xf32, #tpu.memory_space<vmem_shared>> -> memref<128x128xf32, #tpu.memory_space<vmem_shared>>
        %dma_start3A_51 = arith.constant 0 : i32
        %dma_start3A_52 = tpu.memref_slice %arg8[%add3A_45, %dma_start3A_51] : memref<10240x128xf32, #tpu.memory_space<vmem_shared>> -> memref<128x128xf32, #tpu.memory_space<vmem_shared>>
        tpu.enqueue_dma source(%dma_start3A_52 : memref<128x128xf32, #tpu.memory_space<vmem_shared>>) target(%arg7 : memref<128x128xf32, #tpu.memory_space<vmem>>) target_semaphore(%run_scoped3A : memref<!tpu.dma_semaphore, #tpu.memory_space<semaphore_mem>>)
        %dma_wait3A = arith.constant 0 : i32
        %dma_wait3A_53 = tpu.memref_slice %arg8[%add3A_45, %dma_wait3A] : memref<10240x128xf32, #tpu.memory_space<vmem_shared>> -> memref<128x128xf32, #tpu.memory_space<vmem_shared>>
        %dma_wait3A_54 = arith.constant 0 : i32
        %dma_wait3A_55 = tpu.memref_slice %arg8[%add3A_45, %dma_wait3A_54] : memref<10240x128xf32, #tpu.memory_space<vmem_shared>> -> memref<128x128xf32, #tpu.memory_space<vmem_shared>>
        tpu.wait_dma2 semaphore(%run_scoped3A : memref<!tpu.dma_semaphore, #tpu.memory_space<semaphore_mem>>) src(%dma_wait3A_55 : memref<128x128xf32, #tpu.memory_space<vmem_shared>>) dst(%arg7 : memref<128x128xf32, #tpu.memory_space<vmem>>)
        tpu.yield
      }) : () -> ()
      "tpu.region"() ({
        %run_scoped3A = tpu.sem_alloc : memref<!tpu.dma_semaphore, #tpu.memory_space<semaphore_mem>>
        %dma_start3A = arith.constant 0 : i32
        %dma_start3A_50 = tpu.memref_slice %arg5[%add3A_45, %dma_start3A] : memref<10240x128xf32, #tpu.memory_space<hbm>> -> memref<128x128xf32, #tpu.memory_space<hbm>>
        %dma_start3A_51 = arith.constant 0 : i32
        %dma_start3A_52 = tpu.memref_slice %arg5[%add3A_45, %dma_start3A_51] : memref<10240x128xf32, #tpu.memory_space<hbm>> -> memref<128x128xf32, #tpu.memory_space<hbm>>
        tpu.enqueue_dma source(%arg7 : memref<128x128xf32, #tpu.memory_space<vmem>>) target(%dma_start3A_52 : memref<128x128xf32, #tpu.memory_space<hbm>>) target_semaphore(%run_scoped3A : memref<!tpu.dma_semaphore, #tpu.memory_space<semaphore_mem>>)
        %dma_wait3A = arith.constant 0 : i32
        %dma_wait3A_53 = tpu.memref_slice %arg5[%add3A_45, %dma_wait3A] : memref<10240x128xf32, #tpu.memory_space<hbm>> -> memref<128x128xf32, #tpu.memory_space<hbm>>
        %dma_wait3A_54 = arith.constant 0 : i32
        %dma_wait3A_55 = tpu.memref_slice %arg5[%add3A_45, %dma_wait3A_54] : memref<10240x128xf32, #tpu.memory_space<hbm>> -> memref<128x128xf32, #tpu.memory_space<hbm>>
        tpu.wait_dma2 semaphore(%run_scoped3A : memref<!tpu.dma_semaphore, #tpu.memory_space<semaphore_mem>>) src(%arg7 : memref<128x128xf32, #tpu.memory_space<vmem>>) dst(%dma_wait3A_55 : memref<128x128xf32, #tpu.memory_space<hbm>>)
        tpu.yield
      }) : () -> ()
      %add3A_46 = arith.constant 384 : i32
      %add3A_47 = arith.addi %mul3A_0, %add3A_46 : i32
      "tpu.region"() ({
        %run_scoped3A = tpu.sem_alloc : memref<!tpu.dma_semaphore, #tpu.memory_space<semaphore_mem>>
        %dma_start3A = arith.constant 0 : i32
        %dma_start3A_50 = tpu.memref_slice %arg8[%add3A_47, %dma_start3A] : memref<10240x128xf32, #tpu.memory_space<vmem_shared>> -> memref<128x128xf32, #tpu.memory_space<vmem_shared>>
        %dma_start3A_51 = arith.constant 0 : i32
        %dma_start3A_52 = tpu.memref_slice %arg8[%add3A_47, %dma_start3A_51] : memref<10240x128xf32, #tpu.memory_space<vmem_shared>> -> memref<128x128xf32, #tpu.memory_space<vmem_shared>>
        tpu.enqueue_dma source(%dma_start3A_52 : memref<128x128xf32, #tpu.memory_space<vmem_shared>>) target(%arg7 : memref<128x128xf32, #tpu.memory_space<vmem>>) target_semaphore(%run_scoped3A : memref<!tpu.dma_semaphore, #tpu.memory_space<semaphore_mem>>)
        %dma_wait3A = arith.constant 0 : i32
        %dma_wait3A_53 = tpu.memref_slice %arg8[%add3A_47, %dma_wait3A] : memref<10240x128xf32, #tpu.memory_space<vmem_shared>> -> memref<128x128xf32, #tpu.memory_space<vmem_shared>>
        %dma_wait3A_54 = arith.constant 0 : i32
        %dma_wait3A_55 = tpu.memref_slice %arg8[%add3A_47, %dma_wait3A_54] : memref<10240x128xf32, #tpu.memory_space<vmem_shared>> -> memref<128x128xf32, #tpu.memory_space<vmem_shared>>
        tpu.wait_dma2 semaphore(%run_scoped3A : memref<!tpu.dma_semaphore, #tpu.memory_space<semaphore_mem>>) src(%dma_wait3A_55 : memref<128x128xf32, #tpu.memory_space<vmem_shared>>) dst(%arg7 : memref<128x128xf32, #tpu.memory_space<vmem>>)
        tpu.yield
      }) : () -> ()
      "tpu.region"() ({
        %run_scoped3A = tpu.sem_alloc : memref<!tpu.dma_semaphore, #tpu.memory_space<semaphore_mem>>
        %dma_start3A = arith.constant 0 : i32
        %dma_start3A_50 = tpu.memref_slice %arg5[%add3A_47, %dma_start3A] : memref<10240x128xf32, #tpu.memory_space<hbm>> -> memref<128x128xf32, #tpu.memory_space<hbm>>
        %dma_start3A_51 = arith.constant 0 : i32
        %dma_start3A_52 = tpu.memref_slice %arg5[%add3A_47, %dma_start3A_51] : memref<10240x128xf32, #tpu.memory_space<hbm>> -> memref<128x128xf32, #tpu.memory_space<hbm>>
        tpu.enqueue_dma source(%arg7 : memref<128x128xf32, #tpu.memory_space<vmem>>) target(%dma_start3A_52 : memref<128x128xf32, #tpu.memory_space<hbm>>) target_semaphore(%run_scoped3A : memref<!tpu.dma_semaphore, #tpu.memory_space<semaphore_mem>>)
        %dma_wait3A = arith.constant 0 : i32
        %dma_wait3A_53 = tpu.memref_slice %arg5[%add3A_47, %dma_wait3A] : memref<10240x128xf32, #tpu.memory_space<hbm>> -> memref<128x128xf32, #tpu.memory_space<hbm>>
        %dma_wait3A_54 = arith.constant 0 : i32
        %dma_wait3A_55 = tpu.memref_slice %arg5[%add3A_47, %dma_wait3A_54] : memref<10240x128xf32, #tpu.memory_space<hbm>> -> memref<128x128xf32, #tpu.memory_space<hbm>>
        tpu.wait_dma2 semaphore(%run_scoped3A : memref<!tpu.dma_semaphore, #tpu.memory_space<semaphore_mem>>) src(%arg7 : memref<128x128xf32, #tpu.memory_space<vmem>>) dst(%dma_wait3A_55 : memref<128x128xf32, #tpu.memory_space<hbm>>)
        tpu.yield
      }) : () -> ()
      %add3A_48 = arith.constant 512 : i32
      %add3A_49 = arith.addi %mul3A_0, %add3A_48 : i32
      "tpu.region"() ({
        %run_scoped3A = tpu.sem_alloc : memref<!tpu.dma_semaphore, #tpu.memory_space<semaphore_mem>>
        %dma_start3A = arith.constant 0 : i32
        %dma_start3A_50 = tpu.memref_slice %arg8[%add3A_49, %dma_start3A] : memref<10240x128xf32, #tpu.memory_space<vmem_shared>> -> memref<128x128xf32, #tpu.memory_space<vmem_shared>>
        %dma_start3A_51 = arith.constant 0 : i32
        %dma_start3A_52 = tpu.memref_slice %arg8[%add3A_49, %dma_start3A_51] : memref<10240x128xf32, #tpu.memory_space<vmem_shared>> -> memref<128x128xf32, #tpu.memory_space<vmem_shared>>
        tpu.enqueue_dma source(%dma_start3A_52 : memref<128x128xf32, #tpu.memory_space<vmem_shared>>) target(%arg7 : memref<128x128xf32, #tpu.memory_space<vmem>>) target_semaphore(%run_scoped3A : memref<!tpu.dma_semaphore, #tpu.memory_space<semaphore_mem>>)
        %dma_wait3A = arith.constant 0 : i32
        %dma_wait3A_53 = tpu.memref_slice %arg8[%add3A_49, %dma_wait3A] : memref<10240x128xf32, #tpu.memory_space<vmem_shared>> -> memref<128x128xf32, #tpu.memory_space<vmem_shared>>
        %dma_wait3A_54 = arith.constant 0 : i32
        %dma_wait3A_55 = tpu.memref_slice %arg8[%add3A_49, %dma_wait3A_54] : memref<10240x128xf32, #tpu.memory_space<vmem_shared>> -> memref<128x128xf32, #tpu.memory_space<vmem_shared>>
        tpu.wait_dma2 semaphore(%run_scoped3A : memref<!tpu.dma_semaphore, #tpu.memory_space<semaphore_mem>>) src(%dma_wait3A_55 : memref<128x128xf32, #tpu.memory_space<vmem_shared>>) dst(%arg7 : memref<128x128xf32, #tpu.memory_space<vmem>>)
        tpu.yield
      }) : () -> ()
      "tpu.region"() ({
        %run_scoped3A = tpu.sem_alloc : memref<!tpu.dma_semaphore, #tpu.memory_space<semaphore_mem>>
        %dma_start3A = arith.constant 0 : i32
        %dma_start3A_50 = tpu.memref_slice %arg5[%add3A_49, %dma_start3A] : memref<10240x128xf32, #tpu.memory_space<hbm>> -> memref<128x128xf32, #tpu.memory_space<hbm>>
        %dma_start3A_51 = arith.constant 0 : i32
        %dma_start3A_52 = tpu.memref_slice %arg5[%add3A_49, %dma_start3A_51] : memref<10240x128xf32, #tpu.memory_space<hbm>> -> memref<128x128xf32, #tpu.memory_space<hbm>>
        tpu.enqueue_dma source(%arg7 : memref<128x128xf32, #tpu.memory_space<vmem>>) target(%dma_start3A_52 : memref<128x128xf32, #tpu.memory_space<hbm>>) target_semaphore(%run_scoped3A : memref<!tpu.dma_semaphore, #tpu.memory_space<semaphore_mem>>)
        %dma_wait3A = arith.constant 0 : i32
        %dma_wait3A_53 = tpu.memref_slice %arg5[%add3A_49, %dma_wait3A] : memref<10240x128xf32, #tpu.memory_space<hbm>> -> memref<128x128xf32, #tpu.memory_space<hbm>>
        %dma_wait3A_54 = arith.constant 0 : i32
        %dma_wait3A_55 = tpu.memref_slice %arg5[%add3A_49, %dma_wait3A_54] : memref<10240x128xf32, #tpu.memory_space<hbm>> -> memref<128x128xf32, #tpu.memory_space<hbm>>
        tpu.wait_dma2 semaphore(%run_scoped3A : memref<!tpu.dma_semaphore, #tpu.memory_space<semaphore_mem>>) src(%arg7 : memref<128x128xf32, #tpu.memory_space<vmem>>) dst(%dma_wait3A_55 : memref<128x128xf32, #tpu.memory_space<hbm>>)
        tpu.yield
      }) : () -> ()
    } else {
    }
    return
  }
}

module attributes {stable_mosaic.version = 14 : i64} {
  func.func @body(%arg0: i32, %arg1: memref<512x128xf32, #tpu.memory_space<vmem>>, %arg2: memref<512x128xf32, #tpu.memory_space<vmem>>, %arg3: memref<512x128xf32, #tpu.memory_space<vmem>>, %arg4: memref<128x128xf32, #tpu.memory_space<vmem>>, %arg5: memref<128x128xf32, #tpu.memory_space<vmem>>, %arg6: memref<512x128xf32, #tpu.memory_space<vmem>>) attributes {dimension_semantics = [#tpu.dimension_semantics<arbitrary>], iteration_bounds = array<i64: 20>, scalar_prefetch = 0 : i64, scratch_operands = 0 : i64, tpu.core_type = #tpu.core_type<tc>, window_params = [{transform_indices = @transform_0, window_bounds = array<i64: 512, 128>}, {transform_indices = @transform_1, window_bounds = array<i64: 512, 128>}, {transform_indices = @transform_2, window_bounds = array<i64: 512, 128>}, {pipeline_mode = #tpu.pipeline_mode<synchronous>, transform_indices = @transform_3, window_bounds = array<i64: 128, 128>}, {pipeline_mode = #tpu.pipeline_mode<synchronous>, transform_indices = @transform_4, window_bounds = array<i64: 128, 128>}, {transform_indices = @transform_5, window_bounds = array<i64: 512, 128>}]} {
    %get3A = arith.constant 0 : index
    %get3A_0 = arith.constant 0 : index
    %get3A_1 = vector.load %arg2[%get3A, %get3A_0] : memref<512x128xf32, #tpu.memory_space<vmem>>, vector<512x128xf32>
    %get3A_2 = arith.constant 0 : index
    %get3A_3 = arith.constant 0 : index
    %get3A_4 = vector.load %arg3[%get3A_2, %get3A_3] : memref<512x128xf32, #tpu.memory_space<vmem>>, vector<512x1xf32>
    %max3A = arith.constant 1.000000e+00 : f32
    %max3A_5 = vector.broadcast %max3A : f32 to vector<512x1xf32>
    %max3A_6 = arith.maximumf %get3A_4, %max3A_5 : vector<512x1xf32>
    %div3A = vector.broadcast %max3A_6 : vector<512x1xf32> to vector<512x128xf32>
    %div3A_7 = arith.divf %get3A_1, %div3A : vector<512x128xf32>
    %get3A_8 = arith.constant 0 : index
    %get3A_9 = arith.constant 0 : index
    %get3A_10 = vector.load %arg1[%get3A_8, %get3A_9] : memref<512x128xf32, #tpu.memory_space<vmem>>, vector<512x128xf32>
    %get3A_11 = arith.constant 0 : index
    %get3A_12 = arith.constant 0 : index
    %get3A_13 = vector.load %arg4[%get3A_11, %get3A_12] : memref<128x128xf32, #tpu.memory_space<vmem>>, vector<128x128xf32>
    %dot_general3A = arith.constant dense<0.000000e+00> : vector<512x128xf32>
    %dot_general3A_14 = tpu.matmul %get3A_10, %get3A_13, %dot_general3A {dimension_numbers = #tpu.dot_dimension_numbers<[1], [0], [0], [1], [0, 0, 1, 1], [], []>, precision = #tpu.contract_precision<fp32>, transpose_lhs_hint = false} : vector<512x128xf32>, vector<128x128xf32>, vector<512x128xf32> -> vector<512x128xf32>
    %get3A_15 = arith.constant 0 : index
    %get3A_16 = arith.constant 0 : index
    %get3A_17 = vector.load %arg5[%get3A_15, %get3A_16] : memref<128x128xf32, #tpu.memory_space<vmem>>, vector<128x128xf32>
    %dot_general3A_18 = arith.constant dense<0.000000e+00> : vector<512x128xf32>
    %dot_general3A_19 = tpu.matmul %div3A_7, %get3A_17, %dot_general3A_18 {dimension_numbers = #tpu.dot_dimension_numbers<[1], [0], [0], [1], [0, 0, 1, 1], [], []>, precision = #tpu.contract_precision<fp32>, transpose_lhs_hint = false} : vector<512x128xf32>, vector<128x128xf32>, vector<512x128xf32> -> vector<512x128xf32>
    %add3A = arith.addf %dot_general3A_14, %dot_general3A_19 : vector<512x128xf32>
    %max3A_20 = arith.constant 0.000000e+00 : f32
    %max3A_21 = vector.broadcast %max3A_20 : f32 to vector<512x128xf32>
    %max3A_22 = arith.maximumf %add3A, %max3A_21 : vector<512x128xf32>
    %swap3A = arith.constant 0 : index
    %swap3A_23 = arith.constant 0 : index
    %swap3A_24 = vector.load %arg6[%swap3A, %swap3A_23] : memref<512x128xf32, #tpu.memory_space<vmem>>, vector<512x128xf32>
    tpu.vector_store %arg6[%swap3A, %swap3A_23], %max3A_22 {strides = array<i32>} : memref<512x128xf32, #tpu.memory_space<vmem>>, vector<512x128xf32>,
    return
  }
  func.func @transform_0(%arg0: i32) -> (i32, i32) {
    %c0_i32 = arith.constant 0 : i32
    %c0_i32_0 = arith.constant 0 : i32
    return %arg0, %c0_i32 : i32, i32
  }
  func.func @transform_1(%arg0: i32) -> (i32, i32) {
    %c0_i32 = arith.constant 0 : i32
    %c0_i32_0 = arith.constant 0 : i32
    return %arg0, %c0_i32 : i32, i32
  }
  func.func @transform_2(%arg0: i32) -> (i32, i32) {
    %c0_i32 = arith.constant 0 : i32
    %c0_i32_0 = arith.constant 0 : i32
    return %arg0, %c0_i32 : i32, i32
  }
  func.func @transform_3(%arg0: i32) -> (i32, i32) {
    %c0_i32 = arith.constant 0 : i32
    %c0_i32_0 = arith.constant 0 : i32
    %c0_i32_1 = arith.constant 0 : i32
    return %c0_i32, %c0_i32_0 : i32, i32
  }
  func.func @transform_4(%arg0: i32) -> (i32, i32) {
    %c0_i32 = arith.constant 0 : i32
    %c0_i32_0 = arith.constant 0 : i32
    %c0_i32_1 = arith.constant 0 : i32
    return %c0_i32, %c0_i32_0 : i32, i32
  }
  func.func @transform_5(%arg0: i32) -> (i32, i32) {
    %c0_i32 = arith.constant 0 : i32
    %c0_i32_0 = arith.constant 0 : i32
    return %arg0, %c0_i32 : i32, i32
  }
}

module attributes {stable_mosaic.version = 14 : i64} {
  func.func @body(%arg0: i32, %arg1: memref<512x128xf32, #tpu.memory_space<vmem>>, %arg2: memref<512x128xf32, #tpu.memory_space<vmem>>, %arg3: memref<512x128xf32, #tpu.memory_space<vmem>>, %arg4: memref<128x128xf32, #tpu.memory_space<vmem>>, %arg5: memref<128x128xf32, #tpu.memory_space<vmem>>, %arg6: memref<128x128xf32, #tpu.memory_space<vmem>>, %arg7: memref<512x128xf32, #tpu.memory_space<vmem>>, %arg8: memref<512x128xf32, #tpu.memory_space<vmem>>) attributes {dimension_semantics = [#tpu.dimension_semantics<arbitrary>], iteration_bounds = array<i64: 20>, scalar_prefetch = 0 : i64, scratch_operands = 0 : i64, tpu.core_type = #tpu.core_type<tc>, window_params = [{transform_indices = @transform_0, window_bounds = array<i64: 512, 128>}, {transform_indices = @transform_1, window_bounds = array<i64: 512, 128>}, {transform_indices = @transform_2, window_bounds = array<i64: 512, 128>}, {pipeline_mode = #tpu.pipeline_mode<synchronous>, transform_indices = @transform_3, window_bounds = array<i64: 128, 128>}, {pipeline_mode = #tpu.pipeline_mode<synchronous>, transform_indices = @transform_4, window_bounds = array<i64: 128, 128>}, {pipeline_mode = #tpu.pipeline_mode<synchronous>, transform_indices = @transform_5, window_bounds = array<i64: 128, 128>}, {transform_indices = @transform_6, window_bounds = array<i64: 512, 128>}, {transform_indices = @transform_7, window_bounds = array<i64: 512, 128>}]} {
    %get3A = arith.constant 0 : index
    %get3A_0 = arith.constant 0 : index
    %get3A_1 = vector.load %arg2[%get3A, %get3A_0] : memref<512x128xf32, #tpu.memory_space<vmem>>, vector<512x128xf32>
    %get3A_2 = arith.constant 0 : index
    %get3A_3 = arith.constant 0 : index
    %get3A_4 = vector.load %arg3[%get3A_2, %get3A_3] : memref<512x128xf32, #tpu.memory_space<vmem>>, vector<512x1xf32>
    %max3A = arith.constant 1.000000e+00 : f32
    %max3A_5 = vector.broadcast %max3A : f32 to vector<512x1xf32>
    %max3A_6 = arith.maximumf %get3A_4, %max3A_5 : vector<512x1xf32>
    %div3A = vector.broadcast %max3A_6 : vector<512x1xf32> to vector<512x128xf32>
    %div3A_7 = arith.divf %get3A_1, %div3A : vector<512x128xf32>
    %get3A_8 = arith.constant 0 : index
    %get3A_9 = arith.constant 0 : index
    %get3A_10 = vector.load %arg1[%get3A_8, %get3A_9] : memref<512x128xf32, #tpu.memory_space<vmem>>, vector<512x128xf32>
    %get3A_11 = arith.constant 0 : index
    %get3A_12 = arith.constant 0 : index
    %get3A_13 = vector.load %arg4[%get3A_11, %get3A_12] : memref<128x128xf32, #tpu.memory_space<vmem>>, vector<128x128xf32>
    %dot_general3A = arith.constant dense<0.000000e+00> : vector<512x128xf32>
    %dot_general3A_14 = tpu.matmul %get3A_10, %get3A_13, %dot_general3A {dimension_numbers = #tpu.dot_dimension_numbers<[1], [0], [0], [1], [0, 0, 1, 1], [], []>, precision = #tpu.contract_precision<fp32>, transpose_lhs_hint = false} : vector<512x128xf32>, vector<128x128xf32>, vector<512x128xf32> -> vector<512x128xf32>
    %get3A_15 = arith.constant 0 : index
    %get3A_16 = arith.constant 0 : index
    %get3A_17 = vector.load %arg5[%get3A_15, %get3A_16] : memref<128x128xf32, #tpu.memory_space<vmem>>, vector<128x128xf32>
    %dot_general3A_18 = arith.constant dense<0.000000e+00> : vector<512x128xf32>
    %dot_general3A_19 = tpu.matmul %div3A_7, %get3A_17, %dot_general3A_18 {dimension_numbers = #tpu.dot_dimension_numbers<[1], [0], [0], [1], [0, 0, 1, 1], [], []>, precision = #tpu.contract_precision<fp32>, transpose_lhs_hint = false} : vector<512x128xf32>, vector<128x128xf32>, vector<512x128xf32> -> vector<512x128xf32>
    %add3A = arith.addf %dot_general3A_14, %dot_general3A_19 : vector<512x128xf32>
    %max3A_20 = arith.constant 0.000000e+00 : f32
    %max3A_21 = vector.broadcast %max3A_20 : f32 to vector<512x128xf32>
    %max3A_22 = arith.maximumf %add3A, %max3A_21 : vector<512x128xf32>
    %swap3A = arith.constant 0 : index
    %swap3A_23 = arith.constant 0 : index
    %swap3A_24 = vector.load %arg7[%swap3A, %swap3A_23] : memref<512x128xf32, #tpu.memory_space<vmem>>, vector<512x128xf32>
    tpu.vector_store %arg7[%swap3A, %swap3A_23], %max3A_22 {strides = array<i32>} : memref<512x128xf32, #tpu.memory_space<vmem>>, vector<512x128xf32>,
    %get3A_25 = arith.constant 0 : index
    %get3A_26 = arith.constant 0 : index
    %get3A_27 = vector.load %arg6[%get3A_25, %get3A_26] : memref<128x128xf32, #tpu.memory_space<vmem>>, vector<128x128xf32>
    %dot_general3A_28 = arith.constant dense<0.000000e+00> : vector<512x128xf32>
    %dot_general3A_29 = tpu.matmul %max3A_22, %get3A_27, %dot_general3A_28 {dimension_numbers = #tpu.dot_dimension_numbers<[1], [0], [0], [1], [0, 0, 1, 1], [], []>, precision = #tpu.contract_precision<fp32>, transpose_lhs_hint = false} : vector<512x128xf32>, vector<128x128xf32>, vector<512x128xf32> -> vector<512x128xf32>
    %swap3A_30 = arith.constant 0 : index
    %swap3A_31 = arith.constant 0 : index
    %swap3A_32 = vector.load %arg8[%swap3A_30, %swap3A_31] : memref<512x128xf32, #tpu.memory_space<vmem>>, vector<512x128xf32>
    tpu.vector_store %arg8[%swap3A_30, %swap3A_31], %dot_general3A_29 {strides = array<i32>} : memref<512x128xf32, #tpu.memory_space<vmem>>, vector<512x128xf32>,
    return
  }
  func.func @transform_0(%arg0: i32) -> (i32, i32) {
    %c0_i32 = arith.constant 0 : i32
    %c0_i32_0 = arith.constant 0 : i32
    return %arg0, %c0_i32 : i32, i32
  }
  func.func @transform_1(%arg0: i32) -> (i32, i32) {
    %c0_i32 = arith.constant 0 : i32
    %c0_i32_0 = arith.constant 0 : i32
    return %arg0, %c0_i32 : i32, i32
  }
  func.func @transform_2(%arg0: i32) -> (i32, i32) {
    %c0_i32 = arith.constant 0 : i32
    %c0_i32_0 = arith.constant 0 : i32
    return %arg0, %c0_i32 : i32, i32
  }
  func.func @transform_3(%arg0: i32) -> (i32, i32) {
    %c0_i32 = arith.constant 0 : i32
    %c0_i32_0 = arith.constant 0 : i32
    %c0_i32_1 = arith.constant 0 : i32
    return %c0_i32, %c0_i32_0 : i32, i32
  }
  func.func @transform_4(%arg0: i32) -> (i32, i32) {
    %c0_i32 = arith.constant 0 : i32
    %c0_i32_0 = arith.constant 0 : i32
    %c0_i32_1 = arith.constant 0 : i32
    return %c0_i32, %c0_i32_0 : i32, i32
  }
  func.func @transform_5(%arg0: i32) -> (i32, i32) {
    %c0_i32 = arith.constant 0 : i32
    %c0_i32_0 = arith.constant 0 : i32
    %c0_i32_1 = arith.constant 0 : i32
    return %c0_i32, %c0_i32_0 : i32, i32
  }
  func.func @transform_6(%arg0: i32) -> (i32, i32) {
    %c0_i32 = arith.constant 0 : i32
    %c0_i32_0 = arith.constant 0 : i32
    return %arg0, %c0_i32 : i32, i32
  }
  func.func @transform_7(%arg0: i32) -> (i32, i32) {
    %c0_i32 = arith.constant 0 : i32
    %c0_i32_0 = arith.constant 0 : i32
    return %arg0, %c0_i32 : i32, i32
  }
}

</mosaic_0001>

<sc_bundles>
// kernel: kernel.12.cloned.1.call-start
scs
__scs_entry_jumppad:
0x0: {  	(pc) =	sbr.rel $0x88, $3  }
0x1: {  	(tag) =	ssettag $0x0;
	lr =	simm.s32 $0x1  }
0x2: {  	[smem:$0x3F91] =	sst lr;
	_ =	strace $0xD0000000  }
0x3: {  	_ = 	snop  }
0x4: {  	_ = 	snop  }
0x5: {  	_ = 	snop  }
0x6: {  	_ = 	snop  }
0x7: {  	_ = 	snop  }
__scs_overlays_trampoline_lowered:
0x8: {  	[smem:$0x3FA0] =	sst s0  }
0x9: {  	[smem:$0x3FA1] =	sst s1  }
0xa: {  	[smem:$0x3FA2] =	sst s2  }
0xb: {  	[smem:$0x3FA3] =	sst s3  }
0xc: {  	[smem:$0x3FA4] =	sst s4  }
0xd: {  	[smem:$0x3FA5] =	sst s5  }
0xe: {  	[smem:$0x3FA6] =	sst s6  }
0xf: {  	[smem:$0x3FA7] =	sst s7  }
0x10: {  	[smem:$0x3FA8] =	sst s8  }
0x11: {  	[smem:$0x3FA9] =	sst s9;
	s0 =	simm.s32 @!p0 $0x0  }
0x12: {  	s1 =	sld [smem:$0x3F8F];
	s0 =	simm.s32 @p0 $0x1  }
0x13: {  	[smem:$0x3FAA] =	sst s0;
	s0 =	simm.s32 @!p1 $0x0  }
0x14: {  	s2 =	sld [smem:$0x3F8E];
	s0 =	simm.s32 @p1 $0x1  }
0x15: {  	[smem:$0x3FAB] =	sst s0;
	s0 =	simm.s32 @!p2 $0x0  }
0x16: {  	s3 =	sld [smem:$0x3FDB];
	s0 =	simm.s32 @p2 $0x1  }
0x17: {  	s4 =	simm.s32 $0x1BF5;
	[smem:$0x3FAD] =	sst s0  }
0x18: {  	s0 =	sld [smem:$0x3F90];
	_ =	swait.ge [sflag:s4], $0x0  }
0x19: {  	s7 =	sld [smem:$0x3F91]  }
0x1a: {  	s8 =	sadd.s32 $0xFFFFE003, lr  }
0x1b: {  	s9 =	sadd.s32 $0xFFFFFEF7, lr;
	s5 =	simm.s32 $0xFFFFFFFF;
	p2 =	slt.u32 s8, $0xFFFFF086  }
0x1c: {  	p1 =	slt.u32 s9, $0xF7A;
	s5 =	simm.s32 @!p2 $0x0  }
0x1d: {  	s5 =	simm.s32 @p1 $0x1;
	p0 =	seq.s32 s7, s2  }
0x1e: {  	s7 =	smul.u32 @!p0 $0xF7A, s2;
	p2 =	seq.s32 @!p0 s5, $0x0  }
0x1f: {  	s9 =	smul.u32 $0xF7A, s1;
	s8 =	simm.s32 @!p0 $0x1BF5;
	p2 =	por !p2, p0  }
0x20: {  	[sflag:s8] =	ssyncset.s32 @!p0 $0xFFFFF086;
	s6 =	sadd.s32 @!p0 s3, s7;
	s7 =	simm.s32 @!p0 $0x108  }
0x21: {  	s3 =	sadd.s32 s3, s9;
	s6 =	sadd.s32 @!p0 $0x88, s6;
	s7 =	simm.s32 @p2 $0x1082  }
0x22: {  	[simem:s7], [sflag:s8] =	dma.local @!p0 [hbm:s6], $0xF7A  }
0x23: {  	s9 =	sor.u32 $0xD0000000, s2;
	s6 =	simm.s32 $0x108;
	_ =	swait.ge @!p0 [sflag:s8], $0x0  }
0x24: {  	s3 =	sadd.s32 $0x88, s3;
	s6 =	simm.s32 @!p1 $0x1082;
	[sflag:s4] =	ssyncset.s32 $0xFFFFF086  }
0x25: {  	[simem:s6], [sflag:s4] =	dma.local [hbm:s3], $0xF7A  }
0x26: {  	[smem:$0x3F91] =	sst s1;
	(tag) =	ssettag s2;
	_ =	strace s9  }
0x27: {  	s1 =	sld [smem:$0x3FA1]  }
0x28: {  	s2 =	sld [smem:$0x3FA2]  }
0x29: {  	s4 =	sld [smem:$0x3FA4]  }
0x2a: {  	p0 =	seq.s32 s5, $0x0;
	s5 =	sld [smem:$0x3FA5]  }
0x2b: {  	s6 =	sld [smem:$0x3FA6]  }
0x2c: {  	s7 =	sld [smem:$0x3FA7]  }
0x2d: {  	s3 =	simm.s32 $0x108;
	s8 =	sld [smem:$0x3FA8]  }
0x2e: {  	s3 =	simm.s32 @!p0 $0x1082;
	s9 =	sld [smem:$0x3FA9]  }
0x2f: {  	lr =	sadd.s32 s0, s3;
	s0 =	sld [smem:$0x3FA0]  }
0x30: {  	s3 =	sld [smem:$0x3FA3]  }
0x31: {  	[smem:$0x3FAC] =	sst s10  }
0x32: {  	s10 =	sld [smem:$0x3FAA];
	_ =	sdelay $0x3  }
0x33: {  	p0 =	seq.s32 s10, $0x1;
	s10 =	sld [smem:$0x3FAC];
	_ =	sdelay $0x3  }
0x34: {  	[smem:$0x3FAC] =	sst s10  }
0x35: {  	s10 =	sld [smem:$0x3FAB];
	_ =	sdelay $0x3  }
0x36: {  	p1 =	seq.s32 s10, $0x1;
	s10 =	sld [smem:$0x3FAC];
	_ =	sdelay $0x3  }
0x37: {  	[smem:$0x3FAC] =	sst s10  }
0x38: {  	s10 =	sld [smem:$0x3FAD]  }
0x39: {  	_ = 	snop;
	(pc) =	sbr.ind lr, $3  }
0x3a: {  	_ = 	snop  }
0x3b: {  	_ = 	snop  }
0x3c: {  	p2 =	seq.s32 s10, $0x1;
	s10 =	sld [smem:$0x3FAC]  }
0x3d: {  	_ =	shalt  }
0x3e: {  	_ =	shalt  }
0x3f: {  	_ =	shalt  }
0x40: {  	_ =	shalt  }
0x41: {  	_ =	shalt  }
0x42: {  	_ =	shalt  }
0x43: {  	_ =	shalt  }
0x44: {  	_ =	shalt  }
0x45: {  	_ =	shalt  }
0x46: {  	_ =	shalt  }
0x47: {  	_ =	shalt  }
0x48: {  	_ =	shalt  }
0x49: {  	_ =	shalt  }
0x4a: {  	_ =	shalt  }
0x4b: {  	_ =	shalt  }
0x4c: {  	_ =	shalt  }
0x4d: {  	_ =	shalt  }
0x4e: {  	_ =	shalt  }
0x4f: {  	_ =	shalt  }
0x50: {  	_ =	shalt  }
0x51: {  	_ =	shalt  }
0x52: {  	_ =	shalt  }
0x53: {  	_ =	shalt  }
0x54: {  	_ =	shalt  }
0x55: {  	_ =	shalt  }
0x56: {  	_ =	shalt  }
0x57: {  	_ =	shalt  }
0x58: {  	_ =	shalt  }
0x59: {  	_ =	shalt  }
0x5a: {  	_ =	shalt  }
0x5b: {  	_ =	shalt  }
0x5c: {  	_ =	shalt  }
0x5d: {  	_ =	shalt  }
0x5e: {  	_ =	shalt  }
0x5f: {  	_ =	shalt  }
0x60: {  	_ =	shalt  }
0x61: {  	_ =	shalt  }
0x62: {  	_ =	shalt  }
0x63: {  	_ =	shalt  }
0x64: {  	_ =	shalt  }
0x65: {  	_ =	shalt  }
0x66: {  	_ =	shalt  }
0x67: {  	_ =	shalt  }
0x68: {  	_ =	shalt  }
0x69: {  	_ =	shalt  }
0x6a: {  	_ =	shalt  }
0x6b: {  	_ =	shalt  }
0x6c: {  	_ =	shalt  }
0x6d: {  	_ =	shalt  }
0x6e: {  	_ =	shalt  }
0x6f: {  	_ =	shalt  }
0x70: {  	_ =	shalt  }
0x71: {  	_ =	shalt  }
0x72: {  	_ =	shalt  }
0x73: {  	_ =	shalt  }
0x74: {  	_ =	shalt  }
0x75: {  	_ =	shalt  }
0x76: {  	_ =	shalt  }
0x77: {  	_ =	shalt  }
0x78: {  	_ =	shalt  }
0x79: {  	_ =	shalt  }
0x7a: {  	_ =	shalt  }
0x7b: {  	_ =	shalt  }
0x7c: {  	_ =	shalt  }
0x7d: {  	_ =	shalt  }
0x7e: {  	_ =	shalt  }
0x7f: {  	_ =	shalt  }
0x80: {  	_ =	shalt  }
0x81: {  	_ =	shalt  }
0x82: {  	_ =	shalt  }
0x83: {  	_ =	shalt  }
0x84: {  	_ =	shalt  }
0x85: {  	_ =	shalt  }
0x86: {  	_ =	shalt  }
0x87: {  	_ =	shalt  }
.Lfunc_end0:
.L_simem_size_0:
called_computation.1_lowered:
.L_overlay_start_0:
0x88: {  	s2 =	sld [smem:$0x3FD9]  }
0x89: {  	s3 =	sld [smem:$0x3FFE];
	_ =	sdelay $0x1  }
0x8a: {  	s1 =	srdreg.scid  }
0x8b: {  	s0 =	sand.u32 $0x1, s1  }
0x8c: {  	s14 =	sshll.u32 s0, $0xA;
	s2 =	sadd.s32 s3, s2  }
0x8d: {  	s2 =	sadd.s32 s2, s14  }
0x8e: {  	[smem:$0x3FB8] =	sst s2  }
0x8f: {  	_ = 	snop  }
0x90: {  	s2 =	sld [smem:$0x3FD0];
	_ =	sdelay $0x1  }
0x91: {  	s15 =	sld [smem:$0x3FC9]  }
0x92: {  	s5 =	simm.s32 $0xB;
	s6 =	simm.s32 $0x10;
	s4 =	sld [smem:$0x3FC8]  }
0x93: {  	[smem:s6], [sflag:s5] =	dma.local [hbm:s2], $0x1  }
0x94: {  	_ =	swait.eq [sflag:s5], $0x1  }
0x95: {  	[sflag:s5] =	ssyncset.done $0x0  }
0x96: {  	s16 =	sld [smem:$0x10];
	[sflag:s5] =	ssyncadd.s32 $0xFFFFFFFF  }
0x97: {  	s17 =	sld [smem:$0x11];
	(tm) =	ssettm $0x1  }
0x98: {  	s18 =	sld [smem:$0x3FFB];
	_ =	sdelay $0x3  }
0x99: {  	_ =	strace s18  }
0x9a: {  	s6 =	sld [smem:$0x3FFC];
	_ =	sdelay $0x3  }
0x9b: {  	_ =	strace s6  }
0x9c: {  	s6 =	sld [smem:$0x3FFD];
	_ =	sdelay $0x3  }
0x9d: {  	_ =	strace s6  }
0x9e: {  	_ =	strace $0x8FFFFFFF  }
0x9f: {  	s19 =	sld [smem:$0x3FDB];
	_ =	sdelay $0x1  }
0xa0: {  	s7 =	simm.s32 $_scs_section_size  }
0xa1: {  	s8 =	simm.s32 $_size__tile_overlayer_lowered;
	s9 =	simm.s32 $_tile_overlayer_lowered  }
0xa2: {  	s22 =	simm.s32 $0x1BFF;
	s21 =	sshll.u32 s9, $0x1;
	s6 =	sadd.s32 s7, s19  }
0xa3: {  	s10 =	simm.s32 $0x0;
	s20 =	sshll.u32 s8, $0x1;
	s8 =	sadd.s32 s21, s6  }
0xa4: {  	[timem:s10], [sflag:s22] =	dma.local [hbm:s8], s20  }
0xa5: {  	_ =	swait.ge [sflag:s22], s20  }
0xa6: {  	s7 =	ssub.s32 $0x0, s20;
	[sflag:s22] =	ssyncset.done $0x0  }
0xa7: {  	[sflag:s22] =	ssyncadd.s32 s7;
	_ =	sdelay $0x1  }
0xa8: {  	s23 =	simm.s32 $0x1B8B  }
0xa9: {  	_ =	swait.ge [sflag:s23], $0x1  }
0xaa: {  	[sflag:s23] =	ssyncset.done $0x0  }
0xab: {  	s25 =	simm.s32 $0x1B8E;
	s24 =	sld [smem:$0x3FFE];
	[sflag:s23] =	ssyncadd.s32 $0xFFFFFFFF  }
0xac: {  	s26 =	simm.s32 $execute0_lowered;
	[smem:$0x3FD2] =	sst s25  }
0xad: {  	s8 =	sshll.u32 s26, $0x1;
	_ =	strace $0x80000046;
	[dreg:$0x1] =	wrdreg $0xFFFFFFFF  }
0xae: {  	s28 =	simm.s32 $_size_execute0_lowered;
	s6 =	sadd.s32 s6, s8;
	[dreg:$0x0] =	wrdreg $0x0  }
0xaf: {  	s8 =	sshll.u32 s28, $0x1;
	[dreg:$0x2] =	wrdreg s6  }
0xb0: {  	[dreg:$0x3] =	wrdreg s8  }
0xb1: {  	[dreg:$0x4] =	wrdreg $0xC0  }
0xb2: {  	_ =	task [dreg:s10], $0x5FFFF  }
0xb3: {  	[dreg:$0x1] =	wrdreg $0xFFFFFFFF  }
0xb4: {  	[dreg:$0x0] =	wrdreg $0x60  }
0xb5: {  	[dreg:$0x2] =	wrdreg s15  }
0xb6: {  	[dreg:$0x3] =	wrdreg s4  }
0xb7: {  	[dreg:$0x4] =	wrdreg s16  }
0xb8: {  	[dreg:$0x5] =	wrdreg s17  }
0xb9: {  	[dreg:$0x6] =	wrdreg s24  }
0xba: {  	[dreg:$0x7] =	wrdreg $0x60000  }
0xbb: {  	[dreg:$0x8] =	wrdreg $0xA  }
0xbc: {  	_ =	task.clear_ibuf [dreg:s10], $0x9FFFF;
	_ =	strace $0x90000046  }
0xbd: {  	s29 =	simm.s32 $0xA;
	_ =	strace $0x80000048  }
0xbe: {  	_ =	swait.ge [sflag:s29], $0x1  }
0xbf: {  	[sflag:s29] =	ssyncadd.s32 $0xFFFFFFFF  }
0xc0: {  	_ =	strace $0x90000048  }
0xc1: {  	_ =	sfence  }
0xc2: {  	s30 =	sld [smem:$0x0];
	_ =	sdelay $0x2  }
0xc3: {  	s31 =	sshll.u32 s1, $0xD;
	s1 =	sshrl.u32 s1, $0x2  }
0xc4: {  	s3 =	sand.u32 $0x4000, s31;
	s1 =	sadd.s32 s1, s30  }
0xc5: {  	s0 =	sor.u32 s3, s0;
	s1 =	sshll.u32 s1, $0x11  }
0xc6: {  	s0 =	sor.u32 s1, s0  }
0xc7: {  	s0 =	sadd.s32 $0x8F2B, s0  }
0xc8: {  	[sflag:s0] =	ssyncadd.remote.s32 $0x1  }
0xc9: {  	_ =	sfence.sel $0xFFFF  }
0xca: {  	[dreg:$0x0] =	wrdreg $0xFFFFFFFF;
	(pc) =	sbr.abs _section_cstart, $3  }
0xcb: {  	[dreg:$0x1] =	wrdreg $0xFFFFFFFF  }
0xcc: {  	_ =	task.clear_ibuf [dreg:s10], $0x2FFFF;
	_ =	strace $0x9FFFFFFF  }
0xcd: {  	(tm) =	ssettm $0x7FFFFFFF  }
tec
execute0_lowered:
.L_overlay_start_1:
0x0: {  	(tag) =	ssettag $0x1  }
0x1: {  	s0 =	rddreg [dreg:$0x0]  }
0x2: {  	s1 =	rddreg [dreg:$0x2]  }
0x3: {  	s3 =	rddreg [dreg:$0x3];
	s15 =	stileid.u32  }
0x4: {  	s4 =	rddreg [dreg:$0x4];
	s6 =	smul.u32 $0xA00, s15  }
0x5: {  	s2 =	simm.s32 $0x0;
	s20 =	rddreg [dreg:$0x1];
	s9 =	sadd.s32 $0xF800, s4  }
0x6: {  	[smem:$0x7FF] =	sst s2;
	s10 =	sadd.s32 $0x5800, s4;
	s24 =	sadd.s32 s9, s6  }
0x7: {  	s8 =	smul.u32 $0x5000, s15;
	s25 =	sadd.s32 s10, s6;
	[dreg:$0x7] =	wrdreg s24  }
0x8: {  	s23 =	sadd.s32 s1, s6;
	[dreg:$0x8] =	wrdreg s25  }
0x9: {  	s8 =	sshrl.u32 s8, $0x3;
	s6 =	sadd.s32 s3, s6;
	[dreg:$0x11] =	wrdreg s23  }
0xa: {  	s26 =	sadd.s32 $0x200, s8;
	[dreg:$0x12] =	wrdreg s6  }
0xb: {  	s23 =	rddreg [dreg:$0x5];
	s13 =	sadd.s32 s9, s26  }
0xc: {  	s12 =	sadd.s32 $0x400, s8;
	s16 =	sadd.s32 s10, s26;
	[dreg:$0x9] =	wrdreg s13  }
0xd: {  	s5 =	srdreg.scid;
	s17 =	sadd.s32 s9, s12;
	[dreg:$0xa] =	wrdreg s16  }
0xe: {  	s19 =	sadd.s32 $0x600, s8;
	s18 =	sadd.s32 s10, s12;
	[dreg:$0xb] =	wrdreg s17  }
0xf: {  	s5 =	sand.u32 $0x1, s5;
	s14 =	sadd.s32 s9, s19;
	[dreg:$0xc] =	wrdreg s18  }
0x10: {  	s8 =	sadd.s32 $0x800, s8;
	s21 =	sadd.s32 s10, s19;
	[dreg:$0xd] =	wrdreg s14  }
0x11: {  	s28 =	sadd.s32 $0x41800, s4;
	s9 =	sadd.s32 s9, s8;
	[dreg:$0xe] =	wrdreg s21  }
0x12: {  	s7 =	ssub.s32 $0x2, s5;
	s22 =	sadd.s32 s10, s8;
	[dreg:$0xf] =	wrdreg s9  }
0x13: {  	p0 =	sne.s32 s5, $0x0;
	s24 =	sadd.s32 s1, s26;
	[dreg:$0x10] =	wrdreg s22  }
0x14: {  	s11 =	sshrl.u32 s7, $0x1;
	s25 =	sadd.s32 s3, s26;
	[dreg:$0x13] =	wrdreg s24  }
0x15: {  	s7 =	ssub.s32 s7, s11;
	s26 =	sadd.s32 s1, s12;
	[dreg:$0x14] =	wrdreg s25  }
0x16: {  	s10 =	smul.u32 $0x50000, s15;
	s7 =	smax.u32 s7, $0x1;
	[dreg:$0x15] =	wrdreg s26  }
0x17: {  	s18 =	sadd.s32 s3, s12;
	s21 =	sadd.s32 s1, s19;
	s22 =	sadd.s32 s3, s19  }
0x18: {  	s9 =	smul.u32 $0x280, s15;
	s24 =	sadd.s32 s1, s8;
	s25 =	sadd.s32 s3, s8  }
0x19: {  	s14 =	sadd.s32 $0x19800, s4;
	s8 =	smul.u32 $0x2800, s15;
	_ =	strace $0x80000047  }
0x1a: {  	s1 =	sshrl.u32 s10, $0x2;
	s10 =	simm.s32 $0x1;
	s11 =	sadd.s32 $0x80, s9  }
0x1b: {  	s29 =	sadd.s32 s1, s23;
	s13 =	sadd.s32 $0x100, s9;
	s16 =	sadd.s32 $0x180, s9  }
0x1c: {  	s6 =	sadd.s32 $0x200, s9;
	s9 =	simm.s32 $0x2000;
	s12 =	sshll.u32 s11, $0x7  }
.Ltmp0:
0x1d: {  	s17 =	sshll.u32 s13, $0x7;
	s19 =	sshll.u32 s16, $0x7;
	(pc) =	sbr.rel .LBB2_1-.Ltmp0, $4  }
0x1e: {  	s26 =	sshll.u32 s6, $0x7;
	s3 =	sshll.u32 s11, $0x4;
	s4 =	sshll.u32 s13, $0x4  }
0x1f: {  	s5 =	sshll.u32 s16, $0x4;
	s6 =	sshll.u32 s6, $0x4;
	s11 =	simm.s32 $0x1000  }
0x20: {  	s13 =	simm.s32 $0x0;
	s30 =	sadd.s32 s12, s23;
	s31 =	sadd.s32 s17, s23  }
0x21: {  	v0 =	vimm.f32 $0.0e+00;
	s19 =	sadd.s32 s19, s23;
	s1 =	sadd.s32 s26, s23;
	s12 =	simm.s32 $0x80  }
.LBB2_25:
0x22: {  	s15 =	sshra.s32 s26, $0x2;
	[sflag:s10] =	ssyncadd.s32 $0xFFFFC000  }
0x23: {  	[tilespmem:s9], [sflag:$0x1] =	stream.indirect.gather [hbm4b:s20+s12], $0x80, s15, s12, $0xb8;
	[tilespmem:$0x1A000] =	vst v63  }
0x24: {  	_ =	swait.ge [sflag:s10], $0x4000  }
0x25: {  	[sflag:s10] =	ssyncset.done $0x0  }
0x26: {  	s15 =	sadd.s32 $0x1000, s15;
	[sflag:s10] =	ssyncadd.s32 $0xFFFFC000  }
0x27: {  	[spmem:s23] =	stream.indirect.scatter.add.f32 [tilespmem:s9], [sflag:$0x1], $0x80, s15, s12, $0xb8;
	[tilespmem:$0x1A000] =	vst v63  }
0x28: {  	_ =	swait.ge [sflag:s10], $0x4000  }
0x29: {  	[sflag:s10] =	ssyncset.done $0x0  }
0x2a: {  	s26 =	smov.u32 s28;
	[sflag:s10] =	ssyncadd.s32 $0xFFFFC000  }
.LBB2_26:
0x2b: {  	[bflag:$0x0] =	sbarrier.arrive $0xFFFF  }
0x2c: {  	[tilespmem:s9], [sflag:$0x1] =	stream.linear.gather [spmem:s29], $0x4000, $0x38;
	[tilespmem:$0x1A000] =	vst v63  }
0x2d: {  	_ =	swait.ge [sflag:s10], $0x4000  }
0x2e: {  	[sflag:s10] =	ssyncset.done $0x0  }
0x2f: {  	s15 =	sadd.s32 s26, s8;
	[sflag:s10] =	ssyncadd.s32 $0xFFFFC000  }
0x30: {  	[hbm4b:s15+s2] =	stream.linear.scatter [tilespmem:s9], [sflag:$0x1], $0x4000, $0x38;
	[tilespmem:$0x1A000] =	vst v63  }
0x31: {  	_ =	swait.ge [sflag:s10], $0x4000  }
0x32: {  	[sflag:s10] =	ssyncset.done $0x0  }
0x33: {  	[sflag:s10] =	ssyncadd.s32 $0xFFFFC000  }
0x34: {  	[tilespmem:s9], [sflag:$0x1] =	stream.linear.gather [spmem:s30], $0x4000, $0x38;
	[tilespmem:$0x1A000] =	vst v63  }
0x35: {  	_ =	swait.ge [sflag:s10], $0x4000  }
0x36: {  	[sflag:s10] =	ssyncset.done $0x0  }
0x37: {  	s17 =	sadd.s32 s26, s3;
	[sflag:s10] =	ssyncadd.s32 $0xFFFFC000  }
0x38: {  	[hbm4b:s17+s2] =	stream.linear.scatter [tilespmem:s9], [sflag:$0x1], $0x4000, $0x38;
	[tilespmem:$0x1A000] =	vst v63  }
0x39: {  	_ =	swait.ge [sflag:s10], $0x4000  }
0x3a: {  	[sflag:s10] =	ssyncset.done $0x0  }
0x3b: {  	[sflag:s10] =	ssyncadd.s32 $0xFFFFC000  }
0x3c: {  	[tilespmem:s9], [sflag:$0x1] =	stream.linear.gather [spmem:s31], $0x4000, $0x38;
	[tilespmem:$0x1A000] =	vst v63  }
0x3d: {  	_ =	swait.ge [sflag:s10], $0x4000  }
0x3e: {  	[sflag:s10] =	ssyncset.done $0x0  }
0x3f: {  	s16 =	sadd.s32 s26, s4;
	[sflag:s10] =	ssyncadd.s32 $0xFFFFC000  }
0x40: {  	[hbm4b:s16+s2] =	stream.linear.scatter [tilespmem:s9], [sflag:$0x1], $0x4000, $0x38;
	[tilespmem:$0x1A000] =	vst v63  }
0x41: {  	_ =	swait.ge [sflag:s10], $0x4000  }
0x42: {  	[sflag:s10] =	ssyncset.done $0x0  }
0x43: {  	[sflag:s10] =	ssyncadd.s32 $0xFFFFC000  }
0x44: {  	[tilespmem:s9], [sflag:$0x1] =	stream.linear.gather [spmem:s19], $0x4000, $0x38;
	[tilespmem:$0x1A000] =	vst v63  }
0x45: {  	_ =	swait.ge [sflag:s10], $0x4000  }
0x46: {  	[sflag:s10] =	ssyncset.done $0x0  }
0x47: {  	s17 =	sadd.s32 s26, s5;
	[sflag:s10] =	ssyncadd.s32 $0xFFFFC000  }
0x48: {  	[hbm4b:s17+s2] =	stream.linear.scatter [tilespmem:s9], [sflag:$0x1], $0x4000, $0x38;
	[tilespmem:$0x1A000] =	vst v63  }
0x49: {  	_ =	swait.ge [sflag:s10], $0x4000  }
0x4a: {  	[sflag:s10] =	ssyncset.done $0x0  }
0x4b: {  	[sflag:s10] =	ssyncadd.s32 $0xFFFFC000  }
0x4c: {  	[tilespmem:s9], [sflag:$0x1] =	stream.linear.gather [spmem:s1], $0x4000, $0x38;
	[tilespmem:$0x1A000] =	vst v63  }
0x4d: {  	s13 =	sadd.s32 $0x1, s13;
	_ =	swait.ge [sflag:s10], $0x4000  }
0x4e: {  	p1 =	sne.s32 s13, s7;
	[sflag:s10] =	ssyncset.done $0x0  }
.Ltmp1:
0x4f: {  	s26 =	sadd.s32 s26, s6;
	[sflag:s10] =	ssyncadd.s32 $0xFFFFC000;
	(pc) =	sbr.rel @!p1 .LBB2_27-.Ltmp1, $4  }
0x50: {  	[hbm4b:s26+s2] =	stream.linear.scatter [tilespmem:s9], [sflag:$0x1], $0x4000, $0x38;
	[tilespmem:$0x1A000] =	vst v63  }
0x51: {  	_ =	swait.ge [sflag:s10], $0x4000  }
0x52: {  	[sflag:s10] =	ssyncset.done $0x0  }
0x53: {  	[sflag:s10] =	ssyncadd.s32 $0xFFFFC000  }
.LBB2_1:
0x54: {  	s26 =	simm.s32 $0x0;
	s15 =	simm.s32 $0x200  }
.LBB2_2:
0x55: {  	p1 =	sne.s32 s15, $0xFE00;
	[tilespmem:s26+$0x2070] =	vst v0  }
0x56: {  	[tilespmem:s26+$0x2000] =	vst v0  }
0x57: {  	[tilespmem:s26+$0x2010] =	vst v0  }
.Ltmp2:
0x58: {  	[tilespmem:s26+$0x2020] =	vst v0;
	(pc) =	sbr.rel @p1 .LBB2_2-.Ltmp2, $4  }
0x59: {  	[tilespmem:s26+$0x2030] =	vst v0  }
0x5a: {  	[tilespmem:s26+$0x2040] =	vst v0  }
0x5b: {  	[tilespmem:s26+$0x2050] =	vst v0  }
0x5c: {  	[tilespmem:s26+$0x2060] =	vst v0;
	s26 =	sshra.s32 s15, $0x2;
	s15 =	sadd.s32 $0x200, s15  }
0x5d: {  	[tilespmem:s26+$0x2070] =	vst v0  }
0x5e: {  	[tilespmem:s26+$0x2000] =	vst v0  }
0x5f: {  	[tilespmem:s26+$0x2010] =	vst v0  }
0x60: {  	[tilespmem:s26+$0x2020] =	vst v0  }
0x61: {  	[tilespmem:s26+$0x2030] =	vst v0  }
0x62: {  	[tilespmem:s26+$0x2040] =	vst v0  }
0x63: {  	[tilespmem:s26+$0x2050] =	vst v0  }
0x64: {  	[tilespmem:s26+$0x2060] =	vst v0  }
0x65: {  	[spmem:s29] =	stream.linear.scatter [tilespmem:s9], [sflag:$0x1], $0x4000, $0x38;
	[tilespmem:$0x1A000] =	vst v63  }
0x66: {  	_ =	swait.ge [sflag:s10], $0x4000  }
0x67: {  	[sflag:s10] =	ssyncset.done $0x0  }
0x68: {  	[sflag:s10] =	ssyncadd.s32 $0xFFFFC000  }
0x69: {  	[spmem:s30] =	stream.linear.scatter [tilespmem:s9], [sflag:$0x1], $0x4000, $0x38;
	[tilespmem:$0x1A000] =	vst v63  }
0x6a: {  	_ =	swait.ge [sflag:s10], $0x4000  }
0x6b: {  	[sflag:s10] =	ssyncset.done $0x0  }
0x6c: {  	[sflag:s10] =	ssyncadd.s32 $0xFFFFC000  }
0x6d: {  	[spmem:s31] =	stream.linear.scatter [tilespmem:s9], [sflag:$0x1], $0x4000, $0x38;
	[tilespmem:$0x1A000] =	vst v63  }
0x6e: {  	_ =	swait.ge [sflag:s10], $0x4000  }
0x6f: {  	[sflag:s10] =	ssyncset.done $0x0  }
0x70: {  	[sflag:s10] =	ssyncadd.s32 $0xFFFFC000  }
0x71: {  	[spmem:s19] =	stream.linear.scatter [tilespmem:s9], [sflag:$0x1], $0x4000, $0x38;
	[tilespmem:$0x1A000] =	vst v63  }
0x72: {  	_ =	swait.ge [sflag:s10], $0x4000  }
0x73: {  	[sflag:s10] =	ssyncset.done $0x0  }
0x74: {  	[sflag:s10] =	ssyncadd.s32 $0xFFFFC000  }
0x75: {  	[spmem:s1] =	stream.linear.scatter [tilespmem:s9], [sflag:$0x1], $0x4000, $0x38;
	[tilespmem:$0x1A000] =	vst v63  }
.Ltmp3:
0x76: {  	_ =	swait.ge [sflag:s10], $0x4000;
	(pc) =	sbr.rel @p0 .LBB2_15-.Ltmp3, $4  }
0x77: {  	[sflag:s10] =	ssyncset.done $0x0  }
0x78: {  	[sflag:s10] =	ssyncadd.s32 $0xFFFFC000  }
0x79: {  	[bflag:$0x0] =	sbarrier.arrive $0xFFFF  }
0x7a: {  	s15 =	simm.s32 $0x0  }
0x7b: {  	s16 =	rddreg [dreg:$0x11]  }
0x7c: {  	[tilespmem:s15], [sflag:$0x1] =	stream.linear.gather [hbm4b:s16+s15], $0x1000, $0x38;
	[tilespmem:$0x1A000] =	vst v63  }
0x7d: {  	_ =	swait.ge [sflag:s10], $0x1000  }
0x7e: {  	[sflag:s10] =	ssyncset.done $0x0  }
0x7f: {  	s26 =	rddreg [dreg:$0x12];
	[sflag:s10] =	ssyncadd.s32 $0xFFFFF000  }
0x80: {  	[tilespmem:s11], [sflag:$0x1] =	stream.linear.gather [hbm4b:s26+s15], $0x1000, $0x38;
	[tilespmem:$0x1A000] =	vst v63  }
0x81: {  	_ =	swait.ge [sflag:s10], $0x1000  }
0x82: {  	[sflag:s10] =	ssyncset.done $0x0  }
0x83: {  	s17 =	simm.s32 $0x0;
	[sflag:s10] =	ssyncadd.s32 $0xFFFFF000  }
0x84: {  	[tilespmem:s9], [sflag:$0x1] =	stream.indirect.gather [hbm4b:s0+s12], $0x80, s17, s12, $0xb8;
	[tilespmem:$0x1A000] =	vst v63  }
0x85: {  	_ =	swait.ge [sflag:s10], $0x4000  }
0x86: {  	[sflag:s10] =	ssyncset.done $0x0  }
0x87: {  	s26 =	simm.s32 $0x1000;
	[sflag:s10] =	ssyncadd.s32 $0xFFFFC000  }
0x88: {  	[spmem:s23] =	stream.indirect.scatter.add.f32 [tilespmem:s9], [sflag:$0x1], $0x80, s26, s12, $0xb8;
	[tilespmem:$0x1A000] =	vst v63  }
0x89: {  	_ =	swait.ge [sflag:s10], $0x4000  }
0x8a: {  	s15 =	simm.s32 $0x400;
	s26 =	simm.s32 $0x200;
	[sflag:s10] =	ssyncset.done $0x0  }
.LBB2_5:
0x8b: {  	s16 =	sshra.s32 s26, $0x2  }
0x8c: {  	[sflag:s10] =	ssyncadd.s32 $0xFFFFC000;
	s26 =	smov.u32 s15;
	s17 =	sadd.s32 $0x200, s15  }
0x8d: {  	[tilespmem:s9], [sflag:$0x1] =	stream.indirect.gather [hbm4b:s0+s12], $0x80, s16, s12, $0xb8;
	[tilespmem:$0x1A000] =	vst v63  }
0x8e: {  	p1 =	sne.s32 s15, $0x3E00;
	_ =	swait.ge [sflag:s10], $0x4000  }
.Ltmp4:
0x8f: {  	[sflag:s10] =	ssyncset.done $0x0;
	(pc) =	sbr.rel @p1 .LBB2_5-.Ltmp4, $4  }
0x90: {  	s15 =	sadd.s32 $0x1000, s16;
	[sflag:s10] =	ssyncadd.s32 $0xFFFFC000  }
0x91: {  	[spmem:s23] =	stream.indirect.scatter.add.f32 [tilespmem:s9], [sflag:$0x1], $0x80, s15, s12, $0xb8;
	[tilespmem:$0x1A000] =	vst v63  }
0x92: {  	_ =	swait.ge [sflag:s10], $0x4000  }
0x93: {  	s15 =	smov.u32 s17;
	[sflag:s10] =	ssyncset.done $0x0  }
0x94: {  	s15 =	sshra.s32 s26, $0x2;
	[sflag:s10] =	ssyncadd.s32 $0xFFFFC000  }
0x95: {  	[tilespmem:s9], [sflag:$0x1] =	stream.indirect.gather [hbm4b:s0+s12], $0x80, s15, s12, $0xb8;
	[tilespmem:$0x1A000] =	vst v63  }
0x96: {  	_ =	swait.ge [sflag:s10], $0x4000  }
0x97: {  	[sflag:s10] =	ssyncset.done $0x0  }
0x98: {  	s15 =	sadd.s32 $0x1000, s15;
	[sflag:s10] =	ssyncadd.s32 $0xFFFFC000  }
0x99: {  	[spmem:s23] =	stream.indirect.scatter.add.f32 [tilespmem:s9], [sflag:$0x1], $0x80, s15, s12, $0xb8;
	[tilespmem:$0x1A000] =	vst v63  }
0x9a: {  	_ =	swait.ge [sflag:s10], $0x4000  }
0x9b: {  	[sflag:s10] =	ssyncset.done $0x0  }
0x9c: {  	s17 =	simm.s32 $0x0;
	s16 =	rddreg [dreg:$0x13];
	[sflag:s10] =	ssyncadd.s32 $0xFFFFC000  }
0x9d: {  	[tilespmem:s17], [sflag:$0x1] =	stream.linear.gather [hbm4b:s16+s17], $0x1000, $0x38;
	[tilespmem:$0x1A000] =	vst v63  }
0x9e: {  	_ =	swait.ge [sflag:s10], $0x1000  }
0x9f: {  	[sflag:s10] =	ssyncset.done $0x0  }
0xa0: {  	s26 =	rddreg [dreg:$0x14];
	[sflag:s10] =	ssyncadd.s32 $0xFFFFF000  }
0xa1: {  	[tilespmem:s11], [sflag:$0x1] =	stream.linear.gather [hbm4b:s26+s17], $0x1000, $0x38;
	[tilespmem:$0x1A000] =	vst v63  }
0xa2: {  	_ =	swait.ge [sflag:s10], $0x1000  }
0xa3: {  	[sflag:s10] =	ssyncset.done $0x0  }
0xa4: {  	s17 =	simm.s32 $0x0;
	[sflag:s10] =	ssyncadd.s32 $0xFFFFF000  }
0xa5: {  	[tilespmem:s9], [sflag:$0x1] =	stream.indirect.gather [hbm4b:s0+s12], $0x80, s17, s12, $0xb8;
	[tilespmem:$0x1A000] =	vst v63  }
0xa6: {  	_ =	swait.ge [sflag:s10], $0x4000  }
0xa7: {  	[sflag:s10] =	ssyncset.done $0x0  }
0xa8: {  	s26 =	simm.s32 $0x1000;
	[sflag:s10] =	ssyncadd.s32 $0xFFFFC000  }
0xa9: {  	[spmem:s23] =	stream.indirect.scatter.add.f32 [tilespmem:s9], [sflag:$0x1], $0x80, s26, s12, $0xb8;
	[tilespmem:$0x1A000] =	vst v63  }
0xaa: {  	_ =	swait.ge [sflag:s10], $0x4000  }
0xab: {  	s15 =	simm.s32 $0x400;
	s26 =	simm.s32 $0x200;
	[sflag:s10] =	ssyncset.done $0x0  }
.LBB2_7:
0xac: {  	s16 =	sshra.s32 s26, $0x2  }
0xad: {  	[sflag:s10] =	ssyncadd.s32 $0xFFFFC000;
	s26 =	smov.u32 s15;
	s17 =	sadd.s32 $0x200, s15  }
0xae: {  	[tilespmem:s9], [sflag:$0x1] =	stream.indirect.gather [hbm4b:s0+s12], $0x80, s16, s12, $0xb8;
	[tilespmem:$0x1A000] =	vst v63  }
0xaf: {  	p1 =	sne.s32 s15, $0x3E00;
	_ =	swait.ge [sflag:s10], $0x4000  }
.Ltmp5:
0xb0: {  	[sflag:s10] =	ssyncset.done $0x0;
	(pc) =	sbr.rel @p1 .LBB2_7-.Ltmp5, $4  }
0xb1: {  	s15 =	sadd.s32 $0x1000, s16;
	[sflag:s10] =	ssyncadd.s32 $0xFFFFC000  }
0xb2: {  	[spmem:s23] =	stream.indirect.scatter.add.f32 [tilespmem:s9], [sflag:$0x1], $0x80, s15, s12, $0xb8;
	[tilespmem:$0x1A000] =	vst v63  }
0xb3: {  	_ =	swait.ge [sflag:s10], $0x4000  }
0xb4: {  	s15 =	smov.u32 s17;
	[sflag:s10] =	ssyncset.done $0x0  }
0xb5: {  	s15 =	sshra.s32 s26, $0x2;
	[sflag:s10] =	ssyncadd.s32 $0xFFFFC000  }
0xb6: {  	[tilespmem:s9], [sflag:$0x1] =	stream.indirect.gather [hbm4b:s0+s12], $0x80, s15, s12, $0xb8;
	[tilespmem:$0x1A000] =	vst v63  }
0xb7: {  	_ =	swait.ge [sflag:s10], $0x4000  }
0xb8: {  	[sflag:s10] =	ssyncset.done $0x0  }
0xb9: {  	s15 =	sadd.s32 $0x1000, s15;
	[sflag:s10] =	ssyncadd.s32 $0xFFFFC000  }
0xba: {  	[spmem:s23] =	stream.indirect.scatter.add.f32 [tilespmem:s9], [sflag:$0x1], $0x80, s15, s12, $0xb8;
	[tilespmem:$0x1A000] =	vst v63  }
0xbb: {  	_ =	swait.ge [sflag:s10], $0x4000  }
0xbc: {  	[sflag:s10] =	ssyncset.done $0x0  }
0xbd: {  	s26 =	simm.s32 $0x0;
	s16 =	rddreg [dreg:$0x15];
	[sflag:s10] =	ssyncadd.s32 $0xFFFFC000  }
0xbe: {  	[tilespmem:s26], [sflag:$0x1] =	stream.linear.gather [hbm4b:s16+s26], $0x1000, $0x38;
	[tilespmem:$0x1A000] =	vst v63  }
0xbf: {  	_ =	swait.ge [sflag:s10], $0x1000  }
0xc0: {  	[sflag:s10] =	ssyncset.done $0x0  }
0xc1: {  	[sflag:s10] =	ssyncadd.s32 $0xFFFFF000  }
0xc2: {  	[tilespmem:s11], [sflag:$0x1] =	stream.linear.gather [hbm4b:s18+s26], $0x1000, $0x38;
	[tilespmem:$0x1A000] =	vst v63  }
0xc3: {  	_ =	swait.ge [sflag:s10], $0x1000  }
0xc4: {  	[sflag:s10] =	ssyncset.done $0x0  }
0xc5: {  	s17 =	simm.s32 $0x0;
	[sflag:s10] =	ssyncadd.s32 $0xFFFFF000  }
0xc6: {  	[tilespmem:s9], [sflag:$0x1] =	stream.indirect.gather [hbm4b:s0+s12], $0x80, s17, s12, $0xb8;
	[tilespmem:$0x1A000] =	vst v63  }
0xc7: {  	_ =	swait.ge [sflag:s10], $0x4000  }
0xc8: {  	[sflag:s10] =	ssyncset.done $0x0  }
0xc9: {  	s26 =	simm.s32 $0x1000;
	[sflag:s10] =	ssyncadd.s32 $0xFFFFC000  }
0xca: {  	[spmem:s23] =	stream.indirect.scatter.add.f32 [tilespmem:s9], [sflag:$0x1], $0x80, s26, s12, $0xb8;
	[tilespmem:$0x1A000] =	vst v63  }
0xcb: {  	_ =	swait.ge [sflag:s10], $0x4000  }
0xcc: {  	s15 =	simm.s32 $0x400;
	s26 =	simm.s32 $0x200;
	[sflag:s10] =	ssyncset.done $0x0  }
.LBB2_9:
0xcd: {  	s16 =	sshra.s32 s26, $0x2  }
0xce: {  	[sflag:s10] =	ssyncadd.s32 $0xFFFFC000;
	s26 =	smov.u32 s15;
	s17 =	sadd.s32 $0x200, s15  }
0xcf: {  	[tilespmem:s9], [sflag:$0x1] =	stream.indirect.gather [hbm4b:s0+s12], $0x80, s16, s12, $0xb8;
	[tilespmem:$0x1A000] =	vst v63  }
0xd0: {  	p1 =	sne.s32 s15, $0x3E00;
	_ =	swait.ge [sflag:s10], $0x4000  }
.Ltmp6:
0xd1: {  	[sflag:s10] =	ssyncset.done $0x0;
	(pc) =	sbr.rel @p1 .LBB2_9-.Ltmp6, $4  }
0xd2: {  	s15 =	sadd.s32 $0x1000, s16;
	[sflag:s10] =	ssyncadd.s32 $0xFFFFC000  }
0xd3: {  	[spmem:s23] =	stream.indirect.scatter.add.f32 [tilespmem:s9], [sflag:$0x1], $0x80, s15, s12, $0xb8;
	[tilespmem:$0x1A000] =	vst v63  }
0xd4: {  	_ =	swait.ge [sflag:s10], $0x4000  }
0xd5: {  	s15 =	smov.u32 s17;
	[sflag:s10] =	ssyncset.done $0x0  }
0xd6: {  	s15 =	sshra.s32 s26, $0x2;
	[sflag:s10] =	ssyncadd.s32 $0xFFFFC000  }
0xd7: {  	[tilespmem:s9], [sflag:$0x1] =	stream.indirect.gather [hbm4b:s0+s12], $0x80, s15, s12, $0xb8;
	[tilespmem:$0x1A000] =	vst v63  }
0xd8: {  	_ =	swait.ge [sflag:s10], $0x4000  }
0xd9: {  	[sflag:s10] =	ssyncset.done $0x0  }
0xda: {  	s15 =	sadd.s32 $0x1000, s15;
	[sflag:s10] =	ssyncadd.s32 $0xFFFFC000  }
0xdb: {  	[spmem:s23] =	stream.indirect.scatter.add.f32 [tilespmem:s9], [sflag:$0x1], $0x80, s15, s12, $0xb8;
	[tilespmem:$0x1A000] =	vst v63  }
0xdc: {  	_ =	swait.ge [sflag:s10], $0x4000  }
0xdd: {  	[sflag:s10] =	ssyncset.done $0x0  }
0xde: {  	s16 =	simm.s32 $0x0;
	[sflag:s10] =	ssyncadd.s32 $0xFFFFC000  }
0xdf: {  	[tilespmem:s16], [sflag:$0x1] =	stream.linear.gather [hbm4b:s21+s16], $0x1000, $0x38;
	[tilespmem:$0x1A000] =	vst v63  }
0xe0: {  	_ =	swait.ge [sflag:s10], $0x1000  }
0xe1: {  	[sflag:s10] =	ssyncset.done $0x0  }
0xe2: {  	[sflag:s10] =	ssyncadd.s32 $0xFFFFF000  }
0xe3: {  	[tilespmem:s11], [sflag:$0x1] =	stream.linear.gather [hbm4b:s22+s16], $0x1000, $0x38;
	[tilespmem:$0x1A000] =	vst v63  }
0xe4: {  	_ =	swait.ge [sflag:s10], $0x1000  }
0xe5: {  	[sflag:s10] =	ssyncset.done $0x0  }
0xe6: {  	s17 =	simm.s32 $0x0;
	[sflag:s10] =	ssyncadd.s32 $0xFFFFF000  }
0xe7: {  	[tilespmem:s9], [sflag:$0x1] =	stream.indirect.gather [hbm4b:s0+s12], $0x80, s17, s12, $0xb8;
	[tilespmem:$0x1A000] =	vst v63  }
0xe8: {  	_ =	swait.ge [sflag:s10], $0x4000  }
0xe9: {  	[sflag:s10] =	ssyncset.done $0x0  }
0xea: {  	s26 =	simm.s32 $0x1000;
	[sflag:s10] =	ssyncadd.s32 $0xFFFFC000  }
0xeb: {  	[spmem:s23] =	stream.indirect.scatter.add.f32 [tilespmem:s9], [sflag:$0x1], $0x80, s26, s12, $0xb8;
	[tilespmem:$0x1A000] =	vst v63  }
0xec: {  	_ =	swait.ge [sflag:s10], $0x4000  }
0xed: {  	s15 =	simm.s32 $0x400;
	s26 =	simm.s32 $0x200;
	[sflag:s10] =	ssyncset.done $0x0  }
.LBB2_11:
0xee: {  	s16 =	sshra.s32 s26, $0x2  }
0xef: {  	[sflag:s10] =	ssyncadd.s32 $0xFFFFC000;
	s26 =	smov.u32 s15;
	s17 =	sadd.s32 $0x200, s15  }
0xf0: {  	[tilespmem:s9], [sflag:$0x1] =	stream.indirect.gather [hbm4b:s0+s12], $0x80, s16, s12, $0xb8;
	[tilespmem:$0x1A000] =	vst v63  }
0xf1: {  	p1 =	sne.s32 s15, $0x3E00;
	_ =	swait.ge [sflag:s10], $0x4000  }
.Ltmp7:
0xf2: {  	[sflag:s10] =	ssyncset.done $0x0;
	(pc) =	sbr.rel @p1 .LBB2_11-.Ltmp7, $4  }
0xf3: {  	s15 =	sadd.s32 $0x1000, s16;
	[sflag:s10] =	ssyncadd.s32 $0xFFFFC000  }
0xf4: {  	[spmem:s23] =	stream.indirect.scatter.add.f32 [tilespmem:s9], [sflag:$0x1], $0x80, s15, s12, $0xb8;
	[tilespmem:$0x1A000] =	vst v63  }
0xf5: {  	_ =	swait.ge [sflag:s10], $0x4000  }
0xf6: {  	s15 =	smov.u32 s17;
	[sflag:s10] =	ssyncset.done $0x0  }
0xf7: {  	s15 =	sshra.s32 s26, $0x2;
	[sflag:s10] =	ssyncadd.s32 $0xFFFFC000  }
0xf8: {  	[tilespmem:s9], [sflag:$0x1] =	stream.indirect.gather [hbm4b:s0+s12], $0x80, s15, s12, $0xb8;
	[tilespmem:$0x1A000] =	vst v63  }
0xf9: {  	_ =	swait.ge [sflag:s10], $0x4000  }
0xfa: {  	[sflag:s10] =	ssyncset.done $0x0  }
0xfb: {  	s15 =	sadd.s32 $0x1000, s15;
	[sflag:s10] =	ssyncadd.s32 $0xFFFFC000  }
0xfc: {  	[spmem:s23] =	stream.indirect.scatter.add.f32 [tilespmem:s9], [sflag:$0x1], $0x80, s15, s12, $0xb8;
	[tilespmem:$0x1A000] =	vst v63  }
0xfd: {  	_ =	swait.ge [sflag:s10], $0x4000  }
0xfe: {  	[sflag:s10] =	ssyncset.done $0x0  }
0xff: {  	s16 =	simm.s32 $0x0;
	[sflag:s10] =	ssyncadd.s32 $0xFFFFC000  }
0x100: {  	[tilespmem:s16], [sflag:$0x1] =	stream.linear.gather [hbm4b:s24+s16], $0x1000, $0x38;
	[tilespmem:$0x1A000] =	vst v63  }
0x101: {  	_ =	swait.ge [sflag:s10], $0x1000  }
0x102: {  	[sflag:s10] =	ssyncset.done $0x0  }
0x103: {  	[sflag:s10] =	ssyncadd.s32 $0xFFFFF000  }
0x104: {  	[tilespmem:s11], [sflag:$0x1] =	stream.linear.gather [hbm4b:s25+s16], $0x1000, $0x38;
	[tilespmem:$0x1A000] =	vst v63  }
0x105: {  	_ =	swait.ge [sflag:s10], $0x1000  }
0x106: {  	[sflag:s10] =	ssyncset.done $0x0  }
0x107: {  	s17 =	simm.s32 $0x0;
	[sflag:s10] =	ssyncadd.s32 $0xFFFFF000  }
0x108: {  	[tilespmem:s9], [sflag:$0x1] =	stream.indirect.gather [hbm4b:s0+s12], $0x80, s17, s12, $0xb8;
	[tilespmem:$0x1A000] =	vst v63  }
0x109: {  	_ =	swait.ge [sflag:s10], $0x4000  }
0x10a: {  	[sflag:s10] =	ssyncset.done $0x0  }
0x10b: {  	s26 =	simm.s32 $0x1000;
	[sflag:s10] =	ssyncadd.s32 $0xFFFFC000  }
0x10c: {  	[spmem:s23] =	stream.indirect.scatter.add.f32 [tilespmem:s9], [sflag:$0x1], $0x80, s26, s12, $0xb8;
	[tilespmem:$0x1A000] =	vst v63  }
0x10d: {  	_ =	swait.ge [sflag:s10], $0x4000  }
0x10e: {  	s15 =	simm.s32 $0x400;
	s26 =	simm.s32 $0x200;
	[sflag:s10] =	ssyncset.done $0x0  }
.LBB2_13:
0x10f: {  	s16 =	sshra.s32 s26, $0x2  }
0x110: {  	[sflag:s10] =	ssyncadd.s32 $0xFFFFC000;
	s26 =	smov.u32 s15;
	s17 =	sadd.s32 $0x200, s15  }
0x111: {  	[tilespmem:s9], [sflag:$0x1] =	stream.indirect.gather [hbm4b:s0+s12], $0x80, s16, s12, $0xb8;
	[tilespmem:$0x1A000] =	vst v63  }
0x112: {  	p1 =	seq.s32 s15, $0x3E00;
	_ =	swait.ge [sflag:s10], $0x4000  }
.Ltmp8:
0x113: {  	[sflag:s10] =	ssyncset.done $0x0;
	(pc) =	sbr.rel @!p1 .LBB2_13-.Ltmp8, $4  }
0x114: {  	s15 =	sadd.s32 $0x1000, s16;
	[sflag:s10] =	ssyncadd.s32 $0xFFFFC000  }
0x115: {  	[spmem:s23] =	stream.indirect.scatter.add.f32 [tilespmem:s9], [sflag:$0x1], $0x80, s15, s12, $0xb8;
	[tilespmem:$0x1A000] =	vst v63  }
0x116: {  	_ =	swait.ge [sflag:s10], $0x4000  }
0x117: {  	s15 =	smov.u32 s17;
	[sflag:s10] =	ssyncset.done $0x0  }
0x118: {  	s15 =	sshra.s32 s26, $0x2;
	[sflag:s10] =	ssyncadd.s32 $0xFFFFC000  }
0x119: {  	[tilespmem:s9], [sflag:$0x1] =	stream.indirect.gather [hbm4b:s0+s12], $0x80, s15, s12, $0xb8;
	[tilespmem:$0x1A000] =	vst v63  }
0x11a: {  	_ =	swait.ge [sflag:s10], $0x4000  }
0x11b: {  	[sflag:s10] =	ssyncset.done $0x0  }
.Ltmp9:
0x11c: {  	s15 =	sadd.s32 $0x1000, s15;
	[sflag:s10] =	ssyncadd.s32 $0xFFFFC000;
	(pc) =	sbr.rel .LBB2_26-.Ltmp9, $4  }
0x11d: {  	[spmem:s23] =	stream.indirect.scatter.add.f32 [tilespmem:s9], [sflag:$0x1], $0x80, s15, s12, $0xb8;
	[tilespmem:$0x1A000] =	vst v63  }
0x11e: {  	_ =	swait.ge [sflag:s10], $0x4000  }
0x11f: {  	[sflag:s10] =	ssyncset.done $0x0  }
0x120: {  	s26 =	smov.u32 s14;
	[sflag:s10] =	ssyncadd.s32 $0xFFFFC000  }
.LBB2_15:
0x121: {  	s16 =	rddreg [dreg:$0x7]  }
0x122: {  	[tilespmem:s15], [sflag:$0x1] =	stream.linear.gather [hbm4b:s16+s15], $0x1000, $0x38;
	[tilespmem:$0x1A000] =	vst v63  }
0x123: {  	_ =	swait.ge [sflag:s10], $0x1000  }
0x124: {  	[sflag:s10] =	ssyncset.done $0x0  }
0x125: {  	s26 =	rddreg [dreg:$0x8];
	[sflag:s10] =	ssyncadd.s32 $0xFFFFF000  }
0x126: {  	[tilespmem:s11], [sflag:$0x1] =	stream.linear.gather [hbm4b:s26+s15], $0x1000, $0x38;
	[tilespmem:$0x1A000] =	vst v63  }
0x127: {  	_ =	swait.ge [sflag:s10], $0x1000  }
0x128: {  	[sflag:s10] =	ssyncset.done $0x0  }
0x129: {  	s17 =	simm.s32 $0x0;
	[sflag:s10] =	ssyncadd.s32 $0xFFFFF000  }
0x12a: {  	[tilespmem:s9], [sflag:$0x1] =	stream.indirect.gather [hbm4b:s20+s12], $0x80, s17, s12, $0xb8;
	[tilespmem:$0x1A000] =	vst v63  }
0x12b: {  	_ =	swait.ge [sflag:s10], $0x4000  }
0x12c: {  	[sflag:s10] =	ssyncset.done $0x0  }
0x12d: {  	s26 =	simm.s32 $0x1000;
	[sflag:s10] =	ssyncadd.s32 $0xFFFFC000  }
0x12e: {  	[spmem:s23] =	stream.indirect.scatter.add.f32 [tilespmem:s9], [sflag:$0x1], $0x80, s26, s12, $0xb8;
	[tilespmem:$0x1A000] =	vst v63  }
0x12f: {  	_ =	swait.ge [sflag:s10], $0x4000  }
0x130: {  	s15 =	simm.s32 $0x400;
	s26 =	simm.s32 $0x200;
	[sflag:s10] =	ssyncset.done $0x0  }
.LBB2_16:
0x131: {  	s16 =	sshra.s32 s26, $0x2  }
0x132: {  	[sflag:s10] =	ssyncadd.s32 $0xFFFFC000;
	s26 =	smov.u32 s15;
	s17 =	sadd.s32 $0x200, s15  }
0x133: {  	[tilespmem:s9], [sflag:$0x1] =	stream.indirect.gather [hbm4b:s20+s12], $0x80, s16, s12, $0xb8;
	[tilespmem:$0x1A000] =	vst v63  }
0x134: {  	p1 =	sne.s32 s15, $0x3E00;
	_ =	swait.ge [sflag:s10], $0x4000  }
.Ltmp10:
0x135: {  	[sflag:s10] =	ssyncset.done $0x0;
	(pc) =	sbr.rel @p1 .LBB2_16-.Ltmp10, $4  }
0x136: {  	s15 =	sadd.s32 $0x1000, s16;
	[sflag:s10] =	ssyncadd.s32 $0xFFFFC000  }
0x137: {  	[spmem:s23] =	stream.indirect.scatter.add.f32 [tilespmem:s9], [sflag:$0x1], $0x80, s15, s12, $0xb8;
	[tilespmem:$0x1A000] =	vst v63  }
0x138: {  	_ =	swait.ge [sflag:s10], $0x4000  }
0x139: {  	s15 =	smov.u32 s17;
	[sflag:s10] =	ssyncset.done $0x0  }
0x13a: {  	s15 =	sshra.s32 s26, $0x2;
	[sflag:s10] =	ssyncadd.s32 $0xFFFFC000  }
0x13b: {  	[tilespmem:s9], [sflag:$0x1] =	stream.indirect.gather [hbm4b:s20+s12], $0x80, s15, s12, $0xb8;
	[tilespmem:$0x1A000] =	vst v63  }
0x13c: {  	_ =	swait.ge [sflag:s10], $0x4000  }
0x13d: {  	[sflag:s10] =	ssyncset.done $0x0  }
0x13e: {  	s15 =	sadd.s32 $0x1000, s15;
	[sflag:s10] =	ssyncadd.s32 $0xFFFFC000  }
0x13f: {  	[spmem:s23] =	stream.indirect.scatter.add.f32 [tilespmem:s9], [sflag:$0x1], $0x80, s15, s12, $0xb8;
	[tilespmem:$0x1A000] =	vst v63  }
0x140: {  	_ =	swait.ge [sflag:s10], $0x4000  }
0x141: {  	[sflag:s10] =	ssyncset.done $0x0  }
0x142: {  	s17 =	simm.s32 $0x0;
	s16 =	rddreg [dreg:$0x9];
	[sflag:s10] =	ssyncadd.s32 $0xFFFFC000  }
0x143: {  	[tilespmem:s17], [sflag:$0x1] =	stream.linear.gather [hbm4b:s16+s17], $0x1000, $0x38;
	[tilespmem:$0x1A000] =	vst v63  }
0x144: {  	_ =	swait.ge [sflag:s10], $0x1000  }
0x145: {  	[sflag:s10] =	ssyncset.done $0x0  }
0x146: {  	s26 =	rddreg [dreg:$0xa];
	[sflag:s10] =	ssyncadd.s32 $0xFFFFF000  }
0x147: {  	[tilespmem:s11], [sflag:$0x1] =	stream.linear.gather [hbm4b:s26+s17], $0x1000, $0x38;
	[tilespmem:$0x1A000] =	vst v63  }
0x148: {  	_ =	swait.ge [sflag:s10], $0x1000  }
0x149: {  	[sflag:s10] =	ssyncset.done $0x0  }
0x14a: {  	s17 =	simm.s32 $0x0;
	[sflag:s10] =	ssyncadd.s32 $0xFFFFF000  }
0x14b: {  	[tilespmem:s9], [sflag:$0x1] =	stream.indirect.gather [hbm4b:s20+s12], $0x80, s17, s12, $0xb8;
	[tilespmem:$0x1A000] =	vst v63  }
0x14c: {  	_ =	swait.ge [sflag:s10], $0x4000  }
0x14d: {  	[sflag:s10] =	ssyncset.done $0x0  }
0x14e: {  	s26 =	simm.s32 $0x1000;
	[sflag:s10] =	ssyncadd.s32 $0xFFFFC000  }
0x14f: {  	[spmem:s23] =	stream.indirect.scatter.add.f32 [tilespmem:s9], [sflag:$0x1], $0x80, s26, s12, $0xb8;
	[tilespmem:$0x1A000] =	vst v63  }
0x150: {  	_ =	swait.ge [sflag:s10], $0x4000  }
0x151: {  	s15 =	simm.s32 $0x400;
	s26 =	simm.s32 $0x200;
	[sflag:s10] =	ssyncset.done $0x0  }
.LBB2_18:
0x152: {  	s16 =	sshra.s32 s26, $0x2  }
0x153: {  	[sflag:s10] =	ssyncadd.s32 $0xFFFFC000;
	s26 =	smov.u32 s15;
	s17 =	sadd.s32 $0x200, s15  }
0x154: {  	[tilespmem:s9], [sflag:$0x1] =	stream.indirect.gather [hbm4b:s20+s12], $0x80, s16, s12, $0xb8;
	[tilespmem:$0x1A000] =	vst v63  }
0x155: {  	p1 =	sne.s32 s15, $0x3E00;
	_ =	swait.ge [sflag:s10], $0x4000  }
.Ltmp11:
0x156: {  	[sflag:s10] =	ssyncset.done $0x0;
	(pc) =	sbr.rel @p1 .LBB2_18-.Ltmp11, $4  }
0x157: {  	s15 =	sadd.s32 $0x1000, s16;
	[sflag:s10] =	ssyncadd.s32 $0xFFFFC000  }
0x158: {  	[spmem:s23] =	stream.indirect.scatter.add.f32 [tilespmem:s9], [sflag:$0x1], $0x80, s15, s12, $0xb8;
	[tilespmem:$0x1A000] =	vst v63  }
0x159: {  	_ =	swait.ge [sflag:s10], $0x4000  }
0x15a: {  	s15 =	smov.u32 s17;
	[sflag:s10] =	ssyncset.done $0x0  }
0x15b: {  	s15 =	sshra.s32 s26, $0x2;
	[sflag:s10] =	ssyncadd.s32 $0xFFFFC000  }
0x15c: {  	[tilespmem:s9], [sflag:$0x1] =	stream.indirect.gather [hbm4b:s20+s12], $0x80, s15, s12, $0xb8;
	[tilespmem:$0x1A000] =	vst v63  }
0x15d: {  	_ =	swait.ge [sflag:s10], $0x4000  }
0x15e: {  	[sflag:s10] =	ssyncset.done $0x0  }
0x15f: {  	s15 =	sadd.s32 $0x1000, s15;
	[sflag:s10] =	ssyncadd.s32 $0xFFFFC000  }
0x160: {  	[spmem:s23] =	stream.indirect.scatter.add.f32 [tilespmem:s9], [sflag:$0x1], $0x80, s15, s12, $0xb8;
	[tilespmem:$0x1A000] =	vst v63  }
0x161: {  	_ =	swait.ge [sflag:s10], $0x4000  }
0x162: {  	[sflag:s10] =	ssyncset.done $0x0  }
0x163: {  	s17 =	simm.s32 $0x0;
	s16 =	rddreg [dreg:$0xb];
	[sflag:s10] =	ssyncadd.s32 $0xFFFFC000  }
0x164: {  	[tilespmem:s17], [sflag:$0x1] =	stream.linear.gather [hbm4b:s16+s17], $0x1000, $0x38;
	[tilespmem:$0x1A000] =	vst v63  }
0x165: {  	_ =	swait.ge [sflag:s10], $0x1000  }
0x166: {  	[sflag:s10] =	ssyncset.done $0x0  }
0x167: {  	s26 =	rddreg [dreg:$0xc];
	[sflag:s10] =	ssyncadd.s32 $0xFFFFF000  }
0x168: {  	[tilespmem:s11], [sflag:$0x1] =	stream.linear.gather [hbm4b:s26+s17], $0x1000, $0x38;
	[tilespmem:$0x1A000] =	vst v63  }
0x169: {  	_ =	swait.ge [sflag:s10], $0x1000  }
0x16a: {  	[sflag:s10] =	ssyncset.done $0x0  }
0x16b: {  	s17 =	simm.s32 $0x0;
	[sflag:s10] =	ssyncadd.s32 $0xFFFFF000  }
0x16c: {  	[tilespmem:s9], [sflag:$0x1] =	stream.indirect.gather [hbm4b:s20+s12], $0x80, s17, s12, $0xb8;
	[tilespmem:$0x1A000] =	vst v63  }
0x16d: {  	_ =	swait.ge [sflag:s10], $0x4000  }
0x16e: {  	[sflag:s10] =	ssyncset.done $0x0  }
0x16f: {  	s26 =	simm.s32 $0x1000;
	[sflag:s10] =	ssyncadd.s32 $0xFFFFC000  }
0x170: {  	[spmem:s23] =	stream.indirect.scatter.add.f32 [tilespmem:s9], [sflag:$0x1], $0x80, s26, s12, $0xb8;
	[tilespmem:$0x1A000] =	vst v63  }
0x171: {  	_ =	swait.ge [sflag:s10], $0x4000  }
0x172: {  	s15 =	simm.s32 $0x400;
	s26 =	simm.s32 $0x200;
	[sflag:s10] =	ssyncset.done $0x0  }
.LBB2_20:
0x173: {  	s16 =	sshra.s32 s26, $0x2  }
0x174: {  	[sflag:s10] =	ssyncadd.s32 $0xFFFFC000;
	s26 =	smov.u32 s15;
	s17 =	sadd.s32 $0x200, s15  }
0x175: {  	[tilespmem:s9], [sflag:$0x1] =	stream.indirect.gather [hbm4b:s20+s12], $0x80, s16, s12, $0xb8;
	[tilespmem:$0x1A000] =	vst v63  }
0x176: {  	p1 =	sne.s32 s15, $0x3E00;
	_ =	swait.ge [sflag:s10], $0x4000  }
.Ltmp12:
0x177: {  	[sflag:s10] =	ssyncset.done $0x0;
	(pc) =	sbr.rel @p1 .LBB2_20-.Ltmp12, $4  }
0x178: {  	s15 =	sadd.s32 $0x1000, s16;
	[sflag:s10] =	ssyncadd.s32 $0xFFFFC000  }
0x179: {  	[spmem:s23] =	stream.indirect.scatter.add.f32 [tilespmem:s9], [sflag:$0x1], $0x80, s15, s12, $0xb8;
	[tilespmem:$0x1A000] =	vst v63  }
0x17a: {  	_ =	swait.ge [sflag:s10], $0x4000  }
0x17b: {  	s15 =	smov.u32 s17;
	[sflag:s10] =	ssyncset.done $0x0  }
0x17c: {  	s15 =	sshra.s32 s26, $0x2;
	[sflag:s10] =	ssyncadd.s32 $0xFFFFC000  }
0x17d: {  	[tilespmem:s9], [sflag:$0x1] =	stream.indirect.gather [hbm4b:s20+s12], $0x80, s15, s12, $0xb8;
	[tilespmem:$0x1A000] =	vst v63  }
0x17e: {  	_ =	swait.ge [sflag:s10], $0x4000  }
0x17f: {  	[sflag:s10] =	ssyncset.done $0x0  }
0x180: {  	s15 =	sadd.s32 $0x1000, s15;
	[sflag:s10] =	ssyncadd.s32 $0xFFFFC000  }
0x181: {  	[spmem:s23] =	stream.indirect.scatter.add.f32 [tilespmem:s9], [sflag:$0x1], $0x80, s15, s12, $0xb8;
	[tilespmem:$0x1A000] =	vst v63  }
0x182: {  	_ =	swait.ge [sflag:s10], $0x4000  }
0x183: {  	[sflag:s10] =	ssyncset.done $0x0  }
0x184: {  	s17 =	simm.s32 $0x0;
	s16 =	rddreg [dreg:$0xd];
	[sflag:s10] =	ssyncadd.s32 $0xFFFFC000  }
0x185: {  	[tilespmem:s17], [sflag:$0x1] =	stream.linear.gather [hbm4b:s16+s17], $0x1000, $0x38;
	[tilespmem:$0x1A000] =	vst v63  }
0x186: {  	_ =	swait.ge [sflag:s10], $0x1000  }
0x187: {  	[sflag:s10] =	ssyncset.done $0x0  }
0x188: {  	s26 =	rddreg [dreg:$0xe];
	[sflag:s10] =	ssyncadd.s32 $0xFFFFF000  }
0x189: {  	[tilespmem:s11], [sflag:$0x1] =	stream.linear.gather [hbm4b:s26+s17], $0x1000, $0x38;
	[tilespmem:$0x1A000] =	vst v63  }
0x18a: {  	_ =	swait.ge [sflag:s10], $0x1000  }
0x18b: {  	[sflag:s10] =	ssyncset.done $0x0  }
0x18c: {  	s17 =	simm.s32 $0x0;
	[sflag:s10] =	ssyncadd.s32 $0xFFFFF000  }
0x18d: {  	[tilespmem:s9], [sflag:$0x1] =	stream.indirect.gather [hbm4b:s20+s12], $0x80, s17, s12, $0xb8;
	[tilespmem:$0x1A000] =	vst v63  }
0x18e: {  	_ =	swait.ge [sflag:s10], $0x4000  }
0x18f: {  	[sflag:s10] =	ssyncset.done $0x0  }
0x190: {  	s26 =	simm.s32 $0x1000;
	[sflag:s10] =	ssyncadd.s32 $0xFFFFC000  }
0x191: {  	[spmem:s23] =	stream.indirect.scatter.add.f32 [tilespmem:s9], [sflag:$0x1], $0x80, s26, s12, $0xb8;
	[tilespmem:$0x1A000] =	vst v63  }
0x192: {  	_ =	swait.ge [sflag:s10], $0x4000  }
0x193: {  	s15 =	simm.s32 $0x400;
	s26 =	simm.s32 $0x200;
	[sflag:s10] =	ssyncset.done $0x0  }
.LBB2_22:
0x194: {  	s16 =	sshra.s32 s26, $0x2  }
0x195: {  	[sflag:s10] =	ssyncadd.s32 $0xFFFFC000;
	s26 =	smov.u32 s15;
	s17 =	sadd.s32 $0x200, s15  }
0x196: {  	[tilespmem:s9], [sflag:$0x1] =	stream.indirect.gather [hbm4b:s20+s12], $0x80, s16, s12, $0xb8;
	[tilespmem:$0x1A000] =	vst v63  }
0x197: {  	p1 =	sne.s32 s15, $0x3E00;
	_ =	swait.ge [sflag:s10], $0x4000  }
.Ltmp13:
0x198: {  	[sflag:s10] =	ssyncset.done $0x0;
	(pc) =	sbr.rel @p1 .LBB2_22-.Ltmp13, $4  }
0x199: {  	s15 =	sadd.s32 $0x1000, s16;
	[sflag:s10] =	ssyncadd.s32 $0xFFFFC000  }
0x19a: {  	[spmem:s23] =	stream.indirect.scatter.add.f32 [tilespmem:s9], [sflag:$0x1], $0x80, s15, s12, $0xb8;
	[tilespmem:$0x1A000] =	vst v63  }
0x19b: {  	_ =	swait.ge [sflag:s10], $0x4000  }
0x19c: {  	s15 =	smov.u32 s17;
	[sflag:s10] =	ssyncset.done $0x0  }
0x19d: {  	s15 =	sshra.s32 s26, $0x2;
	[sflag:s10] =	ssyncadd.s32 $0xFFFFC000  }
0x19e: {  	[tilespmem:s9], [sflag:$0x1] =	stream.indirect.gather [hbm4b:s20+s12], $0x80, s15, s12, $0xb8;
	[tilespmem:$0x1A000] =	vst v63  }
0x19f: {  	_ =	swait.ge [sflag:s10], $0x4000  }
0x1a0: {  	[sflag:s10] =	ssyncset.done $0x0  }
0x1a1: {  	s15 =	sadd.s32 $0x1000, s15;
	[sflag:s10] =	ssyncadd.s32 $0xFFFFC000  }
0x1a2: {  	[spmem:s23] =	stream.indirect.scatter.add.f32 [tilespmem:s9], [sflag:$0x1], $0x80, s15, s12, $0xb8;
	[tilespmem:$0x1A000] =	vst v63  }
0x1a3: {  	_ =	swait.ge [sflag:s10], $0x4000  }
0x1a4: {  	[sflag:s10] =	ssyncset.done $0x0  }
0x1a5: {  	s17 =	simm.s32 $0x0;
	s16 =	rddreg [dreg:$0xf];
	[sflag:s10] =	ssyncadd.s32 $0xFFFFC000  }
0x1a6: {  	[tilespmem:s17], [sflag:$0x1] =	stream.linear.gather [hbm4b:s16+s17], $0x1000, $0x38;
	[tilespmem:$0x1A000] =	vst v63  }
0x1a7: {  	_ =	swait.ge [sflag:s10], $0x1000  }
0x1a8: {  	[sflag:s10] =	ssyncset.done $0x0  }
0x1a9: {  	s26 =	rddreg [dreg:$0x10];
	[sflag:s10] =	ssyncadd.s32 $0xFFFFF000  }
0x1aa: {  	[tilespmem:s11], [sflag:$0x1] =	stream.linear.gather [hbm4b:s26+s17], $0x1000, $0x38;
	[tilespmem:$0x1A000] =	vst v63  }
0x1ab: {  	_ =	swait.ge [sflag:s10], $0x1000  }
0x1ac: {  	[sflag:s10] =	ssyncset.done $0x0  }
0x1ad: {  	s17 =	simm.s32 $0x0;
	[sflag:s10] =	ssyncadd.s32 $0xFFFFF000  }
0x1ae: {  	[tilespmem:s9], [sflag:$0x1] =	stream.indirect.gather [hbm4b:s20+s12], $0x80, s17, s12, $0xb8;
	[tilespmem:$0x1A000] =	vst v63  }
0x1af: {  	_ =	swait.ge [sflag:s10], $0x4000  }
0x1b0: {  	[sflag:s10] =	ssyncset.done $0x0  }
0x1b1: {  	s26 =	simm.s32 $0x1000;
	[sflag:s10] =	ssyncadd.s32 $0xFFFFC000  }
0x1b2: {  	[spmem:s23] =	stream.indirect.scatter.add.f32 [tilespmem:s9], [sflag:$0x1], $0x80, s26, s12, $0xb8;
	[tilespmem:$0x1A000] =	vst v63  }
0x1b3: {  	_ =	swait.ge [sflag:s10], $0x4000  }
0x1b4: {  	s15 =	simm.s32 $0x400;
	s26 =	simm.s32 $0x200;
	[sflag:s10] =	ssyncset.done $0x0  }
.LBB2_24:
0x1b5: {  	s16 =	sshra.s32 s26, $0x2  }
0x1b6: {  	[sflag:s10] =	ssyncadd.s32 $0xFFFFC000;
	s26 =	smov.u32 s15;
	s17 =	sadd.s32 $0x200, s15  }
0x1b7: {  	[tilespmem:s9], [sflag:$0x1] =	stream.indirect.gather [hbm4b:s20+s12], $0x80, s16, s12, $0xb8;
	[tilespmem:$0x1A000] =	vst v63  }
0x1b8: {  	p1 =	sne.s32 s15, $0x3E00;
	_ =	swait.ge [sflag:s10], $0x4000  }
.Ltmp14:
0x1b9: {  	[sflag:s10] =	ssyncset.done $0x0;
	(pc) =	sbr.rel @p1 .LBB2_24-.Ltmp14, $4  }
0x1ba: {  	s15 =	sadd.s32 $0x1000, s16;
	[sflag:s10] =	ssyncadd.s32 $0xFFFFC000  }
0x1bb: {  	[spmem:s23] =	stream.indirect.scatter.add.f32 [tilespmem:s9], [sflag:$0x1], $0x80, s15, s12, $0xb8;
	[tilespmem:$0x1A000] =	vst v63  }
0x1bc: {  	_ =	swait.ge [sflag:s10], $0x4000  }
0x1bd: {  	s15 =	smov.u32 s17;
	[sflag:s10] =	ssyncset.done $0x0  }
.Ltmp15:
0x1be: {  	_ = 	snop;
	(pc) =	sbr.rel .LBB2_25-.Ltmp15, $1  }
0x1bf: {  	_ =	sdelay $0x3  }
.LBB2_27:
0x1c0: {  	_ =	sfence.sel $0x180000  }
0x1c1: {  	[bflag:$0x0] =	sbarrier.arrive $0xFFFF  }
0x1c2: {  	_ =	strace $0x90000047  }
0x1c3: {  	s0 =	stileid.u32;
	[bflag:$0x2] =	sbarrier.arrive $0xFFFF  }
0x1c4: {  	p0 =	sne.s32 s0, $0x0;
	s0 =	rddreg [dreg:$0x6]  }
0x1c5: {  	s0 =	sadd.s32 @!p0 $0x100000, s0  }
0x1c6: {  	[sflag:s0] =	ssyncadd.tile.s32 @!p0 $0x1;
	_ =	shalt  }
.Lfunc_end2:
_tile_overlayer_lowered:
.L_overlay_start_2:
0x1c7: {  	(tag) =	ssettag $0x2  }
0x1c8: {  	s0 =	rddreg [dreg:$0x0];
	s2 =	stileid.u32  }
0x1c9: {  	s1 =	rddreg [dreg:$0x1];
	p0 =	sne.s32 s2, $0x0  }
0x1ca: {  	s3 =	rddreg [dreg:$0x2];
	[bflag:$0x3] =	sbarrier.arrive $0xFFFF;
	s2 =	simm.s32 @!p0 $0x1C01  }
0x1cb: {  	[timem:s3], [sflag:s2] =	dma.local @!p0 [hbm:s0], s1  }
0x1cc: {  	s0 =	simm.s32 @!p0 $0x1  }
0x1cd: {  	_ =	swait.ge @!p0 [sflag:s0], s1  }
0x1ce: {  	s1 =	ssub.s32 @!p0 $0x0, s1;
	[sflag:s0] =	ssyncset.done @!p0 $0x0  }
0x1cf: {  	[sflag:s0] =	ssyncadd.s32 @!p0 s1  }
0x1d0: {  	[bflag:$0x3] =	sbarrier.arrive $0xFFFF  }
0x1d1: {  	_ =	shalt  }

// kernel: kernel.15.cloned.1.call-start
scs
__scs_entry_jumppad:
0x0: {  	(pc) =	sbr.rel $0x88, $3  }
0x1: {  	(tag) =	ssettag $0x0;
	lr =	simm.s32 $0x1  }
0x2: {  	[smem:$0x3F91] =	sst lr;
	_ =	strace $0xD0000000  }
0x3: {  	_ = 	snop  }
0x4: {  	_ = 	snop  }
0x5: {  	_ = 	snop  }
0x6: {  	_ = 	snop  }
0x7: {  	_ = 	snop  }
__scs_overlays_trampoline_lowered:
0x8: {  	[smem:$0x3FA0] =	sst s0  }
0x9: {  	[smem:$0x3FA1] =	sst s1  }
0xa: {  	[smem:$0x3FA2] =	sst s2  }
0xb: {  	[smem:$0x3FA3] =	sst s3  }
0xc: {  	[smem:$0x3FA4] =	sst s4  }
0xd: {  	[smem:$0x3FA5] =	sst s5  }
0xe: {  	[smem:$0x3FA6] =	sst s6  }
0xf: {  	[smem:$0x3FA7] =	sst s7  }
0x10: {  	[smem:$0x3FA8] =	sst s8  }
0x11: {  	[smem:$0x3FA9] =	sst s9;
	s0 =	simm.s32 @!p0 $0x0  }
0x12: {  	s1 =	sld [smem:$0x3F8F];
	s0 =	simm.s32 @p0 $0x1  }
0x13: {  	[smem:$0x3FAA] =	sst s0;
	s0 =	simm.s32 @!p1 $0x0  }
0x14: {  	s2 =	sld [smem:$0x3F8E];
	s0 =	simm.s32 @p1 $0x1  }
0x15: {  	[smem:$0x3FAB] =	sst s0;
	s0 =	simm.s32 @!p2 $0x0  }
0x16: {  	s3 =	sld [smem:$0x3FDB];
	s0 =	simm.s32 @p2 $0x1  }
0x17: {  	s4 =	simm.s32 $0x1BF5;
	[smem:$0x3FAD] =	sst s0  }
0x18: {  	s0 =	sld [smem:$0x3F90];
	_ =	swait.ge [sflag:s4], $0x0  }
0x19: {  	s7 =	sld [smem:$0x3F91]  }
0x1a: {  	s8 =	sadd.s32 $0xFFFFE003, lr  }
0x1b: {  	s9 =	sadd.s32 $0xFFFFFEF7, lr;
	s5 =	simm.s32 $0xFFFFFFFF;
	p2 =	slt.u32 s8, $0xFFFFF086  }
0x1c: {  	p1 =	slt.u32 s9, $0xF7A;
	s5 =	simm.s32 @!p2 $0x0  }
0x1d: {  	s5 =	simm.s32 @p1 $0x1;
	p0 =	seq.s32 s7, s2  }
0x1e: {  	s7 =	smul.u32 @!p0 $0xF7A, s2;
	p2 =	seq.s32 @!p0 s5, $0x0  }
0x1f: {  	s9 =	smul.u32 $0xF7A, s1;
	s8 =	simm.s32 @!p0 $0x1BF5;
	p2 =	por !p2, p0  }
0x20: {  	[sflag:s8] =	ssyncset.s32 @!p0 $0xFFFFF086;
	s6 =	sadd.s32 @!p0 s3, s7;
	s7 =	simm.s32 @!p0 $0x108  }
0x21: {  	s3 =	sadd.s32 s3, s9;
	s6 =	sadd.s32 @!p0 $0x88, s6;
	s7 =	simm.s32 @p2 $0x1082  }
0x22: {  	[simem:s7], [sflag:s8] =	dma.local @!p0 [hbm:s6], $0xF7A  }
0x23: {  	s9 =	sor.u32 $0xD0000000, s2;
	s6 =	simm.s32 $0x108;
	_ =	swait.ge @!p0 [sflag:s8], $0x0  }
0x24: {  	s3 =	sadd.s32 $0x88, s3;
	s6 =	simm.s32 @!p1 $0x1082;
	[sflag:s4] =	ssyncset.s32 $0xFFFFF086  }
0x25: {  	[simem:s6], [sflag:s4] =	dma.local [hbm:s3], $0xF7A  }
0x26: {  	[smem:$0x3F91] =	sst s1;
	(tag) =	ssettag s2;
	_ =	strace s9  }
0x27: {  	s1 =	sld [smem:$0x3FA1]  }
0x28: {  	s2 =	sld [smem:$0x3FA2]  }
0x29: {  	s4 =	sld [smem:$0x3FA4]  }
0x2a: {  	p0 =	seq.s32 s5, $0x0;
	s5 =	sld [smem:$0x3FA5]  }
0x2b: {  	s6 =	sld [smem:$0x3FA6]  }
0x2c: {  	s7 =	sld [smem:$0x3FA7]  }
0x2d: {  	s3 =	simm.s32 $0x108;
	s8 =	sld [smem:$0x3FA8]  }
0x2e: {  	s3 =	simm.s32 @!p0 $0x1082;
	s9 =	sld [smem:$0x3FA9]  }
0x2f: {  	lr =	sadd.s32 s0, s3;
	s0 =	sld [smem:$0x3FA0]  }
0x30: {  	s3 =	sld [smem:$0x3FA3]  }
0x31: {  	[smem:$0x3FAC] =	sst s10  }
0x32: {  	s10 =	sld [smem:$0x3FAA];
	_ =	sdelay $0x3  }
0x33: {  	p0 =	seq.s32 s10, $0x1;
	s10 =	sld [smem:$0x3FAC];
	_ =	sdelay $0x3  }
0x34: {  	[smem:$0x3FAC] =	sst s10  }
0x35: {  	s10 =	sld [smem:$0x3FAB];
	_ =	sdelay $0x3  }
0x36: {  	p1 =	seq.s32 s10, $0x1;
	s10 =	sld [smem:$0x3FAC];
	_ =	sdelay $0x3  }
0x37: {  	[smem:$0x3FAC] =	sst s10  }
0x38: {  	s10 =	sld [smem:$0x3FAD]  }
0x39: {  	_ = 	snop;
	(pc) =	sbr.ind lr, $3  }
0x3a: {  	_ = 	snop  }
0x3b: {  	_ = 	snop  }
0x3c: {  	p2 =	seq.s32 s10, $0x1;
	s10 =	sld [smem:$0x3FAC]  }
0x3d: {  	_ =	shalt  }
0x3e: {  	_ =	shalt  }
0x3f: {  	_ =	shalt  }
0x40: {  	_ =	shalt  }
0x41: {  	_ =	shalt  }
0x42: {  	_ =	shalt  }
0x43: {  	_ =	shalt  }
0x44: {  	_ =	shalt  }
0x45: {  	_ =	shalt  }
0x46: {  	_ =	shalt  }
0x47: {  	_ =	shalt  }
0x48: {  	_ =	shalt  }
0x49: {  	_ =	shalt  }
0x4a: {  	_ =	shalt  }
0x4b: {  	_ =	shalt  }
0x4c: {  	_ =	shalt  }
0x4d: {  	_ =	shalt  }
0x4e: {  	_ =	shalt  }
0x4f: {  	_ =	shalt  }
0x50: {  	_ =	shalt  }
0x51: {  	_ =	shalt  }
0x52: {  	_ =	shalt  }
0x53: {  	_ =	shalt  }
0x54: {  	_ =	shalt  }
0x55: {  	_ =	shalt  }
0x56: {  	_ =	shalt  }
0x57: {  	_ =	shalt  }
0x58: {  	_ =	shalt  }
0x59: {  	_ =	shalt  }
0x5a: {  	_ =	shalt  }
0x5b: {  	_ =	shalt  }
0x5c: {  	_ =	shalt  }
0x5d: {  	_ =	shalt  }
0x5e: {  	_ =	shalt  }
0x5f: {  	_ =	shalt  }
0x60: {  	_ =	shalt  }
0x61: {  	_ =	shalt  }
0x62: {  	_ =	shalt  }
0x63: {  	_ =	shalt  }
0x64: {  	_ =	shalt  }
0x65: {  	_ =	shalt  }
0x66: {  	_ =	shalt  }
0x67: {  	_ =	shalt  }
0x68: {  	_ =	shalt  }
0x69: {  	_ =	shalt  }
0x6a: {  	_ =	shalt  }
0x6b: {  	_ =	shalt  }
0x6c: {  	_ =	shalt  }
0x6d: {  	_ =	shalt  }
0x6e: {  	_ =	shalt  }
0x6f: {  	_ =	shalt  }
0x70: {  	_ =	shalt  }
0x71: {  	_ =	shalt  }
0x72: {  	_ =	shalt  }
0x73: {  	_ =	shalt  }
0x74: {  	_ =	shalt  }
0x75: {  	_ =	shalt  }
0x76: {  	_ =	shalt  }
0x77: {  	_ =	shalt  }
0x78: {  	_ =	shalt  }
0x79: {  	_ =	shalt  }
0x7a: {  	_ =	shalt  }
0x7b: {  	_ =	shalt  }
0x7c: {  	_ =	shalt  }
0x7d: {  	_ =	shalt  }
0x7e: {  	_ =	shalt  }
0x7f: {  	_ =	shalt  }
0x80: {  	_ =	shalt  }
0x81: {  	_ =	shalt  }
0x82: {  	_ =	shalt  }
0x83: {  	_ =	shalt  }
0x84: {  	_ =	shalt  }
0x85: {  	_ =	shalt  }
0x86: {  	_ =	shalt  }
0x87: {  	_ =	shalt  }
.Lfunc_end0:
.L_simem_size_0:
called_computation.2_lowered:
.L_overlay_start_0:
0x88: {  	s2 =	sld [smem:$0x3FD9]  }
0x89: {  	s3 =	sld [smem:$0x3FFE];
	_ =	sdelay $0x1  }
0x8a: {  	s1 =	srdreg.scid  }
0x8b: {  	s0 =	sand.u32 $0x1, s1  }
0x8c: {  	s14 =	sshll.u32 s0, $0xA;
	s2 =	sadd.s32 s3, s2  }
0x8d: {  	s2 =	sadd.s32 s2, s14  }
0x8e: {  	[smem:$0x3FB8] =	sst s2  }
0x8f: {  	_ = 	snop  }
0x90: {  	s2 =	sld [smem:$0x3FD0];
	_ =	sdelay $0x2  }
0x91: {  	s15 =	simm.s32 $0xB;
	s4 =	simm.s32 $0x10  }
0x92: {  	[smem:s4], [sflag:s15] =	dma.local [hbm:s2], $0x1  }
0x93: {  	_ =	swait.eq [sflag:s15], $0x1  }
0x94: {  	[sflag:s15] =	ssyncset.done $0x0  }
0x95: {  	s16 =	sld [smem:$0x10];
	[sflag:s15] =	ssyncadd.s32 $0xFFFFFFFF  }
0x96: {  	s17 =	sld [smem:$0x11];
	(tm) =	ssettm $0x1  }
0x97: {  	s18 =	sld [smem:$0x3FFB];
	_ =	sdelay $0x3  }
0x98: {  	_ =	strace s18  }
0x99: {  	s4 =	sld [smem:$0x3FFC];
	_ =	sdelay $0x3  }
0x9a: {  	_ =	strace s4  }
0x9b: {  	s4 =	sld [smem:$0x3FFD];
	_ =	sdelay $0x3  }
0x9c: {  	_ =	strace s4  }
0x9d: {  	_ =	strace $0x8FFFFFFF  }
0x9e: {  	s19 =	sld [smem:$0x3FDB];
	_ =	sdelay $0x1  }
0x9f: {  	s5 =	simm.s32 $_scs_section_size  }
0xa0: {  	s6 =	simm.s32 $_size__tile_overlayer_lowered;
	s7 =	simm.s32 $_tile_overlayer_lowered  }
0xa1: {  	s22 =	simm.s32 $0x1BFF;
	s21 =	sshll.u32 s7, $0x1;
	s4 =	sadd.s32 s5, s19  }
0xa2: {  	s8 =	simm.s32 $0x0;
	s20 =	sshll.u32 s6, $0x1;
	s6 =	sadd.s32 s21, s4  }
0xa3: {  	[timem:s8], [sflag:s22] =	dma.local [hbm:s6], s20  }
0xa4: {  	_ =	swait.ge [sflag:s22], s20  }
0xa5: {  	s5 =	ssub.s32 $0x0, s20;
	[sflag:s22] =	ssyncset.done $0x0  }
0xa6: {  	[sflag:s22] =	ssyncadd.s32 s5;
	_ =	sdelay $0x1  }
0xa7: {  	s23 =	simm.s32 $0x1B8B  }
0xa8: {  	_ =	swait.ge [sflag:s23], $0x1  }
0xa9: {  	[sflag:s23] =	ssyncset.done $0x0  }
0xaa: {  	s25 =	simm.s32 $0x1B8E;
	s24 =	sld [smem:$0x3FFE];
	[sflag:s23] =	ssyncadd.s32 $0xFFFFFFFF  }
0xab: {  	s26 =	simm.s32 $execute0_lowered;
	[smem:$0x3FD2] =	sst s25  }
0xac: {  	s6 =	sshll.u32 s26, $0x1;
	_ =	strace $0x8000004C;
	[dreg:$0x1] =	wrdreg $0xFFFFFFFF  }
0xad: {  	s28 =	simm.s32 $_size_execute0_lowered;
	s4 =	sadd.s32 s4, s6;
	[dreg:$0x0] =	wrdreg $0x0  }
0xae: {  	s6 =	sshll.u32 s28, $0x1;
	[dreg:$0x2] =	wrdreg s4  }
0xaf: {  	[dreg:$0x3] =	wrdreg s6  }
0xb0: {  	[dreg:$0x4] =	wrdreg $0xC0  }
0xb1: {  	_ =	task [dreg:s8], $0x5FFFF  }
0xb2: {  	[dreg:$0x1] =	wrdreg $0xFFFFFFFF  }
0xb3: {  	[dreg:$0x0] =	wrdreg $0x60  }
0xb4: {  	[dreg:$0x2] =	wrdreg s24  }
0xb5: {  	[dreg:$0x3] =	wrdreg s16  }
0xb6: {  	[dreg:$0x4] =	wrdreg s17  }
0xb7: {  	[dreg:$0x5] =	wrdreg $0x60000  }
0xb8: {  	[dreg:$0x6] =	wrdreg $0x9  }
0xb9: {  	_ =	task.clear_ibuf [dreg:s8], $0x7FFFF;
	_ =	strace $0x9000004C  }
0xba: {  	s29 =	simm.s32 $0x9;
	_ =	strace $0x8000004E  }
0xbb: {  	_ =	swait.ge [sflag:s29], $0x1  }
0xbc: {  	[sflag:s29] =	ssyncadd.s32 $0xFFFFFFFF  }
0xbd: {  	_ =	strace $0x9000004E  }
0xbe: {  	_ =	sfence  }
0xbf: {  	s30 =	sld [smem:$0x0];
	_ =	sdelay $0x2  }
0xc0: {  	s31 =	sshll.u32 s1, $0xD;
	s1 =	sshrl.u32 s1, $0x2  }
0xc1: {  	s3 =	sand.u32 $0x4000, s31;
	s1 =	sadd.s32 s1, s30  }
0xc2: {  	s0 =	sor.u32 s3, s0;
	s1 =	sshll.u32 s1, $0x11  }
0xc3: {  	s0 =	sor.u32 s1, s0  }
0xc4: {  	s0 =	sadd.s32 $0x8F2B, s0  }
0xc5: {  	[sflag:s0] =	ssyncadd.remote.s32 $0x1  }
0xc6: {  	_ =	sfence.sel $0xFFFF  }
0xc7: {  	[dreg:$0x0] =	wrdreg $0xFFFFFFFF;
	(pc) =	sbr.abs _section_cstart, $3  }
0xc8: {  	[dreg:$0x1] =	wrdreg $0xFFFFFFFF  }
0xc9: {  	_ =	task.clear_ibuf [dreg:s8], $0x2FFFF;
	_ =	strace $0x9FFFFFFF  }
0xca: {  	(tm) =	ssettm $0x7FFFFFFF  }
0xcb: {  	_ =	shalt  }
tec
execute0_lowered:
.L_overlay_start_1:
0x0: {  	(tag) =	ssettag $0x1  }
0x1: {  	s0 =	rddreg [dreg:$0x0]  }
0x2: {  	s2 =	rddreg [dreg:$0x1]  }
0x3: {  	s1 =	srdreg.scid;
	s14 =	stileid.u32  }
0x4: {  	s3 =	rddreg [dreg:$0x2];
	s9 =	smul.u32 $0xA00, s14  }
0x5: {  	s4 =	sand.u32 $0x1, s1;
	s1 =	rddreg [dreg:$0x3];
	s7 =	sadd.s32 $0xF800, s0  }
0x6: {  	s6 =	smul.u32 $0x5000, s14;
	s10 =	sadd.s32 $0x5800, s0;
	s13 =	sadd.s32 s7, s9  }
0x7: {  	s15 =	sadd.s32 s10, s9;
	[dreg:$0x5] =	wrdreg s13  }
0x8: {  	s26 =	sshrl.u32 s6, $0x3;
	s23 =	sadd.s32 s2, s9;
	[dreg:$0x6] =	wrdreg s15  }
0x9: {  	s24 =	sadd.s32 s3, s9;
	s16 =	sadd.s32 $0x200, s26;
	[dreg:$0xf] =	wrdreg s23  }
0xa: {  	s5 =	ssub.s32 $0x2, s4;
	[dreg:$0x10] =	wrdreg s24;
	s11 =	sadd.s32 s7, s16  }
0xb: {  	s18 =	sadd.s32 $0x400, s26;
	s17 =	sadd.s32 s10, s16;
	[dreg:$0x7] =	wrdreg s11  }
0xc: {  	s8 =	sshrl.u32 s5, $0x1;
	s12 =	sadd.s32 s7, s18;
	[dreg:$0x8] =	wrdreg s17  }
0xd: {  	s20 =	sadd.s32 $0x600, s26;
	s19 =	sadd.s32 s10, s18;
	[dreg:$0x9] =	wrdreg s12  }
0xe: {  	s8 =	ssub.s32 s5, s8;
	s13 =	sadd.s32 s7, s20;
	[dreg:$0xa] =	wrdreg s19  }
0xf: {  	s5 =	sadd.s32 $0x800, s26;
	s21 =	sadd.s32 s10, s20;
	[dreg:$0xb] =	wrdreg s13  }
0x10: {  	s7 =	sadd.s32 s7, s5;
	[dreg:$0xc] =	wrdreg s21  }
0x11: {  	s22 =	sadd.s32 s10, s5;
	[dreg:$0xd] =	wrdreg s7  }
0x12: {  	s28 =	sadd.s32 $0xE1800, s0;
	s25 =	sadd.s32 s2, s16;
	[dreg:$0xe] =	wrdreg s22  }
0x13: {  	p0 =	sne.s32 s4, $0x0;
	s6 =	sadd.s32 s3, s16;
	[dreg:$0x11] =	wrdreg s25  }
0x14: {  	s24 =	sadd.s32 $0x41800, s0;
	s26 =	sadd.s32 s2, s18;
	[dreg:$0x12] =	wrdreg s6  }
0x15: {  	s23 =	sadd.s32 s3, s5;
	[dreg:$0x13] =	wrdreg s26;
	s17 =	sadd.s32 s3, s18  }
0x16: {  	s18 =	sadd.s32 s2, s20;
	s19 =	sadd.s32 s3, s20;
	s6 =	smul.u32 $0x50000, s14  }
0x17: {  	s21 =	sadd.s32 s2, s5;
	s22 =	simm.s32 $0x0;
	s7 =	smul.u32 $0x280, s14  }
0x18: {  	s25 =	sadd.s32 $0x19800, s0;
	s13 =	sadd.s32 $0xB9800, s0;
	[smem:$0x7FF] =	sst s22  }
0x19: {  	_ =	strace $0x8000004D;
	s2 =	sshrl.u32 s6, $0x2;
	s9 =	sadd.s32 $0x80, s7  }
0x1a: {  	s11 =	sadd.s32 $0x100, s7;
	s12 =	sadd.s32 $0x180, s7;
	s15 =	sadd.s32 $0x200, s7  }
0x1b: {  	s6 =	smax.u32 s8, $0x1;
	s7 =	smul.u32 $0x2800, s14;
	s8 =	simm.s32 $0x2000  }
0x1c: {  	s29 =	sadd.s32 s2, s1;
	s10 =	sshll.u32 s9, $0x7;
	s16 =	sshll.u32 s11, $0x7  }
.Ltmp0:
0x1d: {  	s20 =	sshll.u32 s12, $0x7;
	s26 =	sshll.u32 s15, $0x7;
	(pc) =	sbr.rel .LBB2_1-.Ltmp0, $4  }
0x1e: {  	s2 =	sshll.u32 s9, $0x4;
	s3 =	sshll.u32 s11, $0x4;
	s4 =	sshll.u32 s12, $0x4  }
0x1f: {  	s5 =	sshll.u32 s15, $0x4;
	s9 =	simm.s32 $0x1;
	s11 =	simm.s32 $0x80  }
0x20: {  	s12 =	simm.s32 $0x0;
	s30 =	sadd.s32 s10, s1;
	s31 =	sadd.s32 s16, s1  }
0x21: {  	v0 =	vimm.f32 $0.0e+00;
	s20 =	sadd.s32 s20, s1;
	s0 =	sadd.s32 s26, s1;
	s10 =	simm.s32 $0x1000  }
.LBB2_25:
0x22: {  	s14 =	sshra.s32 s26, $0x2;
	[sflag:s9] =	ssyncadd.s32 $0xFFFFC000  }
0x23: {  	[tilespmem:s8], [sflag:$0x1] =	stream.indirect.gather [hbm4b:s25+s11], $0x80, s14, s11, $0xb8;
	[tilespmem:$0x1A000] =	vst v63  }
0x24: {  	_ =	swait.ge [sflag:s9], $0x4000  }
0x25: {  	[sflag:s9] =	ssyncset.done $0x0  }
0x26: {  	s14 =	sadd.s32 $0x1000, s14;
	[sflag:s9] =	ssyncadd.s32 $0xFFFFC000  }
0x27: {  	[spmem:s1] =	stream.indirect.scatter.add.f32 [tilespmem:s8], [sflag:$0x1], $0x80, s14, s11, $0xb8;
	[tilespmem:$0x1A000] =	vst v63  }
0x28: {  	_ =	swait.ge [sflag:s9], $0x4000  }
0x29: {  	[sflag:s9] =	ssyncset.done $0x0  }
0x2a: {  	s26 =	smov.u32 s28;
	[sflag:s9] =	ssyncadd.s32 $0xFFFFC000  }
.LBB2_26:
0x2b: {  	[bflag:$0x0] =	sbarrier.arrive $0xFFFF  }
0x2c: {  	[tilespmem:s8], [sflag:$0x1] =	stream.linear.gather [spmem:s29], $0x4000, $0x38;
	[tilespmem:$0x1A000] =	vst v63  }
0x2d: {  	_ =	swait.ge [sflag:s9], $0x4000  }
0x2e: {  	[sflag:s9] =	ssyncset.done $0x0  }
0x2f: {  	s14 =	sadd.s32 s26, s7;
	[sflag:s9] =	ssyncadd.s32 $0xFFFFC000  }
0x30: {  	[hbm4b:s14+s22] =	stream.linear.scatter [tilespmem:s8], [sflag:$0x1], $0x4000, $0x38;
	[tilespmem:$0x1A000] =	vst v63  }
0x31: {  	_ =	swait.ge [sflag:s9], $0x4000  }
0x32: {  	[sflag:s9] =	ssyncset.done $0x0  }
0x33: {  	[sflag:s9] =	ssyncadd.s32 $0xFFFFC000  }
0x34: {  	[tilespmem:s8], [sflag:$0x1] =	stream.linear.gather [spmem:s30], $0x4000, $0x38;
	[tilespmem:$0x1A000] =	vst v63  }
0x35: {  	_ =	swait.ge [sflag:s9], $0x4000  }
0x36: {  	[sflag:s9] =	ssyncset.done $0x0  }
0x37: {  	s16 =	sadd.s32 s26, s2;
	[sflag:s9] =	ssyncadd.s32 $0xFFFFC000  }
0x38: {  	[hbm4b:s16+s22] =	stream.linear.scatter [tilespmem:s8], [sflag:$0x1], $0x4000, $0x38;
	[tilespmem:$0x1A000] =	vst v63  }
0x39: {  	_ =	swait.ge [sflag:s9], $0x4000  }
0x3a: {  	[sflag:s9] =	ssyncset.done $0x0  }
0x3b: {  	[sflag:s9] =	ssyncadd.s32 $0xFFFFC000  }
0x3c: {  	[tilespmem:s8], [sflag:$0x1] =	stream.linear.gather [spmem:s31], $0x4000, $0x38;
	[tilespmem:$0x1A000] =	vst v63  }
0x3d: {  	_ =	swait.ge [sflag:s9], $0x4000  }
0x3e: {  	[sflag:s9] =	ssyncset.done $0x0  }
0x3f: {  	s15 =	sadd.s32 s26, s3;
	[sflag:s9] =	ssyncadd.s32 $0xFFFFC000  }
0x40: {  	[hbm4b:s15+s22] =	stream.linear.scatter [tilespmem:s8], [sflag:$0x1], $0x4000, $0x38;
	[tilespmem:$0x1A000] =	vst v63  }
0x41: {  	_ =	swait.ge [sflag:s9], $0x4000  }
0x42: {  	[sflag:s9] =	ssyncset.done $0x0  }
0x43: {  	[sflag:s9] =	ssyncadd.s32 $0xFFFFC000  }
0x44: {  	[tilespmem:s8], [sflag:$0x1] =	stream.linear.gather [spmem:s20], $0x4000, $0x38;
	[tilespmem:$0x1A000] =	vst v63  }
0x45: {  	_ =	swait.ge [sflag:s9], $0x4000  }
0x46: {  	[sflag:s9] =	ssyncset.done $0x0  }
0x47: {  	s16 =	sadd.s32 s26, s4;
	[sflag:s9] =	ssyncadd.s32 $0xFFFFC000  }
0x48: {  	[hbm4b:s16+s22] =	stream.linear.scatter [tilespmem:s8], [sflag:$0x1], $0x4000, $0x38;
	[tilespmem:$0x1A000] =	vst v63  }
0x49: {  	_ =	swait.ge [sflag:s9], $0x4000  }
0x4a: {  	[sflag:s9] =	ssyncset.done $0x0  }
0x4b: {  	[sflag:s9] =	ssyncadd.s32 $0xFFFFC000  }
0x4c: {  	[tilespmem:s8], [sflag:$0x1] =	stream.linear.gather [spmem:s0], $0x4000, $0x38;
	[tilespmem:$0x1A000] =	vst v63  }
0x4d: {  	s12 =	sadd.s32 $0x1, s12;
	_ =	swait.ge [sflag:s9], $0x4000  }
0x4e: {  	p1 =	sne.s32 s12, s6;
	[sflag:s9] =	ssyncset.done $0x0  }
.Ltmp1:
0x4f: {  	s26 =	sadd.s32 s26, s5;
	[sflag:s9] =	ssyncadd.s32 $0xFFFFC000;
	(pc) =	sbr.rel @!p1 .LBB2_27-.Ltmp1, $4  }
0x50: {  	[hbm4b:s26+s22] =	stream.linear.scatter [tilespmem:s8], [sflag:$0x1], $0x4000, $0x38;
	[tilespmem:$0x1A000] =	vst v63  }
0x51: {  	_ =	swait.ge [sflag:s9], $0x4000  }
0x52: {  	[sflag:s9] =	ssyncset.done $0x0  }
0x53: {  	[sflag:s9] =	ssyncadd.s32 $0xFFFFC000  }
.LBB2_1:
0x54: {  	s26 =	simm.s32 $0x0;
	s14 =	simm.s32 $0x200  }
.LBB2_2:
0x55: {  	p1 =	sne.s32 s14, $0xFE00;
	[tilespmem:s26+$0x2070] =	vst v0  }
0x56: {  	[tilespmem:s26+$0x2000] =	vst v0  }
0x57: {  	[tilespmem:s26+$0x2010] =	vst v0  }
.Ltmp2:
0x58: {  	[tilespmem:s26+$0x2020] =	vst v0;
	(pc) =	sbr.rel @p1 .LBB2_2-.Ltmp2, $4  }
0x59: {  	[tilespmem:s26+$0x2030] =	vst v0  }
0x5a: {  	[tilespmem:s26+$0x2040] =	vst v0  }
0x5b: {  	[tilespmem:s26+$0x2050] =	vst v0  }
0x5c: {  	[tilespmem:s26+$0x2060] =	vst v0;
	s26 =	sshra.s32 s14, $0x2;
	s14 =	sadd.s32 $0x200, s14  }
0x5d: {  	[tilespmem:s26+$0x2070] =	vst v0  }
0x5e: {  	[tilespmem:s26+$0x2000] =	vst v0  }
0x5f: {  	[tilespmem:s26+$0x2010] =	vst v0  }
0x60: {  	[tilespmem:s26+$0x2020] =	vst v0  }
0x61: {  	[tilespmem:s26+$0x2030] =	vst v0  }
0x62: {  	[tilespmem:s26+$0x2040] =	vst v0  }
0x63: {  	[tilespmem:s26+$0x2050] =	vst v0  }
0x64: {  	[tilespmem:s26+$0x2060] =	vst v0  }
0x65: {  	[spmem:s29] =	stream.linear.scatter [tilespmem:s8], [sflag:$0x1], $0x4000, $0x38;
	[tilespmem:$0x1A000] =	vst v63  }
0x66: {  	_ =	swait.ge [sflag:s9], $0x4000  }
0x67: {  	[sflag:s9] =	ssyncset.done $0x0  }
0x68: {  	[sflag:s9] =	ssyncadd.s32 $0xFFFFC000  }
0x69: {  	[spmem:s30] =	stream.linear.scatter [tilespmem:s8], [sflag:$0x1], $0x4000, $0x38;
	[tilespmem:$0x1A000] =	vst v63  }
0x6a: {  	_ =	swait.ge [sflag:s9], $0x4000  }
0x6b: {  	[sflag:s9] =	ssyncset.done $0x0  }
0x6c: {  	[sflag:s9] =	ssyncadd.s32 $0xFFFFC000  }
0x6d: {  	[spmem:s31] =	stream.linear.scatter [tilespmem:s8], [sflag:$0x1], $0x4000, $0x38;
	[tilespmem:$0x1A000] =	vst v63  }
0x6e: {  	_ =	swait.ge [sflag:s9], $0x4000  }
0x6f: {  	[sflag:s9] =	ssyncset.done $0x0  }
0x70: {  	[sflag:s9] =	ssyncadd.s32 $0xFFFFC000  }
0x71: {  	[spmem:s20] =	stream.linear.scatter [tilespmem:s8], [sflag:$0x1], $0x4000, $0x38;
	[tilespmem:$0x1A000] =	vst v63  }
0x72: {  	_ =	swait.ge [sflag:s9], $0x4000  }
0x73: {  	[sflag:s9] =	ssyncset.done $0x0  }
0x74: {  	[sflag:s9] =	ssyncadd.s32 $0xFFFFC000  }
0x75: {  	[spmem:s0] =	stream.linear.scatter [tilespmem:s8], [sflag:$0x1], $0x4000, $0x38;
	[tilespmem:$0x1A000] =	vst v63  }
.Ltmp3:
0x76: {  	_ =	swait.ge [sflag:s9], $0x4000;
	(pc) =	sbr.rel @p0 .LBB2_15-.Ltmp3, $4  }
0x77: {  	[sflag:s9] =	ssyncset.done $0x0  }
0x78: {  	[sflag:s9] =	ssyncadd.s32 $0xFFFFC000  }
0x79: {  	[bflag:$0x0] =	sbarrier.arrive $0xFFFF  }
0x7a: {  	s14 =	simm.s32 $0x0  }
0x7b: {  	s15 =	rddreg [dreg:$0xf]  }
0x7c: {  	[tilespmem:s14], [sflag:$0x1] =	stream.linear.gather [hbm4b:s15+s14], $0x1000, $0x38;
	[tilespmem:$0x1A000] =	vst v63  }
0x7d: {  	_ =	swait.ge [sflag:s9], $0x1000  }
0x7e: {  	[sflag:s9] =	ssyncset.done $0x0  }
0x7f: {  	s26 =	rddreg [dreg:$0x10];
	[sflag:s9] =	ssyncadd.s32 $0xFFFFF000  }
0x80: {  	[tilespmem:s10], [sflag:$0x1] =	stream.linear.gather [hbm4b:s26+s14], $0x1000, $0x38;
	[tilespmem:$0x1A000] =	vst v63  }
0x81: {  	_ =	swait.ge [sflag:s9], $0x1000  }
0x82: {  	[sflag:s9] =	ssyncset.done $0x0  }
0x83: {  	s16 =	simm.s32 $0x0;
	[sflag:s9] =	ssyncadd.s32 $0xFFFFF000  }
0x84: {  	[tilespmem:s8], [sflag:$0x1] =	stream.indirect.gather [hbm4b:s24+s11], $0x80, s16, s11, $0xb8;
	[tilespmem:$0x1A000] =	vst v63  }
0x85: {  	_ =	swait.ge [sflag:s9], $0x4000  }
0x86: {  	[sflag:s9] =	ssyncset.done $0x0  }
0x87: {  	s26 =	simm.s32 $0x1000;
	[sflag:s9] =	ssyncadd.s32 $0xFFFFC000  }
0x88: {  	[spmem:s1] =	stream.indirect.scatter.add.f32 [tilespmem:s8], [sflag:$0x1], $0x80, s26, s11, $0xb8;
	[tilespmem:$0x1A000] =	vst v63  }
0x89: {  	_ =	swait.ge [sflag:s9], $0x4000  }
0x8a: {  	s14 =	simm.s32 $0x400;
	s26 =	simm.s32 $0x200;
	[sflag:s9] =	ssyncset.done $0x0  }
.LBB2_5:
0x8b: {  	s15 =	sshra.s32 s26, $0x2  }
0x8c: {  	[sflag:s9] =	ssyncadd.s32 $0xFFFFC000;
	s26 =	smov.u32 s14;
	s16 =	sadd.s32 $0x200, s14  }
0x8d: {  	[tilespmem:s8], [sflag:$0x1] =	stream.indirect.gather [hbm4b:s24+s11], $0x80, s15, s11, $0xb8;
	[tilespmem:$0x1A000] =	vst v63  }
0x8e: {  	p1 =	sne.s32 s14, $0x3E00;
	_ =	swait.ge [sflag:s9], $0x4000  }
.Ltmp4:
0x8f: {  	[sflag:s9] =	ssyncset.done $0x0;
	(pc) =	sbr.rel @p1 .LBB2_5-.Ltmp4, $4  }
0x90: {  	s14 =	sadd.s32 $0x1000, s15;
	[sflag:s9] =	ssyncadd.s32 $0xFFFFC000  }
0x91: {  	[spmem:s1] =	stream.indirect.scatter.add.f32 [tilespmem:s8], [sflag:$0x1], $0x80, s14, s11, $0xb8;
	[tilespmem:$0x1A000] =	vst v63  }
0x92: {  	_ =	swait.ge [sflag:s9], $0x4000  }
0x93: {  	s14 =	smov.u32 s16;
	[sflag:s9] =	ssyncset.done $0x0  }
0x94: {  	s14 =	sshra.s32 s26, $0x2;
	[sflag:s9] =	ssyncadd.s32 $0xFFFFC000  }
0x95: {  	[tilespmem:s8], [sflag:$0x1] =	stream.indirect.gather [hbm4b:s24+s11], $0x80, s14, s11, $0xb8;
	[tilespmem:$0x1A000] =	vst v63  }
0x96: {  	_ =	swait.ge [sflag:s9], $0x4000  }
0x97: {  	[sflag:s9] =	ssyncset.done $0x0  }
0x98: {  	s14 =	sadd.s32 $0x1000, s14;
	[sflag:s9] =	ssyncadd.s32 $0xFFFFC000  }
0x99: {  	[spmem:s1] =	stream.indirect.scatter.add.f32 [tilespmem:s8], [sflag:$0x1], $0x80, s14, s11, $0xb8;
	[tilespmem:$0x1A000] =	vst v63  }
0x9a: {  	_ =	swait.ge [sflag:s9], $0x4000  }
0x9b: {  	[sflag:s9] =	ssyncset.done $0x0  }
0x9c: {  	s16 =	simm.s32 $0x0;
	s15 =	rddreg [dreg:$0x11];
	[sflag:s9] =	ssyncadd.s32 $0xFFFFC000  }
0x9d: {  	[tilespmem:s16], [sflag:$0x1] =	stream.linear.gather [hbm4b:s15+s16], $0x1000, $0x38;
	[tilespmem:$0x1A000] =	vst v63  }
0x9e: {  	_ =	swait.ge [sflag:s9], $0x1000  }
0x9f: {  	[sflag:s9] =	ssyncset.done $0x0  }
0xa0: {  	s26 =	rddreg [dreg:$0x12];
	[sflag:s9] =	ssyncadd.s32 $0xFFFFF000  }
0xa1: {  	[tilespmem:s10], [sflag:$0x1] =	stream.linear.gather [hbm4b:s26+s16], $0x1000, $0x38;
	[tilespmem:$0x1A000] =	vst v63  }
0xa2: {  	_ =	swait.ge [sflag:s9], $0x1000  }
0xa3: {  	[sflag:s9] =	ssyncset.done $0x0  }
0xa4: {  	s16 =	simm.s32 $0x0;
	[sflag:s9] =	ssyncadd.s32 $0xFFFFF000  }
0xa5: {  	[tilespmem:s8], [sflag:$0x1] =	stream.indirect.gather [hbm4b:s24+s11], $0x80, s16, s11, $0xb8;
	[tilespmem:$0x1A000] =	vst v63  }
0xa6: {  	_ =	swait.ge [sflag:s9], $0x4000  }
0xa7: {  	[sflag:s9] =	ssyncset.done $0x0  }
0xa8: {  	s26 =	simm.s32 $0x1000;
	[sflag:s9] =	ssyncadd.s32 $0xFFFFC000  }
0xa9: {  	[spmem:s1] =	stream.indirect.scatter.add.f32 [tilespmem:s8], [sflag:$0x1], $0x80, s26, s11, $0xb8;
	[tilespmem:$0x1A000] =	vst v63  }
0xaa: {  	_ =	swait.ge [sflag:s9], $0x4000  }
0xab: {  	s14 =	simm.s32 $0x400;
	s26 =	simm.s32 $0x200;
	[sflag:s9] =	ssyncset.done $0x0  }
.LBB2_7:
0xac: {  	s15 =	sshra.s32 s26, $0x2  }
0xad: {  	[sflag:s9] =	ssyncadd.s32 $0xFFFFC000;
	s26 =	smov.u32 s14;
	s16 =	sadd.s32 $0x200, s14  }
0xae: {  	[tilespmem:s8], [sflag:$0x1] =	stream.indirect.gather [hbm4b:s24+s11], $0x80, s15, s11, $0xb8;
	[tilespmem:$0x1A000] =	vst v63  }
0xaf: {  	p1 =	sne.s32 s14, $0x3E00;
	_ =	swait.ge [sflag:s9], $0x4000  }
.Ltmp5:
0xb0: {  	[sflag:s9] =	ssyncset.done $0x0;
	(pc) =	sbr.rel @p1 .LBB2_7-.Ltmp5, $4  }
0xb1: {  	s14 =	sadd.s32 $0x1000, s15;
	[sflag:s9] =	ssyncadd.s32 $0xFFFFC000  }
0xb2: {  	[spmem:s1] =	stream.indirect.scatter.add.f32 [tilespmem:s8], [sflag:$0x1], $0x80, s14, s11, $0xb8;
	[tilespmem:$0x1A000] =	vst v63  }
0xb3: {  	_ =	swait.ge [sflag:s9], $0x4000  }
0xb4: {  	s14 =	smov.u32 s16;
	[sflag:s9] =	ssyncset.done $0x0  }
0xb5: {  	s14 =	sshra.s32 s26, $0x2;
	[sflag:s9] =	ssyncadd.s32 $0xFFFFC000  }
0xb6: {  	[tilespmem:s8], [sflag:$0x1] =	stream.indirect.gather [hbm4b:s24+s11], $0x80, s14, s11, $0xb8;
	[tilespmem:$0x1A000] =	vst v63  }
0xb7: {  	_ =	swait.ge [sflag:s9], $0x4000  }
0xb8: {  	[sflag:s9] =	ssyncset.done $0x0  }
0xb9: {  	s14 =	sadd.s32 $0x1000, s14;
	[sflag:s9] =	ssyncadd.s32 $0xFFFFC000  }
0xba: {  	[spmem:s1] =	stream.indirect.scatter.add.f32 [tilespmem:s8], [sflag:$0x1], $0x80, s14, s11, $0xb8;
	[tilespmem:$0x1A000] =	vst v63  }
0xbb: {  	_ =	swait.ge [sflag:s9], $0x4000  }
0xbc: {  	[sflag:s9] =	ssyncset.done $0x0  }
0xbd: {  	s26 =	simm.s32 $0x0;
	s15 =	rddreg [dreg:$0x13];
	[sflag:s9] =	ssyncadd.s32 $0xFFFFC000  }
0xbe: {  	[tilespmem:s26], [sflag:$0x1] =	stream.linear.gather [hbm4b:s15+s26], $0x1000, $0x38;
	[tilespmem:$0x1A000] =	vst v63  }
0xbf: {  	_ =	swait.ge [sflag:s9], $0x1000  }
0xc0: {  	[sflag:s9] =	ssyncset.done $0x0  }
0xc1: {  	[sflag:s9] =	ssyncadd.s32 $0xFFFFF000  }
0xc2: {  	[tilespmem:s10], [sflag:$0x1] =	stream.linear.gather [hbm4b:s17+s26], $0x1000, $0x38;
	[tilespmem:$0x1A000] =	vst v63  }
0xc3: {  	_ =	swait.ge [sflag:s9], $0x1000  }
0xc4: {  	[sflag:s9] =	ssyncset.done $0x0  }
0xc5: {  	s16 =	simm.s32 $0x0;
	[sflag:s9] =	ssyncadd.s32 $0xFFFFF000  }
0xc6: {  	[tilespmem:s8], [sflag:$0x1] =	stream.indirect.gather [hbm4b:s24+s11], $0x80, s16, s11, $0xb8;
	[tilespmem:$0x1A000] =	vst v63  }
0xc7: {  	_ =	swait.ge [sflag:s9], $0x4000  }
0xc8: {  	[sflag:s9] =	ssyncset.done $0x0  }
0xc9: {  	s26 =	simm.s32 $0x1000;
	[sflag:s9] =	ssyncadd.s32 $0xFFFFC000  }
0xca: {  	[spmem:s1] =	stream.indirect.scatter.add.f32 [tilespmem:s8], [sflag:$0x1], $0x80, s26, s11, $0xb8;
	[tilespmem:$0x1A000] =	vst v63  }
0xcb: {  	_ =	swait.ge [sflag:s9], $0x4000  }
0xcc: {  	s14 =	simm.s32 $0x400;
	s26 =	simm.s32 $0x200;
	[sflag:s9] =	ssyncset.done $0x0  }
.LBB2_9:
0xcd: {  	s15 =	sshra.s32 s26, $0x2  }
0xce: {  	[sflag:s9] =	ssyncadd.s32 $0xFFFFC000;
	s26 =	smov.u32 s14;
	s16 =	sadd.s32 $0x200, s14  }
0xcf: {  	[tilespmem:s8], [sflag:$0x1] =	stream.indirect.gather [hbm4b:s24+s11], $0x80, s15, s11, $0xb8;
	[tilespmem:$0x1A000] =	vst v63  }
0xd0: {  	p1 =	sne.s32 s14, $0x3E00;
	_ =	swait.ge [sflag:s9], $0x4000  }
.Ltmp6:
0xd1: {  	[sflag:s9] =	ssyncset.done $0x0;
	(pc) =	sbr.rel @p1 .LBB2_9-.Ltmp6, $4  }
0xd2: {  	s14 =	sadd.s32 $0x1000, s15;
	[sflag:s9] =	ssyncadd.s32 $0xFFFFC000  }
0xd3: {  	[spmem:s1] =	stream.indirect.scatter.add.f32 [tilespmem:s8], [sflag:$0x1], $0x80, s14, s11, $0xb8;
	[tilespmem:$0x1A000] =	vst v63  }
0xd4: {  	_ =	swait.ge [sflag:s9], $0x4000  }
0xd5: {  	s14 =	smov.u32 s16;
	[sflag:s9] =	ssyncset.done $0x0  }
0xd6: {  	s14 =	sshra.s32 s26, $0x2;
	[sflag:s9] =	ssyncadd.s32 $0xFFFFC000  }
0xd7: {  	[tilespmem:s8], [sflag:$0x1] =	stream.indirect.gather [hbm4b:s24+s11], $0x80, s14, s11, $0xb8;
	[tilespmem:$0x1A000] =	vst v63  }
0xd8: {  	_ =	swait.ge [sflag:s9], $0x4000  }
0xd9: {  	[sflag:s9] =	ssyncset.done $0x0  }
0xda: {  	s14 =	sadd.s32 $0x1000, s14;
	[sflag:s9] =	ssyncadd.s32 $0xFFFFC000  }
0xdb: {  	[spmem:s1] =	stream.indirect.scatter.add.f32 [tilespmem:s8], [sflag:$0x1], $0x80, s14, s11, $0xb8;
	[tilespmem:$0x1A000] =	vst v63  }
0xdc: {  	_ =	swait.ge [sflag:s9], $0x4000  }
0xdd: {  	[sflag:s9] =	ssyncset.done $0x0  }
0xde: {  	s15 =	simm.s32 $0x0;
	[sflag:s9] =	ssyncadd.s32 $0xFFFFC000  }
0xdf: {  	[tilespmem:s15], [sflag:$0x1] =	stream.linear.gather [hbm4b:s18+s15], $0x1000, $0x38;
	[tilespmem:$0x1A000] =	vst v63  }
0xe0: {  	_ =	swait.ge [sflag:s9], $0x1000  }
0xe1: {  	[sflag:s9] =	ssyncset.done $0x0  }
0xe2: {  	[sflag:s9] =	ssyncadd.s32 $0xFFFFF000  }
0xe3: {  	[tilespmem:s10], [sflag:$0x1] =	stream.linear.gather [hbm4b:s19+s15], $0x1000, $0x38;
	[tilespmem:$0x1A000] =	vst v63  }
0xe4: {  	_ =	swait.ge [sflag:s9], $0x1000  }
0xe5: {  	[sflag:s9] =	ssyncset.done $0x0  }
0xe6: {  	s16 =	simm.s32 $0x0;
	[sflag:s9] =	ssyncadd.s32 $0xFFFFF000  }
0xe7: {  	[tilespmem:s8], [sflag:$0x1] =	stream.indirect.gather [hbm4b:s24+s11], $0x80, s16, s11, $0xb8;
	[tilespmem:$0x1A000] =	vst v63  }
0xe8: {  	_ =	swait.ge [sflag:s9], $0x4000  }
0xe9: {  	[sflag:s9] =	ssyncset.done $0x0  }
0xea: {  	s26 =	simm.s32 $0x1000;
	[sflag:s9] =	ssyncadd.s32 $0xFFFFC000  }
0xeb: {  	[spmem:s1] =	stream.indirect.scatter.add.f32 [tilespmem:s8], [sflag:$0x1], $0x80, s26, s11, $0xb8;
	[tilespmem:$0x1A000] =	vst v63  }
0xec: {  	_ =	swait.ge [sflag:s9], $0x4000  }
0xed: {  	s14 =	simm.s32 $0x400;
	s26 =	simm.s32 $0x200;
	[sflag:s9] =	ssyncset.done $0x0  }
.LBB2_11:
0xee: {  	s15 =	sshra.s32 s26, $0x2  }
0xef: {  	[sflag:s9] =	ssyncadd.s32 $0xFFFFC000;
	s26 =	smov.u32 s14;
	s16 =	sadd.s32 $0x200, s14  }
0xf0: {  	[tilespmem:s8], [sflag:$0x1] =	stream.indirect.gather [hbm4b:s24+s11], $0x80, s15, s11, $0xb8;
	[tilespmem:$0x1A000] =	vst v63  }
0xf1: {  	p1 =	sne.s32 s14, $0x3E00;
	_ =	swait.ge [sflag:s9], $0x4000  }
.Ltmp7:
0xf2: {  	[sflag:s9] =	ssyncset.done $0x0;
	(pc) =	sbr.rel @p1 .LBB2_11-.Ltmp7, $4  }
0xf3: {  	s14 =	sadd.s32 $0x1000, s15;
	[sflag:s9] =	ssyncadd.s32 $0xFFFFC000  }
0xf4: {  	[spmem:s1] =	stream.indirect.scatter.add.f32 [tilespmem:s8], [sflag:$0x1], $0x80, s14, s11, $0xb8;
	[tilespmem:$0x1A000] =	vst v63  }
0xf5: {  	_ =	swait.ge [sflag:s9], $0x4000  }
0xf6: {  	s14 =	smov.u32 s16;
	[sflag:s9] =	ssyncset.done $0x0  }
0xf7: {  	s14 =	sshra.s32 s26, $0x2;
	[sflag:s9] =	ssyncadd.s32 $0xFFFFC000  }
0xf8: {  	[tilespmem:s8], [sflag:$0x1] =	stream.indirect.gather [hbm4b:s24+s11], $0x80, s14, s11, $0xb8;
	[tilespmem:$0x1A000] =	vst v63  }
0xf9: {  	_ =	swait.ge [sflag:s9], $0x4000  }
0xfa: {  	[sflag:s9] =	ssyncset.done $0x0  }
0xfb: {  	s14 =	sadd.s32 $0x1000, s14;
	[sflag:s9] =	ssyncadd.s32 $0xFFFFC000  }
0xfc: {  	[spmem:s1] =	stream.indirect.scatter.add.f32 [tilespmem:s8], [sflag:$0x1], $0x80, s14, s11, $0xb8;
	[tilespmem:$0x1A000] =	vst v63  }
0xfd: {  	_ =	swait.ge [sflag:s9], $0x4000  }
0xfe: {  	[sflag:s9] =	ssyncset.done $0x0  }
0xff: {  	s15 =	simm.s32 $0x0;
	[sflag:s9] =	ssyncadd.s32 $0xFFFFC000  }
0x100: {  	[tilespmem:s15], [sflag:$0x1] =	stream.linear.gather [hbm4b:s21+s15], $0x1000, $0x38;
	[tilespmem:$0x1A000] =	vst v63  }
0x101: {  	_ =	swait.ge [sflag:s9], $0x1000  }
0x102: {  	[sflag:s9] =	ssyncset.done $0x0  }
0x103: {  	[sflag:s9] =	ssyncadd.s32 $0xFFFFF000  }
0x104: {  	[tilespmem:s10], [sflag:$0x1] =	stream.linear.gather [hbm4b:s23+s15], $0x1000, $0x38;
	[tilespmem:$0x1A000] =	vst v63  }
0x105: {  	_ =	swait.ge [sflag:s9], $0x1000  }
0x106: {  	[sflag:s9] =	ssyncset.done $0x0  }
0x107: {  	s16 =	simm.s32 $0x0;
	[sflag:s9] =	ssyncadd.s32 $0xFFFFF000  }
0x108: {  	[tilespmem:s8], [sflag:$0x1] =	stream.indirect.gather [hbm4b:s24+s11], $0x80, s16, s11, $0xb8;
	[tilespmem:$0x1A000] =	vst v63  }
0x109: {  	_ =	swait.ge [sflag:s9], $0x4000  }
0x10a: {  	[sflag:s9] =	ssyncset.done $0x0  }
0x10b: {  	s26 =	simm.s32 $0x1000;
	[sflag:s9] =	ssyncadd.s32 $0xFFFFC000  }
0x10c: {  	[spmem:s1] =	stream.indirect.scatter.add.f32 [tilespmem:s8], [sflag:$0x1], $0x80, s26, s11, $0xb8;
	[tilespmem:$0x1A000] =	vst v63  }
0x10d: {  	_ =	swait.ge [sflag:s9], $0x4000  }
0x10e: {  	s14 =	simm.s32 $0x400;
	s26 =	simm.s32 $0x200;
	[sflag:s9] =	ssyncset.done $0x0  }
.LBB2_13:
0x10f: {  	s15 =	sshra.s32 s26, $0x2  }
0x110: {  	[sflag:s9] =	ssyncadd.s32 $0xFFFFC000;
	s26 =	smov.u32 s14;
	s16 =	sadd.s32 $0x200, s14  }
0x111: {  	[tilespmem:s8], [sflag:$0x1] =	stream.indirect.gather [hbm4b:s24+s11], $0x80, s15, s11, $0xb8;
	[tilespmem:$0x1A000] =	vst v63  }
0x112: {  	p1 =	seq.s32 s14, $0x3E00;
	_ =	swait.ge [sflag:s9], $0x4000  }
.Ltmp8:
0x113: {  	[sflag:s9] =	ssyncset.done $0x0;
	(pc) =	sbr.rel @!p1 .LBB2_13-.Ltmp8, $4  }
0x114: {  	s14 =	sadd.s32 $0x1000, s15;
	[sflag:s9] =	ssyncadd.s32 $0xFFFFC000  }
0x115: {  	[spmem:s1] =	stream.indirect.scatter.add.f32 [tilespmem:s8], [sflag:$0x1], $0x80, s14, s11, $0xb8;
	[tilespmem:$0x1A000] =	vst v63  }
0x116: {  	_ =	swait.ge [sflag:s9], $0x4000  }
0x117: {  	s14 =	smov.u32 s16;
	[sflag:s9] =	ssyncset.done $0x0  }
0x118: {  	s14 =	sshra.s32 s26, $0x2;
	[sflag:s9] =	ssyncadd.s32 $0xFFFFC000  }
0x119: {  	[tilespmem:s8], [sflag:$0x1] =	stream.indirect.gather [hbm4b:s24+s11], $0x80, s14, s11, $0xb8;
	[tilespmem:$0x1A000] =	vst v63  }
0x11a: {  	_ =	swait.ge [sflag:s9], $0x4000  }
0x11b: {  	[sflag:s9] =	ssyncset.done $0x0  }
.Ltmp9:
0x11c: {  	s14 =	sadd.s32 $0x1000, s14;
	[sflag:s9] =	ssyncadd.s32 $0xFFFFC000;
	(pc) =	sbr.rel .LBB2_26-.Ltmp9, $4  }
0x11d: {  	[spmem:s1] =	stream.indirect.scatter.add.f32 [tilespmem:s8], [sflag:$0x1], $0x80, s14, s11, $0xb8;
	[tilespmem:$0x1A000] =	vst v63  }
0x11e: {  	_ =	swait.ge [sflag:s9], $0x4000  }
0x11f: {  	[sflag:s9] =	ssyncset.done $0x0  }
0x120: {  	s26 =	smov.u32 s13;
	[sflag:s9] =	ssyncadd.s32 $0xFFFFC000  }
.LBB2_15:
0x121: {  	s15 =	rddreg [dreg:$0x5]  }
0x122: {  	[tilespmem:s14], [sflag:$0x1] =	stream.linear.gather [hbm4b:s15+s14], $0x1000, $0x38;
	[tilespmem:$0x1A000] =	vst v63  }
0x123: {  	_ =	swait.ge [sflag:s9], $0x1000  }
0x124: {  	[sflag:s9] =	ssyncset.done $0x0  }
0x125: {  	s26 =	rddreg [dreg:$0x6];
	[sflag:s9] =	ssyncadd.s32 $0xFFFFF000  }
0x126: {  	[tilespmem:s10], [sflag:$0x1] =	stream.linear.gather [hbm4b:s26+s14], $0x1000, $0x38;
	[tilespmem:$0x1A000] =	vst v63  }
0x127: {  	_ =	swait.ge [sflag:s9], $0x1000  }
0x128: {  	[sflag:s9] =	ssyncset.done $0x0  }
0x129: {  	s16 =	simm.s32 $0x0;
	[sflag:s9] =	ssyncadd.s32 $0xFFFFF000  }
0x12a: {  	[tilespmem:s8], [sflag:$0x1] =	stream.indirect.gather [hbm4b:s25+s11], $0x80, s16, s11, $0xb8;
	[tilespmem:$0x1A000] =	vst v63  }
0x12b: {  	_ =	swait.ge [sflag:s9], $0x4000  }
0x12c: {  	[sflag:s9] =	ssyncset.done $0x0  }
0x12d: {  	s26 =	simm.s32 $0x1000;
	[sflag:s9] =	ssyncadd.s32 $0xFFFFC000  }
0x12e: {  	[spmem:s1] =	stream.indirect.scatter.add.f32 [tilespmem:s8], [sflag:$0x1], $0x80, s26, s11, $0xb8;
	[tilespmem:$0x1A000] =	vst v63  }
0x12f: {  	_ =	swait.ge [sflag:s9], $0x4000  }
0x130: {  	s14 =	simm.s32 $0x400;
	s26 =	simm.s32 $0x200;
	[sflag:s9] =	ssyncset.done $0x0  }
.LBB2_16:
0x131: {  	s15 =	sshra.s32 s26, $0x2  }
0x132: {  	[sflag:s9] =	ssyncadd.s32 $0xFFFFC000;
	s26 =	smov.u32 s14;
	s16 =	sadd.s32 $0x200, s14  }
0x133: {  	[tilespmem:s8], [sflag:$0x1] =	stream.indirect.gather [hbm4b:s25+s11], $0x80, s15, s11, $0xb8;
	[tilespmem:$0x1A000] =	vst v63  }
0x134: {  	p1 =	sne.s32 s14, $0x3E00;
	_ =	swait.ge [sflag:s9], $0x4000  }
.Ltmp10:
0x135: {  	[sflag:s9] =	ssyncset.done $0x0;
	(pc) =	sbr.rel @p1 .LBB2_16-.Ltmp10, $4  }
0x136: {  	s14 =	sadd.s32 $0x1000, s15;
	[sflag:s9] =	ssyncadd.s32 $0xFFFFC000  }
0x137: {  	[spmem:s1] =	stream.indirect.scatter.add.f32 [tilespmem:s8], [sflag:$0x1], $0x80, s14, s11, $0xb8;
	[tilespmem:$0x1A000] =	vst v63  }
0x138: {  	_ =	swait.ge [sflag:s9], $0x4000  }
0x139: {  	s14 =	smov.u32 s16;
	[sflag:s9] =	ssyncset.done $0x0  }
0x13a: {  	s14 =	sshra.s32 s26, $0x2;
	[sflag:s9] =	ssyncadd.s32 $0xFFFFC000  }
0x13b: {  	[tilespmem:s8], [sflag:$0x1] =	stream.indirect.gather [hbm4b:s25+s11], $0x80, s14, s11, $0xb8;
	[tilespmem:$0x1A000] =	vst v63  }
0x13c: {  	_ =	swait.ge [sflag:s9], $0x4000  }
0x13d: {  	[sflag:s9] =	ssyncset.done $0x0  }
0x13e: {  	s14 =	sadd.s32 $0x1000, s14;
	[sflag:s9] =	ssyncadd.s32 $0xFFFFC000  }
0x13f: {  	[spmem:s1] =	stream.indirect.scatter.add.f32 [tilespmem:s8], [sflag:$0x1], $0x80, s14, s11, $0xb8;
	[tilespmem:$0x1A000] =	vst v63  }
0x140: {  	_ =	swait.ge [sflag:s9], $0x4000  }
0x141: {  	[sflag:s9] =	ssyncset.done $0x0  }
0x142: {  	s16 =	simm.s32 $0x0;
	s15 =	rddreg [dreg:$0x7];
	[sflag:s9] =	ssyncadd.s32 $0xFFFFC000  }
0x143: {  	[tilespmem:s16], [sflag:$0x1] =	stream.linear.gather [hbm4b:s15+s16], $0x1000, $0x38;
	[tilespmem:$0x1A000] =	vst v63  }
0x144: {  	_ =	swait.ge [sflag:s9], $0x1000  }
0x145: {  	[sflag:s9] =	ssyncset.done $0x0  }
0x146: {  	s26 =	rddreg [dreg:$0x8];
	[sflag:s9] =	ssyncadd.s32 $0xFFFFF000  }
0x147: {  	[tilespmem:s10], [sflag:$0x1] =	stream.linear.gather [hbm4b:s26+s16], $0x1000, $0x38;
	[tilespmem:$0x1A000] =	vst v63  }
0x148: {  	_ =	swait.ge [sflag:s9], $0x1000  }
0x149: {  	[sflag:s9] =	ssyncset.done $0x0  }
0x14a: {  	s16 =	simm.s32 $0x0;
	[sflag:s9] =	ssyncadd.s32 $0xFFFFF000  }
0x14b: {  	[tilespmem:s8], [sflag:$0x1] =	stream.indirect.gather [hbm4b:s25+s11], $0x80, s16, s11, $0xb8;
	[tilespmem:$0x1A000] =	vst v63  }
0x14c: {  	_ =	swait.ge [sflag:s9], $0x4000  }
0x14d: {  	[sflag:s9] =	ssyncset.done $0x0  }
0x14e: {  	s26 =	simm.s32 $0x1000;
	[sflag:s9] =	ssyncadd.s32 $0xFFFFC000  }
0x14f: {  	[spmem:s1] =	stream.indirect.scatter.add.f32 [tilespmem:s8], [sflag:$0x1], $0x80, s26, s11, $0xb8;
	[tilespmem:$0x1A000] =	vst v63  }
0x150: {  	_ =	swait.ge [sflag:s9], $0x4000  }
0x151: {  	s14 =	simm.s32 $0x400;
	s26 =	simm.s32 $0x200;
	[sflag:s9] =	ssyncset.done $0x0  }
.LBB2_18:
0x152: {  	s15 =	sshra.s32 s26, $0x2  }
0x153: {  	[sflag:s9] =	ssyncadd.s32 $0xFFFFC000;
	s26 =	smov.u32 s14;
	s16 =	sadd.s32 $0x200, s14  }
0x154: {  	[tilespmem:s8], [sflag:$0x1] =	stream.indirect.gather [hbm4b:s25+s11], $0x80, s15, s11, $0xb8;
	[tilespmem:$0x1A000] =	vst v63  }
0x155: {  	p1 =	sne.s32 s14, $0x3E00;
	_ =	swait.ge [sflag:s9], $0x4000  }
.Ltmp11:
0x156: {  	[sflag:s9] =	ssyncset.done $0x0;
	(pc) =	sbr.rel @p1 .LBB2_18-.Ltmp11, $4  }
0x157: {  	s14 =	sadd.s32 $0x1000, s15;
	[sflag:s9] =	ssyncadd.s32 $0xFFFFC000  }
0x158: {  	[spmem:s1] =	stream.indirect.scatter.add.f32 [tilespmem:s8], [sflag:$0x1], $0x80, s14, s11, $0xb8;
	[tilespmem:$0x1A000] =	vst v63  }
0x159: {  	_ =	swait.ge [sflag:s9], $0x4000  }
0x15a: {  	s14 =	smov.u32 s16;
	[sflag:s9] =	ssyncset.done $0x0  }
0x15b: {  	s14 =	sshra.s32 s26, $0x2;
	[sflag:s9] =	ssyncadd.s32 $0xFFFFC000  }
0x15c: {  	[tilespmem:s8], [sflag:$0x1] =	stream.indirect.gather [hbm4b:s25+s11], $0x80, s14, s11, $0xb8;
	[tilespmem:$0x1A000] =	vst v63  }
0x15d: {  	_ =	swait.ge [sflag:s9], $0x4000  }
0x15e: {  	[sflag:s9] =	ssyncset.done $0x0  }
0x15f: {  	s14 =	sadd.s32 $0x1000, s14;
	[sflag:s9] =	ssyncadd.s32 $0xFFFFC000  }
0x160: {  	[spmem:s1] =	stream.indirect.scatter.add.f32 [tilespmem:s8], [sflag:$0x1], $0x80, s14, s11, $0xb8;
	[tilespmem:$0x1A000] =	vst v63  }
0x161: {  	_ =	swait.ge [sflag:s9], $0x4000  }
0x162: {  	[sflag:s9] =	ssyncset.done $0x0  }
0x163: {  	s16 =	simm.s32 $0x0;
	s15 =	rddreg [dreg:$0x9];
	[sflag:s9] =	ssyncadd.s32 $0xFFFFC000  }
0x164: {  	[tilespmem:s16], [sflag:$0x1] =	stream.linear.gather [hbm4b:s15+s16], $0x1000, $0x38;
	[tilespmem:$0x1A000] =	vst v63  }
0x165: {  	_ =	swait.ge [sflag:s9], $0x1000  }
0x166: {  	[sflag:s9] =	ssyncset.done $0x0  }
0x167: {  	s26 =	rddreg [dreg:$0xa];
	[sflag:s9] =	ssyncadd.s32 $0xFFFFF000  }
0x168: {  	[tilespmem:s10], [sflag:$0x1] =	stream.linear.gather [hbm4b:s26+s16], $0x1000, $0x38;
	[tilespmem:$0x1A000] =	vst v63  }
0x169: {  	_ =	swait.ge [sflag:s9], $0x1000  }
0x16a: {  	[sflag:s9] =	ssyncset.done $0x0  }
0x16b: {  	s16 =	simm.s32 $0x0;
	[sflag:s9] =	ssyncadd.s32 $0xFFFFF000  }
0x16c: {  	[tilespmem:s8], [sflag:$0x1] =	stream.indirect.gather [hbm4b:s25+s11], $0x80, s16, s11, $0xb8;
	[tilespmem:$0x1A000] =	vst v63  }
0x16d: {  	_ =	swait.ge [sflag:s9], $0x4000  }
0x16e: {  	[sflag:s9] =	ssyncset.done $0x0  }
0x16f: {  	s26 =	simm.s32 $0x1000;
	[sflag:s9] =	ssyncadd.s32 $0xFFFFC000  }
0x170: {  	[spmem:s1] =	stream.indirect.scatter.add.f32 [tilespmem:s8], [sflag:$0x1], $0x80, s26, s11, $0xb8;
	[tilespmem:$0x1A000] =	vst v63  }
0x171: {  	_ =	swait.ge [sflag:s9], $0x4000  }
0x172: {  	s14 =	simm.s32 $0x400;
	s26 =	simm.s32 $0x200;
	[sflag:s9] =	ssyncset.done $0x0  }
.LBB2_20:
0x173: {  	s15 =	sshra.s32 s26, $0x2  }
0x174: {  	[sflag:s9] =	ssyncadd.s32 $0xFFFFC000;
	s26 =	smov.u32 s14;
	s16 =	sadd.s32 $0x200, s14  }
0x175: {  	[tilespmem:s8], [sflag:$0x1] =	stream.indirect.gather [hbm4b:s25+s11], $0x80, s15, s11, $0xb8;
	[tilespmem:$0x1A000] =	vst v63  }
0x176: {  	p1 =	sne.s32 s14, $0x3E00;
	_ =	swait.ge [sflag:s9], $0x4000  }
.Ltmp12:
0x177: {  	[sflag:s9] =	ssyncset.done $0x0;
	(pc) =	sbr.rel @p1 .LBB2_20-.Ltmp12, $4  }
0x178: {  	s14 =	sadd.s32 $0x1000, s15;
	[sflag:s9] =	ssyncadd.s32 $0xFFFFC000  }
0x179: {  	[spmem:s1] =	stream.indirect.scatter.add.f32 [tilespmem:s8], [sflag:$0x1], $0x80, s14, s11, $0xb8;
	[tilespmem:$0x1A000] =	vst v63  }
0x17a: {  	_ =	swait.ge [sflag:s9], $0x4000  }
0x17b: {  	s14 =	smov.u32 s16;
	[sflag:s9] =	ssyncset.done $0x0  }
0x17c: {  	s14 =	sshra.s32 s26, $0x2;
	[sflag:s9] =	ssyncadd.s32 $0xFFFFC000  }
0x17d: {  	[tilespmem:s8], [sflag:$0x1] =	stream.indirect.gather [hbm4b:s25+s11], $0x80, s14, s11, $0xb8;
	[tilespmem:$0x1A000] =	vst v63  }
0x17e: {  	_ =	swait.ge [sflag:s9], $0x4000  }
0x17f: {  	[sflag:s9] =	ssyncset.done $0x0  }
0x180: {  	s14 =	sadd.s32 $0x1000, s14;
	[sflag:s9] =	ssyncadd.s32 $0xFFFFC000  }
0x181: {  	[spmem:s1] =	stream.indirect.scatter.add.f32 [tilespmem:s8], [sflag:$0x1], $0x80, s14, s11, $0xb8;
	[tilespmem:$0x1A000] =	vst v63  }
0x182: {  	_ =	swait.ge [sflag:s9], $0x4000  }
0x183: {  	[sflag:s9] =	ssyncset.done $0x0  }
0x184: {  	s16 =	simm.s32 $0x0;
	s15 =	rddreg [dreg:$0xb];
	[sflag:s9] =	ssyncadd.s32 $0xFFFFC000  }
0x185: {  	[tilespmem:s16], [sflag:$0x1] =	stream.linear.gather [hbm4b:s15+s16], $0x1000, $0x38;
	[tilespmem:$0x1A000] =	vst v63  }
0x186: {  	_ =	swait.ge [sflag:s9], $0x1000  }
0x187: {  	[sflag:s9] =	ssyncset.done $0x0  }
0x188: {  	s26 =	rddreg [dreg:$0xc];
	[sflag:s9] =	ssyncadd.s32 $0xFFFFF000  }
0x189: {  	[tilespmem:s10], [sflag:$0x1] =	stream.linear.gather [hbm4b:s26+s16], $0x1000, $0x38;
	[tilespmem:$0x1A000] =	vst v63  }
0x18a: {  	_ =	swait.ge [sflag:s9], $0x1000  }
0x18b: {  	[sflag:s9] =	ssyncset.done $0x0  }
0x18c: {  	s16 =	simm.s32 $0x0;
	[sflag:s9] =	ssyncadd.s32 $0xFFFFF000  }
0x18d: {  	[tilespmem:s8], [sflag:$0x1] =	stream.indirect.gather [hbm4b:s25+s11], $0x80, s16, s11, $0xb8;
	[tilespmem:$0x1A000] =	vst v63  }
0x18e: {  	_ =	swait.ge [sflag:s9], $0x4000  }
0x18f: {  	[sflag:s9] =	ssyncset.done $0x0  }
0x190: {  	s26 =	simm.s32 $0x1000;
	[sflag:s9] =	ssyncadd.s32 $0xFFFFC000  }
0x191: {  	[spmem:s1] =	stream.indirect.scatter.add.f32 [tilespmem:s8], [sflag:$0x1], $0x80, s26, s11, $0xb8;
	[tilespmem:$0x1A000] =	vst v63  }
0x192: {  	_ =	swait.ge [sflag:s9], $0x4000  }
0x193: {  	s14 =	simm.s32 $0x400;
	s26 =	simm.s32 $0x200;
	[sflag:s9] =	ssyncset.done $0x0  }
.LBB2_22:
0x194: {  	s15 =	sshra.s32 s26, $0x2  }
0x195: {  	[sflag:s9] =	ssyncadd.s32 $0xFFFFC000;
	s26 =	smov.u32 s14;
	s16 =	sadd.s32 $0x200, s14  }
0x196: {  	[tilespmem:s8], [sflag:$0x1] =	stream.indirect.gather [hbm4b:s25+s11], $0x80, s15, s11, $0xb8;
	[tilespmem:$0x1A000] =	vst v63  }
0x197: {  	p1 =	sne.s32 s14, $0x3E00;
	_ =	swait.ge [sflag:s9], $0x4000  }
.Ltmp13:
0x198: {  	[sflag:s9] =	ssyncset.done $0x0;
	(pc) =	sbr.rel @p1 .LBB2_22-.Ltmp13, $4  }
0x199: {  	s14 =	sadd.s32 $0x1000, s15;
	[sflag:s9] =	ssyncadd.s32 $0xFFFFC000  }
0x19a: {  	[spmem:s1] =	stream.indirect.scatter.add.f32 [tilespmem:s8], [sflag:$0x1], $0x80, s14, s11, $0xb8;
	[tilespmem:$0x1A000] =	vst v63  }
0x19b: {  	_ =	swait.ge [sflag:s9], $0x4000  }
0x19c: {  	s14 =	smov.u32 s16;
	[sflag:s9] =	ssyncset.done $0x0  }
0x19d: {  	s14 =	sshra.s32 s26, $0x2;
	[sflag:s9] =	ssyncadd.s32 $0xFFFFC000  }
0x19e: {  	[tilespmem:s8], [sflag:$0x1] =	stream.indirect.gather [hbm4b:s25+s11], $0x80, s14, s11, $0xb8;
	[tilespmem:$0x1A000] =	vst v63  }
0x19f: {  	_ =	swait.ge [sflag:s9], $0x4000  }
0x1a0: {  	[sflag:s9] =	ssyncset.done $0x0  }
0x1a1: {  	s14 =	sadd.s32 $0x1000, s14;
	[sflag:s9] =	ssyncadd.s32 $0xFFFFC000  }
0x1a2: {  	[spmem:s1] =	stream.indirect.scatter.add.f32 [tilespmem:s8], [sflag:$0x1], $0x80, s14, s11, $0xb8;
	[tilespmem:$0x1A000] =	vst v63  }
0x1a3: {  	_ =	swait.ge [sflag:s9], $0x4000  }
0x1a4: {  	[sflag:s9] =	ssyncset.done $0x0  }
0x1a5: {  	s16 =	simm.s32 $0x0;
	s15 =	rddreg [dreg:$0xd];
	[sflag:s9] =	ssyncadd.s32 $0xFFFFC000  }
0x1a6: {  	[tilespmem:s16], [sflag:$0x1] =	stream.linear.gather [hbm4b:s15+s16], $0x1000, $0x38;
	[tilespmem:$0x1A000] =	vst v63  }
0x1a7: {  	_ =	swait.ge [sflag:s9], $0x1000  }
0x1a8: {  	[sflag:s9] =	ssyncset.done $0x0  }
0x1a9: {  	s26 =	rddreg [dreg:$0xe];
	[sflag:s9] =	ssyncadd.s32 $0xFFFFF000  }
0x1aa: {  	[tilespmem:s10], [sflag:$0x1] =	stream.linear.gather [hbm4b:s26+s16], $0x1000, $0x38;
	[tilespmem:$0x1A000] =	vst v63  }
0x1ab: {  	_ =	swait.ge [sflag:s9], $0x1000  }
0x1ac: {  	[sflag:s9] =	ssyncset.done $0x0  }
0x1ad: {  	s16 =	simm.s32 $0x0;
	[sflag:s9] =	ssyncadd.s32 $0xFFFFF000  }
0x1ae: {  	[tilespmem:s8], [sflag:$0x1] =	stream.indirect.gather [hbm4b:s25+s11], $0x80, s16, s11, $0xb8;
	[tilespmem:$0x1A000] =	vst v63  }
0x1af: {  	_ =	swait.ge [sflag:s9], $0x4000  }
0x1b0: {  	[sflag:s9] =	ssyncset.done $0x0  }
0x1b1: {  	s26 =	simm.s32 $0x1000;
	[sflag:s9] =	ssyncadd.s32 $0xFFFFC000  }
0x1b2: {  	[spmem:s1] =	stream.indirect.scatter.add.f32 [tilespmem:s8], [sflag:$0x1], $0x80, s26, s11, $0xb8;
	[tilespmem:$0x1A000] =	vst v63  }
0x1b3: {  	_ =	swait.ge [sflag:s9], $0x4000  }
0x1b4: {  	s14 =	simm.s32 $0x400;
	s26 =	simm.s32 $0x200;
	[sflag:s9] =	ssyncset.done $0x0  }
.LBB2_24:
0x1b5: {  	s15 =	sshra.s32 s26, $0x2  }
0x1b6: {  	[sflag:s9] =	ssyncadd.s32 $0xFFFFC000;
	s26 =	smov.u32 s14;
	s16 =	sadd.s32 $0x200, s14  }
0x1b7: {  	[tilespmem:s8], [sflag:$0x1] =	stream.indirect.gather [hbm4b:s25+s11], $0x80, s15, s11, $0xb8;
	[tilespmem:$0x1A000] =	vst v63  }
0x1b8: {  	p1 =	sne.s32 s14, $0x3E00;
	_ =	swait.ge [sflag:s9], $0x4000  }
.Ltmp14:
0x1b9: {  	[sflag:s9] =	ssyncset.done $0x0;
	(pc) =	sbr.rel @p1 .LBB2_24-.Ltmp14, $4  }
0x1ba: {  	s14 =	sadd.s32 $0x1000, s15;
	[sflag:s9] =	ssyncadd.s32 $0xFFFFC000  }
0x1bb: {  	[spmem:s1] =	stream.indirect.scatter.add.f32 [tilespmem:s8], [sflag:$0x1], $0x80, s14, s11, $0xb8;
	[tilespmem:$0x1A000] =	vst v63  }
0x1bc: {  	_ =	swait.ge [sflag:s9], $0x4000  }
0x1bd: {  	s14 =	smov.u32 s16;
	[sflag:s9] =	ssyncset.done $0x0  }
.Ltmp15:
0x1be: {  	_ = 	snop;
	(pc) =	sbr.rel .LBB2_25-.Ltmp15, $1  }
0x1bf: {  	_ =	sdelay $0x3  }
.LBB2_27:
0x1c0: {  	_ =	sfence.sel $0x180000  }
0x1c1: {  	[bflag:$0x0] =	sbarrier.arrive $0xFFFF  }
0x1c2: {  	_ =	strace $0x9000004D  }
0x1c3: {  	s0 =	stileid.u32;
	[bflag:$0x2] =	sbarrier.arrive $0xFFFF  }
0x1c4: {  	p0 =	sne.s32 s0, $0x0;
	s0 =	rddreg [dreg:$0x4]  }
0x1c5: {  	s0 =	sadd.s32 @!p0 $0x100000, s0  }
0x1c6: {  	[sflag:s0] =	ssyncadd.tile.s32 @!p0 $0x1;
	_ =	shalt  }
.Lfunc_end2:
_tile_overlayer_lowered:
.L_overlay_start_2:
0x1c7: {  	(tag) =	ssettag $0x2  }
0x1c8: {  	s0 =	rddreg [dreg:$0x0];
	s2 =	stileid.u32  }
0x1c9: {  	s1 =	rddreg [dreg:$0x1];
	p0 =	sne.s32 s2, $0x0  }
0x1ca: {  	s3 =	rddreg [dreg:$0x2];
	[bflag:$0x3] =	sbarrier.arrive $0xFFFF;
	s2 =	simm.s32 @!p0 $0x1C01  }
0x1cb: {  	[timem:s3], [sflag:s2] =	dma.local @!p0 [hbm:s0], s1  }
0x1cc: {  	s0 =	simm.s32 @!p0 $0x1  }
0x1cd: {  	_ =	swait.ge @!p0 [sflag:s0], s1  }
0x1ce: {  	s1 =	ssub.s32 @!p0 $0x0, s1;
	[sflag:s0] =	ssyncset.done @!p0 $0x0  }
0x1cf: {  	[sflag:s0] =	ssyncadd.s32 @!p0 s1  }
0x1d0: {  	[bflag:$0x3] =	sbarrier.arrive $0xFFFF  }
0x1d1: {  	_ =	shalt  }

// kernel: kernel.9.cloned.1.call-start
scs
__scs_entry_jumppad:
0x0: {  	(pc) =	sbr.rel $0x88, $3  }
0x1: {  	(tag) =	ssettag $0x0;
	lr =	simm.s32 $0x1  }
0x2: {  	[smem:$0x3F91] =	sst lr;
	_ =	strace $0xD0000000  }
0x3: {  	_ = 	snop  }
0x4: {  	_ = 	snop  }
0x5: {  	_ = 	snop  }
0x6: {  	_ = 	snop  }
0x7: {  	_ = 	snop  }
__scs_overlays_trampoline_lowered:
0x8: {  	[smem:$0x3FA0] =	sst s0  }
0x9: {  	[smem:$0x3FA1] =	sst s1  }
0xa: {  	[smem:$0x3FA2] =	sst s2  }
0xb: {  	[smem:$0x3FA3] =	sst s3  }
0xc: {  	[smem:$0x3FA4] =	sst s4  }
0xd: {  	[smem:$0x3FA5] =	sst s5  }
0xe: {  	[smem:$0x3FA6] =	sst s6  }
0xf: {  	[smem:$0x3FA7] =	sst s7  }
0x10: {  	[smem:$0x3FA8] =	sst s8  }
0x11: {  	[smem:$0x3FA9] =	sst s9;
	s0 =	simm.s32 @!p0 $0x0  }
0x12: {  	s1 =	sld [smem:$0x3F8F];
	s0 =	simm.s32 @p0 $0x1  }
0x13: {  	[smem:$0x3FAA] =	sst s0;
	s0 =	simm.s32 @!p1 $0x0  }
0x14: {  	s2 =	sld [smem:$0x3F8E];
	s0 =	simm.s32 @p1 $0x1  }
0x15: {  	[smem:$0x3FAB] =	sst s0;
	s0 =	simm.s32 @!p2 $0x0  }
0x16: {  	s3 =	sld [smem:$0x3FDB];
	s0 =	simm.s32 @p2 $0x1  }
0x17: {  	s4 =	simm.s32 $0x1BF5;
	[smem:$0x3FAD] =	sst s0  }
0x18: {  	s0 =	sld [smem:$0x3F90];
	_ =	swait.ge [sflag:s4], $0x0  }
0x19: {  	s7 =	sld [smem:$0x3F91]  }
0x1a: {  	s8 =	sadd.s32 $0xFFFFE003, lr  }
0x1b: {  	s9 =	sadd.s32 $0xFFFFFEF7, lr;
	s5 =	simm.s32 $0xFFFFFFFF;
	p2 =	slt.u32 s8, $0xFFFFF086  }
0x1c: {  	p1 =	slt.u32 s9, $0xF7A;
	s5 =	simm.s32 @!p2 $0x0  }
0x1d: {  	s5 =	simm.s32 @p1 $0x1;
	p0 =	seq.s32 s7, s2  }
0x1e: {  	s7 =	smul.u32 @!p0 $0xF7A, s2;
	p2 =	seq.s32 @!p0 s5, $0x0  }
0x1f: {  	s9 =	smul.u32 $0xF7A, s1;
	s8 =	simm.s32 @!p0 $0x1BF5;
	p2 =	por !p2, p0  }
0x20: {  	[sflag:s8] =	ssyncset.s32 @!p0 $0xFFFFF086;
	s6 =	sadd.s32 @!p0 s3, s7;
	s7 =	simm.s32 @!p0 $0x108  }
0x21: {  	s3 =	sadd.s32 s3, s9;
	s6 =	sadd.s32 @!p0 $0x88, s6;
	s7 =	simm.s32 @p2 $0x1082  }
0x22: {  	[simem:s7], [sflag:s8] =	dma.local @!p0 [hbm:s6], $0xF7A  }
0x23: {  	s9 =	sor.u32 $0xD0000000, s2;
	s6 =	simm.s32 $0x108;
	_ =	swait.ge @!p0 [sflag:s8], $0x0  }
0x24: {  	s3 =	sadd.s32 $0x88, s3;
	s6 =	simm.s32 @!p1 $0x1082;
	[sflag:s4] =	ssyncset.s32 $0xFFFFF086  }
0x25: {  	[simem:s6], [sflag:s4] =	dma.local [hbm:s3], $0xF7A  }
0x26: {  	[smem:$0x3F91] =	sst s1;
	(tag) =	ssettag s2;
	_ =	strace s9  }
0x27: {  	s1 =	sld [smem:$0x3FA1]  }
0x28: {  	s2 =	sld [smem:$0x3FA2]  }
0x29: {  	s4 =	sld [smem:$0x3FA4]  }
0x2a: {  	p0 =	seq.s32 s5, $0x0;
	s5 =	sld [smem:$0x3FA5]  }
0x2b: {  	s6 =	sld [smem:$0x3FA6]  }
0x2c: {  	s7 =	sld [smem:$0x3FA7]  }
0x2d: {  	s3 =	simm.s32 $0x108;
	s8 =	sld [smem:$0x3FA8]  }
0x2e: {  	s3 =	simm.s32 @!p0 $0x1082;
	s9 =	sld [smem:$0x3FA9]  }
0x2f: {  	lr =	sadd.s32 s0, s3;
	s0 =	sld [smem:$0x3FA0]  }
0x30: {  	s3 =	sld [smem:$0x3FA3]  }
0x31: {  	[smem:$0x3FAC] =	sst s10  }
0x32: {  	s10 =	sld [smem:$0x3FAA];
	_ =	sdelay $0x3  }
0x33: {  	p0 =	seq.s32 s10, $0x1;
	s10 =	sld [smem:$0x3FAC];
	_ =	sdelay $0x3  }
0x34: {  	[smem:$0x3FAC] =	sst s10  }
0x35: {  	s10 =	sld [smem:$0x3FAB];
	_ =	sdelay $0x3  }
0x36: {  	p1 =	seq.s32 s10, $0x1;
	s10 =	sld [smem:$0x3FAC];
	_ =	sdelay $0x3  }
0x37: {  	[smem:$0x3FAC] =	sst s10  }
0x38: {  	s10 =	sld [smem:$0x3FAD]  }
0x39: {  	_ = 	snop;
	(pc) =	sbr.ind lr, $3  }
0x3a: {  	_ = 	snop  }
0x3b: {  	_ = 	snop  }
0x3c: {  	p2 =	seq.s32 s10, $0x1;
	s10 =	sld [smem:$0x3FAC]  }
0x3d: {  	_ =	shalt  }
0x3e: {  	_ =	shalt  }
0x3f: {  	_ =	shalt  }
0x40: {  	_ =	shalt  }
0x41: {  	_ =	shalt  }
0x42: {  	_ =	shalt  }
0x43: {  	_ =	shalt  }
0x44: {  	_ =	shalt  }
0x45: {  	_ =	shalt  }
0x46: {  	_ =	shalt  }
0x47: {  	_ =	shalt  }
0x48: {  	_ =	shalt  }
0x49: {  	_ =	shalt  }
0x4a: {  	_ =	shalt  }
0x4b: {  	_ =	shalt  }
0x4c: {  	_ =	shalt  }
0x4d: {  	_ =	shalt  }
0x4e: {  	_ =	shalt  }
0x4f: {  	_ =	shalt  }
0x50: {  	_ =	shalt  }
0x51: {  	_ =	shalt  }
0x52: {  	_ =	shalt  }
0x53: {  	_ =	shalt  }
0x54: {  	_ =	shalt  }
0x55: {  	_ =	shalt  }
0x56: {  	_ =	shalt  }
0x57: {  	_ =	shalt  }
0x58: {  	_ =	shalt  }
0x59: {  	_ =	shalt  }
0x5a: {  	_ =	shalt  }
0x5b: {  	_ =	shalt  }
0x5c: {  	_ =	shalt  }
0x5d: {  	_ =	shalt  }
0x5e: {  	_ =	shalt  }
0x5f: {  	_ =	shalt  }
0x60: {  	_ =	shalt  }
0x61: {  	_ =	shalt  }
0x62: {  	_ =	shalt  }
0x63: {  	_ =	shalt  }
0x64: {  	_ =	shalt  }
0x65: {  	_ =	shalt  }
0x66: {  	_ =	shalt  }
0x67: {  	_ =	shalt  }
0x68: {  	_ =	shalt  }
0x69: {  	_ =	shalt  }
0x6a: {  	_ =	shalt  }
0x6b: {  	_ =	shalt  }
0x6c: {  	_ =	shalt  }
0x6d: {  	_ =	shalt  }
0x6e: {  	_ =	shalt  }
0x6f: {  	_ =	shalt  }
0x70: {  	_ =	shalt  }
0x71: {  	_ =	shalt  }
0x72: {  	_ =	shalt  }
0x73: {  	_ =	shalt  }
0x74: {  	_ =	shalt  }
0x75: {  	_ =	shalt  }
0x76: {  	_ =	shalt  }
0x77: {  	_ =	shalt  }
0x78: {  	_ =	shalt  }
0x79: {  	_ =	shalt  }
0x7a: {  	_ =	shalt  }
0x7b: {  	_ =	shalt  }
0x7c: {  	_ =	shalt  }
0x7d: {  	_ =	shalt  }
0x7e: {  	_ =	shalt  }
0x7f: {  	_ =	shalt  }
0x80: {  	_ =	shalt  }
0x81: {  	_ =	shalt  }
0x82: {  	_ =	shalt  }
0x83: {  	_ =	shalt  }
0x84: {  	_ =	shalt  }
0x85: {  	_ =	shalt  }
0x86: {  	_ =	shalt  }
0x87: {  	_ =	shalt  }
.Lfunc_end0:
.L_simem_size_0:
called_computation_lowered:
.L_overlay_start_0:
0x88: {  	s2 =	sld [smem:$0x3FD9]  }
0x89: {  	s3 =	sld [smem:$0x3FFE];
	_ =	sdelay $0x1  }
0x8a: {  	s1 =	srdreg.scid  }
0x8b: {  	s0 =	sand.u32 $0x1, s1  }
0x8c: {  	s15 =	sshll.u32 s0, $0xA;
	s2 =	sadd.s32 s3, s2  }
0x8d: {  	s2 =	sadd.s32 s2, s15  }
0x8e: {  	[smem:$0x3FB8] =	sst s2  }
0x8f: {  	_ = 	snop  }
0x90: {  	s2 =	sld [smem:$0x3FD0];
	_ =	sdelay $0x2  }
0x91: {  	s16 =	simm.s32 $0xB;
	s4 =	simm.s32 $0x10  }
0x92: {  	[smem:s4], [sflag:s16] =	dma.local [hbm:s2], $0x1  }
0x93: {  	_ =	swait.eq [sflag:s16], $0x1  }
0x94: {  	[sflag:s16] =	ssyncset.done $0x0  }
0x95: {  	[sflag:s16] =	ssyncadd.s32 $0xFFFFFFFF  }
0x96: {  	s17 =	sld [smem:$0x11];
	(tm) =	ssettm $0x1  }
0x97: {  	s18 =	sld [smem:$0x3FFB];
	_ =	sdelay $0x3  }
0x98: {  	_ =	strace s18  }
0x99: {  	s2 =	sld [smem:$0x3FFC];
	_ =	sdelay $0x3  }
0x9a: {  	_ =	strace s2  }
0x9b: {  	s2 =	sld [smem:$0x3FFD];
	_ =	sdelay $0x3  }
0x9c: {  	_ =	strace s2  }
0x9d: {  	_ =	strace $0x8FFFFFFF  }
0x9e: {  	s19 =	sld [smem:$0x3FDB];
	_ =	sdelay $0x1  }
0x9f: {  	s20 =	simm.s32 $_scs_section_size  }
0xa0: {  	s5 =	simm.s32 $_size__tile_overlayer_lowered;
	s6 =	simm.s32 $_tile_overlayer_lowered  }
0xa1: {  	s7 =	simm.s32 $0x1BFF;
	s21 =	sshll.u32 s6, $0x1;
	s4 =	sadd.s32 s20, s19  }
0xa2: {  	s22 =	simm.s32 $0x0;
	s5 =	sshll.u32 s5, $0x1;
	s6 =	sadd.s32 s21, s4  }
0xa3: {  	[timem:s22], [sflag:s7] =	dma.local [hbm:s6], s5  }
0xa4: {  	_ =	swait.ge [sflag:s7], s5  }
0xa5: {  	s5 =	ssub.s32 $0x0, s5;
	[sflag:s7] =	ssyncset.done $0x0  }
0xa6: {  	[sflag:s7] =	ssyncadd.s32 s5;
	_ =	sdelay $0x1  }
0xa7: {  	s23 =	simm.s32 $0x1B8B  }
0xa8: {  	_ =	swait.ge [sflag:s23], $0x1  }
0xa9: {  	[sflag:s23] =	ssyncset.done $0x0  }
0xaa: {  	[sflag:s23] =	ssyncadd.s32 $0xFFFFFFFF  }
0xab: {  	s5 =	sld [smem:$0x0]  }
0xac: {  	s6 =	sand.u32 $0xFFFFFFFE, s1  }
0xad: {  	p0 =	sne.s32 s1, s6  }
0xae: {  	s6 =	sshll.u32 @p0 s6, $0xE  }
0xaf: {  	s6 =	sadd.s32 @p0 $0x11B8D, s6;
	s7 =	sshll.u32 @p0 s5, $0x11  }
0xb0: {  	s6 =	sor.u32 @p0 s7, s6  }
0xb1: {  	[sflag:s6] =	ssyncadd.remote.s32 @p0 $0x1;
	_ =	sdelay $0x1  }
0xb2: {  	s6 =	simm.s32 @p0 $0x1B8D  }
0xb3: {  	_ =	swait.eq @p0 [sflag:s6], $0x1  }
0xb4: {  	[sflag:s6] =	ssyncadd.s32 @p0 $0xFFFFFFFF  }
0xb5: {  	s7 =	sshll.u32 @!p0 s1, $0xE  }
0xb6: {  	s7 =	sor.u32 @!p0 $0x4000, s7;
	s6 =	simm.s32 @!p0 $0x1B8D  }
0xb7: {  	s5 =	sshll.u32 @!p0 s5, $0x11;
	s7 =	sadd.s32 @!p0 $0x11B8D, s7;
	_ =	swait.eq @!p0 [sflag:s6], $0x1  }
0xb8: {  	s5 =	sor.u32 @!p0 s5, s7;
	[sflag:s6] =	ssyncadd.s32 @!p0 $0xFFFFFFFF  }
0xb9: {  	s25 =	simm.s32 $0x1B8E;
	s24 =	sld [smem:$0x3FFE];
	[sflag:s5] =	ssyncadd.remote.s32 @!p0 $0x1  }
0xba: {  	s26 =	simm.s32 $execute0_lowered;
	[smem:$0x3FD2] =	sst s25  }
0xbb: {  	s6 =	sshll.u32 s26, $0x1;
	_ =	strace $0x80000049;
	[dreg:$0x1] =	wrdreg $0xFFFFFFFF  }
0xbc: {  	s28 =	simm.s32 $_size_execute0_lowered;
	s4 =	sadd.s32 s4, s6;
	[dreg:$0x0] =	wrdreg $0x0  }
0xbd: {  	s6 =	sshll.u32 s28, $0x1;
	[dreg:$0x2] =	wrdreg s4  }
0xbe: {  	[dreg:$0x3] =	wrdreg s6  }
0xbf: {  	[dreg:$0x4] =	wrdreg $0xC0  }
0xc0: {  	_ =	task [dreg:s22], $0x5FFFF  }
0xc1: {  	[dreg:$0x1] =	wrdreg $0xFFFFFFFF  }
0xc2: {  	[dreg:$0x0] =	wrdreg $0x60  }
0xc3: {  	[dreg:$0x2] =	wrdreg s17  }
0xc4: {  	[dreg:$0x3] =	wrdreg s24  }
0xc5: {  	[dreg:$0x4] =	wrdreg $0x50000  }
0xc6: {  	[dreg:$0x5] =	wrdreg $0x9  }
0xc7: {  	_ =	task.clear_ibuf [dreg:s22], $0x6FFFF;
	_ =	strace $0x90000049  }
0xc8: {  	s29 =	simm.s32 $0x9;
	_ =	strace $0x8000004B  }
0xc9: {  	_ =	swait.ge [sflag:s29], $0x1  }
0xca: {  	[sflag:s29] =	ssyncadd.s32 $0xFFFFFFFF  }
0xcb: {  	_ =	strace $0x9000004B  }
0xcc: {  	_ =	sfence  }
0xcd: {  	s30 =	sld [smem:$0x0];
	_ =	sdelay $0x2  }
0xce: {  	s31 =	sshll.u32 s1, $0xD;
	s1 =	sshrl.u32 s1, $0x2  }
0xcf: {  	s4 =	sand.u32 $0x4000, s31;
	s1 =	sadd.s32 s1, s30  }
0xd0: {  	s0 =	sor.u32 s4, s0;
	s1 =	sshll.u32 s1, $0x11  }
0xd1: {  	s0 =	sor.u32 s1, s0  }
0xd2: {  	s0 =	sadd.s32 $0x8F2B, s0  }
0xd3: {  	[sflag:s0] =	ssyncadd.remote.s32 $0x1  }
0xd4: {  	_ =	sfence.sel $0xFFFF  }
0xd5: {  	[dreg:$0x0] =	wrdreg $0xFFFFFFFF;
	(pc) =	sbr.abs _section_cstart, $3  }
0xd6: {  	[dreg:$0x1] =	wrdreg $0xFFFFFFFF  }
0xd7: {  	_ =	task.clear_ibuf [dreg:s22], $0x2FFFF;
	_ =	strace $0x9FFFFFFF  }
0xd8: {  	(tm) =	ssettm $0x7FFFFFFF  }
0xd9: {  	_ =	shalt  }
tec
execute0_lowered:
.L_overlay_start_1:
0x0: {  	(tag) =	ssettag $0x1  }
0x1: {  	s2 =	rddreg [dreg:$0x0]  }
0x2: {  	s4 =	rddreg [dreg:$0x1]  }
0x3: {  	s1 =	rddreg [dreg:$0x2]  }
0x4: {  	s3 =	simm.s32 $0x0;
	s0 =	srdreg.scid;
	s26 =	stileid.u32  }
0x5: {  	s28 =	simm.s32 $0x1000;
	s29 =	simm.s32 $0x1;
	s6 =	smul.u32 $0x50000, s26  }
0x6: {  	s30 =	simm.s32 $0x80;
	s31 =	simm.s32 $0x0;
	s9 =	smul.u32 $0x280, s26  }
0x7: {  	[smem:$0x7FF] =	sst s3;
	s13 =	sadd.s32 $0x5800, s4;
	s10 =	smul.u32 $0x5000, s26  }
0x8: {  	s19 =	sand.u32 $0x1, s0;
	s0 =	sadd.s32 $0x69800, s4;
	s14 =	smul.u32 $0xA00, s26  }
0x9: {  	s5 =	sadd.s32 $0x91800, s4;
	s26 =	smul.u32 $0x2800, s26;
	s7 =	ssub.s32 $0x2, s19  }
0xa: {  	_ =	strace $0x8000004A;
	p0 =	sne.s32 s19, $0x0;
	s17 =	sshrl.u32 s7, $0x1  }
0xb: {  	s6 =	sshrl.u32 s6, $0x2;
	s21 =	sadd.s32 $0x80, s9;
	s22 =	sadd.s32 $0x100, s9  }
0xc: {  	s23 =	sadd.s32 $0x180, s9;
	s15 =	sshrl.u32 s10, $0x3;
	s24 =	sadd.s32 $0x200, s9  }
0xd: {  	s9 =	sadd.s32 s13, s14;
	s14 =	sadd.s32 s2, s14;
	s4 =	ssub.s32 s7, s17  }
0xe: {  	s6 =	sadd.s32 s6, s1;
	s18 =	sshll.u32 s21, $0x7;
	s8 =	sshll.u32 s22, $0x7  }
0xf: {  	s16 =	sadd.s32 $0x200, s15;
	s17 =	sadd.s32 $0x400, s15;
	s20 =	sadd.s32 $0x800, s15  }
0x10: {  	s25 =	sshll.u32 s24, $0x7;
	s21 =	sshll.u32 s21, $0x4;
	s22 =	sshll.u32 s22, $0x4  }
0x11: {  	s24 =	sshll.u32 s24, $0x4;
	s7 =	sadd.s32 s18, s1;
	s8 =	sadd.s32 s8, s1  }
.Ltmp0:
0x12: {  	s10 =	sadd.s32 s13, s16;
	s18 =	sadd.s32 $0x600, s15;
	(pc) =	sbr.rel .LBB2_1-.Ltmp0, $4  }
0x13: {  	s11 =	sadd.s32 s13, s17;
	s15 =	sadd.s32 s2, s16;
	s16 =	sadd.s32 s2, s17  }
0x14: {  	s12 =	sadd.s32 s13, s18;
	s13 =	sadd.s32 s13, s20;
	s17 =	sadd.s32 s2, s18  }
0x15: {  	s18 =	sadd.s32 s2, s20;
	s20 =	sshll.u32 s23, $0x7;
	s23 =	sshll.u32 s23, $0x4  }
0x16: {  	v0 =	vimm.f32 $0.0e+00;
	v1 =	vimm.f32 $1.000000000e+00;
	s19 =	sadd.s32 s20, s1;
	s20 =	sadd.s32 s25, s1;
	s25 =	smax.u32 s4, $0x1  }
.LBB2_27:
0x17: {  	[sflag:s29] =	ssyncadd.s32 $0xFFFFC000;
	s4 =	smov.u32 s5  }
.LBB2_28:
0x18: {  	[bflag:$0x0] =	sbarrier.arrive $0xFFFF  }
0x19: {  	[tilespmem:s28], [sflag:$0x1] =	stream.linear.gather [spmem:s6], $0x4000, $0x38;
	[tilespmem:$0x19000] =	vst v63  }
0x1a: {  	_ =	swait.ge [sflag:s29], $0x4000  }
0x1b: {  	[sflag:s29] =	ssyncset.done $0x0  }
0x1c: {  	s2 =	sadd.s32 s4, s26;
	[sflag:s29] =	ssyncadd.s32 $0xFFFFC000  }
0x1d: {  	[hbm4b:s2+s3] =	stream.linear.scatter [tilespmem:s28], [sflag:$0x1], $0x4000, $0x38;
	[tilespmem:$0x19000] =	vst v63  }
0x1e: {  	_ =	swait.ge [sflag:s29], $0x4000  }
0x1f: {  	[sflag:s29] =	ssyncset.done $0x0  }
0x20: {  	[sflag:s29] =	ssyncadd.s32 $0xFFFFC000  }
0x21: {  	[tilespmem:s28], [sflag:$0x1] =	stream.linear.gather [spmem:s7], $0x4000, $0x38;
	[tilespmem:$0x19000] =	vst v63  }
0x22: {  	_ =	swait.ge [sflag:s29], $0x4000  }
0x23: {  	[sflag:s29] =	ssyncset.done $0x0  }
0x24: {  	s2 =	sadd.s32 s4, s21;
	[sflag:s29] =	ssyncadd.s32 $0xFFFFC000  }
0x25: {  	[hbm4b:s2+s3] =	stream.linear.scatter [tilespmem:s28], [sflag:$0x1], $0x4000, $0x38;
	[tilespmem:$0x19000] =	vst v63  }
0x26: {  	_ =	swait.ge [sflag:s29], $0x4000  }
0x27: {  	[sflag:s29] =	ssyncset.done $0x0  }
0x28: {  	[sflag:s29] =	ssyncadd.s32 $0xFFFFC000  }
0x29: {  	[tilespmem:s28], [sflag:$0x1] =	stream.linear.gather [spmem:s8], $0x4000, $0x38;
	[tilespmem:$0x19000] =	vst v63  }
0x2a: {  	_ =	swait.ge [sflag:s29], $0x4000  }
0x2b: {  	[sflag:s29] =	ssyncset.done $0x0  }
0x2c: {  	s2 =	sadd.s32 s4, s22;
	[sflag:s29] =	ssyncadd.s32 $0xFFFFC000  }
0x2d: {  	[hbm4b:s2+s3] =	stream.linear.scatter [tilespmem:s28], [sflag:$0x1], $0x4000, $0x38;
	[tilespmem:$0x19000] =	vst v63  }
0x2e: {  	_ =	swait.ge [sflag:s29], $0x4000  }
0x2f: {  	[sflag:s29] =	ssyncset.done $0x0  }
0x30: {  	[sflag:s29] =	ssyncadd.s32 $0xFFFFC000  }
0x31: {  	[tilespmem:s28], [sflag:$0x1] =	stream.linear.gather [spmem:s19], $0x4000, $0x38;
	[tilespmem:$0x19000] =	vst v63  }
0x32: {  	_ =	swait.ge [sflag:s29], $0x4000  }
0x33: {  	[sflag:s29] =	ssyncset.done $0x0  }
0x34: {  	s2 =	sadd.s32 s4, s23;
	[sflag:s29] =	ssyncadd.s32 $0xFFFFC000  }
0x35: {  	[hbm4b:s2+s3] =	stream.linear.scatter [tilespmem:s28], [sflag:$0x1], $0x4000, $0x38;
	[tilespmem:$0x19000] =	vst v63  }
0x36: {  	_ =	swait.ge [sflag:s29], $0x4000  }
0x37: {  	[sflag:s29] =	ssyncset.done $0x0  }
0x38: {  	[sflag:s29] =	ssyncadd.s32 $0xFFFFC000  }
0x39: {  	[tilespmem:s28], [sflag:$0x1] =	stream.linear.gather [spmem:s20], $0x4000, $0x38;
	[tilespmem:$0x19000] =	vst v63  }
0x3a: {  	s31 =	sadd.s32 $0x1, s31;
	_ =	swait.ge [sflag:s29], $0x4000  }
0x3b: {  	p1 =	sne.s32 s31, s25;
	[sflag:s29] =	ssyncset.done $0x0  }
.Ltmp1:
0x3c: {  	s4 =	sadd.s32 s4, s24;
	[sflag:s29] =	ssyncadd.s32 $0xFFFFC000;
	(pc) =	sbr.rel @!p1 .LBB2_29-.Ltmp1, $4  }
0x3d: {  	[hbm4b:s4+s3] =	stream.linear.scatter [tilespmem:s28], [sflag:$0x1], $0x4000, $0x38;
	[tilespmem:$0x19000] =	vst v63  }
0x3e: {  	_ =	swait.ge [sflag:s29], $0x4000  }
0x3f: {  	[sflag:s29] =	ssyncset.done $0x0  }
0x40: {  	[sflag:s29] =	ssyncadd.s32 $0xFFFFC000  }
.LBB2_1:
0x41: {  	s4 =	simm.s32 $0x0;
	s2 =	simm.s32 $0x200  }
.LBB2_2:
0x42: {  	p1 =	sne.s32 s2, $0xFE00;
	[tilespmem:s4+$0x1070] =	vst v0  }
0x43: {  	[tilespmem:s4+$0x1000] =	vst v0  }
0x44: {  	[tilespmem:s4+$0x1010] =	vst v0  }
.Ltmp2:
0x45: {  	[tilespmem:s4+$0x1020] =	vst v0;
	(pc) =	sbr.rel @p1 .LBB2_2-.Ltmp2, $4  }
0x46: {  	[tilespmem:s4+$0x1030] =	vst v0  }
0x47: {  	[tilespmem:s4+$0x1040] =	vst v0  }
0x48: {  	[tilespmem:s4+$0x1050] =	vst v0  }
0x49: {  	[tilespmem:s4+$0x1060] =	vst v0;
	s4 =	sshra.s32 s2, $0x2;
	s2 =	sadd.s32 $0x200, s2  }
0x4a: {  	[tilespmem:s4+$0x1070] =	vst v0  }
0x4b: {  	[tilespmem:s4+$0x1000] =	vst v0  }
0x4c: {  	[tilespmem:s4+$0x1010] =	vst v0  }
0x4d: {  	[tilespmem:s4+$0x1020] =	vst v0  }
0x4e: {  	[tilespmem:s4+$0x1030] =	vst v0  }
0x4f: {  	[tilespmem:s4+$0x1040] =	vst v0  }
0x50: {  	[tilespmem:s4+$0x1050] =	vst v0  }
0x51: {  	[tilespmem:s4+$0x1060] =	vst v0  }
0x52: {  	[spmem:s6] =	stream.linear.scatter [tilespmem:s28], [sflag:$0x1], $0x4000, $0x38;
	[tilespmem:$0x19000] =	vst v63  }
0x53: {  	_ =	swait.ge [sflag:s29], $0x4000  }
0x54: {  	[sflag:s29] =	ssyncset.done $0x0  }
0x55: {  	[sflag:s29] =	ssyncadd.s32 $0xFFFFC000  }
0x56: {  	[spmem:s7] =	stream.linear.scatter [tilespmem:s28], [sflag:$0x1], $0x4000, $0x38;
	[tilespmem:$0x19000] =	vst v63  }
0x57: {  	_ =	swait.ge [sflag:s29], $0x4000  }
0x58: {  	[sflag:s29] =	ssyncset.done $0x0  }
0x59: {  	[sflag:s29] =	ssyncadd.s32 $0xFFFFC000  }
0x5a: {  	[spmem:s8] =	stream.linear.scatter [tilespmem:s28], [sflag:$0x1], $0x4000, $0x38;
	[tilespmem:$0x19000] =	vst v63  }
0x5b: {  	_ =	swait.ge [sflag:s29], $0x4000  }
0x5c: {  	[sflag:s29] =	ssyncset.done $0x0  }
0x5d: {  	[sflag:s29] =	ssyncadd.s32 $0xFFFFC000  }
0x5e: {  	[spmem:s19] =	stream.linear.scatter [tilespmem:s28], [sflag:$0x1], $0x4000, $0x38;
	[tilespmem:$0x19000] =	vst v63  }
0x5f: {  	_ =	swait.ge [sflag:s29], $0x4000  }
0x60: {  	[sflag:s29] =	ssyncset.done $0x0  }
0x61: {  	[sflag:s29] =	ssyncadd.s32 $0xFFFFC000  }
0x62: {  	[spmem:s20] =	stream.linear.scatter [tilespmem:s28], [sflag:$0x1], $0x4000, $0x38;
	[tilespmem:$0x19000] =	vst v63  }
0x63: {  	_ =	swait.ge [sflag:s29], $0x4000  }
0x64: {  	[sflag:s29] =	ssyncset.done $0x0  }
0x65: {  	[sflag:s29] =	ssyncadd.s32 $0xFFFFC000  }
0x66: {  	s4 =	simm.s32 $0x0;
	s2 =	simm.s32 $0x200;
	[bflag:$0x0] =	sbarrier.arrive $0xFFFF  }
.LBB2_4:
0x67: {  	p1 =	sne.s32 s2, $0xFE00;
	[tilespmem:s4+$0x1070] =	vst v1  }
0x68: {  	[tilespmem:s4+$0x1000] =	vst v1  }
0x69: {  	[tilespmem:s4+$0x1010] =	vst v1  }
.Ltmp3:
0x6a: {  	[tilespmem:s4+$0x1020] =	vst v1;
	(pc) =	sbr.rel @p1 .LBB2_4-.Ltmp3, $4  }
0x6b: {  	[tilespmem:s4+$0x1030] =	vst v1  }
0x6c: {  	[tilespmem:s4+$0x1040] =	vst v1  }
0x6d: {  	[tilespmem:s4+$0x1050] =	vst v1  }
0x6e: {  	[tilespmem:s4+$0x1060] =	vst v1;
	s4 =	sshra.s32 s2, $0x2;
	s2 =	sadd.s32 $0x200, s2  }
0x6f: {  	[tilespmem:s4+$0x1070] =	vst v1  }
0x70: {  	[tilespmem:s4+$0x1000] =	vst v1  }
0x71: {  	[tilespmem:s4+$0x1010] =	vst v1  }
.Ltmp4:
0x72: {  	[tilespmem:s4+$0x1020] =	vst v1;
	(pc) =	sbr.rel @p0 .LBB2_17-.Ltmp4, $4  }
0x73: {  	[tilespmem:s4+$0x1030] =	vst v1  }
0x74: {  	[tilespmem:s4+$0x1040] =	vst v1  }
0x75: {  	[tilespmem:s4+$0x1050] =	vst v1  }
0x76: {  	[tilespmem:s4+$0x1060] =	vst v1;
	s2 =	simm.s32 $0x0  }
0x77: {  	[tilespmem:s2], [sflag:$0x1] =	stream.linear.gather [hbm4b:s14+s2], $0x1000, $0x38;
	[tilespmem:$0x19000] =	vst v63  }
0x78: {  	_ =	swait.ge [sflag:s29], $0x1000  }
0x79: {  	[sflag:s29] =	ssyncset.done $0x0  }
0x7a: {  	s4 =	simm.s32 $0x0;
	[sflag:s29] =	ssyncadd.s32 $0xFFFFF000  }
0x7b: {  	[spmem:s1] =	stream.indirect.scatter.add.f32 [tilespmem:s28], [sflag:$0x1], $0x80, s4, s30, $0xb8;
	[tilespmem:$0x19000] =	vst v63  }
0x7c: {  	_ =	swait.ge [sflag:s29], $0x4000  }
0x7d: {  	s2 =	simm.s32 $0x200;
	[sflag:s29] =	ssyncset.done $0x0  }
.LBB2_7:
0x7e: {  	s4 =	sshra.s32 s2, $0x2;
	[sflag:s29] =	ssyncadd.s32 $0xFFFFC000;
	p1 =	sne.s32 s2, $0x3E00  }
0x7f: {  	[spmem:s1] =	stream.indirect.scatter.add.f32 [tilespmem:s28], [sflag:$0x1], $0x80, s4, s30, $0xb8;
	[tilespmem:$0x19000] =	vst v63  }
.Ltmp5:
0x80: {  	_ = 	snop;
	(pc) =	sbr.rel @p1 .LBB2_7-.Ltmp5, $4  }
0x81: {  	_ = 	snop  }
0x82: {  	s2 =	sadd.s32 $0x200, s2  }
0x83: {  	_ =	swait.ge [sflag:s29], $0x4000  }
0x84: {  	[sflag:s29] =	ssyncset.done $0x0  }
0x85: {  	[sflag:s29] =	ssyncadd.s32 $0xFFFFC000;
	s2 =	simm.s32 $0x0  }
0x86: {  	[tilespmem:s2], [sflag:$0x1] =	stream.linear.gather [hbm4b:s15+s2], $0x1000, $0x38;
	[tilespmem:$0x19000] =	vst v63  }
0x87: {  	_ =	swait.ge [sflag:s29], $0x1000  }
0x88: {  	[sflag:s29] =	ssyncset.done $0x0  }
0x89: {  	s4 =	simm.s32 $0x0;
	[sflag:s29] =	ssyncadd.s32 $0xFFFFF000  }
0x8a: {  	[spmem:s1] =	stream.indirect.scatter.add.f32 [tilespmem:s28], [sflag:$0x1], $0x80, s4, s30, $0xb8;
	[tilespmem:$0x19000] =	vst v63  }
0x8b: {  	_ =	swait.ge [sflag:s29], $0x4000  }
0x8c: {  	s2 =	simm.s32 $0x200;
	[sflag:s29] =	ssyncset.done $0x0  }
.LBB2_9:
0x8d: {  	s4 =	sshra.s32 s2, $0x2;
	[sflag:s29] =	ssyncadd.s32 $0xFFFFC000;
	p1 =	sne.s32 s2, $0x3E00  }
0x8e: {  	[spmem:s1] =	stream.indirect.scatter.add.f32 [tilespmem:s28], [sflag:$0x1], $0x80, s4, s30, $0xb8;
	[tilespmem:$0x19000] =	vst v63  }
.Ltmp6:
0x8f: {  	_ = 	snop;
	(pc) =	sbr.rel @p1 .LBB2_9-.Ltmp6, $4  }
0x90: {  	_ = 	snop  }
0x91: {  	s2 =	sadd.s32 $0x200, s2  }
0x92: {  	_ =	swait.ge [sflag:s29], $0x4000  }
0x93: {  	[sflag:s29] =	ssyncset.done $0x0  }
0x94: {  	[sflag:s29] =	ssyncadd.s32 $0xFFFFC000;
	s2 =	simm.s32 $0x0  }
0x95: {  	[tilespmem:s2], [sflag:$0x1] =	stream.linear.gather [hbm4b:s16+s2], $0x1000, $0x38;
	[tilespmem:$0x19000] =	vst v63  }
0x96: {  	_ =	swait.ge [sflag:s29], $0x1000  }
0x97: {  	[sflag:s29] =	ssyncset.done $0x0  }
0x98: {  	s4 =	simm.s32 $0x0;
	[sflag:s29] =	ssyncadd.s32 $0xFFFFF000  }
0x99: {  	[spmem:s1] =	stream.indirect.scatter.add.f32 [tilespmem:s28], [sflag:$0x1], $0x80, s4, s30, $0xb8;
	[tilespmem:$0x19000] =	vst v63  }
0x9a: {  	_ =	swait.ge [sflag:s29], $0x4000  }
0x9b: {  	s2 =	simm.s32 $0x200;
	[sflag:s29] =	ssyncset.done $0x0  }
.LBB2_11:
0x9c: {  	s4 =	sshra.s32 s2, $0x2;
	[sflag:s29] =	ssyncadd.s32 $0xFFFFC000;
	p1 =	sne.s32 s2, $0x3E00  }
0x9d: {  	[spmem:s1] =	stream.indirect.scatter.add.f32 [tilespmem:s28], [sflag:$0x1], $0x80, s4, s30, $0xb8;
	[tilespmem:$0x19000] =	vst v63  }
.Ltmp7:
0x9e: {  	_ = 	snop;
	(pc) =	sbr.rel @p1 .LBB2_11-.Ltmp7, $4  }
0x9f: {  	_ = 	snop  }
0xa0: {  	s2 =	sadd.s32 $0x200, s2  }
0xa1: {  	_ =	swait.ge [sflag:s29], $0x4000  }
0xa2: {  	[sflag:s29] =	ssyncset.done $0x0  }
0xa3: {  	[sflag:s29] =	ssyncadd.s32 $0xFFFFC000;
	s2 =	simm.s32 $0x0  }
0xa4: {  	[tilespmem:s2], [sflag:$0x1] =	stream.linear.gather [hbm4b:s17+s2], $0x1000, $0x38;
	[tilespmem:$0x19000] =	vst v63  }
0xa5: {  	_ =	swait.ge [sflag:s29], $0x1000  }
0xa6: {  	[sflag:s29] =	ssyncset.done $0x0  }
0xa7: {  	s4 =	simm.s32 $0x0;
	[sflag:s29] =	ssyncadd.s32 $0xFFFFF000  }
0xa8: {  	[spmem:s1] =	stream.indirect.scatter.add.f32 [tilespmem:s28], [sflag:$0x1], $0x80, s4, s30, $0xb8;
	[tilespmem:$0x19000] =	vst v63  }
0xa9: {  	_ =	swait.ge [sflag:s29], $0x4000  }
0xaa: {  	s2 =	simm.s32 $0x200;
	[sflag:s29] =	ssyncset.done $0x0  }
.LBB2_13:
0xab: {  	s4 =	sshra.s32 s2, $0x2;
	[sflag:s29] =	ssyncadd.s32 $0xFFFFC000;
	p1 =	sne.s32 s2, $0x3E00  }
0xac: {  	[spmem:s1] =	stream.indirect.scatter.add.f32 [tilespmem:s28], [sflag:$0x1], $0x80, s4, s30, $0xb8;
	[tilespmem:$0x19000] =	vst v63  }
.Ltmp8:
0xad: {  	_ = 	snop;
	(pc) =	sbr.rel @p1 .LBB2_13-.Ltmp8, $4  }
0xae: {  	_ = 	snop  }
0xaf: {  	s2 =	sadd.s32 $0x200, s2  }
0xb0: {  	_ =	swait.ge [sflag:s29], $0x4000  }
0xb1: {  	[sflag:s29] =	ssyncset.done $0x0  }
0xb2: {  	[sflag:s29] =	ssyncadd.s32 $0xFFFFC000;
	s2 =	simm.s32 $0x0  }
0xb3: {  	[tilespmem:s2], [sflag:$0x1] =	stream.linear.gather [hbm4b:s18+s2], $0x1000, $0x38;
	[tilespmem:$0x19000] =	vst v63  }
0xb4: {  	_ =	swait.ge [sflag:s29], $0x1000  }
0xb5: {  	[sflag:s29] =	ssyncset.done $0x0  }
0xb6: {  	s4 =	simm.s32 $0x0;
	[sflag:s29] =	ssyncadd.s32 $0xFFFFF000  }
0xb7: {  	[spmem:s1] =	stream.indirect.scatter.add.f32 [tilespmem:s28], [sflag:$0x1], $0x80, s4, s30, $0xb8;
	[tilespmem:$0x19000] =	vst v63  }
0xb8: {  	_ =	swait.ge [sflag:s29], $0x4000  }
0xb9: {  	s2 =	simm.s32 $0x200;
	[sflag:s29] =	ssyncset.done $0x0  }
.LBB2_15:
0xba: {  	s4 =	sshra.s32 s2, $0x2;
	[sflag:s29] =	ssyncadd.s32 $0xFFFFC000;
	p1 =	seq.s32 s2, $0x3E00  }
0xbb: {  	[spmem:s1] =	stream.indirect.scatter.add.f32 [tilespmem:s28], [sflag:$0x1], $0x80, s4, s30, $0xb8;
	[tilespmem:$0x19000] =	vst v63  }
.Ltmp9:
0xbc: {  	_ = 	snop;
	(pc) =	sbr.rel @!p1 .LBB2_15-.Ltmp9, $4  }
0xbd: {  	_ = 	snop  }
0xbe: {  	s2 =	sadd.s32 $0x200, s2  }
0xbf: {  	_ =	swait.ge [sflag:s29], $0x4000  }
0xc0: {  	[sflag:s29] =	ssyncset.done $0x0  }
.Ltmp10:
0xc1: {  	(pc) =	sbr.rel .LBB2_28-.Ltmp10, $2  }
0xc2: {  	_ =	sdelay $0x2  }
0xc3: {  	[sflag:s29] =	ssyncadd.s32 $0xFFFFC000;
	s4 =	smov.u32 s0  }
.LBB2_17:
0xc4: {  	[tilespmem:s2], [sflag:$0x1] =	stream.linear.gather [hbm4b:s9+s2], $0x1000, $0x38;
	[tilespmem:$0x19000] =	vst v63  }
0xc5: {  	_ =	swait.ge [sflag:s29], $0x1000  }
0xc6: {  	[sflag:s29] =	ssyncset.done $0x0  }
0xc7: {  	s4 =	simm.s32 $0x0;
	[sflag:s29] =	ssyncadd.s32 $0xFFFFF000  }
0xc8: {  	[spmem:s1] =	stream.indirect.scatter.add.f32 [tilespmem:s28], [sflag:$0x1], $0x80, s4, s30, $0xb8;
	[tilespmem:$0x19000] =	vst v63  }
0xc9: {  	_ =	swait.ge [sflag:s29], $0x4000  }
0xca: {  	s2 =	simm.s32 $0x200;
	[sflag:s29] =	ssyncset.done $0x0  }
.LBB2_18:
0xcb: {  	s4 =	sshra.s32 s2, $0x2;
	[sflag:s29] =	ssyncadd.s32 $0xFFFFC000;
	p1 =	sne.s32 s2, $0x3E00  }
0xcc: {  	[spmem:s1] =	stream.indirect.scatter.add.f32 [tilespmem:s28], [sflag:$0x1], $0x80, s4, s30, $0xb8;
	[tilespmem:$0x19000] =	vst v63  }
.Ltmp11:
0xcd: {  	_ = 	snop;
	(pc) =	sbr.rel @p1 .LBB2_18-.Ltmp11, $4  }
0xce: {  	_ = 	snop  }
0xcf: {  	s2 =	sadd.s32 $0x200, s2  }
0xd0: {  	_ =	swait.ge [sflag:s29], $0x4000  }
0xd1: {  	[sflag:s29] =	ssyncset.done $0x0  }
0xd2: {  	[sflag:s29] =	ssyncadd.s32 $0xFFFFC000;
	s2 =	simm.s32 $0x0  }
0xd3: {  	[tilespmem:s2], [sflag:$0x1] =	stream.linear.gather [hbm4b:s10+s2], $0x1000, $0x38;
	[tilespmem:$0x19000] =	vst v63  }
0xd4: {  	_ =	swait.ge [sflag:s29], $0x1000  }
0xd5: {  	[sflag:s29] =	ssyncset.done $0x0  }
0xd6: {  	s4 =	simm.s32 $0x0;
	[sflag:s29] =	ssyncadd.s32 $0xFFFFF000  }
0xd7: {  	[spmem:s1] =	stream.indirect.scatter.add.f32 [tilespmem:s28], [sflag:$0x1], $0x80, s4, s30, $0xb8;
	[tilespmem:$0x19000] =	vst v63  }
0xd8: {  	_ =	swait.ge [sflag:s29], $0x4000  }
0xd9: {  	s2 =	simm.s32 $0x200;
	[sflag:s29] =	ssyncset.done $0x0  }
.LBB2_20:
0xda: {  	s4 =	sshra.s32 s2, $0x2;
	[sflag:s29] =	ssyncadd.s32 $0xFFFFC000;
	p1 =	sne.s32 s2, $0x3E00  }
0xdb: {  	[spmem:s1] =	stream.indirect.scatter.add.f32 [tilespmem:s28], [sflag:$0x1], $0x80, s4, s30, $0xb8;
	[tilespmem:$0x19000] =	vst v63  }
.Ltmp12:
0xdc: {  	_ = 	snop;
	(pc) =	sbr.rel @p1 .LBB2_20-.Ltmp12, $4  }
0xdd: {  	_ = 	snop  }
0xde: {  	s2 =	sadd.s32 $0x200, s2  }
0xdf: {  	_ =	swait.ge [sflag:s29], $0x4000  }
0xe0: {  	[sflag:s29] =	ssyncset.done $0x0  }
0xe1: {  	[sflag:s29] =	ssyncadd.s32 $0xFFFFC000;
	s2 =	simm.s32 $0x0  }
0xe2: {  	[tilespmem:s2], [sflag:$0x1] =	stream.linear.gather [hbm4b:s11+s2], $0x1000, $0x38;
	[tilespmem:$0x19000] =	vst v63  }
0xe3: {  	_ =	swait.ge [sflag:s29], $0x1000  }
0xe4: {  	[sflag:s29] =	ssyncset.done $0x0  }
0xe5: {  	s4 =	simm.s32 $0x0;
	[sflag:s29] =	ssyncadd.s32 $0xFFFFF000  }
0xe6: {  	[spmem:s1] =	stream.indirect.scatter.add.f32 [tilespmem:s28], [sflag:$0x1], $0x80, s4, s30, $0xb8;
	[tilespmem:$0x19000] =	vst v63  }
0xe7: {  	_ =	swait.ge [sflag:s29], $0x4000  }
0xe8: {  	s2 =	simm.s32 $0x200;
	[sflag:s29] =	ssyncset.done $0x0  }
.LBB2_22:
0xe9: {  	s4 =	sshra.s32 s2, $0x2;
	[sflag:s29] =	ssyncadd.s32 $0xFFFFC000;
	p1 =	sne.s32 s2, $0x3E00  }
0xea: {  	[spmem:s1] =	stream.indirect.scatter.add.f32 [tilespmem:s28], [sflag:$0x1], $0x80, s4, s30, $0xb8;
	[tilespmem:$0x19000] =	vst v63  }
.Ltmp13:
0xeb: {  	_ = 	snop;
	(pc) =	sbr.rel @p1 .LBB2_22-.Ltmp13, $4  }
0xec: {  	_ = 	snop  }
0xed: {  	s2 =	sadd.s32 $0x200, s2  }
0xee: {  	_ =	swait.ge [sflag:s29], $0x4000  }
0xef: {  	[sflag:s29] =	ssyncset.done $0x0  }
0xf0: {  	[sflag:s29] =	ssyncadd.s32 $0xFFFFC000;
	s2 =	simm.s32 $0x0  }
0xf1: {  	[tilespmem:s2], [sflag:$0x1] =	stream.linear.gather [hbm4b:s12+s2], $0x1000, $0x38;
	[tilespmem:$0x19000] =	vst v63  }
0xf2: {  	_ =	swait.ge [sflag:s29], $0x1000  }
0xf3: {  	[sflag:s29] =	ssyncset.done $0x0  }
0xf4: {  	s4 =	simm.s32 $0x0;
	[sflag:s29] =	ssyncadd.s32 $0xFFFFF000  }
0xf5: {  	[spmem:s1] =	stream.indirect.scatter.add.f32 [tilespmem:s28], [sflag:$0x1], $0x80, s4, s30, $0xb8;
	[tilespmem:$0x19000] =	vst v63  }
0xf6: {  	_ =	swait.ge [sflag:s29], $0x4000  }
0xf7: {  	s2 =	simm.s32 $0x200;
	[sflag:s29] =	ssyncset.done $0x0  }
.LBB2_24:
0xf8: {  	s4 =	sshra.s32 s2, $0x2;
	[sflag:s29] =	ssyncadd.s32 $0xFFFFC000;
	p1 =	sne.s32 s2, $0x3E00  }
0xf9: {  	[spmem:s1] =	stream.indirect.scatter.add.f32 [tilespmem:s28], [sflag:$0x1], $0x80, s4, s30, $0xb8;
	[tilespmem:$0x19000] =	vst v63  }
.Ltmp14:
0xfa: {  	_ = 	snop;
	(pc) =	sbr.rel @p1 .LBB2_24-.Ltmp14, $4  }
0xfb: {  	_ = 	snop  }
0xfc: {  	s2 =	sadd.s32 $0x200, s2  }
0xfd: {  	_ =	swait.ge [sflag:s29], $0x4000  }
0xfe: {  	[sflag:s29] =	ssyncset.done $0x0  }
0xff: {  	[sflag:s29] =	ssyncadd.s32 $0xFFFFC000;
	s2 =	simm.s32 $0x0  }
0x100: {  	[tilespmem:s2], [sflag:$0x1] =	stream.linear.gather [hbm4b:s13+s2], $0x1000, $0x38;
	[tilespmem:$0x19000] =	vst v63  }
0x101: {  	_ =	swait.ge [sflag:s29], $0x1000  }
0x102: {  	[sflag:s29] =	ssyncset.done $0x0  }
0x103: {  	s4 =	simm.s32 $0x0;
	[sflag:s29] =	ssyncadd.s32 $0xFFFFF000  }
0x104: {  	[spmem:s1] =	stream.indirect.scatter.add.f32 [tilespmem:s28], [sflag:$0x1], $0x80, s4, s30, $0xb8;
	[tilespmem:$0x19000] =	vst v63  }
0x105: {  	_ =	swait.ge [sflag:s29], $0x4000  }
0x106: {  	s2 =	simm.s32 $0x200;
	[sflag:s29] =	ssyncset.done $0x0  }
.LBB2_26:
0x107: {  	s4 =	sshra.s32 s2, $0x2;
	[sflag:s29] =	ssyncadd.s32 $0xFFFFC000;
	p1 =	sne.s32 s2, $0x3E00  }
0x108: {  	[spmem:s1] =	stream.indirect.scatter.add.f32 [tilespmem:s28], [sflag:$0x1], $0x80, s4, s30, $0xb8;
	[tilespmem:$0x19000] =	vst v63  }
.Ltmp15:
0x109: {  	_ = 	snop;
	(pc) =	sbr.rel @p1 .LBB2_26-.Ltmp15, $4  }
0x10a: {  	_ = 	snop  }
0x10b: {  	s2 =	sadd.s32 $0x200, s2  }
0x10c: {  	_ =	swait.ge [sflag:s29], $0x4000  }
0x10d: {  	[sflag:s29] =	ssyncset.done $0x0  }
.Ltmp16:
0x10e: {  	_ = 	snop;
	(pc) =	sbr.rel .LBB2_27-.Ltmp16, $1  }
0x10f: {  	_ =	sdelay $0x3  }
.LBB2_29:
0x110: {  	_ =	sfence.sel $0x180000  }
0x111: {  	[bflag:$0x0] =	sbarrier.arrive $0xFFFF  }
0x112: {  	_ =	strace $0x9000004A  }
0x113: {  	s0 =	stileid.u32;
	[bflag:$0x2] =	sbarrier.arrive $0xFFFF  }
0x114: {  	p0 =	sne.s32 s0, $0x0;
	s0 =	rddreg [dreg:$0x3]  }
0x115: {  	s0 =	sadd.s32 @!p0 $0x100000, s0  }
0x116: {  	[sflag:s0] =	ssyncadd.tile.s32 @!p0 $0x1;
	_ =	shalt  }
.Lfunc_end2:
_tile_overlayer_lowered:
.L_overlay_start_2:
0x117: {  	(tag) =	ssettag $0x2  }
0x118: {  	s0 =	rddreg [dreg:$0x0];
	s2 =	stileid.u32  }
0x119: {  	s1 =	rddreg [dreg:$0x1];
	p0 =	sne.s32 s2, $0x0  }
0x11a: {  	s3 =	rddreg [dreg:$0x2];
	[bflag:$0x3] =	sbarrier.arrive $0xFFFF;
	s2 =	simm.s32 @!p0 $0x1C01  }
0x11b: {  	[timem:s3], [sflag:s2] =	dma.local @!p0 [hbm:s0], s1  }
0x11c: {  	s0 =	simm.s32 @!p0 $0x1  }
0x11d: {  	_ =	swait.ge @!p0 [sflag:s0], s1  }
0x11e: {  	s1 =	ssub.s32 @!p0 $0x0, s1;
	[sflag:s0] =	ssyncset.done @!p0 $0x0  }
0x11f: {  	[sflag:s0] =	ssyncadd.s32 @!p0 s1  }
0x120: {  	[bflag:$0x3] =	sbarrier.arrive $0xFFFF  }
0x121: {  	_ =	shalt  }

</sc_bundles>
